<compile_context>
chip_gen: v7x
topology: tpu7x:2x2x1
jax: 0.10.2.dev20260603
libtpu: 0.0.44.dev20260713+nightly
codegen_flags: <defaults>
</compile_context>

<pallas_src>
import functools

import jax
import jax.numpy as jnp
from jax import lax
from jax.experimental import pallas as pl
from jax.experimental.pallas import tpu as pltpu
from jax.experimental.pallas import tpu_sc as plsc

N = 10000
F = 128
NC = 2
NS = 16
NW = NC * NS
CW = 128
ACC_ROWS = 10240
ROWS_PER_TILE = ACC_ROWS // NS

_mesh = functools.partial(
    plsc.VectorSubcoreMesh, core_axis_name="c", subcore_axis_name="s")


def _wid():
    return lax.axis_index("s") * NC + lax.axis_index("c")


def _zero_vmem_2d(buf, rows, cols):
    z = jnp.zeros((16,), jnp.float32)

    def body(i, _):
        for k in range(cols // 16):
            buf[i, pl.ds(k * 16, 16)] = z
        return 0

    lax.fori_loop(0, rows, body, 0)


def _zero_vmem_1d(buf, n):
    z = jnp.zeros((16,), jnp.float32)

    def body(i, _):
        buf[pl.ds(i * 16, 16)] = z
        return 0

    lax.fori_loop(0, n // 16, body, 0)


def _ring_gather_scatter(src_hbm, acc, src_v, dst_v, bufs, gsems, ssems,
                         nchunk, lk=None, nsplit=1):
    r = len(gsems)
    lk = r // 2 if lk is None else lk
    ngroups = nchunk // r
    sub = bufs.shape[1] // nsplit

    def gather(j, b):
        pltpu.async_copy(src_hbm.at[src_v(j)], bufs.at[b], gsems[b])

    def wait_gather(j, b):
        pltpu.make_async_copy(
            src_hbm.at[src_v(j)], bufs.at[b], gsems[b]).wait()

    def scatter(j, b):
        for p in range(nsplit):
            pltpu.async_copy(
                bufs.at[b, pl.ds(p * sub, sub)], acc.at[dst_v(j, p)],
                ssems[b], add=True)

    def wait_scatter(j, b):
        for p in range(nsplit):
            pltpu.make_async_copy(
                bufs.at[b, pl.ds(p * sub, sub)], acc.at[dst_v(j, p)],
                ssems[b]).wait()

    for b in range(lk):
        gather(b, b)

    def group(i, _):
        for b in range(r):
            j = i * r + b
            bw = (b + lk) % r
            wait_gather(j, b)
            scatter(j, b)
            if b >= r - lk:
                wait_scatter(j - (r - lk), bw)

                @pl.when(i < ngroups - 1)
                def _():
                    gather(j + lk, bw)
            else:
                @pl.when(i > 0)
                def _():
                    wait_scatter(j - (r - lk), bw)

                gather(j + lk, bw)
        return 0

    lax.fori_loop(0, ngroups, group, 0)
    for k in range(nchunk - (r - lk), nchunk):
        wait_scatter(k, k % r)


def _make_deg_kernel(nchunk):
    nsem = 8

    @functools.partial(
        pl.kernel,
        out_type=jax.ShapeDtypeStruct((NC, ACC_ROWS), jnp.float32),
        mesh=_mesh(),
        scratch_types=[
            pltpu.VMEM_SHARED((ACC_ROWS,), jnp.float32),
            pltpu.VMEM((nchunk, CW), jnp.int32),
            pltpu.VMEM((CW,), jnp.float32),
            pltpu.VMEM((ROWS_PER_TILE,), jnp.float32),
        ] + [pltpu.SemaphoreType.DMA] * nsem,
    )
    def deg_kernel(dst_hbm, out_hbm, acc, dst_v, ones_v, zb, *sems):
        c = lax.axis_index("c")
        s = lax.axis_index("s")
        _zero_vmem_1d(zb, ROWS_PER_TILE)
        pltpu.sync_copy(zb, acc.at[pl.ds(s * ROWS_PER_TILE, ROWS_PER_TILE)])

        one = jnp.ones((16,), jnp.float32)

        def setone(i, _):
            ones_v[pl.ds(i * 16, 16)] = one
            return 0

        lax.fori_loop(0, CW // 16, setone, 0)
        pltpu.sync_copy(dst_hbm.at[_wid()], dst_v)
        plsc.subcore_barrier()

        def group(i, _):
            for b in range(nsem):
                j = i * nsem + b

                @pl.when(i > 0)
                def _():
                    pltpu.make_async_copy(
                        ones_v, acc.at[dst_v.at[j - nsem]], sems[b]).wait()

                pltpu.async_copy(
                    ones_v, acc.at[dst_v.at[j]], sems[b], add=True)
            return 0

        lax.fori_loop(0, nchunk // nsem, group, 0)
        for b in range(nsem):
            pltpu.make_async_copy(
                ones_v, acc.at[dst_v.at[nchunk - nsem + b]], sems[b]).wait()
        plsc.subcore_barrier()
        pltpu.sync_copy(
            acc.at[pl.ds(s * ROWS_PER_TILE, ROWS_PER_TILE)],
            out_hbm.at[c, pl.ds(s * ROWS_PER_TILE, ROWS_PER_TILE)])

    return deg_kernel


def _make_seg_kernel(nchunk, cw):
    nbuf = 12

    @functools.partial(
        pl.kernel,
        out_type=jax.ShapeDtypeStruct((NC, ACC_ROWS, F), jnp.float32),
        mesh=_mesh(),
        scratch_types=[
            pltpu.VMEM_SHARED((ACC_ROWS, F), jnp.float32),
            pltpu.VMEM((nchunk * cw,), jnp.int32),
            pltpu.VMEM((nchunk * cw,), jnp.int32),
            pltpu.VMEM((nbuf, cw, F), jnp.float32),
        ] + [pltpu.SemaphoreType.DMA] * (2 * nbuf),
    )
    def seg_kernel(y1s_hbm, src_hbm, dst_hbm, out_hbm,
                   acc, src_v, dst_v, rows_v, *sems):
        c = lax.axis_index("c")
        s = lax.axis_index("s")

        z = jnp.zeros((16,), jnp.float32)

        def zrow(i, _):
            for k in range(F // 16):
                rows_v[0, i, pl.ds(k * 16, 16)] = z
            return 0

        lax.fori_loop(0, cw, zrow, 0)

        def zcopy(i, _):
            pltpu.sync_copy(
                rows_v.at[0],
                acc.at[pl.ds(s * ROWS_PER_TILE + i * cw, cw)])
            return 0

        lax.fori_loop(0, ROWS_PER_TILE // cw, zcopy, 0)
        pltpu.sync_copy(src_hbm.at[_wid()], src_v)
        pltpu.sync_copy(dst_hbm.at[_wid()], dst_v)
        plsc.subcore_barrier()

        _ring_gather_scatter(
            y1s_hbm, acc,
            lambda j: src_v[pl.ds(j * cw, cw)],
            lambda j, p: dst_v[pl.ds(j * cw, cw)],
            rows_v, sems[:nbuf], sems[nbuf:], nchunk, lk=7)
        plsc.subcore_barrier()
        pltpu.sync_copy(
            acc.at[pl.ds(s * ROWS_PER_TILE, ROWS_PER_TILE)],
            out_hbm.at[c, pl.ds(s * ROWS_PER_TILE, ROWS_PER_TILE)])

    return seg_kernel


def _make_scalar_seg_kernel(nchunk):
    nbuf = 8

    @functools.partial(
        pl.kernel,
        out_type=jax.ShapeDtypeStruct((NC, ACC_ROWS), jnp.float32),
        mesh=_mesh(),
        scratch_types=[
            pltpu.VMEM_SHARED((ACC_ROWS,), jnp.float32),
            pltpu.VMEM_SHARED((ACC_ROWS,), jnp.float32),
            pltpu.VMEM((nchunk * CW,), jnp.int32),
            pltpu.VMEM((nchunk, CW), jnp.int32),
            pltpu.VMEM((nbuf, CW), jnp.float32),
            pltpu.VMEM((ROWS_PER_TILE,), jnp.float32),
        ] + [pltpu.SemaphoreType.DMA] * (2 * nbuf),
    )
    def sseg_kernel(vs_hbm, src_hbm, dst_hbm, out_hbm,
                    acc, vs_sp, src_v, dst_v, gbuf, zb, *sems):
        c = lax.axis_index("c")
        s = lax.axis_index("s")
        _zero_vmem_1d(zb, ROWS_PER_TILE)
        pltpu.sync_copy(zb, acc.at[pl.ds(s * ROWS_PER_TILE, ROWS_PER_TILE)])

        @pl.when(s == 0)
        def _():
            pltpu.sync_copy(vs_hbm.at[0], vs_sp)

        pltpu.sync_copy(src_hbm.at[_wid()], src_v)
        pltpu.sync_copy(dst_hbm.at[_wid()], dst_v)
        plsc.subcore_barrier()

        _ring_gather_scatter(
            vs_sp, acc,
            lambda j: src_v.at[pl.ds(j * CW, CW)],
            lambda j, p: dst_v.at[j],
            gbuf, sems[:nbuf], sems[nbuf:], nchunk)
        plsc.subcore_barrier()
        pltpu.sync_copy(
            acc.at[pl.ds(s * ROWS_PER_TILE, ROWS_PER_TILE)],
            out_hbm.at[c, pl.ds(s * ROWS_PER_TILE, ROWS_PER_TILE)])

    return sseg_kernel



_B = 2048


def _dis_block(cnt_ref):
    j = pl.program_id(0)
    cnt = cnt_ref[:, pl.ds(j * _B, _B)]
    return lax.rsqrt(cnt[0] + cnt[1] + 1.0)


def _tc1_body(cnt_ref, x_ref, w1_ref, y1s_ref):
    dis = _dis_block(cnt_ref)
    y1 = jnp.dot(x_ref[...], w1_ref[...], preferred_element_type=jnp.float32)
    y1s_ref[...] = y1 * dis[:, None]


def _tc2_body(cnt_ref, acc_ref, y1s_ref, b1_ref, w2_ref, vs_ref):
    dis = _dis_block(cnt_ref)
    tot = acc_ref[0] + acc_ref[1] + y1s_ref[...]
    h = jnp.maximum(tot * dis[:, None] + b1_ref[...][None, :], 0.0)
    v = jnp.dot(h, w2_ref[...], preferred_element_type=jnp.float32)
    vs_ref[...] = v * dis[:, None]


def _tc3_body(cnt_ref, acc2_ref, vs_ref, b2_ref, out_ref):
    j = pl.program_id(0)
    dis = _dis_block(cnt_ref)
    acc2 = acc2_ref[:, pl.ds(j * _B, _B)]
    tot = acc2[0] + acc2[1] + vs_ref[...][:, 0]
    out_ref[...] = (tot * dis + b2_ref[0])[:, None]


def _pad_indices(src, dst, nchunk, cw):
    e = src.shape[0]
    npad = NW * nchunk * cw - e
    rng = jnp.arange(npad, dtype=jnp.int32)
    pad_src = rng % N
    pad_dst = N + rng % (ACC_ROWS - N)
    srcp = jnp.concatenate([src, pad_src]).reshape(NW, nchunk, cw)
    dstp = jnp.concatenate([dst, pad_dst]).reshape(NW, nchunk, cw)
    return srcp, dstp


def kernel(x, edge_index, W1, b1, W2, b2):
    e = edge_index.shape[1]
    src = edge_index[0].astype(jnp.int32)
    dst = edge_index[1].astype(jnp.int32)

    nchunk = (-(-e // (NW * CW)) + 7) // 8 * 8
    srcp, dstp = _pad_indices(src, dst, nchunk, CW)
    srcp = srcp.reshape(NW, nchunk * CW)
    cw1 = 16
    nchunk1 = (-(-e // (NW * cw1)) + 11) // 12 * 12
    srcp1, dstp1 = _pad_indices(src, dst, nchunk1, cw1)
    srcp1 = srcp1.reshape(NW, nchunk1 * cw1)
    dstp1 = dstp1.reshape(NW, nchunk1 * cw1)

    cnt = _make_deg_kernel(nchunk)(dstp)

    grid = pl.cdiv(N, _B)
    y1s = pl.pallas_call(
        _tc1_body,
        grid=(grid,),
        in_specs=[
            pl.BlockSpec((NC, ACC_ROWS), lambda j: (0, 0)),
            pl.BlockSpec((_B, F), lambda j: (j, 0)),
            pl.BlockSpec((F, F), lambda j: (0, 0)),
        ],
        out_specs=pl.BlockSpec((_B, F), lambda j: (j, 0)),
        out_shape=jax.ShapeDtypeStruct((N, F), jnp.float32),
    )(cnt, x, W1)

    acc1 = _make_seg_kernel(nchunk1, cw1)(y1s, srcp1, dstp1)

    vs2d = pl.pallas_call(
        _tc2_body,
        grid=(grid,),
        in_specs=[
            pl.BlockSpec((NC, ACC_ROWS), lambda j: (0, 0)),
            pl.BlockSpec((NC, _B, F), lambda j: (0, j, 0)),
            pl.BlockSpec((_B, F), lambda j: (j, 0)),
            pl.BlockSpec((F,), lambda j: (0,)),
            pl.BlockSpec((F, 1), lambda j: (0, 0)),
        ],
        out_specs=pl.BlockSpec((_B, 1), lambda j: (j, 0)),
        out_shape=jax.ShapeDtypeStruct((N, 1), jnp.float32),
    )(cnt, acc1, y1s, b1, W2)

    vs = jnp.pad(vs2d.reshape(1, N), ((0, 0), (0, ACC_ROWS - N)))
    acc2 = _make_scalar_seg_kernel(nchunk)(vs, srcp, dstp)

    out = pl.pallas_call(
        _tc3_body,
        grid=(grid,),
        in_specs=[
            pl.BlockSpec((NC, ACC_ROWS), lambda j: (0, 0)),
            pl.BlockSpec((NC, ACC_ROWS), lambda j: (0, 0)),
            pl.BlockSpec((_B, 1), lambda j: (j, 0)),
            pl.BlockSpec((1,), lambda j: (0,)),
        ],
        out_specs=pl.BlockSpec((_B, 1), lambda j: (j, 0)),
        out_shape=jax.ShapeDtypeStruct((N, 1), jnp.float32),
    )(cnt, acc2, vs2d, b2)

    return out

# --- scband reference (transcript-rebuilt; emitter-appended) ---
"""Pipeline reference for scband-heuristic-gnn-6794638262386 (READ-ONLY COPY).

The authoritative reference and input builder live on the scoring server;
editing this copy changes nothing except your own understanding.
"""

import jax, jax.numpy as jnp
import numpy as np

N_NODES = 10000


def gcn_conv(x, edge_index, W, b):
    n = x.shape[0]
    src = edge_index[0]
    dst = edge_index[1]
    loop = jnp.arange(n, dtype=edge_index.dtype)
    src = jnp.concatenate([src, loop])
    dst = jnp.concatenate([dst, loop])
    deg = jnp.zeros((n,), dtype=x.dtype).at[dst].add(1.0)
    deg_inv_sqrt = jnp.where(deg > 0, jax.lax.rsqrt(jnp.maximum(deg, 1e-12)), 0.0)
    norm = deg_inv_sqrt[src] * deg_inv_sqrt[dst]
    xw = x @ W
    msg = xw[src] * norm[:, None]
    out = jax.ops.segment_sum(msg, dst, num_segments=n)
    return out + b


def setup_inputs(seed: int = 0) -> dict:
    key = jax.random.key(seed)
    k_x, k_e, k_w1, k_b1, k_w2, k_b2 = jax.random.split(key, 6)
    x = jax.random.normal(k_x, (N_NODES, 128), dtype=jnp.float32)
    edge_index = jax.random.randint(k_e, (2, 320000), 0, N_NODES, dtype=jnp.int64)
    # GCNConv(128, 128) and GCNConv(128, 1) parameters (glorot init like PyG)
    s1 = float(np.sqrt(6.0 / (128 + 128)))
    W1 = jax.random.uniform(k_w1, (128, 128), dtype=jnp.float32, minval=-s1, maxval=s1)
    b1 = jnp.zeros((128,), dtype=jnp.float32)
    s2 = float(np.sqrt(6.0 / (128 + 1)))
    W2 = jax.random.uniform(k_w2, (128, 1), dtype=jnp.float32, minval=-s2, maxval=s2)
    b2 = jnp.zeros((1,), dtype=jnp.float32)
    return {"x": x, "edge_index": edge_index, "W1": W1, "b1": b1, "W2": W2, "b2": b2}


def reference(x, edge_index, W1, b1, W2, b2):
    h = gcn_conv(x, edge_index, W1, b1)
    h = jax.nn.relu(h)
    out = gcn_conv(h, edge_index, W2, b2)
    return out

if __name__ == "__main__":
    import jax
    _d = setup_inputs()
    print(jax.jit(kernel)(*tuple(_d.values())))

</pallas_src>

<mosaic_0001>
#map = affine_map<(d0, d1) -> (0, 0)>
#map1 = affine_map<(d0, d1) -> (0, 0, 0)>
module attributes {stable_mosaic.version = 14 : i64} {
  func.func @seg_kernel(%arg0: i32, %arg1: i32, %arg2: memref<10000x128xf32, #tpu.memory_space<hbm>>, %arg3: memref<32x10176xi32, #tpu.memory_space<hbm>>, %arg4: memref<32x10176xi32, #tpu.memory_space<hbm>>, %arg5: memref<2x10240x128xf32, #tpu.memory_space<hbm>>, %arg6: memref<10240x128xf32, #tpu.memory_space<vmem_shared>>, %arg7: memref<10176xi32, #tpu.memory_space<vmem>>, %arg8: memref<10176xi32, #tpu.memory_space<vmem>>, %arg9: memref<12x16x128xf32, #tpu.memory_space<vmem>>, %arg10: memref<!tpu.dma_semaphore, #tpu.memory_space<semaphore_mem>>, %arg11: memref<!tpu.dma_semaphore, #tpu.memory_space<semaphore_mem>>, %arg12: memref<!tpu.dma_semaphore, #tpu.memory_space<semaphore_mem>>, %arg13: memref<!tpu.dma_semaphore, #tpu.memory_space<semaphore_mem>>, %arg14: memref<!tpu.dma_semaphore, #tpu.memory_space<semaphore_mem>>, %arg15: memref<!tpu.dma_semaphore, #tpu.memory_space<semaphore_mem>>, %arg16: memref<!tpu.dma_semaphore, #tpu.memory_space<semaphore_mem>>, %arg17: memref<!tpu.dma_semaphore, #tpu.memory_space<semaphore_mem>>, %arg18: memref<!tpu.dma_semaphore, #tpu.memory_space<semaphore_mem>>, %arg19: memref<!tpu.dma_semaphore, #tpu.memory_space<semaphore_mem>>, %arg20: memref<!tpu.dma_semaphore, #tpu.memory_space<semaphore_mem>>, %arg21: memref<!tpu.dma_semaphore, #tpu.memory_space<semaphore_mem>>, %arg22: memref<!tpu.dma_semaphore, #tpu.memory_space<semaphore_mem>>, %arg23: memref<!tpu.dma_semaphore, #tpu.memory_space<semaphore_mem>>, %arg24: memref<!tpu.dma_semaphore, #tpu.memory_space<semaphore_mem>>, %arg25: memref<!tpu.dma_semaphore, #tpu.memory_space<semaphore_mem>>, %arg26: memref<!tpu.dma_semaphore, #tpu.memory_space<semaphore_mem>>, %arg27: memref<!tpu.dma_semaphore, #tpu.memory_space<semaphore_mem>>, %arg28: memref<!tpu.dma_semaphore, #tpu.memory_space<semaphore_mem>>, %arg29: memref<!tpu.dma_semaphore, #tpu.memory_space<semaphore_mem>>, %arg30: memref<!tpu.dma_semaphore, #tpu.memory_space<semaphore_mem>>, %arg31: memref<!tpu.dma_semaphore, #tpu.memory_space<semaphore_mem>>, %arg32: memref<!tpu.dma_semaphore, #tpu.memory_space<semaphore_mem>>, %arg33: memref<!tpu.dma_semaphore, #tpu.memory_space<semaphore_mem>>) attributes {dimension_semantics = [#tpu.dimension_semantics<core_parallel>, #tpu.dimension_semantics<subcore_parallel>], iteration_bounds = array<i64: 2, 16>, scalar_prefetch = 0 : i64, scratch_operands = 28 : i64, tpu.core_type = #tpu.core_type<sc_vector_subcore>, window_params = [{transform_indices = #map}, {transform_indices = #map}, {transform_indices = #map}, {transform_indices = #map1}]} {
    %broadcast_in_dim3A = arith.constant 0.000000e+00 : f32
    %broadcast_in_dim3A_0 = vector.broadcast %broadcast_in_dim3A : f32 to vector<16xf32>
    %scan3A = arith.constant 0 : i32
    %scan3A_1 = arith.constant 0 : i32
    %scan3A_2 = arith.constant 16 : i32
    %scan3A_3 = arith.addi %scan3A_1, %scan3A_2 : i32
    %scan3A_4 = arith.constant 1 : i32
    %scan3A_5 = scf.for %scan3A_159 = %scan3A_1 to %scan3A_3 step %scan3A_4 iter_args(%scan3A_160 = %scan3A) -> (i32)  : i32 {
      %swap3A = arith.constant 0 : i32
      %swap3A_161 = arith.index_cast %swap3A : i32 to index
      %swap3A_162 = arith.index_cast %scan3A_159 : i32 to index
      %swap3A_163 = arith.constant 0 : index
      %swap3A_164 = tpu.vector_load %arg9[%swap3A_161, %swap3A_162, %swap3A_163] {strides = array<i32>} : memref<12x16x128xf32, #tpu.memory_space<vmem>>, vector<1x1x16xf32>,
      %swap3A_165 = vector.shape_cast %swap3A_164 : vector<1x1x16xf32> to vector<16xf32>
      %swap3A_166 = vector.shape_cast %broadcast_in_dim3A_0 : vector<16xf32> to vector<1x1x16xf32>
      tpu.vector_store %arg9[%swap3A_161, %swap3A_162, %swap3A_163], %swap3A_166 {strides = array<i32>} : memref<12x16x128xf32, #tpu.memory_space<vmem>>, vector<1x1x16xf32>,
      %swap3A_167 = arith.constant 0 : i32
      %swap3A_168 = arith.index_cast %swap3A_167 : i32 to index
      %swap3A_169 = arith.index_cast %scan3A_159 : i32 to index
      %swap3A_170 = arith.constant 16 : index
      %swap3A_171 = tpu.vector_load %arg9[%swap3A_168, %swap3A_169, %swap3A_170] {strides = array<i32>} : memref<12x16x128xf32, #tpu.memory_space<vmem>>, vector<1x1x16xf32>,
      %swap3A_172 = vector.shape_cast %swap3A_171 : vector<1x1x16xf32> to vector<16xf32>
      %swap3A_173 = vector.shape_cast %broadcast_in_dim3A_0 : vector<16xf32> to vector<1x1x16xf32>
      tpu.vector_store %arg9[%swap3A_168, %swap3A_169, %swap3A_170], %swap3A_173 {strides = array<i32>} : memref<12x16x128xf32, #tpu.memory_space<vmem>>, vector<1x1x16xf32>,
      %swap3A_174 = arith.constant 0 : i32
      %swap3A_175 = arith.index_cast %swap3A_174 : i32 to index
      %swap3A_176 = arith.index_cast %scan3A_159 : i32 to index
      %swap3A_177 = arith.constant 32 : index
      %swap3A_178 = tpu.vector_load %arg9[%swap3A_175, %swap3A_176, %swap3A_177] {strides = array<i32>} : memref<12x16x128xf32, #tpu.memory_space<vmem>>, vector<1x1x16xf32>,
      %swap3A_179 = vector.shape_cast %swap3A_178 : vector<1x1x16xf32> to vector<16xf32>
      %swap3A_180 = vector.shape_cast %broadcast_in_dim3A_0 : vector<16xf32> to vector<1x1x16xf32>
      tpu.vector_store %arg9[%swap3A_175, %swap3A_176, %swap3A_177], %swap3A_180 {strides = array<i32>} : memref<12x16x128xf32, #tpu.memory_space<vmem>>, vector<1x1x16xf32>,
      %swap3A_181 = arith.constant 0 : i32
      %swap3A_182 = arith.index_cast %swap3A_181 : i32 to index
      %swap3A_183 = arith.index_cast %scan3A_159 : i32 to index
      %swap3A_184 = arith.constant 48 : index
      %swap3A_185 = tpu.vector_load %arg9[%swap3A_182, %swap3A_183, %swap3A_184] {strides = array<i32>} : memref<12x16x128xf32, #tpu.memory_space<vmem>>, vector<1x1x16xf32>,
      %swap3A_186 = vector.shape_cast %swap3A_185 : vector<1x1x16xf32> to vector<16xf32>
      %swap3A_187 = vector.shape_cast %broadcast_in_dim3A_0 : vector<16xf32> to vector<1x1x16xf32>
      tpu.vector_store %arg9[%swap3A_182, %swap3A_183, %swap3A_184], %swap3A_187 {strides = array<i32>} : memref<12x16x128xf32, #tpu.memory_space<vmem>>, vector<1x1x16xf32>,
      %swap3A_188 = arith.constant 0 : i32
      %swap3A_189 = arith.index_cast %swap3A_188 : i32 to index
      %swap3A_190 = arith.index_cast %scan3A_159 : i32 to index
      %swap3A_191 = arith.constant 64 : index
      %swap3A_192 = tpu.vector_load %arg9[%swap3A_189, %swap3A_190, %swap3A_191] {strides = array<i32>} : memref<12x16x128xf32, #tpu.memory_space<vmem>>, vector<1x1x16xf32>,
      %swap3A_193 = vector.shape_cast %swap3A_192 : vector<1x1x16xf32> to vector<16xf32>
      %swap3A_194 = vector.shape_cast %broadcast_in_dim3A_0 : vector<16xf32> to vector<1x1x16xf32>
      tpu.vector_store %arg9[%swap3A_189, %swap3A_190, %swap3A_191], %swap3A_194 {strides = array<i32>} : memref<12x16x128xf32, #tpu.memory_space<vmem>>, vector<1x1x16xf32>,
      %swap3A_195 = arith.constant 0 : i32
      %swap3A_196 = arith.index_cast %swap3A_195 : i32 to index
      %swap3A_197 = arith.index_cast %scan3A_159 : i32 to index
      %swap3A_198 = arith.constant 80 : index
      %swap3A_199 = tpu.vector_load %arg9[%swap3A_196, %swap3A_197, %swap3A_198] {strides = array<i32>} : memref<12x16x128xf32, #tpu.memory_space<vmem>>, vector<1x1x16xf32>,
      %swap3A_200 = vector.shape_cast %swap3A_199 : vector<1x1x16xf32> to vector<16xf32>
      %swap3A_201 = vector.shape_cast %broadcast_in_dim3A_0 : vector<16xf32> to vector<1x1x16xf32>
      tpu.vector_store %arg9[%swap3A_196, %swap3A_197, %swap3A_198], %swap3A_201 {strides = array<i32>} : memref<12x16x128xf32, #tpu.memory_space<vmem>>, vector<1x1x16xf32>,
      %swap3A_202 = arith.constant 0 : i32
      %swap3A_203 = arith.index_cast %swap3A_202 : i32 to index
      %swap3A_204 = arith.index_cast %scan3A_159 : i32 to index
      %swap3A_205 = arith.constant 96 : index
      %swap3A_206 = tpu.vector_load %arg9[%swap3A_203, %swap3A_204, %swap3A_205] {strides = array<i32>} : memref<12x16x128xf32, #tpu.memory_space<vmem>>, vector<1x1x16xf32>,
      %swap3A_207 = vector.shape_cast %swap3A_206 : vector<1x1x16xf32> to vector<16xf32>
      %swap3A_208 = vector.shape_cast %broadcast_in_dim3A_0 : vector<16xf32> to vector<1x1x16xf32>
      tpu.vector_store %arg9[%swap3A_203, %swap3A_204, %swap3A_205], %swap3A_208 {strides = array<i32>} : memref<12x16x128xf32, #tpu.memory_space<vmem>>, vector<1x1x16xf32>,
      %swap3A_209 = arith.constant 0 : i32
      %swap3A_210 = arith.index_cast %swap3A_209 : i32 to index
      %swap3A_211 = arith.index_cast %scan3A_159 : i32 to index
      %swap3A_212 = arith.constant 112 : index
      %swap3A_213 = tpu.vector_load %arg9[%swap3A_210, %swap3A_211, %swap3A_212] {strides = array<i32>} : memref<12x16x128xf32, #tpu.memory_space<vmem>>, vector<1x1x16xf32>,
      %swap3A_214 = vector.shape_cast %swap3A_213 : vector<1x1x16xf32> to vector<16xf32>
      %swap3A_215 = vector.shape_cast %broadcast_in_dim3A_0 : vector<16xf32> to vector<1x1x16xf32>
      tpu.vector_store %arg9[%swap3A_210, %swap3A_211, %swap3A_212], %swap3A_215 {strides = array<i32>} : memref<12x16x128xf32, #tpu.memory_space<vmem>>, vector<1x1x16xf32>,
      %scan3A_216 = arith.constant 0 : i32
      scf.yield %scan3A_216 : i32
    }
    %scan3A_6 = arith.constant 16 : i32
    %scan3A_7 = arith.constant 0 : i32
    %scan3A_8 = arith.constant 0 : i32
    %scan3A_9 = arith.constant 40 : i32
    %scan3A_10 = arith.addi %scan3A_8, %scan3A_9 : i32
    %scan3A_11 = arith.constant 1 : i32
    %scan3A_12 = scf.for %scan3A_159 = %scan3A_8 to %scan3A_10 step %scan3A_11 iter_args(%scan3A_160 = %scan3A_7) -> (i32)  : i32 {
      %mul3A_161 = arith.constant 640 : i32
      %mul3A_162 = arith.muli %arg1, %mul3A_161 : i32
      %mul3A_163 = arith.constant 16 : i32
      %mul3A_164 = arith.muli %scan3A_159, %mul3A_163 : i32
      %add3A_165 = arith.addi %mul3A_162, %mul3A_164 : i32
      %run_scoped3A = arith.constant 0 : i32
      "tpu.region"() ({
        %run_scoped3A_167 = tpu.sem_alloc : memref<!tpu.dma_semaphore, #tpu.memory_space<semaphore_mem>>
        %dma_start3A_168 = arith.constant 0 : i32
        %dma_start3A_169 = arith.constant 0 : i32
        %dma_start3A_170 = tpu.memref_slice %arg9[%run_scoped3A, %dma_start3A_168, %dma_start3A_169] : memref<12x16x128xf32, #tpu.memory_space<vmem>> -> memref<1x16x128xf32, #tpu.memory_space<vmem>>
        %dma_start3A_171 = tpu.memref_squeeze %dma_start3A_170 : memref<1x16x128xf32, #tpu.memory_space<vmem>> -> memref<16x128xf32, #tpu.memory_space<vmem>>
        %dma_start3A_172 = arith.constant 0 : i32
        %dma_start3A_173 = tpu.memref_slice %arg6[%add3A_165, %dma_start3A_172] : memref<10240x128xf32, #tpu.memory_space<vmem_shared>> -> memref<16x128xf32, #tpu.memory_space<vmem_shared>>
        %dma_start3A_174 = arith.constant 0 : i32
        %dma_start3A_175 = tpu.memref_slice %arg6[%add3A_165, %dma_start3A_174] : memref<10240x128xf32, #tpu.memory_space<vmem_shared>> -> memref<16x128xf32, #tpu.memory_space<vmem_shared>>
        %dma_start3A_176 = arith.constant 0 : i32
        %dma_start3A_177 = arith.constant 0 : i32
        %dma_start3A_178 = tpu.memref_slice %arg9[%run_scoped3A, %dma_start3A_176, %dma_start3A_177] : memref<12x16x128xf32, #tpu.memory_space<vmem>> -> memref<1x16x128xf32, #tpu.memory_space<vmem>>
        %dma_start3A_179 = tpu.memref_squeeze %dma_start3A_178 : memref<1x16x128xf32, #tpu.memory_space<vmem>> -> memref<16x128xf32, #tpu.memory_space<vmem>>
        tpu.enqueue_dma source(%dma_start3A_179 : memref<16x128xf32, #tpu.memory_space<vmem>>) target(%dma_start3A_175 : memref<16x128xf32, #tpu.memory_space<vmem_shared>>) target_semaphore(%run_scoped3A_167 : memref<!tpu.dma_semaphore, #tpu.memory_space<semaphore_mem>>)
        %dma_wait3A_180 = arith.constant 0 : i32
        %dma_wait3A_181 = arith.constant 0 : i32
        %dma_wait3A_182 = tpu.memref_slice %arg9[%run_scoped3A, %dma_wait3A_180, %dma_wait3A_181] : memref<12x16x128xf32, #tpu.memory_space<vmem>> -> memref<1x16x128xf32, #tpu.memory_space<vmem>>
        %dma_wait3A_183 = tpu.memref_squeeze %dma_wait3A_182 : memref<1x16x128xf32, #tpu.memory_space<vmem>> -> memref<16x128xf32, #tpu.memory_space<vmem>>
        %dma_wait3A_184 = arith.constant 0 : i32
        %dma_wait3A_185 = tpu.memref_slice %arg6[%add3A_165, %dma_wait3A_184] : memref<10240x128xf32, #tpu.memory_space<vmem_shared>> -> memref<16x128xf32, #tpu.memory_space<vmem_shared>>
        %dma_wait3A_186 = arith.constant 0 : i32
        %dma_wait3A_187 = tpu.memref_slice %arg6[%add3A_165, %dma_wait3A_186] : memref<10240x128xf32, #tpu.memory_space<vmem_shared>> -> memref<16x128xf32, #tpu.memory_space<vmem_shared>>
        %dma_wait3A_188 = arith.constant 0 : i32
        %dma_wait3A_189 = arith.constant 0 : i32
        %dma_wait3A_190 = tpu.memref_slice %arg9[%run_scoped3A, %dma_wait3A_188, %dma_wait3A_189] : memref<12x16x128xf32, #tpu.memory_space<vmem>> -> memref<1x16x128xf32, #tpu.memory_space<vmem>>
        %dma_wait3A_191 = tpu.memref_squeeze %dma_wait3A_190 : memref<1x16x128xf32, #tpu.memory_space<vmem>> -> memref<16x128xf32, #tpu.memory_space<vmem>>
        tpu.wait_dma2 semaphore(%run_scoped3A_167 : memref<!tpu.dma_semaphore, #tpu.memory_space<semaphore_mem>>) src(%dma_wait3A_191 : memref<16x128xf32, #tpu.memory_space<vmem>>) dst(%dma_wait3A_187 : memref<16x128xf32, #tpu.memory_space<vmem_shared>>)
        tpu.yield
      }) : () -> ()
      %scan3A_166 = arith.constant 0 : i32
      scf.yield %scan3A_166 : i32
    }
    %scan3A_13 = arith.constant 40 : i32
    %mul3A = arith.constant 2 : i32
    %mul3A_14 = arith.muli %arg1, %mul3A : i32
    %add3A = arith.addi %mul3A_14, %arg0 : i32
    "tpu.region"() ({
      %run_scoped3A = tpu.sem_alloc : memref<!tpu.dma_semaphore, #tpu.memory_space<semaphore_mem>>
      %dma_start3A_159 = arith.constant 0 : i32
      %dma_start3A_160 = tpu.memref_slice %arg3[%add3A, %dma_start3A_159] : memref<32x10176xi32, #tpu.memory_space<hbm>> -> memref<1x10176xi32, #tpu.memory_space<hbm>>
      %dma_start3A_161 = tpu.memref_squeeze %dma_start3A_160 : memref<1x10176xi32, #tpu.memory_space<hbm>> -> memref<10176xi32, #tpu.memory_space<hbm>>
      %dma_start3A_162 = arith.constant 0 : i32
      %dma_start3A_163 = tpu.memref_slice %arg3[%add3A, %dma_start3A_162] : memref<32x10176xi32, #tpu.memory_space<hbm>> -> memref<1x10176xi32, #tpu.memory_space<hbm>>
      %dma_start3A_164 = tpu.memref_squeeze %dma_start3A_163 : memref<1x10176xi32, #tpu.memory_space<hbm>> -> memref<10176xi32, #tpu.memory_space<hbm>>
      tpu.enqueue_dma source(%dma_start3A_164 : memref<10176xi32, #tpu.memory_space<hbm>>) target(%arg7 : memref<10176xi32, #tpu.memory_space<vmem>>) target_semaphore(%run_scoped3A : memref<!tpu.dma_semaphore, #tpu.memory_space<semaphore_mem>>)
      %dma_wait3A_165 = arith.constant 0 : i32
      %dma_wait3A_166 = tpu.memref_slice %arg3[%add3A, %dma_wait3A_165] : memref<32x10176xi32, #tpu.memory_space<hbm>> -> memref<1x10176xi32, #tpu.memory_space<hbm>>
      %dma_wait3A_167 = tpu.memref_squeeze %dma_wait3A_166 : memref<1x10176xi32, #tpu.memory_space<hbm>> -> memref<10176xi32, #tpu.memory_space<hbm>>
      %dma_wait3A_168 = arith.constant 0 : i32
      %dma_wait3A_169 = tpu.memref_slice %arg3[%add3A, %dma_wait3A_168] : memref<32x10176xi32, #tpu.memory_space<hbm>> -> memref<1x10176xi32, #tpu.memory_space<hbm>>
      %dma_wait3A_170 = tpu.memref_squeeze %dma_wait3A_169 : memref<1x10176xi32, #tpu.memory_space<hbm>> -> memref<10176xi32, #tpu.memory_space<hbm>>
      tpu.wait_dma2 semaphore(%run_scoped3A : memref<!tpu.dma_semaphore, #tpu.memory_space<semaphore_mem>>) src(%dma_wait3A_170 : memref<10176xi32, #tpu.memory_space<hbm>>) dst(%arg7 : memref<10176xi32, #tpu.memory_space<vmem>>)
      tpu.yield
    }) : () -> ()
    %mul3A_15 = arith.constant 2 : i32
    %mul3A_16 = arith.muli %arg1, %mul3A_15 : i32
    %add3A_17 = arith.addi %mul3A_16, %arg0 : i32
    "tpu.region"() ({
      %run_scoped3A = tpu.sem_alloc : memref<!tpu.dma_semaphore, #tpu.memory_space<semaphore_mem>>
      %dma_start3A_159 = arith.constant 0 : i32
      %dma_start3A_160 = tpu.memref_slice %arg4[%add3A_17, %dma_start3A_159] : memref<32x10176xi32, #tpu.memory_space<hbm>> -> memref<1x10176xi32, #tpu.memory_space<hbm>>
      %dma_start3A_161 = tpu.memref_squeeze %dma_start3A_160 : memref<1x10176xi32, #tpu.memory_space<hbm>> -> memref<10176xi32, #tpu.memory_space<hbm>>
      %dma_start3A_162 = arith.constant 0 : i32
      %dma_start3A_163 = tpu.memref_slice %arg4[%add3A_17, %dma_start3A_162] : memref<32x10176xi32, #tpu.memory_space<hbm>> -> memref<1x10176xi32, #tpu.memory_space<hbm>>
      %dma_start3A_164 = tpu.memref_squeeze %dma_start3A_163 : memref<1x10176xi32, #tpu.memory_space<hbm>> -> memref<10176xi32, #tpu.memory_space<hbm>>
      tpu.enqueue_dma source(%dma_start3A_164 : memref<10176xi32, #tpu.memory_space<hbm>>) target(%arg8 : memref<10176xi32, #tpu.memory_space<vmem>>) target_semaphore(%run_scoped3A : memref<!tpu.dma_semaphore, #tpu.memory_space<semaphore_mem>>)
      %dma_wait3A_165 = arith.constant 0 : i32
      %dma_wait3A_166 = tpu.memref_slice %arg4[%add3A_17, %dma_wait3A_165] : memref<32x10176xi32, #tpu.memory_space<hbm>> -> memref<1x10176xi32, #tpu.memory_space<hbm>>
      %dma_wait3A_167 = tpu.memref_squeeze %dma_wait3A_166 : memref<1x10176xi32, #tpu.memory_space<hbm>> -> memref<10176xi32, #tpu.memory_space<hbm>>
      %dma_wait3A_168 = arith.constant 0 : i32
      %dma_wait3A_169 = tpu.memref_slice %arg4[%add3A_17, %dma_wait3A_168] : memref<32x10176xi32, #tpu.memory_space<hbm>> -> memref<1x10176xi32, #tpu.memory_space<hbm>>
      %dma_wait3A_170 = tpu.memref_squeeze %dma_wait3A_169 : memref<1x10176xi32, #tpu.memory_space<hbm>> -> memref<10176xi32, #tpu.memory_space<hbm>>
      tpu.wait_dma2 semaphore(%run_scoped3A : memref<!tpu.dma_semaphore, #tpu.memory_space<semaphore_mem>>) src(%dma_wait3A_170 : memref<10176xi32, #tpu.memory_space<hbm>>) dst(%arg8 : memref<10176xi32, #tpu.memory_space<vmem>>)
      tpu.yield
    }) : () -> ()
    %barrier3A = arith.constant 0 : index
    tpu.barrier barrier_id(%barrier3A)
    %get3A = arith.constant 0 : index
    %get3A_18 = tpu.vector_load %arg7[%get3A] {strides = array<i32>} : memref<10176xi32, #tpu.memory_space<vmem>>, vector<16xi32>,
    %get3A_19 = vector.shape_cast %get3A_18 : vector<16xi32> to vector<16xi32>
    %dma_start3A = arith.constant 0 : i32
    %dma_start3A_20 = arith.constant 0 : i32
    %dma_start3A_21 = arith.constant 0 : i32
    %dma_start3A_22 = tpu.memref_slice %arg9[%dma_start3A, %dma_start3A_20, %dma_start3A_21] : memref<12x16x128xf32, #tpu.memory_space<vmem>> -> memref<1x16x128xf32, #tpu.memory_space<vmem>>
    %dma_start3A_23 = tpu.memref_squeeze %dma_start3A_22 : memref<1x16x128xf32, #tpu.memory_space<vmem>> -> memref<16x128xf32, #tpu.memory_space<vmem>>
    %dma_start3A_24 = arith.constant 0 : i32
    %dma_start3A_25 = arith.constant 0 : i32
    %dma_start3A_26 = tpu.memref_slice %arg2[%dma_start3A_24, %dma_start3A_25] : memref<10000x128xf32, #tpu.memory_space<hbm>> -> memref<10000x128xf32, #tpu.memory_space<hbm>>
    tpu.enqueue_indirect_dma source(%dma_start3A_26 : memref<10000x128xf32, #tpu.memory_space<hbm>>) target(%dma_start3A_23 : memref<16x128xf32, #tpu.memory_space<vmem>>) offsets(%get3A_19 : vector<16xi32>) semaphore(%arg10 : memref<!tpu.dma_semaphore, #tpu.memory_space<semaphore_mem>>)
    %get3A_27 = arith.constant 16 : index
    %get3A_28 = tpu.vector_load %arg7[%get3A_27] {strides = array<i32>} : memref<10176xi32, #tpu.memory_space<vmem>>, vector<16xi32>,
    %get3A_29 = vector.shape_cast %get3A_28 : vector<16xi32> to vector<16xi32>
    %dma_start3A_30 = arith.constant 1 : i32
    %dma_start3A_31 = arith.constant 0 : i32
    %dma_start3A_32 = arith.constant 0 : i32
    %dma_start3A_33 = tpu.memref_slice %arg9[%dma_start3A_30, %dma_start3A_31, %dma_start3A_32] : memref<12x16x128xf32, #tpu.memory_space<vmem>> -> memref<1x16x128xf32, #tpu.memory_space<vmem>>
    %dma_start3A_34 = tpu.memref_squeeze %dma_start3A_33 : memref<1x16x128xf32, #tpu.memory_space<vmem>> -> memref<16x128xf32, #tpu.memory_space<vmem>>
    %dma_start3A_35 = arith.constant 0 : i32
    %dma_start3A_36 = arith.constant 0 : i32
    %dma_start3A_37 = tpu.memref_slice %arg2[%dma_start3A_35, %dma_start3A_36] : memref<10000x128xf32, #tpu.memory_space<hbm>> -> memref<10000x128xf32, #tpu.memory_space<hbm>>
    tpu.enqueue_indirect_dma source(%dma_start3A_37 : memref<10000x128xf32, #tpu.memory_space<hbm>>) target(%dma_start3A_34 : memref<16x128xf32, #tpu.memory_space<vmem>>) offsets(%get3A_29 : vector<16xi32>) semaphore(%arg11 : memref<!tpu.dma_semaphore, #tpu.memory_space<semaphore_mem>>)
    %get3A_38 = arith.constant 32 : index
    %get3A_39 = tpu.vector_load %arg7[%get3A_38] {strides = array<i32>} : memref<10176xi32, #tpu.memory_space<vmem>>, vector<16xi32>,
    %get3A_40 = vector.shape_cast %get3A_39 : vector<16xi32> to vector<16xi32>
    %dma_start3A_41 = arith.constant 2 : i32
    %dma_start3A_42 = arith.constant 0 : i32
    %dma_start3A_43 = arith.constant 0 : i32
    %dma_start3A_44 = tpu.memref_slice %arg9[%dma_start3A_41, %dma_start3A_42, %dma_start3A_43] : memref<12x16x128xf32, #tpu.memory_space<vmem>> -> memref<1x16x128xf32, #tpu.memory_space<vmem>>
    %dma_start3A_45 = tpu.memref_squeeze %dma_start3A_44 : memref<1x16x128xf32, #tpu.memory_space<vmem>> -> memref<16x128xf32, #tpu.memory_space<vmem>>
    %dma_start3A_46 = arith.constant 0 : i32
    %dma_start3A_47 = arith.constant 0 : i32
    %dma_start3A_48 = tpu.memref_slice %arg2[%dma_start3A_46, %dma_start3A_47] : memref<10000x128xf32, #tpu.memory_space<hbm>> -> memref<10000x128xf32, #tpu.memory_space<hbm>>
    tpu.enqueue_indirect_dma source(%dma_start3A_48 : memref<10000x128xf32, #tpu.memory_space<hbm>>) target(%dma_start3A_45 : memref<16x128xf32, #tpu.memory_space<vmem>>) offsets(%get3A_40 : vector<16xi32>) semaphore(%arg12 : memref<!tpu.dma_semaphore, #tpu.memory_space<semaphore_mem>>)
    %get3A_49 = arith.constant 48 : index
    %get3A_50 = tpu.vector_load %arg7[%get3A_49] {strides = array<i32>} : memref<10176xi32, #tpu.memory_space<vmem>>, vector<16xi32>,
    %get3A_51 = vector.shape_cast %get3A_50 : vector<16xi32> to vector<16xi32>
    %dma_start3A_52 = arith.constant 3 : i32
    %dma_start3A_53 = arith.constant 0 : i32
    %dma_start3A_54 = arith.constant 0 : i32
    %dma_start3A_55 = tpu.memref_slice %arg9[%dma_start3A_52, %dma_start3A_53, %dma_start3A_54] : memref<12x16x128xf32, #tpu.memory_space<vmem>> -> memref<1x16x128xf32, #tpu.memory_space<vmem>>
    %dma_start3A_56 = tpu.memref_squeeze %dma_start3A_55 : memref<1x16x128xf32, #tpu.memory_space<vmem>> -> memref<16x128xf32, #tpu.memory_space<vmem>>
    %dma_start3A_57 = arith.constant 0 : i32
    %dma_start3A_58 = arith.constant 0 : i32
    %dma_start3A_59 = tpu.memref_slice %arg2[%dma_start3A_57, %dma_start3A_58] : memref<10000x128xf32, #tpu.memory_space<hbm>> -> memref<10000x128xf32, #tpu.memory_space<hbm>>
    tpu.enqueue_indirect_dma source(%dma_start3A_59 : memref<10000x128xf32, #tpu.memory_space<hbm>>) target(%dma_start3A_56 : memref<16x128xf32, #tpu.memory_space<vmem>>) offsets(%get3A_51 : vector<16xi32>) semaphore(%arg13 : memref<!tpu.dma_semaphore, #tpu.memory_space<semaphore_mem>>)
    %get3A_60 = arith.constant 64 : index
    %get3A_61 = tpu.vector_load %arg7[%get3A_60] {strides = array<i32>} : memref<10176xi32, #tpu.memory_space<vmem>>, vector<16xi32>,
    %get3A_62 = vector.shape_cast %get3A_61 : vector<16xi32> to vector<16xi32>
    %dma_start3A_63 = arith.constant 4 : i32
    %dma_start3A_64 = arith.constant 0 : i32
    %dma_start3A_65 = arith.constant 0 : i32
    %dma_start3A_66 = tpu.memref_slice %arg9[%dma_start3A_63, %dma_start3A_64, %dma_start3A_65] : memref<12x16x128xf32, #tpu.memory_space<vmem>> -> memref<1x16x128xf32, #tpu.memory_space<vmem>>
    %dma_start3A_67 = tpu.memref_squeeze %dma_start3A_66 : memref<1x16x128xf32, #tpu.memory_space<vmem>> -> memref<16x128xf32, #tpu.memory_space<vmem>>
    %dma_start3A_68 = arith.constant 0 : i32
    %dma_start3A_69 = arith.constant 0 : i32
    %dma_start3A_70 = tpu.memref_slice %arg2[%dma_start3A_68, %dma_start3A_69] : memref<10000x128xf32, #tpu.memory_space<hbm>> -> memref<10000x128xf32, #tpu.memory_space<hbm>>
    tpu.enqueue_indirect_dma source(%dma_start3A_70 : memref<10000x128xf32, #tpu.memory_space<hbm>>) target(%dma_start3A_67 : memref<16x128xf32, #tpu.memory_space<vmem>>) offsets(%get3A_62 : vector<16xi32>) semaphore(%arg14 : memref<!tpu.dma_semaphore, #tpu.memory_space<semaphore_mem>>)
    %get3A_71 = arith.constant 80 : index
    %get3A_72 = tpu.vector_load %arg7[%get3A_71] {strides = array<i32>} : memref<10176xi32, #tpu.memory_space<vmem>>, vector<16xi32>,
    %get3A_73 = vector.shape_cast %get3A_72 : vector<16xi32> to vector<16xi32>
    %dma_start3A_74 = arith.constant 5 : i32
    %dma_start3A_75 = arith.constant 0 : i32
    %dma_start3A_76 = arith.constant 0 : i32
    %dma_start3A_77 = tpu.memref_slice %arg9[%dma_start3A_74, %dma_start3A_75, %dma_start3A_76] : memref<12x16x128xf32, #tpu.memory_space<vmem>> -> memref<1x16x128xf32, #tpu.memory_space<vmem>>
    %dma_start3A_78 = tpu.memref_squeeze %dma_start3A_77 : memref<1x16x128xf32, #tpu.memory_space<vmem>> -> memref<16x128xf32, #tpu.memory_space<vmem>>
    %dma_start3A_79 = arith.constant 0 : i32
    %dma_start3A_80 = arith.constant 0 : i32
    %dma_start3A_81 = tpu.memref_slice %arg2[%dma_start3A_79, %dma_start3A_80] : memref<10000x128xf32, #tpu.memory_space<hbm>> -> memref<10000x128xf32, #tpu.memory_space<hbm>>
    tpu.enqueue_indirect_dma source(%dma_start3A_81 : memref<10000x128xf32, #tpu.memory_space<hbm>>) target(%dma_start3A_78 : memref<16x128xf32, #tpu.memory_space<vmem>>) offsets(%get3A_73 : vector<16xi32>) semaphore(%arg15 : memref<!tpu.dma_semaphore, #tpu.memory_space<semaphore_mem>>)
    %get3A_82 = arith.constant 96 : index
    %get3A_83 = tpu.vector_load %arg7[%get3A_82] {strides = array<i32>} : memref<10176xi32, #tpu.memory_space<vmem>>, vector<16xi32>,
    %get3A_84 = vector.shape_cast %get3A_83 : vector<16xi32> to vector<16xi32>
    %dma_start3A_85 = arith.constant 6 : i32
    %dma_start3A_86 = arith.constant 0 : i32
    %dma_start3A_87 = arith.constant 0 : i32
    %dma_start3A_88 = tpu.memref_slice %arg9[%dma_start3A_85, %dma_start3A_86, %dma_start3A_87] : memref<12x16x128xf32, #tpu.memory_space<vmem>> -> memref<1x16x128xf32, #tpu.memory_space<vmem>>
    %dma_start3A_89 = tpu.memref_squeeze %dma_start3A_88 : memref<1x16x128xf32, #tpu.memory_space<vmem>> -> memref<16x128xf32, #tpu.memory_space<vmem>>
    %dma_start3A_90 = arith.constant 0 : i32
    %dma_start3A_91 = arith.constant 0 : i32
    %dma_start3A_92 = tpu.memref_slice %arg2[%dma_start3A_90, %dma_start3A_91] : memref<10000x128xf32, #tpu.memory_space<hbm>> -> memref<10000x128xf32, #tpu.memory_space<hbm>>
    tpu.enqueue_indirect_dma source(%dma_start3A_92 : memref<10000x128xf32, #tpu.memory_space<hbm>>) target(%dma_start3A_89 : memref<16x128xf32, #tpu.memory_space<vmem>>) offsets(%get3A_84 : vector<16xi32>) semaphore(%arg16 : memref<!tpu.dma_semaphore, #tpu.memory_space<semaphore_mem>>)
    %scan3A_93 = arith.constant 0 : i32
    %scan3A_94 = arith.constant 0 : i32
    %scan3A_95 = arith.constant 53 : i32
    %scan3A_96 = arith.addi %scan3A_94, %scan3A_95 : i32
    %scan3A_97 = arith.constant 1 : i32
    %scan3A_98 = scf.for %scan3A_159 = %scan3A_94 to %scan3A_96 step %scan3A_97 iter_args(%scan3A_160 = %scan3A_93) -> (i32)  : i32 {
      %mul3A_161 = arith.constant 12 : i32
      %mul3A_162 = arith.muli %scan3A_159, %mul3A_161 : i32
      %add3A_163 = arith.constant 0 : i32
      %add3A_164 = arith.addi %mul3A_162, %add3A_163 : i32
      %mul3A_165 = arith.constant 16 : i32
      %mul3A_166 = arith.muli %add3A_164, %mul3A_165 : i32
      %get3A_167 = arith.index_cast %mul3A_166 : i32 to index
      %get3A_168 = tpu.vector_load %arg7[%get3A_167] {strides = array<i32>} : memref<10176xi32, #tpu.memory_space<vmem>>, vector<16xi32>,
      %get3A_169 = vector.shape_cast %get3A_168 : vector<16xi32> to vector<16xi32>
      %dma_wait3A_170 = arith.constant 0 : i32
      %dma_wait3A_171 = arith.constant 0 : i32
      %dma_wait3A_172 = arith.constant 0 : i32
      %dma_wait3A_173 = tpu.memref_slice %arg9[%dma_wait3A_170, %dma_wait3A_171, %dma_wait3A_172] : memref<12x16x128xf32, #tpu.memory_space<vmem>> -> memref<1x16x128xf32, #tpu.memory_space<vmem>>
      %dma_wait3A_174 = tpu.memref_squeeze %dma_wait3A_173 : memref<1x16x128xf32, #tpu.memory_space<vmem>> -> memref<16x128xf32, #tpu.memory_space<vmem>>
      %dma_wait3A_175 = arith.constant 0 : i32
      %dma_wait3A_176 = arith.constant 0 : i32
      %dma_wait3A_177 = tpu.memref_slice %arg2[%dma_wait3A_175, %dma_wait3A_176] : memref<10000x128xf32, #tpu.memory_space<hbm>> -> memref<10000x128xf32, #tpu.memory_space<hbm>>
      tpu.wait_indirect_dma semaphore(%arg10 : memref<!tpu.dma_semaphore, #tpu.memory_space<semaphore_mem>>) src(%dma_wait3A_177 : memref<10000x128xf32, #tpu.memory_space<hbm>>) dst(%dma_wait3A_174 : memref<16x128xf32, #tpu.memory_space<vmem>>)
      %mul3A_178 = arith.constant 16 : i32
      %mul3A_179 = arith.muli %add3A_164, %mul3A_178 : i32
      %get3A_180 = arith.index_cast %mul3A_179 : i32 to index
      %get3A_181 = tpu.vector_load %arg8[%get3A_180] {strides = array<i32>} : memref<10176xi32, #tpu.memory_space<vmem>>, vector<16xi32>,
      %get3A_182 = vector.shape_cast %get3A_181 : vector<16xi32> to vector<16xi32>
      %dma_start3A_183 = arith.constant 0 : i32
      %dma_start3A_184 = arith.constant 0 : i32
      %dma_start3A_185 = arith.constant 0 : i32
      %dma_start3A_186 = tpu.memref_slice %arg9[%dma_start3A_183, %dma_start3A_184, %dma_start3A_185] : memref<12x16x128xf32, #tpu.memory_space<vmem>> -> memref<1x16x128xf32, #tpu.memory_space<vmem>>
      %dma_start3A_187 = tpu.memref_squeeze %dma_start3A_186 : memref<1x16x128xf32, #tpu.memory_space<vmem>> -> memref<16x128xf32, #tpu.memory_space<vmem>>
      %dma_start3A_188 = arith.constant 0 : i32
      %dma_start3A_189 = arith.constant 0 : i32
      %dma_start3A_190 = tpu.memref_slice %arg6[%dma_start3A_188, %dma_start3A_189] : memref<10240x128xf32, #tpu.memory_space<vmem_shared>> -> memref<10240x128xf32, #tpu.memory_space<vmem_shared>>
      tpu.enqueue_indirect_dma source(%dma_start3A_187 : memref<16x128xf32, #tpu.memory_space<vmem>>) target(%dma_start3A_190 : memref<10240x128xf32, #tpu.memory_space<vmem_shared>>) offsets(%get3A_182 : vector<16xi32>) semaphore(%arg22 : memref<!tpu.dma_semaphore, #tpu.memory_space<semaphore_mem>>) {add = true}
      %gt3A = arith.constant 0 : i32
      %gt3A_191 = arith.cmpi sgt, %scan3A_159, %gt3A : i32
      %convert_element_type3A = arith.extui %gt3A_191 : i1 to i32
      %cond3A = arith.constant 0 : i32
      %cond3A_192 = arith.cmpi ne, %convert_element_type3A, %cond3A : i32
      scf.if %cond3A_192 {
        %sub3A_757 = arith.constant 5 : i32
        %sub3A_758 = arith.subi %add3A_164, %sub3A_757 : i32
        %mul3A_759 = arith.constant 16 : i32
        %mul3A_760 = arith.muli %sub3A_758, %mul3A_759 : i32
        %get3A_761 = arith.index_cast %mul3A_760 : i32 to index
        %get3A_762 = tpu.vector_load %arg8[%get3A_761] {strides = array<i32>} : memref<10176xi32, #tpu.memory_space<vmem>>, vector<16xi32>,
        %get3A_763 = vector.shape_cast %get3A_762 : vector<16xi32> to vector<16xi32>
        %dma_wait3A_764 = arith.constant 7 : i32
        %dma_wait3A_765 = arith.constant 0 : i32
        %dma_wait3A_766 = arith.constant 0 : i32
        %dma_wait3A_767 = tpu.memref_slice %arg9[%dma_wait3A_764, %dma_wait3A_765, %dma_wait3A_766] : memref<12x16x128xf32, #tpu.memory_space<vmem>> -> memref<1x16x128xf32, #tpu.memory_space<vmem>>
        %dma_wait3A_768 = tpu.memref_squeeze %dma_wait3A_767 : memref<1x16x128xf32, #tpu.memory_space<vmem>> -> memref<16x128xf32, #tpu.memory_space<vmem>>
        %dma_wait3A_769 = arith.constant 0 : i32
        %dma_wait3A_770 = arith.constant 0 : i32
        %dma_wait3A_771 = tpu.memref_slice %arg6[%dma_wait3A_769, %dma_wait3A_770] : memref<10240x128xf32, #tpu.memory_space<vmem_shared>> -> memref<10240x128xf32, #tpu.memory_space<vmem_shared>>
        tpu.wait_indirect_dma semaphore(%arg29 : memref<!tpu.dma_semaphore, #tpu.memory_space<semaphore_mem>>) src(%dma_wait3A_768 : memref<16x128xf32, #tpu.memory_space<vmem>>) dst(%dma_wait3A_771 : memref<10240x128xf32, #tpu.memory_space<vmem_shared>>)
      } else {
      }
      %add3A_193 = arith.constant 7 : i32
      %add3A_194 = arith.addi %add3A_164, %add3A_193 : i32
      %mul3A_195 = arith.constant 16 : i32
      %mul3A_196 = arith.muli %add3A_194, %mul3A_195 : i32
      %get3A_197 = arith.index_cast %mul3A_196 : i32 to index
      %get3A_198 = tpu.vector_load %arg7[%get3A_197] {strides = array<i32>} : memref<10176xi32, #tpu.memory_space<vmem>>, vector<16xi32>,
      %get3A_199 = vector.shape_cast %get3A_198 : vector<16xi32> to vector<16xi32>
      %dma_start3A_200 = arith.constant 7 : i32
      %dma_start3A_201 = arith.constant 0 : i32
      %dma_start3A_202 = arith.constant 0 : i32
      %dma_start3A_203 = tpu.memref_slice %arg9[%dma_start3A_200, %dma_start3A_201, %dma_start3A_202] : memref<12x16x128xf32, #tpu.memory_space<vmem>> -> memref<1x16x128xf32, #tpu.memory_space<vmem>>
      %dma_start3A_204 = tpu.memref_squeeze %dma_start3A_203 : memref<1x16x128xf32, #tpu.memory_space<vmem>> -> memref<16x128xf32, #tpu.memory_space<vmem>>
      %dma_start3A_205 = arith.constant 0 : i32
      %dma_start3A_206 = arith.constant 0 : i32
      %dma_start3A_207 = tpu.memref_slice %arg2[%dma_start3A_205, %dma_start3A_206] : memref<10000x128xf32, #tpu.memory_space<hbm>> -> memref<10000x128xf32, #tpu.memory_space<hbm>>
      tpu.enqueue_indirect_dma source(%dma_start3A_207 : memref<10000x128xf32, #tpu.memory_space<hbm>>) target(%dma_start3A_204 : memref<16x128xf32, #tpu.memory_space<vmem>>) offsets(%get3A_199 : vector<16xi32>) semaphore(%arg17 : memref<!tpu.dma_semaphore, #tpu.memory_space<semaphore_mem>>)
      %mul3A_208 = arith.constant 12 : i32
      %mul3A_209 = arith.muli %scan3A_159, %mul3A_208 : i32
      %add3A_210 = arith.constant 1 : i32
      %add3A_211 = arith.addi %mul3A_209, %add3A_210 : i32
      %mul3A_212 = arith.constant 16 : i32
      %mul3A_213 = arith.muli %add3A_211, %mul3A_212 : i32
      %get3A_214 = arith.index_cast %mul3A_213 : i32 to index
      %get3A_215 = tpu.vector_load %arg7[%get3A_214] {strides = array<i32>} : memref<10176xi32, #tpu.memory_space<vmem>>, vector<16xi32>,
      %get3A_216 = vector.shape_cast %get3A_215 : vector<16xi32> to vector<16xi32>
      %dma_wait3A_217 = arith.constant 1 : i32
      %dma_wait3A_218 = arith.constant 0 : i32
      %dma_wait3A_219 = arith.constant 0 : i32
      %dma_wait3A_220 = tpu.memref_slice %arg9[%dma_wait3A_217, %dma_wait3A_218, %dma_wait3A_219] : memref<12x16x128xf32, #tpu.memory_space<vmem>> -> memref<1x16x128xf32, #tpu.memory_space<vmem>>
      %dma_wait3A_221 = tpu.memref_squeeze %dma_wait3A_220 : memref<1x16x128xf32, #tpu.memory_space<vmem>> -> memref<16x128xf32, #tpu.memory_space<vmem>>
      %dma_wait3A_222 = arith.constant 0 : i32
      %dma_wait3A_223 = arith.constant 0 : i32
      %dma_wait3A_224 = tpu.memref_slice %arg2[%dma_wait3A_222, %dma_wait3A_223] : memref<10000x128xf32, #tpu.memory_space<hbm>> -> memref<10000x128xf32, #tpu.memory_space<hbm>>
      tpu.wait_indirect_dma semaphore(%arg11 : memref<!tpu.dma_semaphore, #tpu.memory_space<semaphore_mem>>) src(%dma_wait3A_224 : memref<10000x128xf32, #tpu.memory_space<hbm>>) dst(%dma_wait3A_221 : memref<16x128xf32, #tpu.memory_space<vmem>>)
      %mul3A_225 = arith.constant 16 : i32
      %mul3A_226 = arith.muli %add3A_211, %mul3A_225 : i32
      %get3A_227 = arith.index_cast %mul3A_226 : i32 to index
      %get3A_228 = tpu.vector_load %arg8[%get3A_227] {strides = array<i32>} : memref<10176xi32, #tpu.memory_space<vmem>>, vector<16xi32>,
      %get3A_229 = vector.shape_cast %get3A_228 : vector<16xi32> to vector<16xi32>
      %dma_start3A_230 = arith.constant 1 : i32
      %dma_start3A_231 = arith.constant 0 : i32
      %dma_start3A_232 = arith.constant 0 : i32
      %dma_start3A_233 = tpu.memref_slice %arg9[%dma_start3A_230, %dma_start3A_231, %dma_start3A_232] : memref<12x16x128xf32, #tpu.memory_space<vmem>> -> memref<1x16x128xf32, #tpu.memory_space<vmem>>
      %dma_start3A_234 = tpu.memref_squeeze %dma_start3A_233 : memref<1x16x128xf32, #tpu.memory_space<vmem>> -> memref<16x128xf32, #tpu.memory_space<vmem>>
      %dma_start3A_235 = arith.constant 0 : i32
      %dma_start3A_236 = arith.constant 0 : i32
      %dma_start3A_237 = tpu.memref_slice %arg6[%dma_start3A_235, %dma_start3A_236] : memref<10240x128xf32, #tpu.memory_space<vmem_shared>> -> memref<10240x128xf32, #tpu.memory_space<vmem_shared>>
      tpu.enqueue_indirect_dma source(%dma_start3A_234 : memref<16x128xf32, #tpu.memory_space<vmem>>) target(%dma_start3A_237 : memref<10240x128xf32, #tpu.memory_space<vmem_shared>>) offsets(%get3A_229 : vector<16xi32>) semaphore(%arg23 : memref<!tpu.dma_semaphore, #tpu.memory_space<semaphore_mem>>) {add = true}
      %gt3A_238 = arith.constant 0 : i32
      %gt3A_239 = arith.cmpi sgt, %scan3A_159, %gt3A_238 : i32
      %convert_element_type3A_240 = arith.extui %gt3A_239 : i1 to i32
      %cond3A_241 = arith.constant 0 : i32
      %cond3A_242 = arith.cmpi ne, %convert_element_type3A_240, %cond3A_241 : i32
      scf.if %cond3A_242 {
        %sub3A_757 = arith.constant 5 : i32
        %sub3A_758 = arith.subi %add3A_211, %sub3A_757 : i32
        %mul3A_759 = arith.constant 16 : i32
        %mul3A_760 = arith.muli %sub3A_758, %mul3A_759 : i32
        %get3A_761 = arith.index_cast %mul3A_760 : i32 to index
        %get3A_762 = tpu.vector_load %arg8[%get3A_761] {strides = array<i32>} : memref<10176xi32, #tpu.memory_space<vmem>>, vector<16xi32>,
        %get3A_763 = vector.shape_cast %get3A_762 : vector<16xi32> to vector<16xi32>
        %dma_wait3A_764 = arith.constant 8 : i32
        %dma_wait3A_765 = arith.constant 0 : i32
        %dma_wait3A_766 = arith.constant 0 : i32
        %dma_wait3A_767 = tpu.memref_slice %arg9[%dma_wait3A_764, %dma_wait3A_765, %dma_wait3A_766] : memref<12x16x128xf32, #tpu.memory_space<vmem>> -> memref<1x16x128xf32, #tpu.memory_space<vmem>>
        %dma_wait3A_768 = tpu.memref_squeeze %dma_wait3A_767 : memref<1x16x128xf32, #tpu.memory_space<vmem>> -> memref<16x128xf32, #tpu.memory_space<vmem>>
        %dma_wait3A_769 = arith.constant 0 : i32
        %dma_wait3A_770 = arith.constant 0 : i32
        %dma_wait3A_771 = tpu.memref_slice %arg6[%dma_wait3A_769, %dma_wait3A_770] : memref<10240x128xf32, #tpu.memory_space<vmem_shared>> -> memref<10240x128xf32, #tpu.memory_space<vmem_shared>>
        tpu.wait_indirect_dma semaphore(%arg30 : memref<!tpu.dma_semaphore, #tpu.memory_space<semaphore_mem>>) src(%dma_wait3A_768 : memref<16x128xf32, #tpu.memory_space<vmem>>) dst(%dma_wait3A_771 : memref<10240x128xf32, #tpu.memory_space<vmem_shared>>)
      } else {
      }
      %add3A_243 = arith.constant 7 : i32
      %add3A_244 = arith.addi %add3A_211, %add3A_243 : i32
      %mul3A_245 = arith.constant 16 : i32
      %mul3A_246 = arith.muli %add3A_244, %mul3A_245 : i32
      %get3A_247 = arith.index_cast %mul3A_246 : i32 to index
      %get3A_248 = tpu.vector_load %arg7[%get3A_247] {strides = array<i32>} : memref<10176xi32, #tpu.memory_space<vmem>>, vector<16xi32>,
      %get3A_249 = vector.shape_cast %get3A_248 : vector<16xi32> to vector<16xi32>
      %dma_start3A_250 = arith.constant 8 : i32
      %dma_start3A_251 = arith.constant 0 : i32
      %dma_start3A_252 = arith.constant 0 : i32
      %dma_start3A_253 = tpu.memref_slice %arg9[%dma_start3A_250, %dma_start3A_251, %dma_start3A_252] : memref<12x16x128xf32, #tpu.memory_space<vmem>> -> memref<1x16x128xf32, #tpu.memory_space<vmem>>
      %dma_start3A_254 = tpu.memref_squeeze %dma_start3A_253 : memref<1x16x128xf32, #tpu.memory_space<vmem>> -> memref<16x128xf32, #tpu.memory_space<vmem>>
      %dma_start3A_255 = arith.constant 0 : i32
      %dma_start3A_256 = arith.constant 0 : i32
      %dma_start3A_257 = tpu.memref_slice %arg2[%dma_start3A_255, %dma_start3A_256] : memref<10000x128xf32, #tpu.memory_space<hbm>> -> memref<10000x128xf32, #tpu.memory_space<hbm>>
      tpu.enqueue_indirect_dma source(%dma_start3A_257 : memref<10000x128xf32, #tpu.memory_space<hbm>>) target(%dma_start3A_254 : memref<16x128xf32, #tpu.memory_space<vmem>>) offsets(%get3A_249 : vector<16xi32>) semaphore(%arg18 : memref<!tpu.dma_semaphore, #tpu.memory_space<semaphore_mem>>)
      %mul3A_258 = arith.constant 12 : i32
      %mul3A_259 = arith.muli %scan3A_159, %mul3A_258 : i32
      %add3A_260 = arith.constant 2 : i32
      %add3A_261 = arith.addi %mul3A_259, %add3A_260 : i32
      %mul3A_262 = arith.constant 16 : i32
      %mul3A_263 = arith.muli %add3A_261, %mul3A_262 : i32
      %get3A_264 = arith.index_cast %mul3A_263 : i32 to index
      %get3A_265 = tpu.vector_load %arg7[%get3A_264] {strides = array<i32>} : memref<10176xi32, #tpu.memory_space<vmem>>, vector<16xi32>,
      %get3A_266 = vector.shape_cast %get3A_265 : vector<16xi32> to vector<16xi32>
      %dma_wait3A_267 = arith.constant 2 : i32
      %dma_wait3A_268 = arith.constant 0 : i32
      %dma_wait3A_269 = arith.constant 0 : i32
      %dma_wait3A_270 = tpu.memref_slice %arg9[%dma_wait3A_267, %dma_wait3A_268, %dma_wait3A_269] : memref<12x16x128xf32, #tpu.memory_space<vmem>> -> memref<1x16x128xf32, #tpu.memory_space<vmem>>
      %dma_wait3A_271 = tpu.memref_squeeze %dma_wait3A_270 : memref<1x16x128xf32, #tpu.memory_space<vmem>> -> memref<16x128xf32, #tpu.memory_space<vmem>>
      %dma_wait3A_272 = arith.constant 0 : i32
      %dma_wait3A_273 = arith.constant 0 : i32
      %dma_wait3A_274 = tpu.memref_slice %arg2[%dma_wait3A_272, %dma_wait3A_273] : memref<10000x128xf32, #tpu.memory_space<hbm>> -> memref<10000x128xf32, #tpu.memory_space<hbm>>
      tpu.wait_indirect_dma semaphore(%arg12 : memref<!tpu.dma_semaphore, #tpu.memory_space<semaphore_mem>>) src(%dma_wait3A_274 : memref<10000x128xf32, #tpu.memory_space<hbm>>) dst(%dma_wait3A_271 : memref<16x128xf32, #tpu.memory_space<vmem>>)
      %mul3A_275 = arith.constant 16 : i32
      %mul3A_276 = arith.muli %add3A_261, %mul3A_275 : i32
      %get3A_277 = arith.index_cast %mul3A_276 : i32 to index
      %get3A_278 = tpu.vector_load %arg8[%get3A_277] {strides = array<i32>} : memref<10176xi32, #tpu.memory_space<vmem>>, vector<16xi32>,
      %get3A_279 = vector.shape_cast %get3A_278 : vector<16xi32> to vector<16xi32>
      %dma_start3A_280 = arith.constant 2 : i32
      %dma_start3A_281 = arith.constant 0 : i32
      %dma_start3A_282 = arith.constant 0 : i32
      %dma_start3A_283 = tpu.memref_slice %arg9[%dma_start3A_280, %dma_start3A_281, %dma_start3A_282] : memref<12x16x128xf32, #tpu.memory_space<vmem>> -> memref<1x16x128xf32, #tpu.memory_space<vmem>>
      %dma_start3A_284 = tpu.memref_squeeze %dma_start3A_283 : memref<1x16x128xf32, #tpu.memory_space<vmem>> -> memref<16x128xf32, #tpu.memory_space<vmem>>
      %dma_start3A_285 = arith.constant 0 : i32
      %dma_start3A_286 = arith.constant 0 : i32
      %dma_start3A_287 = tpu.memref_slice %arg6[%dma_start3A_285, %dma_start3A_286] : memref<10240x128xf32, #tpu.memory_space<vmem_shared>> -> memref<10240x128xf32, #tpu.memory_space<vmem_shared>>
      tpu.enqueue_indirect_dma source(%dma_start3A_284 : memref<16x128xf32, #tpu.memory_space<vmem>>) target(%dma_start3A_287 : memref<10240x128xf32, #tpu.memory_space<vmem_shared>>) offsets(%get3A_279 : vector<16xi32>) semaphore(%arg24 : memref<!tpu.dma_semaphore, #tpu.memory_space<semaphore_mem>>) {add = true}
      %gt3A_288 = arith.constant 0 : i32
      %gt3A_289 = arith.cmpi sgt, %scan3A_159, %gt3A_288 : i32
      %convert_element_type3A_290 = arith.extui %gt3A_289 : i1 to i32
      %cond3A_291 = arith.constant 0 : i32
      %cond3A_292 = arith.cmpi ne, %convert_element_type3A_290, %cond3A_291 : i32
      scf.if %cond3A_292 {
        %sub3A_757 = arith.constant 5 : i32
        %sub3A_758 = arith.subi %add3A_261, %sub3A_757 : i32
        %mul3A_759 = arith.constant 16 : i32
        %mul3A_760 = arith.muli %sub3A_758, %mul3A_759 : i32
        %get3A_761 = arith.index_cast %mul3A_760 : i32 to index
        %get3A_762 = tpu.vector_load %arg8[%get3A_761] {strides = array<i32>} : memref<10176xi32, #tpu.memory_space<vmem>>, vector<16xi32>,
        %get3A_763 = vector.shape_cast %get3A_762 : vector<16xi32> to vector<16xi32>
        %dma_wait3A_764 = arith.constant 9 : i32
        %dma_wait3A_765 = arith.constant 0 : i32
        %dma_wait3A_766 = arith.constant 0 : i32
        %dma_wait3A_767 = tpu.memref_slice %arg9[%dma_wait3A_764, %dma_wait3A_765, %dma_wait3A_766] : memref<12x16x128xf32, #tpu.memory_space<vmem>> -> memref<1x16x128xf32, #tpu.memory_space<vmem>>
        %dma_wait3A_768 = tpu.memref_squeeze %dma_wait3A_767 : memref<1x16x128xf32, #tpu.memory_space<vmem>> -> memref<16x128xf32, #tpu.memory_space<vmem>>
        %dma_wait3A_769 = arith.constant 0 : i32
        %dma_wait3A_770 = arith.constant 0 : i32
        %dma_wait3A_771 = tpu.memref_slice %arg6[%dma_wait3A_769, %dma_wait3A_770] : memref<10240x128xf32, #tpu.memory_space<vmem_shared>> -> memref<10240x128xf32, #tpu.memory_space<vmem_shared>>
        tpu.wait_indirect_dma semaphore(%arg31 : memref<!tpu.dma_semaphore, #tpu.memory_space<semaphore_mem>>) src(%dma_wait3A_768 : memref<16x128xf32, #tpu.memory_space<vmem>>) dst(%dma_wait3A_771 : memref<10240x128xf32, #tpu.memory_space<vmem_shared>>)
      } else {
      }
      %add3A_293 = arith.constant 7 : i32
      %add3A_294 = arith.addi %add3A_261, %add3A_293 : i32
      %mul3A_295 = arith.constant 16 : i32
      %mul3A_296 = arith.muli %add3A_294, %mul3A_295 : i32
      %get3A_297 = arith.index_cast %mul3A_296 : i32 to index
      %get3A_298 = tpu.vector_load %arg7[%get3A_297] {strides = array<i32>} : memref<10176xi32, #tpu.memory_space<vmem>>, vector<16xi32>,
      %get3A_299 = vector.shape_cast %get3A_298 : vector<16xi32> to vector<16xi32>
      %dma_start3A_300 = arith.constant 9 : i32
      %dma_start3A_301 = arith.constant 0 : i32
      %dma_start3A_302 = arith.constant 0 : i32
      %dma_start3A_303 = tpu.memref_slice %arg9[%dma_start3A_300, %dma_start3A_301, %dma_start3A_302] : memref<12x16x128xf32, #tpu.memory_space<vmem>> -> memref<1x16x128xf32, #tpu.memory_space<vmem>>
      %dma_start3A_304 = tpu.memref_squeeze %dma_start3A_303 : memref<1x16x128xf32, #tpu.memory_space<vmem>> -> memref<16x128xf32, #tpu.memory_space<vmem>>
      %dma_start3A_305 = arith.constant 0 : i32
      %dma_start3A_306 = arith.constant 0 : i32
      %dma_start3A_307 = tpu.memref_slice %arg2[%dma_start3A_305, %dma_start3A_306] : memref<10000x128xf32, #tpu.memory_space<hbm>> -> memref<10000x128xf32, #tpu.memory_space<hbm>>
      tpu.enqueue_indirect_dma source(%dma_start3A_307 : memref<10000x128xf32, #tpu.memory_space<hbm>>) target(%dma_start3A_304 : memref<16x128xf32, #tpu.memory_space<vmem>>) offsets(%get3A_299 : vector<16xi32>) semaphore(%arg19 : memref<!tpu.dma_semaphore, #tpu.memory_space<semaphore_mem>>)
      %mul3A_308 = arith.constant 12 : i32
      %mul3A_309 = arith.muli %scan3A_159, %mul3A_308 : i32
      %add3A_310 = arith.constant 3 : i32
      %add3A_311 = arith.addi %mul3A_309, %add3A_310 : i32
      %mul3A_312 = arith.constant 16 : i32
      %mul3A_313 = arith.muli %add3A_311, %mul3A_312 : i32
      %get3A_314 = arith.index_cast %mul3A_313 : i32 to index
      %get3A_315 = tpu.vector_load %arg7[%get3A_314] {strides = array<i32>} : memref<10176xi32, #tpu.memory_space<vmem>>, vector<16xi32>,
      %get3A_316 = vector.shape_cast %get3A_315 : vector<16xi32> to vector<16xi32>
      %dma_wait3A_317 = arith.constant 3 : i32
      %dma_wait3A_318 = arith.constant 0 : i32
      %dma_wait3A_319 = arith.constant 0 : i32
      %dma_wait3A_320 = tpu.memref_slice %arg9[%dma_wait3A_317, %dma_wait3A_318, %dma_wait3A_319] : memref<12x16x128xf32, #tpu.memory_space<vmem>> -> memref<1x16x128xf32, #tpu.memory_space<vmem>>
      %dma_wait3A_321 = tpu.memref_squeeze %dma_wait3A_320 : memref<1x16x128xf32, #tpu.memory_space<vmem>> -> memref<16x128xf32, #tpu.memory_space<vmem>>
      %dma_wait3A_322 = arith.constant 0 : i32
      %dma_wait3A_323 = arith.constant 0 : i32
      %dma_wait3A_324 = tpu.memref_slice %arg2[%dma_wait3A_322, %dma_wait3A_323] : memref<10000x128xf32, #tpu.memory_space<hbm>> -> memref<10000x128xf32, #tpu.memory_space<hbm>>
      tpu.wait_indirect_dma semaphore(%arg13 : memref<!tpu.dma_semaphore, #tpu.memory_space<semaphore_mem>>) src(%dma_wait3A_324 : memref<10000x128xf32, #tpu.memory_space<hbm>>) dst(%dma_wait3A_321 : memref<16x128xf32, #tpu.memory_space<vmem>>)
      %mul3A_325 = arith.constant 16 : i32
      %mul3A_326 = arith.muli %add3A_311, %mul3A_325 : i32
      %get3A_327 = arith.index_cast %mul3A_326 : i32 to index
      %get3A_328 = tpu.vector_load %arg8[%get3A_327] {strides = array<i32>} : memref<10176xi32, #tpu.memory_space<vmem>>, vector<16xi32>,
      %get3A_329 = vector.shape_cast %get3A_328 : vector<16xi32> to vector<16xi32>
      %dma_start3A_330 = arith.constant 3 : i32
      %dma_start3A_331 = arith.constant 0 : i32
      %dma_start3A_332 = arith.constant 0 : i32
      %dma_start3A_333 = tpu.memref_slice %arg9[%dma_start3A_330, %dma_start3A_331, %dma_start3A_332] : memref<12x16x128xf32, #tpu.memory_space<vmem>> -> memref<1x16x128xf32, #tpu.memory_space<vmem>>
      %dma_start3A_334 = tpu.memref_squeeze %dma_start3A_333 : memref<1x16x128xf32, #tpu.memory_space<vmem>> -> memref<16x128xf32, #tpu.memory_space<vmem>>
      %dma_start3A_335 = arith.constant 0 : i32
      %dma_start3A_336 = arith.constant 0 : i32
      %dma_start3A_337 = tpu.memref_slice %arg6[%dma_start3A_335, %dma_start3A_336] : memref<10240x128xf32, #tpu.memory_space<vmem_shared>> -> memref<10240x128xf32, #tpu.memory_space<vmem_shared>>
      tpu.enqueue_indirect_dma source(%dma_start3A_334 : memref<16x128xf32, #tpu.memory_space<vmem>>) target(%dma_start3A_337 : memref<10240x128xf32, #tpu.memory_space<vmem_shared>>) offsets(%get3A_329 : vector<16xi32>) semaphore(%arg25 : memref<!tpu.dma_semaphore, #tpu.memory_space<semaphore_mem>>) {add = true}
      %gt3A_338 = arith.constant 0 : i32
      %gt3A_339 = arith.cmpi sgt, %scan3A_159, %gt3A_338 : i32
      %convert_element_type3A_340 = arith.extui %gt3A_339 : i1 to i32
      %cond3A_341 = arith.constant 0 : i32
      %cond3A_342 = arith.cmpi ne, %convert_element_type3A_340, %cond3A_341 : i32
      scf.if %cond3A_342 {
        %sub3A_757 = arith.constant 5 : i32
        %sub3A_758 = arith.subi %add3A_311, %sub3A_757 : i32
        %mul3A_759 = arith.constant 16 : i32
        %mul3A_760 = arith.muli %sub3A_758, %mul3A_759 : i32
        %get3A_761 = arith.index_cast %mul3A_760 : i32 to index
        %get3A_762 = tpu.vector_load %arg8[%get3A_761] {strides = array<i32>} : memref<10176xi32, #tpu.memory_space<vmem>>, vector<16xi32>,
        %get3A_763 = vector.shape_cast %get3A_762 : vector<16xi32> to vector<16xi32>
        %dma_wait3A_764 = arith.constant 10 : i32
        %dma_wait3A_765 = arith.constant 0 : i32
        %dma_wait3A_766 = arith.constant 0 : i32
        %dma_wait3A_767 = tpu.memref_slice %arg9[%dma_wait3A_764, %dma_wait3A_765, %dma_wait3A_766] : memref<12x16x128xf32, #tpu.memory_space<vmem>> -> memref<1x16x128xf32, #tpu.memory_space<vmem>>
        %dma_wait3A_768 = tpu.memref_squeeze %dma_wait3A_767 : memref<1x16x128xf32, #tpu.memory_space<vmem>> -> memref<16x128xf32, #tpu.memory_space<vmem>>
        %dma_wait3A_769 = arith.constant 0 : i32
        %dma_wait3A_770 = arith.constant 0 : i32
        %dma_wait3A_771 = tpu.memref_slice %arg6[%dma_wait3A_769, %dma_wait3A_770] : memref<10240x128xf32, #tpu.memory_space<vmem_shared>> -> memref<10240x128xf32, #tpu.memory_space<vmem_shared>>
        tpu.wait_indirect_dma semaphore(%arg32 : memref<!tpu.dma_semaphore, #tpu.memory_space<semaphore_mem>>) src(%dma_wait3A_768 : memref<16x128xf32, #tpu.memory_space<vmem>>) dst(%dma_wait3A_771 : memref<10240x128xf32, #tpu.memory_space<vmem_shared>>)
      } else {
      }
      %add3A_343 = arith.constant 7 : i32
      %add3A_344 = arith.addi %add3A_311, %add3A_343 : i32
      %mul3A_345 = arith.constant 16 : i32
      %mul3A_346 = arith.muli %add3A_344, %mul3A_345 : i32
      %get3A_347 = arith.index_cast %mul3A_346 : i32 to index
      %get3A_348 = tpu.vector_load %arg7[%get3A_347] {strides = array<i32>} : memref<10176xi32, #tpu.memory_space<vmem>>, vector<16xi32>,
      %get3A_349 = vector.shape_cast %get3A_348 : vector<16xi32> to vector<16xi32>
      %dma_start3A_350 = arith.constant 10 : i32
      %dma_start3A_351 = arith.constant 0 : i32
      %dma_start3A_352 = arith.constant 0 : i32
      %dma_start3A_353 = tpu.memref_slice %arg9[%dma_start3A_350, %dma_start3A_351, %dma_start3A_352] : memref<12x16x128xf32, #tpu.memory_space<vmem>> -> memref<1x16x128xf32, #tpu.memory_space<vmem>>
      %dma_start3A_354 = tpu.memref_squeeze %dma_start3A_353 : memref<1x16x128xf32, #tpu.memory_space<vmem>> -> memref<16x128xf32, #tpu.memory_space<vmem>>
      %dma_start3A_355 = arith.constant 0 : i32
      %dma_start3A_356 = arith.constant 0 : i32
      %dma_start3A_357 = tpu.memref_slice %arg2[%dma_start3A_355, %dma_start3A_356] : memref<10000x128xf32, #tpu.memory_space<hbm>> -> memref<10000x128xf32, #tpu.memory_space<hbm>>
      tpu.enqueue_indirect_dma source(%dma_start3A_357 : memref<10000x128xf32, #tpu.memory_space<hbm>>) target(%dma_start3A_354 : memref<16x128xf32, #tpu.memory_space<vmem>>) offsets(%get3A_349 : vector<16xi32>) semaphore(%arg20 : memref<!tpu.dma_semaphore, #tpu.memory_space<semaphore_mem>>)
      %mul3A_358 = arith.constant 12 : i32
      %mul3A_359 = arith.muli %scan3A_159, %mul3A_358 : i32
      %add3A_360 = arith.constant 4 : i32
      %add3A_361 = arith.addi %mul3A_359, %add3A_360 : i32
      %mul3A_362 = arith.constant 16 : i32
      %mul3A_363 = arith.muli %add3A_361, %mul3A_362 : i32
      %get3A_364 = arith.index_cast %mul3A_363 : i32 to index
      %get3A_365 = tpu.vector_load %arg7[%get3A_364] {strides = array<i32>} : memref<10176xi32, #tpu.memory_space<vmem>>, vector<16xi32>,
      %get3A_366 = vector.shape_cast %get3A_365 : vector<16xi32> to vector<16xi32>
      %dma_wait3A_367 = arith.constant 4 : i32
      %dma_wait3A_368 = arith.constant 0 : i32
      %dma_wait3A_369 = arith.constant 0 : i32
      %dma_wait3A_370 = tpu.memref_slice %arg9[%dma_wait3A_367, %dma_wait3A_368, %dma_wait3A_369] : memref<12x16x128xf32, #tpu.memory_space<vmem>> -> memref<1x16x128xf32, #tpu.memory_space<vmem>>
      %dma_wait3A_371 = tpu.memref_squeeze %dma_wait3A_370 : memref<1x16x128xf32, #tpu.memory_space<vmem>> -> memref<16x128xf32, #tpu.memory_space<vmem>>
      %dma_wait3A_372 = arith.constant 0 : i32
      %dma_wait3A_373 = arith.constant 0 : i32
      %dma_wait3A_374 = tpu.memref_slice %arg2[%dma_wait3A_372, %dma_wait3A_373] : memref<10000x128xf32, #tpu.memory_space<hbm>> -> memref<10000x128xf32, #tpu.memory_space<hbm>>
      tpu.wait_indirect_dma semaphore(%arg14 : memref<!tpu.dma_semaphore, #tpu.memory_space<semaphore_mem>>) src(%dma_wait3A_374 : memref<10000x128xf32, #tpu.memory_space<hbm>>) dst(%dma_wait3A_371 : memref<16x128xf32, #tpu.memory_space<vmem>>)
      %mul3A_375 = arith.constant 16 : i32
      %mul3A_376 = arith.muli %add3A_361, %mul3A_375 : i32
      %get3A_377 = arith.index_cast %mul3A_376 : i32 to index
      %get3A_378 = tpu.vector_load %arg8[%get3A_377] {strides = array<i32>} : memref<10176xi32, #tpu.memory_space<vmem>>, vector<16xi32>,
      %get3A_379 = vector.shape_cast %get3A_378 : vector<16xi32> to vector<16xi32>
      %dma_start3A_380 = arith.constant 4 : i32
      %dma_start3A_381 = arith.constant 0 : i32
      %dma_start3A_382 = arith.constant 0 : i32
      %dma_start3A_383 = tpu.memref_slice %arg9[%dma_start3A_380, %dma_start3A_381, %dma_start3A_382] : memref<12x16x128xf32, #tpu.memory_space<vmem>> -> memref<1x16x128xf32, #tpu.memory_space<vmem>>
      %dma_start3A_384 = tpu.memref_squeeze %dma_start3A_383 : memref<1x16x128xf32, #tpu.memory_space<vmem>> -> memref<16x128xf32, #tpu.memory_space<vmem>>
      %dma_start3A_385 = arith.constant 0 : i32
      %dma_start3A_386 = arith.constant 0 : i32
      %dma_start3A_387 = tpu.memref_slice %arg6[%dma_start3A_385, %dma_start3A_386] : memref<10240x128xf32, #tpu.memory_space<vmem_shared>> -> memref<10240x128xf32, #tpu.memory_space<vmem_shared>>
      tpu.enqueue_indirect_dma source(%dma_start3A_384 : memref<16x128xf32, #tpu.memory_space<vmem>>) target(%dma_start3A_387 : memref<10240x128xf32, #tpu.memory_space<vmem_shared>>) offsets(%get3A_379 : vector<16xi32>) semaphore(%arg26 : memref<!tpu.dma_semaphore, #tpu.memory_space<semaphore_mem>>) {add = true}
      %gt3A_388 = arith.constant 0 : i32
      %gt3A_389 = arith.cmpi sgt, %scan3A_159, %gt3A_388 : i32
      %convert_element_type3A_390 = arith.extui %gt3A_389 : i1 to i32
      %cond3A_391 = arith.constant 0 : i32
      %cond3A_392 = arith.cmpi ne, %convert_element_type3A_390, %cond3A_391 : i32
      scf.if %cond3A_392 {
        %sub3A_757 = arith.constant 5 : i32
        %sub3A_758 = arith.subi %add3A_361, %sub3A_757 : i32
        %mul3A_759 = arith.constant 16 : i32
        %mul3A_760 = arith.muli %sub3A_758, %mul3A_759 : i32
        %get3A_761 = arith.index_cast %mul3A_760 : i32 to index
        %get3A_762 = tpu.vector_load %arg8[%get3A_761] {strides = array<i32>} : memref<10176xi32, #tpu.memory_space<vmem>>, vector<16xi32>,
        %get3A_763 = vector.shape_cast %get3A_762 : vector<16xi32> to vector<16xi32>
        %dma_wait3A_764 = arith.constant 11 : i32
        %dma_wait3A_765 = arith.constant 0 : i32
        %dma_wait3A_766 = arith.constant 0 : i32
        %dma_wait3A_767 = tpu.memref_slice %arg9[%dma_wait3A_764, %dma_wait3A_765, %dma_wait3A_766] : memref<12x16x128xf32, #tpu.memory_space<vmem>> -> memref<1x16x128xf32, #tpu.memory_space<vmem>>
        %dma_wait3A_768 = tpu.memref_squeeze %dma_wait3A_767 : memref<1x16x128xf32, #tpu.memory_space<vmem>> -> memref<16x128xf32, #tpu.memory_space<vmem>>
        %dma_wait3A_769 = arith.constant 0 : i32
        %dma_wait3A_770 = arith.constant 0 : i32
        %dma_wait3A_771 = tpu.memref_slice %arg6[%dma_wait3A_769, %dma_wait3A_770] : memref<10240x128xf32, #tpu.memory_space<vmem_shared>> -> memref<10240x128xf32, #tpu.memory_space<vmem_shared>>
        tpu.wait_indirect_dma semaphore(%arg33 : memref<!tpu.dma_semaphore, #tpu.memory_space<semaphore_mem>>) src(%dma_wait3A_768 : memref<16x128xf32, #tpu.memory_space<vmem>>) dst(%dma_wait3A_771 : memref<10240x128xf32, #tpu.memory_space<vmem_shared>>)
      } else {
      }
      %add3A_393 = arith.constant 7 : i32
      %add3A_394 = arith.addi %add3A_361, %add3A_393 : i32
      %mul3A_395 = arith.constant 16 : i32
      %mul3A_396 = arith.muli %add3A_394, %mul3A_395 : i32
      %get3A_397 = arith.index_cast %mul3A_396 : i32 to index
      %get3A_398 = tpu.vector_load %arg7[%get3A_397] {strides = array<i32>} : memref<10176xi32, #tpu.memory_space<vmem>>, vector<16xi32>,
      %get3A_399 = vector.shape_cast %get3A_398 : vector<16xi32> to vector<16xi32>
      %dma_start3A_400 = arith.constant 11 : i32
      %dma_start3A_401 = arith.constant 0 : i32
      %dma_start3A_402 = arith.constant 0 : i32
      %dma_start3A_403 = tpu.memref_slice %arg9[%dma_start3A_400, %dma_start3A_401, %dma_start3A_402] : memref<12x16x128xf32, #tpu.memory_space<vmem>> -> memref<1x16x128xf32, #tpu.memory_space<vmem>>
      %dma_start3A_404 = tpu.memref_squeeze %dma_start3A_403 : memref<1x16x128xf32, #tpu.memory_space<vmem>> -> memref<16x128xf32, #tpu.memory_space<vmem>>
      %dma_start3A_405 = arith.constant 0 : i32
      %dma_start3A_406 = arith.constant 0 : i32
      %dma_start3A_407 = tpu.memref_slice %arg2[%dma_start3A_405, %dma_start3A_406] : memref<10000x128xf32, #tpu.memory_space<hbm>> -> memref<10000x128xf32, #tpu.memory_space<hbm>>
      tpu.enqueue_indirect_dma source(%dma_start3A_407 : memref<10000x128xf32, #tpu.memory_space<hbm>>) target(%dma_start3A_404 : memref<16x128xf32, #tpu.memory_space<vmem>>) offsets(%get3A_399 : vector<16xi32>) semaphore(%arg21 : memref<!tpu.dma_semaphore, #tpu.memory_space<semaphore_mem>>)
      %mul3A_408 = arith.constant 12 : i32
      %mul3A_409 = arith.muli %scan3A_159, %mul3A_408 : i32
      %add3A_410 = arith.constant 5 : i32
      %add3A_411 = arith.addi %mul3A_409, %add3A_410 : i32
      %mul3A_412 = arith.constant 16 : i32
      %mul3A_413 = arith.muli %add3A_411, %mul3A_412 : i32
      %get3A_414 = arith.index_cast %mul3A_413 : i32 to index
      %get3A_415 = tpu.vector_load %arg7[%get3A_414] {strides = array<i32>} : memref<10176xi32, #tpu.memory_space<vmem>>, vector<16xi32>,
      %get3A_416 = vector.shape_cast %get3A_415 : vector<16xi32> to vector<16xi32>
      %dma_wait3A_417 = arith.constant 5 : i32
      %dma_wait3A_418 = arith.constant 0 : i32
      %dma_wait3A_419 = arith.constant 0 : i32
      %dma_wait3A_420 = tpu.memref_slice %arg9[%dma_wait3A_417, %dma_wait3A_418, %dma_wait3A_419] : memref<12x16x128xf32, #tpu.memory_space<vmem>> -> memref<1x16x128xf32, #tpu.memory_space<vmem>>
      %dma_wait3A_421 = tpu.memref_squeeze %dma_wait3A_420 : memref<1x16x128xf32, #tpu.memory_space<vmem>> -> memref<16x128xf32, #tpu.memory_space<vmem>>
      %dma_wait3A_422 = arith.constant 0 : i32
      %dma_wait3A_423 = arith.constant 0 : i32
      %dma_wait3A_424 = tpu.memref_slice %arg2[%dma_wait3A_422, %dma_wait3A_423] : memref<10000x128xf32, #tpu.memory_space<hbm>> -> memref<10000x128xf32, #tpu.memory_space<hbm>>
      tpu.wait_indirect_dma semaphore(%arg15 : memref<!tpu.dma_semaphore, #tpu.memory_space<semaphore_mem>>) src(%dma_wait3A_424 : memref<10000x128xf32, #tpu.memory_space<hbm>>) dst(%dma_wait3A_421 : memref<16x128xf32, #tpu.memory_space<vmem>>)
      %mul3A_425 = arith.constant 16 : i32
      %mul3A_426 = arith.muli %add3A_411, %mul3A_425 : i32
      %get3A_427 = arith.index_cast %mul3A_426 : i32 to index
      %get3A_428 = tpu.vector_load %arg8[%get3A_427] {strides = array<i32>} : memref<10176xi32, #tpu.memory_space<vmem>>, vector<16xi32>,
      %get3A_429 = vector.shape_cast %get3A_428 : vector<16xi32> to vector<16xi32>
      %dma_start3A_430 = arith.constant 5 : i32
      %dma_start3A_431 = arith.constant 0 : i32
      %dma_start3A_432 = arith.constant 0 : i32
      %dma_start3A_433 = tpu.memref_slice %arg9[%dma_start3A_430, %dma_start3A_431, %dma_start3A_432] : memref<12x16x128xf32, #tpu.memory_space<vmem>> -> memref<1x16x128xf32, #tpu.memory_space<vmem>>
      %dma_start3A_434 = tpu.memref_squeeze %dma_start3A_433 : memref<1x16x128xf32, #tpu.memory_space<vmem>> -> memref<16x128xf32, #tpu.memory_space<vmem>>
      %dma_start3A_435 = arith.constant 0 : i32
      %dma_start3A_436 = arith.constant 0 : i32
      %dma_start3A_437 = tpu.memref_slice %arg6[%dma_start3A_435, %dma_start3A_436] : memref<10240x128xf32, #tpu.memory_space<vmem_shared>> -> memref<10240x128xf32, #tpu.memory_space<vmem_shared>>
      tpu.enqueue_indirect_dma source(%dma_start3A_434 : memref<16x128xf32, #tpu.memory_space<vmem>>) target(%dma_start3A_437 : memref<10240x128xf32, #tpu.memory_space<vmem_shared>>) offsets(%get3A_429 : vector<16xi32>) semaphore(%arg27 : memref<!tpu.dma_semaphore, #tpu.memory_space<semaphore_mem>>) {add = true}
      %sub3A = arith.constant 5 : i32
      %sub3A_438 = arith.subi %add3A_411, %sub3A : i32
      %mul3A_439 = arith.constant 16 : i32
      %mul3A_440 = arith.muli %sub3A_438, %mul3A_439 : i32
      %get3A_441 = arith.index_cast %mul3A_440 : i32 to index
      %get3A_442 = tpu.vector_load %arg8[%get3A_441] {strides = array<i32>} : memref<10176xi32, #tpu.memory_space<vmem>>, vector<16xi32>,
      %get3A_443 = vector.shape_cast %get3A_442 : vector<16xi32> to vector<16xi32>
      %dma_wait3A_444 = arith.constant 0 : i32
      %dma_wait3A_445 = arith.constant 0 : i32
      %dma_wait3A_446 = arith.constant 0 : i32
      %dma_wait3A_447 = tpu.memref_slice %arg9[%dma_wait3A_444, %dma_wait3A_445, %dma_wait3A_446] : memref<12x16x128xf32, #tpu.memory_space<vmem>> -> memref<1x16x128xf32, #tpu.memory_space<vmem>>
      %dma_wait3A_448 = tpu.memref_squeeze %dma_wait3A_447 : memref<1x16x128xf32, #tpu.memory_space<vmem>> -> memref<16x128xf32, #tpu.memory_space<vmem>>
      %dma_wait3A_449 = arith.constant 0 : i32
      %dma_wait3A_450 = arith.constant 0 : i32
      %dma_wait3A_451 = tpu.memref_slice %arg6[%dma_wait3A_449, %dma_wait3A_450] : memref<10240x128xf32, #tpu.memory_space<vmem_shared>> -> memref<10240x128xf32, #tpu.memory_space<vmem_shared>>
      tpu.wait_indirect_dma semaphore(%arg22 : memref<!tpu.dma_semaphore, #tpu.memory_space<semaphore_mem>>) src(%dma_wait3A_448 : memref<16x128xf32, #tpu.memory_space<vmem>>) dst(%dma_wait3A_451 : memref<10240x128xf32, #tpu.memory_space<vmem_shared>>)
      %lt3A = arith.constant 52 : i32
      %lt3A_452 = arith.cmpi slt, %scan3A_159, %lt3A : i32
      %convert_element_type3A_453 = arith.extui %lt3A_452 : i1 to i32
      %cond3A_454 = arith.constant 0 : i32
      %cond3A_455 = arith.cmpi ne, %convert_element_type3A_453, %cond3A_454 : i32
      scf.if %cond3A_455 {
        %add3A_757 = arith.constant 7 : i32
        %add3A_758 = arith.addi %add3A_411, %add3A_757 : i32
        %mul3A_759 = arith.constant 16 : i32
        %mul3A_760 = arith.muli %add3A_758, %mul3A_759 : i32
        %get3A_761 = arith.index_cast %mul3A_760 : i32 to index
        %get3A_762 = tpu.vector_load %arg7[%get3A_761] {strides = array<i32>} : memref<10176xi32, #tpu.memory_space<vmem>>, vector<16xi32>,
        %get3A_763 = vector.shape_cast %get3A_762 : vector<16xi32> to vector<16xi32>
        %dma_start3A_764 = arith.constant 0 : i32
        %dma_start3A_765 = arith.constant 0 : i32
        %dma_start3A_766 = arith.constant 0 : i32
        %dma_start3A_767 = tpu.memref_slice %arg9[%dma_start3A_764, %dma_start3A_765, %dma_start3A_766] : memref<12x16x128xf32, #tpu.memory_space<vmem>> -> memref<1x16x128xf32, #tpu.memory_space<vmem>>
        %dma_start3A_768 = tpu.memref_squeeze %dma_start3A_767 : memref<1x16x128xf32, #tpu.memory_space<vmem>> -> memref<16x128xf32, #tpu.memory_space<vmem>>
        %dma_start3A_769 = arith.constant 0 : i32
        %dma_start3A_770 = arith.constant 0 : i32
        %dma_start3A_771 = tpu.memref_slice %arg2[%dma_start3A_769, %dma_start3A_770] : memref<10000x128xf32, #tpu.memory_space<hbm>> -> memref<10000x128xf32, #tpu.memory_space<hbm>>
        tpu.enqueue_indirect_dma source(%dma_start3A_771 : memref<10000x128xf32, #tpu.memory_space<hbm>>) target(%dma_start3A_768 : memref<16x128xf32, #tpu.memory_space<vmem>>) offsets(%get3A_763 : vector<16xi32>) semaphore(%arg10 : memref<!tpu.dma_semaphore, #tpu.memory_space<semaphore_mem>>)
      } else {
      }
      %mul3A_456 = arith.constant 12 : i32
      %mul3A_457 = arith.muli %scan3A_159, %mul3A_456 : i32
      %add3A_458 = arith.constant 6 : i32
      %add3A_459 = arith.addi %mul3A_457, %add3A_458 : i32
      %mul3A_460 = arith.constant 16 : i32
      %mul3A_461 = arith.muli %add3A_459, %mul3A_460 : i32
      %get3A_462 = arith.index_cast %mul3A_461 : i32 to index
      %get3A_463 = tpu.vector_load %arg7[%get3A_462] {strides = array<i32>} : memref<10176xi32, #tpu.memory_space<vmem>>, vector<16xi32>,
      %get3A_464 = vector.shape_cast %get3A_463 : vector<16xi32> to vector<16xi32>
      %dma_wait3A_465 = arith.constant 6 : i32
      %dma_wait3A_466 = arith.constant 0 : i32
      %dma_wait3A_467 = arith.constant 0 : i32
      %dma_wait3A_468 = tpu.memref_slice %arg9[%dma_wait3A_465, %dma_wait3A_466, %dma_wait3A_467] : memref<12x16x128xf32, #tpu.memory_space<vmem>> -> memref<1x16x128xf32, #tpu.memory_space<vmem>>
      %dma_wait3A_469 = tpu.memref_squeeze %dma_wait3A_468 : memref<1x16x128xf32, #tpu.memory_space<vmem>> -> memref<16x128xf32, #tpu.memory_space<vmem>>
      %dma_wait3A_470 = arith.constant 0 : i32
      %dma_wait3A_471 = arith.constant 0 : i32
      %dma_wait3A_472 = tpu.memref_slice %arg2[%dma_wait3A_470, %dma_wait3A_471] : memref<10000x128xf32, #tpu.memory_space<hbm>> -> memref<10000x128xf32, #tpu.memory_space<hbm>>
      tpu.wait_indirect_dma semaphore(%arg16 : memref<!tpu.dma_semaphore, #tpu.memory_space<semaphore_mem>>) src(%dma_wait3A_472 : memref<10000x128xf32, #tpu.memory_space<hbm>>) dst(%dma_wait3A_469 : memref<16x128xf32, #tpu.memory_space<vmem>>)
      %mul3A_473 = arith.constant 16 : i32
      %mul3A_474 = arith.muli %add3A_459, %mul3A_473 : i32
      %get3A_475 = arith.index_cast %mul3A_474 : i32 to index
      %get3A_476 = tpu.vector_load %arg8[%get3A_475] {strides = array<i32>} : memref<10176xi32, #tpu.memory_space<vmem>>, vector<16xi32>,
      %get3A_477 = vector.shape_cast %get3A_476 : vector<16xi32> to vector<16xi32>
      %dma_start3A_478 = arith.constant 6 : i32
      %dma_start3A_479 = arith.constant 0 : i32
      %dma_start3A_480 = arith.constant 0 : i32
      %dma_start3A_481 = tpu.memref_slice %arg9[%dma_start3A_478, %dma_start3A_479, %dma_start3A_480] : memref<12x16x128xf32, #tpu.memory_space<vmem>> -> memref<1x16x128xf32, #tpu.memory_space<vmem>>
      %dma_start3A_482 = tpu.memref_squeeze %dma_start3A_481 : memref<1x16x128xf32, #tpu.memory_space<vmem>> -> memref<16x128xf32, #tpu.memory_space<vmem>>
      %dma_start3A_483 = arith.constant 0 : i32
      %dma_start3A_484 = arith.constant 0 : i32
      %dma_start3A_485 = tpu.memref_slice %arg6[%dma_start3A_483, %dma_start3A_484] : memref<10240x128xf32, #tpu.memory_space<vmem_shared>> -> memref<10240x128xf32, #tpu.memory_space<vmem_shared>>
      tpu.enqueue_indirect_dma source(%dma_start3A_482 : memref<16x128xf32, #tpu.memory_space<vmem>>) target(%dma_start3A_485 : memref<10240x128xf32, #tpu.memory_space<vmem_shared>>) offsets(%get3A_477 : vector<16xi32>) semaphore(%arg28 : memref<!tpu.dma_semaphore, #tpu.memory_space<semaphore_mem>>) {add = true}
      %sub3A_486 = arith.constant 5 : i32
      %sub3A_487 = arith.subi %add3A_459, %sub3A_486 : i32
      %mul3A_488 = arith.constant 16 : i32
      %mul3A_489 = arith.muli %sub3A_487, %mul3A_488 : i32
      %get3A_490 = arith.index_cast %mul3A_489 : i32 to index
      %get3A_491 = tpu.vector_load %arg8[%get3A_490] {strides = array<i32>} : memref<10176xi32, #tpu.memory_space<vmem>>, vector<16xi32>,
      %get3A_492 = vector.shape_cast %get3A_491 : vector<16xi32> to vector<16xi32>
      %dma_wait3A_493 = arith.constant 1 : i32
      %dma_wait3A_494 = arith.constant 0 : i32
      %dma_wait3A_495 = arith.constant 0 : i32
      %dma_wait3A_496 = tpu.memref_slice %arg9[%dma_wait3A_493, %dma_wait3A_494, %dma_wait3A_495] : memref<12x16x128xf32, #tpu.memory_space<vmem>> -> memref<1x16x128xf32, #tpu.memory_space<vmem>>
      %dma_wait3A_497 = tpu.memref_squeeze %dma_wait3A_496 : memref<1x16x128xf32, #tpu.memory_space<vmem>> -> memref<16x128xf32, #tpu.memory_space<vmem>>
      %dma_wait3A_498 = arith.constant 0 : i32
      %dma_wait3A_499 = arith.constant 0 : i32
      %dma_wait3A_500 = tpu.memref_slice %arg6[%dma_wait3A_498, %dma_wait3A_499] : memref<10240x128xf32, #tpu.memory_space<vmem_shared>> -> memref<10240x128xf32, #tpu.memory_space<vmem_shared>>
      tpu.wait_indirect_dma semaphore(%arg23 : memref<!tpu.dma_semaphore, #tpu.memory_space<semaphore_mem>>) src(%dma_wait3A_497 : memref<16x128xf32, #tpu.memory_space<vmem>>) dst(%dma_wait3A_500 : memref<10240x128xf32, #tpu.memory_space<vmem_shared>>)
      %lt3A_501 = arith.constant 52 : i32
      %lt3A_502 = arith.cmpi slt, %scan3A_159, %lt3A_501 : i32
      %convert_element_type3A_503 = arith.extui %lt3A_502 : i1 to i32
      %cond3A_504 = arith.constant 0 : i32
      %cond3A_505 = arith.cmpi ne, %convert_element_type3A_503, %cond3A_504 : i32
      scf.if %cond3A_505 {
        %add3A_757 = arith.constant 7 : i32
        %add3A_758 = arith.addi %add3A_459, %add3A_757 : i32
        %mul3A_759 = arith.constant 16 : i32
        %mul3A_760 = arith.muli %add3A_758, %mul3A_759 : i32
        %get3A_761 = arith.index_cast %mul3A_760 : i32 to index
        %get3A_762 = tpu.vector_load %arg7[%get3A_761] {strides = array<i32>} : memref<10176xi32, #tpu.memory_space<vmem>>, vector<16xi32>,
        %get3A_763 = vector.shape_cast %get3A_762 : vector<16xi32> to vector<16xi32>
        %dma_start3A_764 = arith.constant 1 : i32
        %dma_start3A_765 = arith.constant 0 : i32
        %dma_start3A_766 = arith.constant 0 : i32
        %dma_start3A_767 = tpu.memref_slice %arg9[%dma_start3A_764, %dma_start3A_765, %dma_start3A_766] : memref<12x16x128xf32, #tpu.memory_space<vmem>> -> memref<1x16x128xf32, #tpu.memory_space<vmem>>
        %dma_start3A_768 = tpu.memref_squeeze %dma_start3A_767 : memref<1x16x128xf32, #tpu.memory_space<vmem>> -> memref<16x128xf32, #tpu.memory_space<vmem>>
        %dma_start3A_769 = arith.constant 0 : i32
        %dma_start3A_770 = arith.constant 0 : i32
        %dma_start3A_771 = tpu.memref_slice %arg2[%dma_start3A_769, %dma_start3A_770] : memref<10000x128xf32, #tpu.memory_space<hbm>> -> memref<10000x128xf32, #tpu.memory_space<hbm>>
        tpu.enqueue_indirect_dma source(%dma_start3A_771 : memref<10000x128xf32, #tpu.memory_space<hbm>>) target(%dma_start3A_768 : memref<16x128xf32, #tpu.memory_space<vmem>>) offsets(%get3A_763 : vector<16xi32>) semaphore(%arg11 : memref<!tpu.dma_semaphore, #tpu.memory_space<semaphore_mem>>)
      } else {
      }
      %mul3A_506 = arith.constant 12 : i32
      %mul3A_507 = arith.muli %scan3A_159, %mul3A_506 : i32
      %add3A_508 = arith.constant 7 : i32
      %add3A_509 = arith.addi %mul3A_507, %add3A_508 : i32
      %mul3A_510 = arith.constant 16 : i32
      %mul3A_511 = arith.muli %add3A_509, %mul3A_510 : i32
      %get3A_512 = arith.index_cast %mul3A_511 : i32 to index
      %get3A_513 = tpu.vector_load %arg7[%get3A_512] {strides = array<i32>} : memref<10176xi32, #tpu.memory_space<vmem>>, vector<16xi32>,
      %get3A_514 = vector.shape_cast %get3A_513 : vector<16xi32> to vector<16xi32>
      %dma_wait3A_515 = arith.constant 7 : i32
      %dma_wait3A_516 = arith.constant 0 : i32
      %dma_wait3A_517 = arith.constant 0 : i32
      %dma_wait3A_518 = tpu.memref_slice %arg9[%dma_wait3A_515, %dma_wait3A_516, %dma_wait3A_517] : memref<12x16x128xf32, #tpu.memory_space<vmem>> -> memref<1x16x128xf32, #tpu.memory_space<vmem>>
      %dma_wait3A_519 = tpu.memref_squeeze %dma_wait3A_518 : memref<1x16x128xf32, #tpu.memory_space<vmem>> -> memref<16x128xf32, #tpu.memory_space<vmem>>
      %dma_wait3A_520 = arith.constant 0 : i32
      %dma_wait3A_521 = arith.constant 0 : i32
      %dma_wait3A_522 = tpu.memref_slice %arg2[%dma_wait3A_520, %dma_wait3A_521] : memref<10000x128xf32, #tpu.memory_space<hbm>> -> memref<10000x128xf32, #tpu.memory_space<hbm>>
      tpu.wait_indirect_dma semaphore(%arg17 : memref<!tpu.dma_semaphore, #tpu.memory_space<semaphore_mem>>) src(%dma_wait3A_522 : memref<10000x128xf32, #tpu.memory_space<hbm>>) dst(%dma_wait3A_519 : memref<16x128xf32, #tpu.memory_space<vmem>>)
      %mul3A_523 = arith.constant 16 : i32
      %mul3A_524 = arith.muli %add3A_509, %mul3A_523 : i32
      %get3A_525 = arith.index_cast %mul3A_524 : i32 to index
      %get3A_526 = tpu.vector_load %arg8[%get3A_525] {strides = array<i32>} : memref<10176xi32, #tpu.memory_space<vmem>>, vector<16xi32>,
      %get3A_527 = vector.shape_cast %get3A_526 : vector<16xi32> to vector<16xi32>
      %dma_start3A_528 = arith.constant 7 : i32
      %dma_start3A_529 = arith.constant 0 : i32
      %dma_start3A_530 = arith.constant 0 : i32
      %dma_start3A_531 = tpu.memref_slice %arg9[%dma_start3A_528, %dma_start3A_529, %dma_start3A_530] : memref<12x16x128xf32, #tpu.memory_space<vmem>> -> memref<1x16x128xf32, #tpu.memory_space<vmem>>
      %dma_start3A_532 = tpu.memref_squeeze %dma_start3A_531 : memref<1x16x128xf32, #tpu.memory_space<vmem>> -> memref<16x128xf32, #tpu.memory_space<vmem>>
      %dma_start3A_533 = arith.constant 0 : i32
      %dma_start3A_534 = arith.constant 0 : i32
      %dma_start3A_535 = tpu.memref_slice %arg6[%dma_start3A_533, %dma_start3A_534] : memref<10240x128xf32, #tpu.memory_space<vmem_shared>> -> memref<10240x128xf32, #tpu.memory_space<vmem_shared>>
      tpu.enqueue_indirect_dma source(%dma_start3A_532 : memref<16x128xf32, #tpu.memory_space<vmem>>) target(%dma_start3A_535 : memref<10240x128xf32, #tpu.memory_space<vmem_shared>>) offsets(%get3A_527 : vector<16xi32>) semaphore(%arg29 : memref<!tpu.dma_semaphore, #tpu.memory_space<semaphore_mem>>) {add = true}
      %sub3A_536 = arith.constant 5 : i32
      %sub3A_537 = arith.subi %add3A_509, %sub3A_536 : i32
      %mul3A_538 = arith.constant 16 : i32
      %mul3A_539 = arith.muli %sub3A_537, %mul3A_538 : i32
      %get3A_540 = arith.index_cast %mul3A_539 : i32 to index
      %get3A_541 = tpu.vector_load %arg8[%get3A_540] {strides = array<i32>} : memref<10176xi32, #tpu.memory_space<vmem>>, vector<16xi32>,
      %get3A_542 = vector.shape_cast %get3A_541 : vector<16xi32> to vector<16xi32>
      %dma_wait3A_543 = arith.constant 2 : i32
      %dma_wait3A_544 = arith.constant 0 : i32
      %dma_wait3A_545 = arith.constant 0 : i32
      %dma_wait3A_546 = tpu.memref_slice %arg9[%dma_wait3A_543, %dma_wait3A_544, %dma_wait3A_545] : memref<12x16x128xf32, #tpu.memory_space<vmem>> -> memref<1x16x128xf32, #tpu.memory_space<vmem>>
      %dma_wait3A_547 = tpu.memref_squeeze %dma_wait3A_546 : memref<1x16x128xf32, #tpu.memory_space<vmem>> -> memref<16x128xf32, #tpu.memory_space<vmem>>
      %dma_wait3A_548 = arith.constant 0 : i32
      %dma_wait3A_549 = arith.constant 0 : i32
      %dma_wait3A_550 = tpu.memref_slice %arg6[%dma_wait3A_548, %dma_wait3A_549] : memref<10240x128xf32, #tpu.memory_space<vmem_shared>> -> memref<10240x128xf32, #tpu.memory_space<vmem_shared>>
      tpu.wait_indirect_dma semaphore(%arg24 : memref<!tpu.dma_semaphore, #tpu.memory_space<semaphore_mem>>) src(%dma_wait3A_547 : memref<16x128xf32, #tpu.memory_space<vmem>>) dst(%dma_wait3A_550 : memref<10240x128xf32, #tpu.memory_space<vmem_shared>>)
      %lt3A_551 = arith.constant 52 : i32
      %lt3A_552 = arith.cmpi slt, %scan3A_159, %lt3A_551 : i32
      %convert_element_type3A_553 = arith.extui %lt3A_552 : i1 to i32
      %cond3A_554 = arith.constant 0 : i32
      %cond3A_555 = arith.cmpi ne, %convert_element_type3A_553, %cond3A_554 : i32
      scf.if %cond3A_555 {
        %add3A_757 = arith.constant 7 : i32
        %add3A_758 = arith.addi %add3A_509, %add3A_757 : i32
        %mul3A_759 = arith.constant 16 : i32
        %mul3A_760 = arith.muli %add3A_758, %mul3A_759 : i32
        %get3A_761 = arith.index_cast %mul3A_760 : i32 to index
        %get3A_762 = tpu.vector_load %arg7[%get3A_761] {strides = array<i32>} : memref<10176xi32, #tpu.memory_space<vmem>>, vector<16xi32>,
        %get3A_763 = vector.shape_cast %get3A_762 : vector<16xi32> to vector<16xi32>
        %dma_start3A_764 = arith.constant 2 : i32
        %dma_start3A_765 = arith.constant 0 : i32
        %dma_start3A_766 = arith.constant 0 : i32
        %dma_start3A_767 = tpu.memref_slice %arg9[%dma_start3A_764, %dma_start3A_765, %dma_start3A_766] : memref<12x16x128xf32, #tpu.memory_space<vmem>> -> memref<1x16x128xf32, #tpu.memory_space<vmem>>
        %dma_start3A_768 = tpu.memref_squeeze %dma_start3A_767 : memref<1x16x128xf32, #tpu.memory_space<vmem>> -> memref<16x128xf32, #tpu.memory_space<vmem>>
        %dma_start3A_769 = arith.constant 0 : i32
        %dma_start3A_770 = arith.constant 0 : i32
        %dma_start3A_771 = tpu.memref_slice %arg2[%dma_start3A_769, %dma_start3A_770] : memref<10000x128xf32, #tpu.memory_space<hbm>> -> memref<10000x128xf32, #tpu.memory_space<hbm>>
        tpu.enqueue_indirect_dma source(%dma_start3A_771 : memref<10000x128xf32, #tpu.memory_space<hbm>>) target(%dma_start3A_768 : memref<16x128xf32, #tpu.memory_space<vmem>>) offsets(%get3A_763 : vector<16xi32>) semaphore(%arg12 : memref<!tpu.dma_semaphore, #tpu.memory_space<semaphore_mem>>)
      } else {
      }
      %mul3A_556 = arith.constant 12 : i32
      %mul3A_557 = arith.muli %scan3A_159, %mul3A_556 : i32
      %add3A_558 = arith.constant 8 : i32
      %add3A_559 = arith.addi %mul3A_557, %add3A_558 : i32
      %mul3A_560 = arith.constant 16 : i32
      %mul3A_561 = arith.muli %add3A_559, %mul3A_560 : i32
      %get3A_562 = arith.index_cast %mul3A_561 : i32 to index
      %get3A_563 = tpu.vector_load %arg7[%get3A_562] {strides = array<i32>} : memref<10176xi32, #tpu.memory_space<vmem>>, vector<16xi32>,
      %get3A_564 = vector.shape_cast %get3A_563 : vector<16xi32> to vector<16xi32>
      %dma_wait3A_565 = arith.constant 8 : i32
      %dma_wait3A_566 = arith.constant 0 : i32
      %dma_wait3A_567 = arith.constant 0 : i32
      %dma_wait3A_568 = tpu.memref_slice %arg9[%dma_wait3A_565, %dma_wait3A_566, %dma_wait3A_567] : memref<12x16x128xf32, #tpu.memory_space<vmem>> -> memref<1x16x128xf32, #tpu.memory_space<vmem>>
      %dma_wait3A_569 = tpu.memref_squeeze %dma_wait3A_568 : memref<1x16x128xf32, #tpu.memory_space<vmem>> -> memref<16x128xf32, #tpu.memory_space<vmem>>
      %dma_wait3A_570 = arith.constant 0 : i32
      %dma_wait3A_571 = arith.constant 0 : i32
      %dma_wait3A_572 = tpu.memref_slice %arg2[%dma_wait3A_570, %dma_wait3A_571] : memref<10000x128xf32, #tpu.memory_space<hbm>> -> memref<10000x128xf32, #tpu.memory_space<hbm>>
      tpu.wait_indirect_dma semaphore(%arg18 : memref<!tpu.dma_semaphore, #tpu.memory_space<semaphore_mem>>) src(%dma_wait3A_572 : memref<10000x128xf32, #tpu.memory_space<hbm>>) dst(%dma_wait3A_569 : memref<16x128xf32, #tpu.memory_space<vmem>>)
      %mul3A_573 = arith.constant 16 : i32
      %mul3A_574 = arith.muli %add3A_559, %mul3A_573 : i32
      %get3A_575 = arith.index_cast %mul3A_574 : i32 to index
      %get3A_576 = tpu.vector_load %arg8[%get3A_575] {strides = array<i32>} : memref<10176xi32, #tpu.memory_space<vmem>>, vector<16xi32>,
      %get3A_577 = vector.shape_cast %get3A_576 : vector<16xi32> to vector<16xi32>
      %dma_start3A_578 = arith.constant 8 : i32
      %dma_start3A_579 = arith.constant 0 : i32
      %dma_start3A_580 = arith.constant 0 : i32
      %dma_start3A_581 = tpu.memref_slice %arg9[%dma_start3A_578, %dma_start3A_579, %dma_start3A_580] : memref<12x16x128xf32, #tpu.memory_space<vmem>> -> memref<1x16x128xf32, #tpu.memory_space<vmem>>
      %dma_start3A_582 = tpu.memref_squeeze %dma_start3A_581 : memref<1x16x128xf32, #tpu.memory_space<vmem>> -> memref<16x128xf32, #tpu.memory_space<vmem>>
      %dma_start3A_583 = arith.constant 0 : i32
      %dma_start3A_584 = arith.constant 0 : i32
      %dma_start3A_585 = tpu.memref_slice %arg6[%dma_start3A_583, %dma_start3A_584] : memref<10240x128xf32, #tpu.memory_space<vmem_shared>> -> memref<10240x128xf32, #tpu.memory_space<vmem_shared>>
      tpu.enqueue_indirect_dma source(%dma_start3A_582 : memref<16x128xf32, #tpu.memory_space<vmem>>) target(%dma_start3A_585 : memref<10240x128xf32, #tpu.memory_space<vmem_shared>>) offsets(%get3A_577 : vector<16xi32>) semaphore(%arg30 : memref<!tpu.dma_semaphore, #tpu.memory_space<semaphore_mem>>) {add = true}
      %sub3A_586 = arith.constant 5 : i32
      %sub3A_587 = arith.subi %add3A_559, %sub3A_586 : i32
      %mul3A_588 = arith.constant 16 : i32
      %mul3A_589 = arith.muli %sub3A_587, %mul3A_588 : i32
      %get3A_590 = arith.index_cast %mul3A_589 : i32 to index
      %get3A_591 = tpu.vector_load %arg8[%get3A_590] {strides = array<i32>} : memref<10176xi32, #tpu.memory_space<vmem>>, vector<16xi32>,
      %get3A_592 = vector.shape_cast %get3A_591 : vector<16xi32> to vector<16xi32>
      %dma_wait3A_593 = arith.constant 3 : i32
      %dma_wait3A_594 = arith.constant 0 : i32
      %dma_wait3A_595 = arith.constant 0 : i32
      %dma_wait3A_596 = tpu.memref_slice %arg9[%dma_wait3A_593, %dma_wait3A_594, %dma_wait3A_595] : memref<12x16x128xf32, #tpu.memory_space<vmem>> -> memref<1x16x128xf32, #tpu.memory_space<vmem>>
      %dma_wait3A_597 = tpu.memref_squeeze %dma_wait3A_596 : memref<1x16x128xf32, #tpu.memory_space<vmem>> -> memref<16x128xf32, #tpu.memory_space<vmem>>
      %dma_wait3A_598 = arith.constant 0 : i32
      %dma_wait3A_599 = arith.constant 0 : i32
      %dma_wait3A_600 = tpu.memref_slice %arg6[%dma_wait3A_598, %dma_wait3A_599] : memref<10240x128xf32, #tpu.memory_space<vmem_shared>> -> memref<10240x128xf32, #tpu.memory_space<vmem_shared>>
      tpu.wait_indirect_dma semaphore(%arg25 : memref<!tpu.dma_semaphore, #tpu.memory_space<semaphore_mem>>) src(%dma_wait3A_597 : memref<16x128xf32, #tpu.memory_space<vmem>>) dst(%dma_wait3A_600 : memref<10240x128xf32, #tpu.memory_space<vmem_shared>>)
      %lt3A_601 = arith.constant 52 : i32
      %lt3A_602 = arith.cmpi slt, %scan3A_159, %lt3A_601 : i32
      %convert_element_type3A_603 = arith.extui %lt3A_602 : i1 to i32
      %cond3A_604 = arith.constant 0 : i32
      %cond3A_605 = arith.cmpi ne, %convert_element_type3A_603, %cond3A_604 : i32
      scf.if %cond3A_605 {
        %add3A_757 = arith.constant 7 : i32
        %add3A_758 = arith.addi %add3A_559, %add3A_757 : i32
        %mul3A_759 = arith.constant 16 : i32
        %mul3A_760 = arith.muli %add3A_758, %mul3A_759 : i32
        %get3A_761 = arith.index_cast %mul3A_760 : i32 to index
        %get3A_762 = tpu.vector_load %arg7[%get3A_761] {strides = array<i32>} : memref<10176xi32, #tpu.memory_space<vmem>>, vector<16xi32>,
        %get3A_763 = vector.shape_cast %get3A_762 : vector<16xi32> to vector<16xi32>
        %dma_start3A_764 = arith.constant 3 : i32
        %dma_start3A_765 = arith.constant 0 : i32
        %dma_start3A_766 = arith.constant 0 : i32
        %dma_start3A_767 = tpu.memref_slice %arg9[%dma_start3A_764, %dma_start3A_765, %dma_start3A_766] : memref<12x16x128xf32, #tpu.memory_space<vmem>> -> memref<1x16x128xf32, #tpu.memory_space<vmem>>
        %dma_start3A_768 = tpu.memref_squeeze %dma_start3A_767 : memref<1x16x128xf32, #tpu.memory_space<vmem>> -> memref<16x128xf32, #tpu.memory_space<vmem>>
        %dma_start3A_769 = arith.constant 0 : i32
        %dma_start3A_770 = arith.constant 0 : i32
        %dma_start3A_771 = tpu.memref_slice %arg2[%dma_start3A_769, %dma_start3A_770] : memref<10000x128xf32, #tpu.memory_space<hbm>> -> memref<10000x128xf32, #tpu.memory_space<hbm>>
        tpu.enqueue_indirect_dma source(%dma_start3A_771 : memref<10000x128xf32, #tpu.memory_space<hbm>>) target(%dma_start3A_768 : memref<16x128xf32, #tpu.memory_space<vmem>>) offsets(%get3A_763 : vector<16xi32>) semaphore(%arg13 : memref<!tpu.dma_semaphore, #tpu.memory_space<semaphore_mem>>)
      } else {
      }
      %mul3A_606 = arith.constant 12 : i32
      %mul3A_607 = arith.muli %scan3A_159, %mul3A_606 : i32
      %add3A_608 = arith.constant 9 : i32
      %add3A_609 = arith.addi %mul3A_607, %add3A_608 : i32
      %mul3A_610 = arith.constant 16 : i32
      %mul3A_611 = arith.muli %add3A_609, %mul3A_610 : i32
      %get3A_612 = arith.index_cast %mul3A_611 : i32 to index
      %get3A_613 = tpu.vector_load %arg7[%get3A_612] {strides = array<i32>} : memref<10176xi32, #tpu.memory_space<vmem>>, vector<16xi32>,
      %get3A_614 = vector.shape_cast %get3A_613 : vector<16xi32> to vector<16xi32>
      %dma_wait3A_615 = arith.constant 9 : i32
      %dma_wait3A_616 = arith.constant 0 : i32
      %dma_wait3A_617 = arith.constant 0 : i32
      %dma_wait3A_618 = tpu.memref_slice %arg9[%dma_wait3A_615, %dma_wait3A_616, %dma_wait3A_617] : memref<12x16x128xf32, #tpu.memory_space<vmem>> -> memref<1x16x128xf32, #tpu.memory_space<vmem>>
      %dma_wait3A_619 = tpu.memref_squeeze %dma_wait3A_618 : memref<1x16x128xf32, #tpu.memory_space<vmem>> -> memref<16x128xf32, #tpu.memory_space<vmem>>
      %dma_wait3A_620 = arith.constant 0 : i32
      %dma_wait3A_621 = arith.constant 0 : i32
      %dma_wait3A_622 = tpu.memref_slice %arg2[%dma_wait3A_620, %dma_wait3A_621] : memref<10000x128xf32, #tpu.memory_space<hbm>> -> memref<10000x128xf32, #tpu.memory_space<hbm>>
      tpu.wait_indirect_dma semaphore(%arg19 : memref<!tpu.dma_semaphore, #tpu.memory_space<semaphore_mem>>) src(%dma_wait3A_622 : memref<10000x128xf32, #tpu.memory_space<hbm>>) dst(%dma_wait3A_619 : memref<16x128xf32, #tpu.memory_space<vmem>>)
      %mul3A_623 = arith.constant 16 : i32
      %mul3A_624 = arith.muli %add3A_609, %mul3A_623 : i32
      %get3A_625 = arith.index_cast %mul3A_624 : i32 to index
      %get3A_626 = tpu.vector_load %arg8[%get3A_625] {strides = array<i32>} : memref<10176xi32, #tpu.memory_space<vmem>>, vector<16xi32>,
      %get3A_627 = vector.shape_cast %get3A_626 : vector<16xi32> to vector<16xi32>
      %dma_start3A_628 = arith.constant 9 : i32
      %dma_start3A_629 = arith.constant 0 : i32
      %dma_start3A_630 = arith.constant 0 : i32
      %dma_start3A_631 = tpu.memref_slice %arg9[%dma_start3A_628, %dma_start3A_629, %dma_start3A_630] : memref<12x16x128xf32, #tpu.memory_space<vmem>> -> memref<1x16x128xf32, #tpu.memory_space<vmem>>
      %dma_start3A_632 = tpu.memref_squeeze %dma_start3A_631 : memref<1x16x128xf32, #tpu.memory_space<vmem>> -> memref<16x128xf32, #tpu.memory_space<vmem>>
      %dma_start3A_633 = arith.constant 0 : i32
      %dma_start3A_634 = arith.constant 0 : i32
      %dma_start3A_635 = tpu.memref_slice %arg6[%dma_start3A_633, %dma_start3A_634] : memref<10240x128xf32, #tpu.memory_space<vmem_shared>> -> memref<10240x128xf32, #tpu.memory_space<vmem_shared>>
      tpu.enqueue_indirect_dma source(%dma_start3A_632 : memref<16x128xf32, #tpu.memory_space<vmem>>) target(%dma_start3A_635 : memref<10240x128xf32, #tpu.memory_space<vmem_shared>>) offsets(%get3A_627 : vector<16xi32>) semaphore(%arg31 : memref<!tpu.dma_semaphore, #tpu.memory_space<semaphore_mem>>) {add = true}
      %sub3A_636 = arith.constant 5 : i32
      %sub3A_637 = arith.subi %add3A_609, %sub3A_636 : i32
      %mul3A_638 = arith.constant 16 : i32
      %mul3A_639 = arith.muli %sub3A_637, %mul3A_638 : i32
      %get3A_640 = arith.index_cast %mul3A_639 : i32 to index
      %get3A_641 = tpu.vector_load %arg8[%get3A_640] {strides = array<i32>} : memref<10176xi32, #tpu.memory_space<vmem>>, vector<16xi32>,
      %get3A_642 = vector.shape_cast %get3A_641 : vector<16xi32> to vector<16xi32>
      %dma_wait3A_643 = arith.constant 4 : i32
      %dma_wait3A_644 = arith.constant 0 : i32
      %dma_wait3A_645 = arith.constant 0 : i32
      %dma_wait3A_646 = tpu.memref_slice %arg9[%dma_wait3A_643, %dma_wait3A_644, %dma_wait3A_645] : memref<12x16x128xf32, #tpu.memory_space<vmem>> -> memref<1x16x128xf32, #tpu.memory_space<vmem>>
      %dma_wait3A_647 = tpu.memref_squeeze %dma_wait3A_646 : memref<1x16x128xf32, #tpu.memory_space<vmem>> -> memref<16x128xf32, #tpu.memory_space<vmem>>
      %dma_wait3A_648 = arith.constant 0 : i32
      %dma_wait3A_649 = arith.constant 0 : i32
      %dma_wait3A_650 = tpu.memref_slice %arg6[%dma_wait3A_648, %dma_wait3A_649] : memref<10240x128xf32, #tpu.memory_space<vmem_shared>> -> memref<10240x128xf32, #tpu.memory_space<vmem_shared>>
      tpu.wait_indirect_dma semaphore(%arg26 : memref<!tpu.dma_semaphore, #tpu.memory_space<semaphore_mem>>) src(%dma_wait3A_647 : memref<16x128xf32, #tpu.memory_space<vmem>>) dst(%dma_wait3A_650 : memref<10240x128xf32, #tpu.memory_space<vmem_shared>>)
      %lt3A_651 = arith.constant 52 : i32
      %lt3A_652 = arith.cmpi slt, %scan3A_159, %lt3A_651 : i32
      %convert_element_type3A_653 = arith.extui %lt3A_652 : i1 to i32
      %cond3A_654 = arith.constant 0 : i32
      %cond3A_655 = arith.cmpi ne, %convert_element_type3A_653, %cond3A_654 : i32
      scf.if %cond3A_655 {
        %add3A_757 = arith.constant 7 : i32
        %add3A_758 = arith.addi %add3A_609, %add3A_757 : i32
        %mul3A_759 = arith.constant 16 : i32
        %mul3A_760 = arith.muli %add3A_758, %mul3A_759 : i32
        %get3A_761 = arith.index_cast %mul3A_760 : i32 to index
        %get3A_762 = tpu.vector_load %arg7[%get3A_761] {strides = array<i32>} : memref<10176xi32, #tpu.memory_space<vmem>>, vector<16xi32>,
        %get3A_763 = vector.shape_cast %get3A_762 : vector<16xi32> to vector<16xi32>
        %dma_start3A_764 = arith.constant 4 : i32
        %dma_start3A_765 = arith.constant 0 : i32
        %dma_start3A_766 = arith.constant 0 : i32
        %dma_start3A_767 = tpu.memref_slice %arg9[%dma_start3A_764, %dma_start3A_765, %dma_start3A_766] : memref<12x16x128xf32, #tpu.memory_space<vmem>> -> memref<1x16x128xf32, #tpu.memory_space<vmem>>
        %dma_start3A_768 = tpu.memref_squeeze %dma_start3A_767 : memref<1x16x128xf32, #tpu.memory_space<vmem>> -> memref<16x128xf32, #tpu.memory_space<vmem>>
        %dma_start3A_769 = arith.constant 0 : i32
        %dma_start3A_770 = arith.constant 0 : i32
        %dma_start3A_771 = tpu.memref_slice %arg2[%dma_start3A_769, %dma_start3A_770] : memref<10000x128xf32, #tpu.memory_space<hbm>> -> memref<10000x128xf32, #tpu.memory_space<hbm>>
        tpu.enqueue_indirect_dma source(%dma_start3A_771 : memref<10000x128xf32, #tpu.memory_space<hbm>>) target(%dma_start3A_768 : memref<16x128xf32, #tpu.memory_space<vmem>>) offsets(%get3A_763 : vector<16xi32>) semaphore(%arg14 : memref<!tpu.dma_semaphore, #tpu.memory_space<semaphore_mem>>)
      } else {
      }
      %mul3A_656 = arith.constant 12 : i32
      %mul3A_657 = arith.muli %scan3A_159, %mul3A_656 : i32
      %add3A_658 = arith.constant 10 : i32
      %add3A_659 = arith.addi %mul3A_657, %add3A_658 : i32
      %mul3A_660 = arith.constant 16 : i32
      %mul3A_661 = arith.muli %add3A_659, %mul3A_660 : i32
      %get3A_662 = arith.index_cast %mul3A_661 : i32 to index
      %get3A_663 = tpu.vector_load %arg7[%get3A_662] {strides = array<i32>} : memref<10176xi32, #tpu.memory_space<vmem>>, vector<16xi32>,
      %get3A_664 = vector.shape_cast %get3A_663 : vector<16xi32> to vector<16xi32>
      %dma_wait3A_665 = arith.constant 10 : i32
      %dma_wait3A_666 = arith.constant 0 : i32
      %dma_wait3A_667 = arith.constant 0 : i32
      %dma_wait3A_668 = tpu.memref_slice %arg9[%dma_wait3A_665, %dma_wait3A_666, %dma_wait3A_667] : memref<12x16x128xf32, #tpu.memory_space<vmem>> -> memref<1x16x128xf32, #tpu.memory_space<vmem>>
      %dma_wait3A_669 = tpu.memref_squeeze %dma_wait3A_668 : memref<1x16x128xf32, #tpu.memory_space<vmem>> -> memref<16x128xf32, #tpu.memory_space<vmem>>
      %dma_wait3A_670 = arith.constant 0 : i32
      %dma_wait3A_671 = arith.constant 0 : i32
      %dma_wait3A_672 = tpu.memref_slice %arg2[%dma_wait3A_670, %dma_wait3A_671] : memref<10000x128xf32, #tpu.memory_space<hbm>> -> memref<10000x128xf32, #tpu.memory_space<hbm>>
      tpu.wait_indirect_dma semaphore(%arg20 : memref<!tpu.dma_semaphore, #tpu.memory_space<semaphore_mem>>) src(%dma_wait3A_672 : memref<10000x128xf32, #tpu.memory_space<hbm>>) dst(%dma_wait3A_669 : memref<16x128xf32, #tpu.memory_space<vmem>>)
      %mul3A_673 = arith.constant 16 : i32
      %mul3A_674 = arith.muli %add3A_659, %mul3A_673 : i32
      %get3A_675 = arith.index_cast %mul3A_674 : i32 to index
      %get3A_676 = tpu.vector_load %arg8[%get3A_675] {strides = array<i32>} : memref<10176xi32, #tpu.memory_space<vmem>>, vector<16xi32>,
      %get3A_677 = vector.shape_cast %get3A_676 : vector<16xi32> to vector<16xi32>
      %dma_start3A_678 = arith.constant 10 : i32
      %dma_start3A_679 = arith.constant 0 : i32
      %dma_start3A_680 = arith.constant 0 : i32
      %dma_start3A_681 = tpu.memref_slice %arg9[%dma_start3A_678, %dma_start3A_679, %dma_start3A_680] : memref<12x16x128xf32, #tpu.memory_space<vmem>> -> memref<1x16x128xf32, #tpu.memory_space<vmem>>
      %dma_start3A_682 = tpu.memref_squeeze %dma_start3A_681 : memref<1x16x128xf32, #tpu.memory_space<vmem>> -> memref<16x128xf32, #tpu.memory_space<vmem>>
      %dma_start3A_683 = arith.constant 0 : i32
      %dma_start3A_684 = arith.constant 0 : i32
      %dma_start3A_685 = tpu.memref_slice %arg6[%dma_start3A_683, %dma_start3A_684] : memref<10240x128xf32, #tpu.memory_space<vmem_shared>> -> memref<10240x128xf32, #tpu.memory_space<vmem_shared>>
      tpu.enqueue_indirect_dma source(%dma_start3A_682 : memref<16x128xf32, #tpu.memory_space<vmem>>) target(%dma_start3A_685 : memref<10240x128xf32, #tpu.memory_space<vmem_shared>>) offsets(%get3A_677 : vector<16xi32>) semaphore(%arg32 : memref<!tpu.dma_semaphore, #tpu.memory_space<semaphore_mem>>) {add = true}
      %sub3A_686 = arith.constant 5 : i32
      %sub3A_687 = arith.subi %add3A_659, %sub3A_686 : i32
      %mul3A_688 = arith.constant 16 : i32
      %mul3A_689 = arith.muli %sub3A_687, %mul3A_688 : i32
      %get3A_690 = arith.index_cast %mul3A_689 : i32 to index
      %get3A_691 = tpu.vector_load %arg8[%get3A_690] {strides = array<i32>} : memref<10176xi32, #tpu.memory_space<vmem>>, vector<16xi32>,
      %get3A_692 = vector.shape_cast %get3A_691 : vector<16xi32> to vector<16xi32>
      %dma_wait3A_693 = arith.constant 5 : i32
      %dma_wait3A_694 = arith.constant 0 : i32
      %dma_wait3A_695 = arith.constant 0 : i32
      %dma_wait3A_696 = tpu.memref_slice %arg9[%dma_wait3A_693, %dma_wait3A_694, %dma_wait3A_695] : memref<12x16x128xf32, #tpu.memory_space<vmem>> -> memref<1x16x128xf32, #tpu.memory_space<vmem>>
      %dma_wait3A_697 = tpu.memref_squeeze %dma_wait3A_696 : memref<1x16x128xf32, #tpu.memory_space<vmem>> -> memref<16x128xf32, #tpu.memory_space<vmem>>
      %dma_wait3A_698 = arith.constant 0 : i32
      %dma_wait3A_699 = arith.constant 0 : i32
      %dma_wait3A_700 = tpu.memref_slice %arg6[%dma_wait3A_698, %dma_wait3A_699] : memref<10240x128xf32, #tpu.memory_space<vmem_shared>> -> memref<10240x128xf32, #tpu.memory_space<vmem_shared>>
      tpu.wait_indirect_dma semaphore(%arg27 : memref<!tpu.dma_semaphore, #tpu.memory_space<semaphore_mem>>) src(%dma_wait3A_697 : memref<16x128xf32, #tpu.memory_space<vmem>>) dst(%dma_wait3A_700 : memref<10240x128xf32, #tpu.memory_space<vmem_shared>>)
      %lt3A_701 = arith.constant 52 : i32
      %lt3A_702 = arith.cmpi slt, %scan3A_159, %lt3A_701 : i32
      %convert_element_type3A_703 = arith.extui %lt3A_702 : i1 to i32
      %cond3A_704 = arith.constant 0 : i32
      %cond3A_705 = arith.cmpi ne, %convert_element_type3A_703, %cond3A_704 : i32
      scf.if %cond3A_705 {
        %add3A_757 = arith.constant 7 : i32
        %add3A_758 = arith.addi %add3A_659, %add3A_757 : i32
        %mul3A_759 = arith.constant 16 : i32
        %mul3A_760 = arith.muli %add3A_758, %mul3A_759 : i32
        %get3A_761 = arith.index_cast %mul3A_760 : i32 to index
        %get3A_762 = tpu.vector_load %arg7[%get3A_761] {strides = array<i32>} : memref<10176xi32, #tpu.memory_space<vmem>>, vector<16xi32>,
        %get3A_763 = vector.shape_cast %get3A_762 : vector<16xi32> to vector<16xi32>
        %dma_start3A_764 = arith.constant 5 : i32
        %dma_start3A_765 = arith.constant 0 : i32
        %dma_start3A_766 = arith.constant 0 : i32
        %dma_start3A_767 = tpu.memref_slice %arg9[%dma_start3A_764, %dma_start3A_765, %dma_start3A_766] : memref<12x16x128xf32, #tpu.memory_space<vmem>> -> memref<1x16x128xf32, #tpu.memory_space<vmem>>
        %dma_start3A_768 = tpu.memref_squeeze %dma_start3A_767 : memref<1x16x128xf32, #tpu.memory_space<vmem>> -> memref<16x128xf32, #tpu.memory_space<vmem>>
        %dma_start3A_769 = arith.constant 0 : i32
        %dma_start3A_770 = arith.constant 0 : i32
        %dma_start3A_771 = tpu.memref_slice %arg2[%dma_start3A_769, %dma_start3A_770] : memref<10000x128xf32, #tpu.memory_space<hbm>> -> memref<10000x128xf32, #tpu.memory_space<hbm>>
        tpu.enqueue_indirect_dma source(%dma_start3A_771 : memref<10000x128xf32, #tpu.memory_space<hbm>>) target(%dma_start3A_768 : memref<16x128xf32, #tpu.memory_space<vmem>>) offsets(%get3A_763 : vector<16xi32>) semaphore(%arg15 : memref<!tpu.dma_semaphore, #tpu.memory_space<semaphore_mem>>)
      } else {
      }
      %mul3A_706 = arith.constant 12 : i32
      %mul3A_707 = arith.muli %scan3A_159, %mul3A_706 : i32
      %add3A_708 = arith.constant 11 : i32
      %add3A_709 = arith.addi %mul3A_707, %add3A_708 : i32
      %mul3A_710 = arith.constant 16 : i32
      %mul3A_711 = arith.muli %add3A_709, %mul3A_710 : i32
      %get3A_712 = arith.index_cast %mul3A_711 : i32 to index
      %get3A_713 = tpu.vector_load %arg7[%get3A_712] {strides = array<i32>} : memref<10176xi32, #tpu.memory_space<vmem>>, vector<16xi32>,
      %get3A_714 = vector.shape_cast %get3A_713 : vector<16xi32> to vector<16xi32>
      %dma_wait3A_715 = arith.constant 11 : i32
      %dma_wait3A_716 = arith.constant 0 : i32
      %dma_wait3A_717 = arith.constant 0 : i32
      %dma_wait3A_718 = tpu.memref_slice %arg9[%dma_wait3A_715, %dma_wait3A_716, %dma_wait3A_717] : memref<12x16x128xf32, #tpu.memory_space<vmem>> -> memref<1x16x128xf32, #tpu.memory_space<vmem>>
      %dma_wait3A_719 = tpu.memref_squeeze %dma_wait3A_718 : memref<1x16x128xf32, #tpu.memory_space<vmem>> -> memref<16x128xf32, #tpu.memory_space<vmem>>
      %dma_wait3A_720 = arith.constant 0 : i32
      %dma_wait3A_721 = arith.constant 0 : i32
      %dma_wait3A_722 = tpu.memref_slice %arg2[%dma_wait3A_720, %dma_wait3A_721] : memref<10000x128xf32, #tpu.memory_space<hbm>> -> memref<10000x128xf32, #tpu.memory_space<hbm>>
      tpu.wait_indirect_dma semaphore(%arg21 : memref<!tpu.dma_semaphore, #tpu.memory_space<semaphore_mem>>) src(%dma_wait3A_722 : memref<10000x128xf32, #tpu.memory_space<hbm>>) dst(%dma_wait3A_719 : memref<16x128xf32, #tpu.memory_space<vmem>>)
      %mul3A_723 = arith.constant 16 : i32
      %mul3A_724 = arith.muli %add3A_709, %mul3A_723 : i32
      %get3A_725 = arith.index_cast %mul3A_724 : i32 to index
      %get3A_726 = tpu.vector_load %arg8[%get3A_725] {strides = array<i32>} : memref<10176xi32, #tpu.memory_space<vmem>>, vector<16xi32>,
      %get3A_727 = vector.shape_cast %get3A_726 : vector<16xi32> to vector<16xi32>
      %dma_start3A_728 = arith.constant 11 : i32
      %dma_start3A_729 = arith.constant 0 : i32
      %dma_start3A_730 = arith.constant 0 : i32
      %dma_start3A_731 = tpu.memref_slice %arg9[%dma_start3A_728, %dma_start3A_729, %dma_start3A_730] : memref<12x16x128xf32, #tpu.memory_space<vmem>> -> memref<1x16x128xf32, #tpu.memory_space<vmem>>
      %dma_start3A_732 = tpu.memref_squeeze %dma_start3A_731 : memref<1x16x128xf32, #tpu.memory_space<vmem>> -> memref<16x128xf32, #tpu.memory_space<vmem>>
      %dma_start3A_733 = arith.constant 0 : i32
      %dma_start3A_734 = arith.constant 0 : i32
      %dma_start3A_735 = tpu.memref_slice %arg6[%dma_start3A_733, %dma_start3A_734] : memref<10240x128xf32, #tpu.memory_space<vmem_shared>> -> memref<10240x128xf32, #tpu.memory_space<vmem_shared>>
      tpu.enqueue_indirect_dma source(%dma_start3A_732 : memref<16x128xf32, #tpu.memory_space<vmem>>) target(%dma_start3A_735 : memref<10240x128xf32, #tpu.memory_space<vmem_shared>>) offsets(%get3A_727 : vector<16xi32>) semaphore(%arg33 : memref<!tpu.dma_semaphore, #tpu.memory_space<semaphore_mem>>) {add = true}
      %sub3A_736 = arith.constant 5 : i32
      %sub3A_737 = arith.subi %add3A_709, %sub3A_736 : i32
      %mul3A_738 = arith.constant 16 : i32
      %mul3A_739 = arith.muli %sub3A_737, %mul3A_738 : i32
      %get3A_740 = arith.index_cast %mul3A_739 : i32 to index
      %get3A_741 = tpu.vector_load %arg8[%get3A_740] {strides = array<i32>} : memref<10176xi32, #tpu.memory_space<vmem>>, vector<16xi32>,
      %get3A_742 = vector.shape_cast %get3A_741 : vector<16xi32> to vector<16xi32>
      %dma_wait3A_743 = arith.constant 6 : i32
      %dma_wait3A_744 = arith.constant 0 : i32
      %dma_wait3A_745 = arith.constant 0 : i32
      %dma_wait3A_746 = tpu.memref_slice %arg9[%dma_wait3A_743, %dma_wait3A_744, %dma_wait3A_745] : memref<12x16x128xf32, #tpu.memory_space<vmem>> -> memref<1x16x128xf32, #tpu.memory_space<vmem>>
      %dma_wait3A_747 = tpu.memref_squeeze %dma_wait3A_746 : memref<1x16x128xf32, #tpu.memory_space<vmem>> -> memref<16x128xf32, #tpu.memory_space<vmem>>
      %dma_wait3A_748 = arith.constant 0 : i32
      %dma_wait3A_749 = arith.constant 0 : i32
      %dma_wait3A_750 = tpu.memref_slice %arg6[%dma_wait3A_748, %dma_wait3A_749] : memref<10240x128xf32, #tpu.memory_space<vmem_shared>> -> memref<10240x128xf32, #tpu.memory_space<vmem_shared>>
      tpu.wait_indirect_dma semaphore(%arg28 : memref<!tpu.dma_semaphore, #tpu.memory_space<semaphore_mem>>) src(%dma_wait3A_747 : memref<16x128xf32, #tpu.memory_space<vmem>>) dst(%dma_wait3A_750 : memref<10240x128xf32, #tpu.memory_space<vmem_shared>>)
      %lt3A_751 = arith.constant 52 : i32
      %lt3A_752 = arith.cmpi slt, %scan3A_159, %lt3A_751 : i32
      %convert_element_type3A_753 = arith.extui %lt3A_752 : i1 to i32
      %cond3A_754 = arith.constant 0 : i32
      %cond3A_755 = arith.cmpi ne, %convert_element_type3A_753, %cond3A_754 : i32
      scf.if %cond3A_755 {
        %add3A_757 = arith.constant 7 : i32
        %add3A_758 = arith.addi %add3A_709, %add3A_757 : i32
        %mul3A_759 = arith.constant 16 : i32
        %mul3A_760 = arith.muli %add3A_758, %mul3A_759 : i32
        %get3A_761 = arith.index_cast %mul3A_760 : i32 to index
        %get3A_762 = tpu.vector_load %arg7[%get3A_761] {strides = array<i32>} : memref<10176xi32, #tpu.memory_space<vmem>>, vector<16xi32>,
        %get3A_763 = vector.shape_cast %get3A_762 : vector<16xi32> to vector<16xi32>
        %dma_start3A_764 = arith.constant 6 : i32
        %dma_start3A_765 = arith.constant 0 : i32
        %dma_start3A_766 = arith.constant 0 : i32
        %dma_start3A_767 = tpu.memref_slice %arg9[%dma_start3A_764, %dma_start3A_765, %dma_start3A_766] : memref<12x16x128xf32, #tpu.memory_space<vmem>> -> memref<1x16x128xf32, #tpu.memory_space<vmem>>
        %dma_start3A_768 = tpu.memref_squeeze %dma_start3A_767 : memref<1x16x128xf32, #tpu.memory_space<vmem>> -> memref<16x128xf32, #tpu.memory_space<vmem>>
        %dma_start3A_769 = arith.constant 0 : i32
        %dma_start3A_770 = arith.constant 0 : i32
        %dma_start3A_771 = tpu.memref_slice %arg2[%dma_start3A_769, %dma_start3A_770] : memref<10000x128xf32, #tpu.memory_space<hbm>> -> memref<10000x128xf32, #tpu.memory_space<hbm>>
        tpu.enqueue_indirect_dma source(%dma_start3A_771 : memref<10000x128xf32, #tpu.memory_space<hbm>>) target(%dma_start3A_768 : memref<16x128xf32, #tpu.memory_space<vmem>>) offsets(%get3A_763 : vector<16xi32>) semaphore(%arg16 : memref<!tpu.dma_semaphore, #tpu.memory_space<semaphore_mem>>)
      } else {
      }
      %scan3A_756 = arith.constant 0 : i32
      scf.yield %scan3A_756 : i32
    }
    %scan3A_99 = arith.constant 53 : i32
    %get3A_100 = arith.constant 10096 : index
    %get3A_101 = tpu.vector_load %arg8[%get3A_100] {strides = array<i32>} : memref<10176xi32, #tpu.memory_space<vmem>>, vector<16xi32>,
    %get3A_102 = vector.shape_cast %get3A_101 : vector<16xi32> to vector<16xi32>
    %dma_wait3A = arith.constant 7 : i32
    %dma_wait3A_103 = arith.constant 0 : i32
    %dma_wait3A_104 = arith.constant 0 : i32
    %dma_wait3A_105 = tpu.memref_slice %arg9[%dma_wait3A, %dma_wait3A_103, %dma_wait3A_104] : memref<12x16x128xf32, #tpu.memory_space<vmem>> -> memref<1x16x128xf32, #tpu.memory_space<vmem>>
    %dma_wait3A_106 = tpu.memref_squeeze %dma_wait3A_105 : memref<1x16x128xf32, #tpu.memory_space<vmem>> -> memref<16x128xf32, #tpu.memory_space<vmem>>
    %dma_wait3A_107 = arith.constant 0 : i32
    %dma_wait3A_108 = arith.constant 0 : i32
    %dma_wait3A_109 = tpu.memref_slice %arg6[%dma_wait3A_107, %dma_wait3A_108] : memref<10240x128xf32, #tpu.memory_space<vmem_shared>> -> memref<10240x128xf32, #tpu.memory_space<vmem_shared>>
    tpu.wait_indirect_dma semaphore(%arg29 : memref<!tpu.dma_semaphore, #tpu.memory_space<semaphore_mem>>) src(%dma_wait3A_106 : memref<16x128xf32, #tpu.memory_space<vmem>>) dst(%dma_wait3A_109 : memref<10240x128xf32, #tpu.memory_space<vmem_shared>>)
    %get3A_110 = arith.constant 10112 : index
    %get3A_111 = tpu.vector_load %arg8[%get3A_110] {strides = array<i32>} : memref<10176xi32, #tpu.memory_space<vmem>>, vector<16xi32>,
    %get3A_112 = vector.shape_cast %get3A_111 : vector<16xi32> to vector<16xi32>
    %dma_wait3A_113 = arith.constant 8 : i32
    %dma_wait3A_114 = arith.constant 0 : i32
    %dma_wait3A_115 = arith.constant 0 : i32
    %dma_wait3A_116 = tpu.memref_slice %arg9[%dma_wait3A_113, %dma_wait3A_114, %dma_wait3A_115] : memref<12x16x128xf32, #tpu.memory_space<vmem>> -> memref<1x16x128xf32, #tpu.memory_space<vmem>>
    %dma_wait3A_117 = tpu.memref_squeeze %dma_wait3A_116 : memref<1x16x128xf32, #tpu.memory_space<vmem>> -> memref<16x128xf32, #tpu.memory_space<vmem>>
    %dma_wait3A_118 = arith.constant 0 : i32
    %dma_wait3A_119 = arith.constant 0 : i32
    %dma_wait3A_120 = tpu.memref_slice %arg6[%dma_wait3A_118, %dma_wait3A_119] : memref<10240x128xf32, #tpu.memory_space<vmem_shared>> -> memref<10240x128xf32, #tpu.memory_space<vmem_shared>>
    tpu.wait_indirect_dma semaphore(%arg30 : memref<!tpu.dma_semaphore, #tpu.memory_space<semaphore_mem>>) src(%dma_wait3A_117 : memref<16x128xf32, #tpu.memory_space<vmem>>) dst(%dma_wait3A_120 : memref<10240x128xf32, #tpu.memory_space<vmem_shared>>)
    %get3A_121 = arith.constant 10128 : index
    %get3A_122 = tpu.vector_load %arg8[%get3A_121] {strides = array<i32>} : memref<10176xi32, #tpu.memory_space<vmem>>, vector<16xi32>,
    %get3A_123 = vector.shape_cast %get3A_122 : vector<16xi32> to vector<16xi32>
    %dma_wait3A_124 = arith.constant 9 : i32
    %dma_wait3A_125 = arith.constant 0 : i32
    %dma_wait3A_126 = arith.constant 0 : i32
    %dma_wait3A_127 = tpu.memref_slice %arg9[%dma_wait3A_124, %dma_wait3A_125, %dma_wait3A_126] : memref<12x16x128xf32, #tpu.memory_space<vmem>> -> memref<1x16x128xf32, #tpu.memory_space<vmem>>
    %dma_wait3A_128 = tpu.memref_squeeze %dma_wait3A_127 : memref<1x16x128xf32, #tpu.memory_space<vmem>> -> memref<16x128xf32, #tpu.memory_space<vmem>>
    %dma_wait3A_129 = arith.constant 0 : i32
    %dma_wait3A_130 = arith.constant 0 : i32
    %dma_wait3A_131 = tpu.memref_slice %arg6[%dma_wait3A_129, %dma_wait3A_130] : memref<10240x128xf32, #tpu.memory_space<vmem_shared>> -> memref<10240x128xf32, #tpu.memory_space<vmem_shared>>
    tpu.wait_indirect_dma semaphore(%arg31 : memref<!tpu.dma_semaphore, #tpu.memory_space<semaphore_mem>>) src(%dma_wait3A_128 : memref<16x128xf32, #tpu.memory_space<vmem>>) dst(%dma_wait3A_131 : memref<10240x128xf32, #tpu.memory_space<vmem_shared>>)
    %get3A_132 = arith.constant 10144 : index
    %get3A_133 = tpu.vector_load %arg8[%get3A_132] {strides = array<i32>} : memref<10176xi32, #tpu.memory_space<vmem>>, vector<16xi32>,
    %get3A_134 = vector.shape_cast %get3A_133 : vector<16xi32> to vector<16xi32>
    %dma_wait3A_135 = arith.constant 10 : i32
    %dma_wait3A_136 = arith.constant 0 : i32
    %dma_wait3A_137 = arith.constant 0 : i32
    %dma_wait3A_138 = tpu.memref_slice %arg9[%dma_wait3A_135, %dma_wait3A_136, %dma_wait3A_137] : memref<12x16x128xf32, #tpu.memory_space<vmem>> -> memref<1x16x128xf32, #tpu.memory_space<vmem>>
    %dma_wait3A_139 = tpu.memref_squeeze %dma_wait3A_138 : memref<1x16x128xf32, #tpu.memory_space<vmem>> -> memref<16x128xf32, #tpu.memory_space<vmem>>
    %dma_wait3A_140 = arith.constant 0 : i32
    %dma_wait3A_141 = arith.constant 0 : i32
    %dma_wait3A_142 = tpu.memref_slice %arg6[%dma_wait3A_140, %dma_wait3A_141] : memref<10240x128xf32, #tpu.memory_space<vmem_shared>> -> memref<10240x128xf32, #tpu.memory_space<vmem_shared>>
    tpu.wait_indirect_dma semaphore(%arg32 : memref<!tpu.dma_semaphore, #tpu.memory_space<semaphore_mem>>) src(%dma_wait3A_139 : memref<16x128xf32, #tpu.memory_space<vmem>>) dst(%dma_wait3A_142 : memref<10240x128xf32, #tpu.memory_space<vmem_shared>>)
    %get3A_143 = arith.constant 10160 : index
    %get3A_144 = tpu.vector_load %arg8[%get3A_143] {strides = array<i32>} : memref<10176xi32, #tpu.memory_space<vmem>>, vector<16xi32>,
    %get3A_145 = vector.shape_cast %get3A_144 : vector<16xi32> to vector<16xi32>
    %dma_wait3A_146 = arith.constant 11 : i32
    %dma_wait3A_147 = arith.constant 0 : i32
    %dma_wait3A_148 = arith.constant 0 : i32
    %dma_wait3A_149 = tpu.memref_slice %arg9[%dma_wait3A_146, %dma_wait3A_147, %dma_wait3A_148] : memref<12x16x128xf32, #tpu.memory_space<vmem>> -> memref<1x16x128xf32, #tpu.memory_space<vmem>>
    %dma_wait3A_150 = tpu.memref_squeeze %dma_wait3A_149 : memref<1x16x128xf32, #tpu.memory_space<vmem>> -> memref<16x128xf32, #tpu.memory_space<vmem>>
    %dma_wait3A_151 = arith.constant 0 : i32
    %dma_wait3A_152 = arith.constant 0 : i32
    %dma_wait3A_153 = tpu.memref_slice %arg6[%dma_wait3A_151, %dma_wait3A_152] : memref<10240x128xf32, #tpu.memory_space<vmem_shared>> -> memref<10240x128xf32, #tpu.memory_space<vmem_shared>>
    tpu.wait_indirect_dma semaphore(%arg33 : memref<!tpu.dma_semaphore, #tpu.memory_space<semaphore_mem>>) src(%dma_wait3A_150 : memref<16x128xf32, #tpu.memory_space<vmem>>) dst(%dma_wait3A_153 : memref<10240x128xf32, #tpu.memory_space<vmem_shared>>)
    %barrier3A_154 = arith.constant 0 : index
    tpu.barrier barrier_id(%barrier3A_154)
    %mul3A_155 = arith.constant 640 : i32
    %mul3A_156 = arith.muli %arg1, %mul3A_155 : i32
    %mul3A_157 = arith.constant 640 : i32
    %mul3A_158 = arith.muli %arg1, %mul3A_157 : i32
    "tpu.region"() ({
      %run_scoped3A = tpu.sem_alloc : memref<!tpu.dma_semaphore, #tpu.memory_space<semaphore_mem>>
      %dma_start3A_159 = arith.constant 0 : i32
      %dma_start3A_160 = tpu.memref_slice %arg5[%arg0, %mul3A_158, %dma_start3A_159] : memref<2x10240x128xf32, #tpu.memory_space<hbm>> -> memref<1x640x128xf32, #tpu.memory_space<hbm>>
      %dma_start3A_161 = tpu.memref_squeeze %dma_start3A_160 : memref<1x640x128xf32, #tpu.memory_space<hbm>> -> memref<640x128xf32, #tpu.memory_space<hbm>>
      %dma_start3A_162 = arith.constant 0 : i32
      %dma_start3A_163 = tpu.memref_slice %arg6[%mul3A_156, %dma_start3A_162] : memref<10240x128xf32, #tpu.memory_space<vmem_shared>> -> memref<640x128xf32, #tpu.memory_space<vmem_shared>>
      tpu.enqueue_dma source(%dma_start3A_163 : memref<640x128xf32, #tpu.memory_space<vmem_shared>>) target(%dma_start3A_161 : memref<640x128xf32, #tpu.memory_space<hbm>>) target_semaphore(%run_scoped3A : memref<!tpu.dma_semaphore, #tpu.memory_space<semaphore_mem>>)
      %dma_wait3A_164 = arith.constant 0 : i32
      %dma_wait3A_165 = tpu.memref_slice %arg5[%arg0, %mul3A_158, %dma_wait3A_164] : memref<2x10240x128xf32, #tpu.memory_space<hbm>> -> memref<1x640x128xf32, #tpu.memory_space<hbm>>
      %dma_wait3A_166 = tpu.memref_squeeze %dma_wait3A_165 : memref<1x640x128xf32, #tpu.memory_space<hbm>> -> memref<640x128xf32, #tpu.memory_space<hbm>>
      %dma_wait3A_167 = arith.constant 0 : i32
      %dma_wait3A_168 = tpu.memref_slice %arg6[%mul3A_156, %dma_wait3A_167] : memref<10240x128xf32, #tpu.memory_space<vmem_shared>> -> memref<640x128xf32, #tpu.memory_space<vmem_shared>>
      tpu.wait_dma2 semaphore(%run_scoped3A : memref<!tpu.dma_semaphore, #tpu.memory_space<semaphore_mem>>) src(%dma_wait3A_168 : memref<640x128xf32, #tpu.memory_space<vmem_shared>>) dst(%dma_wait3A_166 : memref<640x128xf32, #tpu.memory_space<hbm>>)
      tpu.yield
    }) : () -> ()
    return
  }
}

#map = affine_map<(d0, d1) -> (0, 0, 0)>
#map1 = affine_map<(d0, d1) -> (0, 0)>
module attributes {stable_mosaic.version = 14 : i64} {
  func.func @deg_kernel(%arg0: i32, %arg1: i32, %arg2: memref<32x80x128xi32, #tpu.memory_space<hbm>>, %arg3: memref<2x10240xf32, #tpu.memory_space<hbm>>, %arg4: memref<10240xf32, #tpu.memory_space<vmem_shared>>, %arg5: memref<80x128xi32, #tpu.memory_space<vmem>>, %arg6: memref<128xf32, #tpu.memory_space<vmem>>, %arg7: memref<640xf32, #tpu.memory_space<vmem>>, %arg8: memref<!tpu.dma_semaphore, #tpu.memory_space<semaphore_mem>>, %arg9: memref<!tpu.dma_semaphore, #tpu.memory_space<semaphore_mem>>, %arg10: memref<!tpu.dma_semaphore, #tpu.memory_space<semaphore_mem>>, %arg11: memref<!tpu.dma_semaphore, #tpu.memory_space<semaphore_mem>>, %arg12: memref<!tpu.dma_semaphore, #tpu.memory_space<semaphore_mem>>, %arg13: memref<!tpu.dma_semaphore, #tpu.memory_space<semaphore_mem>>, %arg14: memref<!tpu.dma_semaphore, #tpu.memory_space<semaphore_mem>>, %arg15: memref<!tpu.dma_semaphore, #tpu.memory_space<semaphore_mem>>) attributes {dimension_semantics = [#tpu.dimension_semantics<core_parallel>, #tpu.dimension_semantics<subcore_parallel>], iteration_bounds = array<i64: 2, 16>, scalar_prefetch = 0 : i64, scratch_operands = 12 : i64, tpu.core_type = #tpu.core_type<sc_vector_subcore>, window_params = [{transform_indices = #map}, {transform_indices = #map1}]} {
    %broadcast_in_dim3A = arith.constant 0.000000e+00 : f32
    %broadcast_in_dim3A_0 = vector.broadcast %broadcast_in_dim3A : f32 to vector<16xf32>
    %scan3A = arith.constant 0 : i32
    %scan3A_1 = arith.constant 0 : i32
    %scan3A_2 = arith.constant 40 : i32
    %scan3A_3 = arith.addi %scan3A_1, %scan3A_2 : i32
    %scan3A_4 = arith.constant 1 : i32
    %scan3A_5 = scf.for %scan3A_78 = %scan3A_1 to %scan3A_3 step %scan3A_4 iter_args(%scan3A_79 = %scan3A) -> (i32)  : i32 {
      %mul3A_80 = arith.constant 16 : i32
      %mul3A_81 = arith.muli %scan3A_78, %mul3A_80 : i32
      %swap3A = arith.index_cast %mul3A_81 : i32 to index
      %swap3A_82 = tpu.vector_load %arg7[%swap3A] {strides = array<i32>} : memref<640xf32, #tpu.memory_space<vmem>>, vector<16xf32>,
      %swap3A_83 = vector.shape_cast %swap3A_82 : vector<16xf32> to vector<16xf32>
      %swap3A_84 = vector.shape_cast %broadcast_in_dim3A_0 : vector<16xf32> to vector<16xf32>
      tpu.vector_store %arg7[%swap3A], %swap3A_84 {strides = array<i32>} : memref<640xf32, #tpu.memory_space<vmem>>, vector<16xf32>,
      %scan3A_85 = arith.constant 0 : i32
      scf.yield %scan3A_85 : i32
    }
    %scan3A_6 = arith.constant 40 : i32
    %mul3A = arith.constant 640 : i32
    %mul3A_7 = arith.muli %arg1, %mul3A : i32
    "tpu.region"() ({
      %run_scoped3A = tpu.sem_alloc : memref<!tpu.dma_semaphore, #tpu.memory_space<semaphore_mem>>
      %dma_start3A = tpu.memref_slice %arg4[%mul3A_7] : memref<10240xf32, #tpu.memory_space<vmem_shared>> -> memref<640xf32, #tpu.memory_space<vmem_shared>>
      %dma_start3A_78 = tpu.memref_slice %arg4[%mul3A_7] : memref<10240xf32, #tpu.memory_space<vmem_shared>> -> memref<640xf32, #tpu.memory_space<vmem_shared>>
      tpu.enqueue_dma source(%arg7 : memref<640xf32, #tpu.memory_space<vmem>>) target(%dma_start3A_78 : memref<640xf32, #tpu.memory_space<vmem_shared>>) target_semaphore(%run_scoped3A : memref<!tpu.dma_semaphore, #tpu.memory_space<semaphore_mem>>)
      %dma_wait3A_79 = tpu.memref_slice %arg4[%mul3A_7] : memref<10240xf32, #tpu.memory_space<vmem_shared>> -> memref<640xf32, #tpu.memory_space<vmem_shared>>
      %dma_wait3A_80 = tpu.memref_slice %arg4[%mul3A_7] : memref<10240xf32, #tpu.memory_space<vmem_shared>> -> memref<640xf32, #tpu.memory_space<vmem_shared>>
      tpu.wait_dma2 semaphore(%run_scoped3A : memref<!tpu.dma_semaphore, #tpu.memory_space<semaphore_mem>>) src(%arg7 : memref<640xf32, #tpu.memory_space<vmem>>) dst(%dma_wait3A_80 : memref<640xf32, #tpu.memory_space<vmem_shared>>)
      tpu.yield
    }) : () -> ()
    %broadcast_in_dim3A_8 = arith.constant 1.000000e+00 : f32
    %broadcast_in_dim3A_9 = vector.broadcast %broadcast_in_dim3A_8 : f32 to vector<16xf32>
    %scan3A_10 = arith.constant 0 : i32
    %scan3A_11 = arith.constant 0 : i32
    %scan3A_12 = arith.constant 8 : i32
    %scan3A_13 = arith.addi %scan3A_11, %scan3A_12 : i32
    %scan3A_14 = arith.constant 1 : i32
    %scan3A_15 = scf.for %scan3A_78 = %scan3A_11 to %scan3A_13 step %scan3A_14 iter_args(%scan3A_79 = %scan3A_10) -> (i32)  : i32 {
      %mul3A_80 = arith.constant 16 : i32
      %mul3A_81 = arith.muli %scan3A_78, %mul3A_80 : i32
      %swap3A = arith.index_cast %mul3A_81 : i32 to index
      %swap3A_82 = tpu.vector_load %arg6[%swap3A] {strides = array<i32>} : memref<128xf32, #tpu.memory_space<vmem>>, vector<16xf32>,
      %swap3A_83 = vector.shape_cast %swap3A_82 : vector<16xf32> to vector<16xf32>
      %swap3A_84 = vector.shape_cast %broadcast_in_dim3A_9 : vector<16xf32> to vector<16xf32>
      tpu.vector_store %arg6[%swap3A], %swap3A_84 {strides = array<i32>} : memref<128xf32, #tpu.memory_space<vmem>>, vector<16xf32>,
      %scan3A_85 = arith.constant 0 : i32
      scf.yield %scan3A_85 : i32
    }
    %scan3A_16 = arith.constant 8 : i32
    %mul3A_17 = arith.constant 2 : i32
    %mul3A_18 = arith.muli %arg1, %mul3A_17 : i32
    %add3A = arith.addi %mul3A_18, %arg0 : i32
    "tpu.region"() ({
      %run_scoped3A = tpu.sem_alloc : memref<!tpu.dma_semaphore, #tpu.memory_space<semaphore_mem>>
      %dma_start3A = arith.constant 0 : i32
      %dma_start3A_78 = arith.constant 0 : i32
      %dma_start3A_79 = tpu.memref_slice %arg2[%add3A, %dma_start3A, %dma_start3A_78] : memref<32x80x128xi32, #tpu.memory_space<hbm>> -> memref<1x80x128xi32, #tpu.memory_space<hbm>>
      %dma_start3A_80 = tpu.memref_squeeze %dma_start3A_79 : memref<1x80x128xi32, #tpu.memory_space<hbm>> -> memref<80x128xi32, #tpu.memory_space<hbm>>
      %dma_start3A_81 = arith.constant 0 : i32
      %dma_start3A_82 = arith.constant 0 : i32
      %dma_start3A_83 = tpu.memref_slice %arg2[%add3A, %dma_start3A_81, %dma_start3A_82] : memref<32x80x128xi32, #tpu.memory_space<hbm>> -> memref<1x80x128xi32, #tpu.memory_space<hbm>>
      %dma_start3A_84 = tpu.memref_squeeze %dma_start3A_83 : memref<1x80x128xi32, #tpu.memory_space<hbm>> -> memref<80x128xi32, #tpu.memory_space<hbm>>
      tpu.enqueue_dma source(%dma_start3A_84 : memref<80x128xi32, #tpu.memory_space<hbm>>) target(%arg5 : memref<80x128xi32, #tpu.memory_space<vmem>>) target_semaphore(%run_scoped3A : memref<!tpu.dma_semaphore, #tpu.memory_space<semaphore_mem>>)
      %dma_wait3A_85 = arith.constant 0 : i32
      %dma_wait3A_86 = arith.constant 0 : i32
      %dma_wait3A_87 = tpu.memref_slice %arg2[%add3A, %dma_wait3A_85, %dma_wait3A_86] : memref<32x80x128xi32, #tpu.memory_space<hbm>> -> memref<1x80x128xi32, #tpu.memory_space<hbm>>
      %dma_wait3A_88 = tpu.memref_squeeze %dma_wait3A_87 : memref<1x80x128xi32, #tpu.memory_space<hbm>> -> memref<80x128xi32, #tpu.memory_space<hbm>>
      %dma_wait3A_89 = arith.constant 0 : i32
      %dma_wait3A_90 = arith.constant 0 : i32
      %dma_wait3A_91 = tpu.memref_slice %arg2[%add3A, %dma_wait3A_89, %dma_wait3A_90] : memref<32x80x128xi32, #tpu.memory_space<hbm>> -> memref<1x80x128xi32, #tpu.memory_space<hbm>>
      %dma_wait3A_92 = tpu.memref_squeeze %dma_wait3A_91 : memref<1x80x128xi32, #tpu.memory_space<hbm>> -> memref<80x128xi32, #tpu.memory_space<hbm>>
      tpu.wait_dma2 semaphore(%run_scoped3A : memref<!tpu.dma_semaphore, #tpu.memory_space<semaphore_mem>>) src(%dma_wait3A_92 : memref<80x128xi32, #tpu.memory_space<hbm>>) dst(%arg5 : memref<80x128xi32, #tpu.memory_space<vmem>>)
      tpu.yield
    }) : () -> ()
    %barrier3A = arith.constant 0 : index
    tpu.barrier barrier_id(%barrier3A)
    %scan3A_19 = arith.constant 0 : i32
    %scan3A_20 = arith.constant 0 : i32
    %scan3A_21 = arith.constant 10 : i32
    %scan3A_22 = arith.addi %scan3A_20, %scan3A_21 : i32
    %scan3A_23 = arith.constant 1 : i32
    %scan3A_24 = scf.for %scan3A_78 = %scan3A_20 to %scan3A_22 step %scan3A_23 iter_args(%scan3A_79 = %scan3A_19) -> (i32)  : i32 {
      %mul3A_80 = arith.constant 8 : i32
      %mul3A_81 = arith.muli %scan3A_78, %mul3A_80 : i32
      %add3A_82 = arith.constant 0 : i32
      %add3A_83 = arith.addi %mul3A_81, %add3A_82 : i32
      %gt3A = arith.constant 0 : i32
      %gt3A_84 = arith.cmpi sgt, %scan3A_78, %gt3A : i32
      %convert_element_type3A = arith.extui %gt3A_84 : i1 to i32
      %cond3A = arith.constant 0 : i32
      %cond3A_85 = arith.cmpi ne, %convert_element_type3A, %cond3A : i32
      scf.if %cond3A_85 {
        %sub3A = arith.constant 8 : i32
        %sub3A_189 = arith.subi %add3A_83, %sub3A : i32
        %dma_wait3A_190 = arith.constant 0 : i32
        %dma_wait3A_191 = tpu.memref_slice %arg5[%sub3A_189, %dma_wait3A_190] : memref<80x128xi32, #tpu.memory_space<vmem>> -> memref<1x128xi32, #tpu.memory_space<vmem>>
        %dma_wait3A_192 = tpu.memref_squeeze %dma_wait3A_191 : memref<1x128xi32, #tpu.memory_space<vmem>> -> memref<128xi32, #tpu.memory_space<vmem>>
        %dma_wait3A_193 = arith.constant 0 : i32
        %dma_wait3A_194 = tpu.memref_slice %arg4[%dma_wait3A_193] : memref<10240xf32, #tpu.memory_space<vmem_shared>> -> memref<10240xf32, #tpu.memory_space<vmem_shared>>
        tpu.wait_indirect_dma semaphore(%arg8 : memref<!tpu.dma_semaphore, #tpu.memory_space<semaphore_mem>>) src(%arg6 : memref<128xf32, #tpu.memory_space<vmem>>) dst(%dma_wait3A_194 : memref<10240xf32, #tpu.memory_space<vmem_shared>>)
      } else {
      }
      %dma_start3A = arith.constant 0 : i32
      %dma_start3A_86 = tpu.memref_slice %arg5[%add3A_83, %dma_start3A] : memref<80x128xi32, #tpu.memory_space<vmem>> -> memref<1x128xi32, #tpu.memory_space<vmem>>
      %dma_start3A_87 = tpu.memref_squeeze %dma_start3A_86 : memref<1x128xi32, #tpu.memory_space<vmem>> -> memref<128xi32, #tpu.memory_space<vmem>>
      %dma_start3A_88 = arith.constant 0 : i32
      %dma_start3A_89 = tpu.memref_slice %arg4[%dma_start3A_88] : memref<10240xf32, #tpu.memory_space<vmem_shared>> -> memref<10240xf32, #tpu.memory_space<vmem_shared>>
      tpu.enqueue_indirect_dma source(%arg6 : memref<128xf32, #tpu.memory_space<vmem>>) target(%dma_start3A_89 : memref<10240xf32, #tpu.memory_space<vmem_shared>>) offsets(%dma_start3A_87 : memref<128xi32, #tpu.memory_space<vmem>>) semaphore(%arg8 : memref<!tpu.dma_semaphore, #tpu.memory_space<semaphore_mem>>) {add = true}
      %mul3A_90 = arith.constant 8 : i32
      %mul3A_91 = arith.muli %scan3A_78, %mul3A_90 : i32
      %add3A_92 = arith.constant 1 : i32
      %add3A_93 = arith.addi %mul3A_91, %add3A_92 : i32
      %gt3A_94 = arith.constant 0 : i32
      %gt3A_95 = arith.cmpi sgt, %scan3A_78, %gt3A_94 : i32
      %convert_element_type3A_96 = arith.extui %gt3A_95 : i1 to i32
      %cond3A_97 = arith.constant 0 : i32
      %cond3A_98 = arith.cmpi ne, %convert_element_type3A_96, %cond3A_97 : i32
      scf.if %cond3A_98 {
        %sub3A = arith.constant 8 : i32
        %sub3A_189 = arith.subi %add3A_93, %sub3A : i32
        %dma_wait3A_190 = arith.constant 0 : i32
        %dma_wait3A_191 = tpu.memref_slice %arg5[%sub3A_189, %dma_wait3A_190] : memref<80x128xi32, #tpu.memory_space<vmem>> -> memref<1x128xi32, #tpu.memory_space<vmem>>
        %dma_wait3A_192 = tpu.memref_squeeze %dma_wait3A_191 : memref<1x128xi32, #tpu.memory_space<vmem>> -> memref<128xi32, #tpu.memory_space<vmem>>
        %dma_wait3A_193 = arith.constant 0 : i32
        %dma_wait3A_194 = tpu.memref_slice %arg4[%dma_wait3A_193] : memref<10240xf32, #tpu.memory_space<vmem_shared>> -> memref<10240xf32, #tpu.memory_space<vmem_shared>>
        tpu.wait_indirect_dma semaphore(%arg9 : memref<!tpu.dma_semaphore, #tpu.memory_space<semaphore_mem>>) src(%arg6 : memref<128xf32, #tpu.memory_space<vmem>>) dst(%dma_wait3A_194 : memref<10240xf32, #tpu.memory_space<vmem_shared>>)
      } else {
      }
      %dma_start3A_99 = arith.constant 0 : i32
      %dma_start3A_100 = tpu.memref_slice %arg5[%add3A_93, %dma_start3A_99] : memref<80x128xi32, #tpu.memory_space<vmem>> -> memref<1x128xi32, #tpu.memory_space<vmem>>
      %dma_start3A_101 = tpu.memref_squeeze %dma_start3A_100 : memref<1x128xi32, #tpu.memory_space<vmem>> -> memref<128xi32, #tpu.memory_space<vmem>>
      %dma_start3A_102 = arith.constant 0 : i32
      %dma_start3A_103 = tpu.memref_slice %arg4[%dma_start3A_102] : memref<10240xf32, #tpu.memory_space<vmem_shared>> -> memref<10240xf32, #tpu.memory_space<vmem_shared>>
      tpu.enqueue_indirect_dma source(%arg6 : memref<128xf32, #tpu.memory_space<vmem>>) target(%dma_start3A_103 : memref<10240xf32, #tpu.memory_space<vmem_shared>>) offsets(%dma_start3A_101 : memref<128xi32, #tpu.memory_space<vmem>>) semaphore(%arg9 : memref<!tpu.dma_semaphore, #tpu.memory_space<semaphore_mem>>) {add = true}
      %mul3A_104 = arith.constant 8 : i32
      %mul3A_105 = arith.muli %scan3A_78, %mul3A_104 : i32
      %add3A_106 = arith.constant 2 : i32
      %add3A_107 = arith.addi %mul3A_105, %add3A_106 : i32
      %gt3A_108 = arith.constant 0 : i32
      %gt3A_109 = arith.cmpi sgt, %scan3A_78, %gt3A_108 : i32
      %convert_element_type3A_110 = arith.extui %gt3A_109 : i1 to i32
      %cond3A_111 = arith.constant 0 : i32
      %cond3A_112 = arith.cmpi ne, %convert_element_type3A_110, %cond3A_111 : i32
      scf.if %cond3A_112 {
        %sub3A = arith.constant 8 : i32
        %sub3A_189 = arith.subi %add3A_107, %sub3A : i32
        %dma_wait3A_190 = arith.constant 0 : i32
        %dma_wait3A_191 = tpu.memref_slice %arg5[%sub3A_189, %dma_wait3A_190] : memref<80x128xi32, #tpu.memory_space<vmem>> -> memref<1x128xi32, #tpu.memory_space<vmem>>
        %dma_wait3A_192 = tpu.memref_squeeze %dma_wait3A_191 : memref<1x128xi32, #tpu.memory_space<vmem>> -> memref<128xi32, #tpu.memory_space<vmem>>
        %dma_wait3A_193 = arith.constant 0 : i32
        %dma_wait3A_194 = tpu.memref_slice %arg4[%dma_wait3A_193] : memref<10240xf32, #tpu.memory_space<vmem_shared>> -> memref<10240xf32, #tpu.memory_space<vmem_shared>>
        tpu.wait_indirect_dma semaphore(%arg10 : memref<!tpu.dma_semaphore, #tpu.memory_space<semaphore_mem>>) src(%arg6 : memref<128xf32, #tpu.memory_space<vmem>>) dst(%dma_wait3A_194 : memref<10240xf32, #tpu.memory_space<vmem_shared>>)
      } else {
      }
      %dma_start3A_113 = arith.constant 0 : i32
      %dma_start3A_114 = tpu.memref_slice %arg5[%add3A_107, %dma_start3A_113] : memref<80x128xi32, #tpu.memory_space<vmem>> -> memref<1x128xi32, #tpu.memory_space<vmem>>
      %dma_start3A_115 = tpu.memref_squeeze %dma_start3A_114 : memref<1x128xi32, #tpu.memory_space<vmem>> -> memref<128xi32, #tpu.memory_space<vmem>>
      %dma_start3A_116 = arith.constant 0 : i32
      %dma_start3A_117 = tpu.memref_slice %arg4[%dma_start3A_116] : memref<10240xf32, #tpu.memory_space<vmem_shared>> -> memref<10240xf32, #tpu.memory_space<vmem_shared>>
      tpu.enqueue_indirect_dma source(%arg6 : memref<128xf32, #tpu.memory_space<vmem>>) target(%dma_start3A_117 : memref<10240xf32, #tpu.memory_space<vmem_shared>>) offsets(%dma_start3A_115 : memref<128xi32, #tpu.memory_space<vmem>>) semaphore(%arg10 : memref<!tpu.dma_semaphore, #tpu.memory_space<semaphore_mem>>) {add = true}
      %mul3A_118 = arith.constant 8 : i32
      %mul3A_119 = arith.muli %scan3A_78, %mul3A_118 : i32
      %add3A_120 = arith.constant 3 : i32
      %add3A_121 = arith.addi %mul3A_119, %add3A_120 : i32
      %gt3A_122 = arith.constant 0 : i32
      %gt3A_123 = arith.cmpi sgt, %scan3A_78, %gt3A_122 : i32
      %convert_element_type3A_124 = arith.extui %gt3A_123 : i1 to i32
      %cond3A_125 = arith.constant 0 : i32
      %cond3A_126 = arith.cmpi ne, %convert_element_type3A_124, %cond3A_125 : i32
      scf.if %cond3A_126 {
        %sub3A = arith.constant 8 : i32
        %sub3A_189 = arith.subi %add3A_121, %sub3A : i32
        %dma_wait3A_190 = arith.constant 0 : i32
        %dma_wait3A_191 = tpu.memref_slice %arg5[%sub3A_189, %dma_wait3A_190] : memref<80x128xi32, #tpu.memory_space<vmem>> -> memref<1x128xi32, #tpu.memory_space<vmem>>
        %dma_wait3A_192 = tpu.memref_squeeze %dma_wait3A_191 : memref<1x128xi32, #tpu.memory_space<vmem>> -> memref<128xi32, #tpu.memory_space<vmem>>
        %dma_wait3A_193 = arith.constant 0 : i32
        %dma_wait3A_194 = tpu.memref_slice %arg4[%dma_wait3A_193] : memref<10240xf32, #tpu.memory_space<vmem_shared>> -> memref<10240xf32, #tpu.memory_space<vmem_shared>>
        tpu.wait_indirect_dma semaphore(%arg11 : memref<!tpu.dma_semaphore, #tpu.memory_space<semaphore_mem>>) src(%arg6 : memref<128xf32, #tpu.memory_space<vmem>>) dst(%dma_wait3A_194 : memref<10240xf32, #tpu.memory_space<vmem_shared>>)
      } else {
      }
      %dma_start3A_127 = arith.constant 0 : i32
      %dma_start3A_128 = tpu.memref_slice %arg5[%add3A_121, %dma_start3A_127] : memref<80x128xi32, #tpu.memory_space<vmem>> -> memref<1x128xi32, #tpu.memory_space<vmem>>
      %dma_start3A_129 = tpu.memref_squeeze %dma_start3A_128 : memref<1x128xi32, #tpu.memory_space<vmem>> -> memref<128xi32, #tpu.memory_space<vmem>>
      %dma_start3A_130 = arith.constant 0 : i32
      %dma_start3A_131 = tpu.memref_slice %arg4[%dma_start3A_130] : memref<10240xf32, #tpu.memory_space<vmem_shared>> -> memref<10240xf32, #tpu.memory_space<vmem_shared>>
      tpu.enqueue_indirect_dma source(%arg6 : memref<128xf32, #tpu.memory_space<vmem>>) target(%dma_start3A_131 : memref<10240xf32, #tpu.memory_space<vmem_shared>>) offsets(%dma_start3A_129 : memref<128xi32, #tpu.memory_space<vmem>>) semaphore(%arg11 : memref<!tpu.dma_semaphore, #tpu.memory_space<semaphore_mem>>) {add = true}
      %mul3A_132 = arith.constant 8 : i32
      %mul3A_133 = arith.muli %scan3A_78, %mul3A_132 : i32
      %add3A_134 = arith.constant 4 : i32
      %add3A_135 = arith.addi %mul3A_133, %add3A_134 : i32
      %gt3A_136 = arith.constant 0 : i32
      %gt3A_137 = arith.cmpi sgt, %scan3A_78, %gt3A_136 : i32
      %convert_element_type3A_138 = arith.extui %gt3A_137 : i1 to i32
      %cond3A_139 = arith.constant 0 : i32
      %cond3A_140 = arith.cmpi ne, %convert_element_type3A_138, %cond3A_139 : i32
      scf.if %cond3A_140 {
        %sub3A = arith.constant 8 : i32
        %sub3A_189 = arith.subi %add3A_135, %sub3A : i32
        %dma_wait3A_190 = arith.constant 0 : i32
        %dma_wait3A_191 = tpu.memref_slice %arg5[%sub3A_189, %dma_wait3A_190] : memref<80x128xi32, #tpu.memory_space<vmem>> -> memref<1x128xi32, #tpu.memory_space<vmem>>
        %dma_wait3A_192 = tpu.memref_squeeze %dma_wait3A_191 : memref<1x128xi32, #tpu.memory_space<vmem>> -> memref<128xi32, #tpu.memory_space<vmem>>
        %dma_wait3A_193 = arith.constant 0 : i32
        %dma_wait3A_194 = tpu.memref_slice %arg4[%dma_wait3A_193] : memref<10240xf32, #tpu.memory_space<vmem_shared>> -> memref<10240xf32, #tpu.memory_space<vmem_shared>>
        tpu.wait_indirect_dma semaphore(%arg12 : memref<!tpu.dma_semaphore, #tpu.memory_space<semaphore_mem>>) src(%arg6 : memref<128xf32, #tpu.memory_space<vmem>>) dst(%dma_wait3A_194 : memref<10240xf32, #tpu.memory_space<vmem_shared>>)
      } else {
      }
      %dma_start3A_141 = arith.constant 0 : i32
      %dma_start3A_142 = tpu.memref_slice %arg5[%add3A_135, %dma_start3A_141] : memref<80x128xi32, #tpu.memory_space<vmem>> -> memref<1x128xi32, #tpu.memory_space<vmem>>
      %dma_start3A_143 = tpu.memref_squeeze %dma_start3A_142 : memref<1x128xi32, #tpu.memory_space<vmem>> -> memref<128xi32, #tpu.memory_space<vmem>>
      %dma_start3A_144 = arith.constant 0 : i32
      %dma_start3A_145 = tpu.memref_slice %arg4[%dma_start3A_144] : memref<10240xf32, #tpu.memory_space<vmem_shared>> -> memref<10240xf32, #tpu.memory_space<vmem_shared>>
      tpu.enqueue_indirect_dma source(%arg6 : memref<128xf32, #tpu.memory_space<vmem>>) target(%dma_start3A_145 : memref<10240xf32, #tpu.memory_space<vmem_shared>>) offsets(%dma_start3A_143 : memref<128xi32, #tpu.memory_space<vmem>>) semaphore(%arg12 : memref<!tpu.dma_semaphore, #tpu.memory_space<semaphore_mem>>) {add = true}
      %mul3A_146 = arith.constant 8 : i32
      %mul3A_147 = arith.muli %scan3A_78, %mul3A_146 : i32
      %add3A_148 = arith.constant 5 : i32
      %add3A_149 = arith.addi %mul3A_147, %add3A_148 : i32
      %gt3A_150 = arith.constant 0 : i32
      %gt3A_151 = arith.cmpi sgt, %scan3A_78, %gt3A_150 : i32
      %convert_element_type3A_152 = arith.extui %gt3A_151 : i1 to i32
      %cond3A_153 = arith.constant 0 : i32
      %cond3A_154 = arith.cmpi ne, %convert_element_type3A_152, %cond3A_153 : i32
      scf.if %cond3A_154 {
        %sub3A = arith.constant 8 : i32
        %sub3A_189 = arith.subi %add3A_149, %sub3A : i32
        %dma_wait3A_190 = arith.constant 0 : i32
        %dma_wait3A_191 = tpu.memref_slice %arg5[%sub3A_189, %dma_wait3A_190] : memref<80x128xi32, #tpu.memory_space<vmem>> -> memref<1x128xi32, #tpu.memory_space<vmem>>
        %dma_wait3A_192 = tpu.memref_squeeze %dma_wait3A_191 : memref<1x128xi32, #tpu.memory_space<vmem>> -> memref<128xi32, #tpu.memory_space<vmem>>
        %dma_wait3A_193 = arith.constant 0 : i32
        %dma_wait3A_194 = tpu.memref_slice %arg4[%dma_wait3A_193] : memref<10240xf32, #tpu.memory_space<vmem_shared>> -> memref<10240xf32, #tpu.memory_space<vmem_shared>>
        tpu.wait_indirect_dma semaphore(%arg13 : memref<!tpu.dma_semaphore, #tpu.memory_space<semaphore_mem>>) src(%arg6 : memref<128xf32, #tpu.memory_space<vmem>>) dst(%dma_wait3A_194 : memref<10240xf32, #tpu.memory_space<vmem_shared>>)
      } else {
      }
      %dma_start3A_155 = arith.constant 0 : i32
      %dma_start3A_156 = tpu.memref_slice %arg5[%add3A_149, %dma_start3A_155] : memref<80x128xi32, #tpu.memory_space<vmem>> -> memref<1x128xi32, #tpu.memory_space<vmem>>
      %dma_start3A_157 = tpu.memref_squeeze %dma_start3A_156 : memref<1x128xi32, #tpu.memory_space<vmem>> -> memref<128xi32, #tpu.memory_space<vmem>>
      %dma_start3A_158 = arith.constant 0 : i32
      %dma_start3A_159 = tpu.memref_slice %arg4[%dma_start3A_158] : memref<10240xf32, #tpu.memory_space<vmem_shared>> -> memref<10240xf32, #tpu.memory_space<vmem_shared>>
      tpu.enqueue_indirect_dma source(%arg6 : memref<128xf32, #tpu.memory_space<vmem>>) target(%dma_start3A_159 : memref<10240xf32, #tpu.memory_space<vmem_shared>>) offsets(%dma_start3A_157 : memref<128xi32, #tpu.memory_space<vmem>>) semaphore(%arg13 : memref<!tpu.dma_semaphore, #tpu.memory_space<semaphore_mem>>) {add = true}
      %mul3A_160 = arith.constant 8 : i32
      %mul3A_161 = arith.muli %scan3A_78, %mul3A_160 : i32
      %add3A_162 = arith.constant 6 : i32
      %add3A_163 = arith.addi %mul3A_161, %add3A_162 : i32
      %gt3A_164 = arith.constant 0 : i32
      %gt3A_165 = arith.cmpi sgt, %scan3A_78, %gt3A_164 : i32
      %convert_element_type3A_166 = arith.extui %gt3A_165 : i1 to i32
      %cond3A_167 = arith.constant 0 : i32
      %cond3A_168 = arith.cmpi ne, %convert_element_type3A_166, %cond3A_167 : i32
      scf.if %cond3A_168 {
        %sub3A = arith.constant 8 : i32
        %sub3A_189 = arith.subi %add3A_163, %sub3A : i32
        %dma_wait3A_190 = arith.constant 0 : i32
        %dma_wait3A_191 = tpu.memref_slice %arg5[%sub3A_189, %dma_wait3A_190] : memref<80x128xi32, #tpu.memory_space<vmem>> -> memref<1x128xi32, #tpu.memory_space<vmem>>
        %dma_wait3A_192 = tpu.memref_squeeze %dma_wait3A_191 : memref<1x128xi32, #tpu.memory_space<vmem>> -> memref<128xi32, #tpu.memory_space<vmem>>
        %dma_wait3A_193 = arith.constant 0 : i32
        %dma_wait3A_194 = tpu.memref_slice %arg4[%dma_wait3A_193] : memref<10240xf32, #tpu.memory_space<vmem_shared>> -> memref<10240xf32, #tpu.memory_space<vmem_shared>>
        tpu.wait_indirect_dma semaphore(%arg14 : memref<!tpu.dma_semaphore, #tpu.memory_space<semaphore_mem>>) src(%arg6 : memref<128xf32, #tpu.memory_space<vmem>>) dst(%dma_wait3A_194 : memref<10240xf32, #tpu.memory_space<vmem_shared>>)
      } else {
      }
      %dma_start3A_169 = arith.constant 0 : i32
      %dma_start3A_170 = tpu.memref_slice %arg5[%add3A_163, %dma_start3A_169] : memref<80x128xi32, #tpu.memory_space<vmem>> -> memref<1x128xi32, #tpu.memory_space<vmem>>
      %dma_start3A_171 = tpu.memref_squeeze %dma_start3A_170 : memref<1x128xi32, #tpu.memory_space<vmem>> -> memref<128xi32, #tpu.memory_space<vmem>>
      %dma_start3A_172 = arith.constant 0 : i32
      %dma_start3A_173 = tpu.memref_slice %arg4[%dma_start3A_172] : memref<10240xf32, #tpu.memory_space<vmem_shared>> -> memref<10240xf32, #tpu.memory_space<vmem_shared>>
      tpu.enqueue_indirect_dma source(%arg6 : memref<128xf32, #tpu.memory_space<vmem>>) target(%dma_start3A_173 : memref<10240xf32, #tpu.memory_space<vmem_shared>>) offsets(%dma_start3A_171 : memref<128xi32, #tpu.memory_space<vmem>>) semaphore(%arg14 : memref<!tpu.dma_semaphore, #tpu.memory_space<semaphore_mem>>) {add = true}
      %mul3A_174 = arith.constant 8 : i32
      %mul3A_175 = arith.muli %scan3A_78, %mul3A_174 : i32
      %add3A_176 = arith.constant 7 : i32
      %add3A_177 = arith.addi %mul3A_175, %add3A_176 : i32
      %gt3A_178 = arith.constant 0 : i32
      %gt3A_179 = arith.cmpi sgt, %scan3A_78, %gt3A_178 : i32
      %convert_element_type3A_180 = arith.extui %gt3A_179 : i1 to i32
      %cond3A_181 = arith.constant 0 : i32
      %cond3A_182 = arith.cmpi ne, %convert_element_type3A_180, %cond3A_181 : i32
      scf.if %cond3A_182 {
        %sub3A = arith.constant 8 : i32
        %sub3A_189 = arith.subi %add3A_177, %sub3A : i32
        %dma_wait3A_190 = arith.constant 0 : i32
        %dma_wait3A_191 = tpu.memref_slice %arg5[%sub3A_189, %dma_wait3A_190] : memref<80x128xi32, #tpu.memory_space<vmem>> -> memref<1x128xi32, #tpu.memory_space<vmem>>
        %dma_wait3A_192 = tpu.memref_squeeze %dma_wait3A_191 : memref<1x128xi32, #tpu.memory_space<vmem>> -> memref<128xi32, #tpu.memory_space<vmem>>
        %dma_wait3A_193 = arith.constant 0 : i32
        %dma_wait3A_194 = tpu.memref_slice %arg4[%dma_wait3A_193] : memref<10240xf32, #tpu.memory_space<vmem_shared>> -> memref<10240xf32, #tpu.memory_space<vmem_shared>>
        tpu.wait_indirect_dma semaphore(%arg15 : memref<!tpu.dma_semaphore, #tpu.memory_space<semaphore_mem>>) src(%arg6 : memref<128xf32, #tpu.memory_space<vmem>>) dst(%dma_wait3A_194 : memref<10240xf32, #tpu.memory_space<vmem_shared>>)
      } else {
      }
      %dma_start3A_183 = arith.constant 0 : i32
      %dma_start3A_184 = tpu.memref_slice %arg5[%add3A_177, %dma_start3A_183] : memref<80x128xi32, #tpu.memory_space<vmem>> -> memref<1x128xi32, #tpu.memory_space<vmem>>
      %dma_start3A_185 = tpu.memref_squeeze %dma_start3A_184 : memref<1x128xi32, #tpu.memory_space<vmem>> -> memref<128xi32, #tpu.memory_space<vmem>>
      %dma_start3A_186 = arith.constant 0 : i32
      %dma_start3A_187 = tpu.memref_slice %arg4[%dma_start3A_186] : memref<10240xf32, #tpu.memory_space<vmem_shared>> -> memref<10240xf32, #tpu.memory_space<vmem_shared>>
      tpu.enqueue_indirect_dma source(%arg6 : memref<128xf32, #tpu.memory_space<vmem>>) target(%dma_start3A_187 : memref<10240xf32, #tpu.memory_space<vmem_shared>>) offsets(%dma_start3A_185 : memref<128xi32, #tpu.memory_space<vmem>>) semaphore(%arg15 : memref<!tpu.dma_semaphore, #tpu.memory_space<semaphore_mem>>) {add = true}
      %scan3A_188 = arith.constant 0 : i32
      scf.yield %scan3A_188 : i32
    }
    %scan3A_25 = arith.constant 10 : i32
    %dma_wait3A = arith.constant 72 : i32
    %dma_wait3A_26 = arith.constant 0 : i32
    %dma_wait3A_27 = tpu.memref_slice %arg5[%dma_wait3A, %dma_wait3A_26] : memref<80x128xi32, #tpu.memory_space<vmem>> -> memref<1x128xi32, #tpu.memory_space<vmem>>
    %dma_wait3A_28 = tpu.memref_squeeze %dma_wait3A_27 : memref<1x128xi32, #tpu.memory_space<vmem>> -> memref<128xi32, #tpu.memory_space<vmem>>
    %dma_wait3A_29 = arith.constant 0 : i32
    %dma_wait3A_30 = tpu.memref_slice %arg4[%dma_wait3A_29] : memref<10240xf32, #tpu.memory_space<vmem_shared>> -> memref<10240xf32, #tpu.memory_space<vmem_shared>>
    tpu.wait_indirect_dma semaphore(%arg8 : memref<!tpu.dma_semaphore, #tpu.memory_space<semaphore_mem>>) src(%arg6 : memref<128xf32, #tpu.memory_space<vmem>>) dst(%dma_wait3A_30 : memref<10240xf32, #tpu.memory_space<vmem_shared>>)
    %dma_wait3A_31 = arith.constant 73 : i32
    %dma_wait3A_32 = arith.constant 0 : i32
    %dma_wait3A_33 = tpu.memref_slice %arg5[%dma_wait3A_31, %dma_wait3A_32] : memref<80x128xi32, #tpu.memory_space<vmem>> -> memref<1x128xi32, #tpu.memory_space<vmem>>
    %dma_wait3A_34 = tpu.memref_squeeze %dma_wait3A_33 : memref<1x128xi32, #tpu.memory_space<vmem>> -> memref<128xi32, #tpu.memory_space<vmem>>
    %dma_wait3A_35 = arith.constant 0 : i32
    %dma_wait3A_36 = tpu.memref_slice %arg4[%dma_wait3A_35] : memref<10240xf32, #tpu.memory_space<vmem_shared>> -> memref<10240xf32, #tpu.memory_space<vmem_shared>>
    tpu.wait_indirect_dma semaphore(%arg9 : memref<!tpu.dma_semaphore, #tpu.memory_space<semaphore_mem>>) src(%arg6 : memref<128xf32, #tpu.memory_space<vmem>>) dst(%dma_wait3A_36 : memref<10240xf32, #tpu.memory_space<vmem_shared>>)
    %dma_wait3A_37 = arith.constant 74 : i32
    %dma_wait3A_38 = arith.constant 0 : i32
    %dma_wait3A_39 = tpu.memref_slice %arg5[%dma_wait3A_37, %dma_wait3A_38] : memref<80x128xi32, #tpu.memory_space<vmem>> -> memref<1x128xi32, #tpu.memory_space<vmem>>
    %dma_wait3A_40 = tpu.memref_squeeze %dma_wait3A_39 : memref<1x128xi32, #tpu.memory_space<vmem>> -> memref<128xi32, #tpu.memory_space<vmem>>
    %dma_wait3A_41 = arith.constant 0 : i32
    %dma_wait3A_42 = tpu.memref_slice %arg4[%dma_wait3A_41] : memref<10240xf32, #tpu.memory_space<vmem_shared>> -> memref<10240xf32, #tpu.memory_space<vmem_shared>>
    tpu.wait_indirect_dma semaphore(%arg10 : memref<!tpu.dma_semaphore, #tpu.memory_space<semaphore_mem>>) src(%arg6 : memref<128xf32, #tpu.memory_space<vmem>>) dst(%dma_wait3A_42 : memref<10240xf32, #tpu.memory_space<vmem_shared>>)
    %dma_wait3A_43 = arith.constant 75 : i32
    %dma_wait3A_44 = arith.constant 0 : i32
    %dma_wait3A_45 = tpu.memref_slice %arg5[%dma_wait3A_43, %dma_wait3A_44] : memref<80x128xi32, #tpu.memory_space<vmem>> -> memref<1x128xi32, #tpu.memory_space<vmem>>
    %dma_wait3A_46 = tpu.memref_squeeze %dma_wait3A_45 : memref<1x128xi32, #tpu.memory_space<vmem>> -> memref<128xi32, #tpu.memory_space<vmem>>
    %dma_wait3A_47 = arith.constant 0 : i32
    %dma_wait3A_48 = tpu.memref_slice %arg4[%dma_wait3A_47] : memref<10240xf32, #tpu.memory_space<vmem_shared>> -> memref<10240xf32, #tpu.memory_space<vmem_shared>>
    tpu.wait_indirect_dma semaphore(%arg11 : memref<!tpu.dma_semaphore, #tpu.memory_space<semaphore_mem>>) src(%arg6 : memref<128xf32, #tpu.memory_space<vmem>>) dst(%dma_wait3A_48 : memref<10240xf32, #tpu.memory_space<vmem_shared>>)
    %dma_wait3A_49 = arith.constant 76 : i32
    %dma_wait3A_50 = arith.constant 0 : i32
    %dma_wait3A_51 = tpu.memref_slice %arg5[%dma_wait3A_49, %dma_wait3A_50] : memref<80x128xi32, #tpu.memory_space<vmem>> -> memref<1x128xi32, #tpu.memory_space<vmem>>
    %dma_wait3A_52 = tpu.memref_squeeze %dma_wait3A_51 : memref<1x128xi32, #tpu.memory_space<vmem>> -> memref<128xi32, #tpu.memory_space<vmem>>
    %dma_wait3A_53 = arith.constant 0 : i32
    %dma_wait3A_54 = tpu.memref_slice %arg4[%dma_wait3A_53] : memref<10240xf32, #tpu.memory_space<vmem_shared>> -> memref<10240xf32, #tpu.memory_space<vmem_shared>>
    tpu.wait_indirect_dma semaphore(%arg12 : memref<!tpu.dma_semaphore, #tpu.memory_space<semaphore_mem>>) src(%arg6 : memref<128xf32, #tpu.memory_space<vmem>>) dst(%dma_wait3A_54 : memref<10240xf32, #tpu.memory_space<vmem_shared>>)
    %dma_wait3A_55 = arith.constant 77 : i32
    %dma_wait3A_56 = arith.constant 0 : i32
    %dma_wait3A_57 = tpu.memref_slice %arg5[%dma_wait3A_55, %dma_wait3A_56] : memref<80x128xi32, #tpu.memory_space<vmem>> -> memref<1x128xi32, #tpu.memory_space<vmem>>
    %dma_wait3A_58 = tpu.memref_squeeze %dma_wait3A_57 : memref<1x128xi32, #tpu.memory_space<vmem>> -> memref<128xi32, #tpu.memory_space<vmem>>
    %dma_wait3A_59 = arith.constant 0 : i32
    %dma_wait3A_60 = tpu.memref_slice %arg4[%dma_wait3A_59] : memref<10240xf32, #tpu.memory_space<vmem_shared>> -> memref<10240xf32, #tpu.memory_space<vmem_shared>>
    tpu.wait_indirect_dma semaphore(%arg13 : memref<!tpu.dma_semaphore, #tpu.memory_space<semaphore_mem>>) src(%arg6 : memref<128xf32, #tpu.memory_space<vmem>>) dst(%dma_wait3A_60 : memref<10240xf32, #tpu.memory_space<vmem_shared>>)
    %dma_wait3A_61 = arith.constant 78 : i32
    %dma_wait3A_62 = arith.constant 0 : i32
    %dma_wait3A_63 = tpu.memref_slice %arg5[%dma_wait3A_61, %dma_wait3A_62] : memref<80x128xi32, #tpu.memory_space<vmem>> -> memref<1x128xi32, #tpu.memory_space<vmem>>
    %dma_wait3A_64 = tpu.memref_squeeze %dma_wait3A_63 : memref<1x128xi32, #tpu.memory_space<vmem>> -> memref<128xi32, #tpu.memory_space<vmem>>
    %dma_wait3A_65 = arith.constant 0 : i32
    %dma_wait3A_66 = tpu.memref_slice %arg4[%dma_wait3A_65] : memref<10240xf32, #tpu.memory_space<vmem_shared>> -> memref<10240xf32, #tpu.memory_space<vmem_shared>>
    tpu.wait_indirect_dma semaphore(%arg14 : memref<!tpu.dma_semaphore, #tpu.memory_space<semaphore_mem>>) src(%arg6 : memref<128xf32, #tpu.memory_space<vmem>>) dst(%dma_wait3A_66 : memref<10240xf32, #tpu.memory_space<vmem_shared>>)
    %dma_wait3A_67 = arith.constant 79 : i32
    %dma_wait3A_68 = arith.constant 0 : i32
    %dma_wait3A_69 = tpu.memref_slice %arg5[%dma_wait3A_67, %dma_wait3A_68] : memref<80x128xi32, #tpu.memory_space<vmem>> -> memref<1x128xi32, #tpu.memory_space<vmem>>
    %dma_wait3A_70 = tpu.memref_squeeze %dma_wait3A_69 : memref<1x128xi32, #tpu.memory_space<vmem>> -> memref<128xi32, #tpu.memory_space<vmem>>
    %dma_wait3A_71 = arith.constant 0 : i32
    %dma_wait3A_72 = tpu.memref_slice %arg4[%dma_wait3A_71] : memref<10240xf32, #tpu.memory_space<vmem_shared>> -> memref<10240xf32, #tpu.memory_space<vmem_shared>>
    tpu.wait_indirect_dma semaphore(%arg15 : memref<!tpu.dma_semaphore, #tpu.memory_space<semaphore_mem>>) src(%arg6 : memref<128xf32, #tpu.memory_space<vmem>>) dst(%dma_wait3A_72 : memref<10240xf32, #tpu.memory_space<vmem_shared>>)
    %barrier3A_73 = arith.constant 0 : index
    tpu.barrier barrier_id(%barrier3A_73)
    %mul3A_74 = arith.constant 640 : i32
    %mul3A_75 = arith.muli %arg1, %mul3A_74 : i32
    %mul3A_76 = arith.constant 640 : i32
    %mul3A_77 = arith.muli %arg1, %mul3A_76 : i32
    "tpu.region"() ({
      %run_scoped3A = tpu.sem_alloc : memref<!tpu.dma_semaphore, #tpu.memory_space<semaphore_mem>>
      %dma_start3A = tpu.memref_slice %arg3[%arg0, %mul3A_77] : memref<2x10240xf32, #tpu.memory_space<hbm>> -> memref<1x640xf32, #tpu.memory_space<hbm>>
      %dma_start3A_78 = tpu.memref_squeeze %dma_start3A : memref<1x640xf32, #tpu.memory_space<hbm>> -> memref<640xf32, #tpu.memory_space<hbm>>
      %dma_start3A_79 = tpu.memref_slice %arg4[%mul3A_75] : memref<10240xf32, #tpu.memory_space<vmem_shared>> -> memref<640xf32, #tpu.memory_space<vmem_shared>>
      tpu.enqueue_dma source(%dma_start3A_79 : memref<640xf32, #tpu.memory_space<vmem_shared>>) target(%dma_start3A_78 : memref<640xf32, #tpu.memory_space<hbm>>) target_semaphore(%run_scoped3A : memref<!tpu.dma_semaphore, #tpu.memory_space<semaphore_mem>>)
      %dma_wait3A_80 = tpu.memref_slice %arg3[%arg0, %mul3A_77] : memref<2x10240xf32, #tpu.memory_space<hbm>> -> memref<1x640xf32, #tpu.memory_space<hbm>>
      %dma_wait3A_81 = tpu.memref_squeeze %dma_wait3A_80 : memref<1x640xf32, #tpu.memory_space<hbm>> -> memref<640xf32, #tpu.memory_space<hbm>>
      %dma_wait3A_82 = tpu.memref_slice %arg4[%mul3A_75] : memref<10240xf32, #tpu.memory_space<vmem_shared>> -> memref<640xf32, #tpu.memory_space<vmem_shared>>
      tpu.wait_dma2 semaphore(%run_scoped3A : memref<!tpu.dma_semaphore, #tpu.memory_space<semaphore_mem>>) src(%dma_wait3A_82 : memref<640xf32, #tpu.memory_space<vmem_shared>>) dst(%dma_wait3A_81 : memref<640xf32, #tpu.memory_space<hbm>>)
      tpu.yield
    }) : () -> ()
    return
  }
}

#map = affine_map<(d0, d1) -> (0, 0)>
#map1 = affine_map<(d0, d1) -> (0, 0, 0)>
module attributes {stable_mosaic.version = 14 : i64} {
  func.func @sseg_kernel(%arg0: i32, %arg1: i32, %arg2: memref<1x10240xf32, #tpu.memory_space<hbm>>, %arg3: memref<32x10240xi32, #tpu.memory_space<hbm>>, %arg4: memref<32x80x128xi32, #tpu.memory_space<hbm>>, %arg5: memref<2x10240xf32, #tpu.memory_space<hbm>>, %arg6: memref<10240xf32, #tpu.memory_space<vmem_shared>>, %arg7: memref<10240xf32, #tpu.memory_space<vmem_shared>>, %arg8: memref<10240xi32, #tpu.memory_space<vmem>>, %arg9: memref<80x128xi32, #tpu.memory_space<vmem>>, %arg10: memref<8x128xf32, #tpu.memory_space<vmem>>, %arg11: memref<640xf32, #tpu.memory_space<vmem>>, %arg12: memref<!tpu.dma_semaphore, #tpu.memory_space<semaphore_mem>>, %arg13: memref<!tpu.dma_semaphore, #tpu.memory_space<semaphore_mem>>, %arg14: memref<!tpu.dma_semaphore, #tpu.memory_space<semaphore_mem>>, %arg15: memref<!tpu.dma_semaphore, #tpu.memory_space<semaphore_mem>>, %arg16: memref<!tpu.dma_semaphore, #tpu.memory_space<semaphore_mem>>, %arg17: memref<!tpu.dma_semaphore, #tpu.memory_space<semaphore_mem>>, %arg18: memref<!tpu.dma_semaphore, #tpu.memory_space<semaphore_mem>>, %arg19: memref<!tpu.dma_semaphore, #tpu.memory_space<semaphore_mem>>, %arg20: memref<!tpu.dma_semaphore, #tpu.memory_space<semaphore_mem>>, %arg21: memref<!tpu.dma_semaphore, #tpu.memory_space<semaphore_mem>>, %arg22: memref<!tpu.dma_semaphore, #tpu.memory_space<semaphore_mem>>, %arg23: memref<!tpu.dma_semaphore, #tpu.memory_space<semaphore_mem>>, %arg24: memref<!tpu.dma_semaphore, #tpu.memory_space<semaphore_mem>>, %arg25: memref<!tpu.dma_semaphore, #tpu.memory_space<semaphore_mem>>, %arg26: memref<!tpu.dma_semaphore, #tpu.memory_space<semaphore_mem>>, %arg27: memref<!tpu.dma_semaphore, #tpu.memory_space<semaphore_mem>>) attributes {dimension_semantics = [#tpu.dimension_semantics<core_parallel>, #tpu.dimension_semantics<subcore_parallel>], iteration_bounds = array<i64: 2, 16>, scalar_prefetch = 0 : i64, scratch_operands = 22 : i64, tpu.core_type = #tpu.core_type<sc_vector_subcore>, window_params = [{transform_indices = #map}, {transform_indices = #map}, {transform_indices = #map1}, {transform_indices = #map}]} {
    %broadcast_in_dim3A = arith.constant 0.000000e+00 : f32
    %broadcast_in_dim3A_0 = vector.broadcast %broadcast_in_dim3A : f32 to vector<16xf32>
    %scan3A = arith.constant 0 : i32
    %scan3A_1 = arith.constant 0 : i32
    %scan3A_2 = arith.constant 40 : i32
    %scan3A_3 = arith.addi %scan3A_1, %scan3A_2 : i32
    %scan3A_4 = arith.constant 1 : i32
    %scan3A_5 = scf.for %scan3A_97 = %scan3A_1 to %scan3A_3 step %scan3A_4 iter_args(%scan3A_98 = %scan3A) -> (i32)  : i32 {
      %mul3A_99 = arith.constant 16 : i32
      %mul3A_100 = arith.muli %scan3A_97, %mul3A_99 : i32
      %swap3A = arith.index_cast %mul3A_100 : i32 to index
      %swap3A_101 = tpu.vector_load %arg11[%swap3A] {strides = array<i32>} : memref<640xf32, #tpu.memory_space<vmem>>, vector<16xf32>,
      %swap3A_102 = vector.shape_cast %swap3A_101 : vector<16xf32> to vector<16xf32>
      %swap3A_103 = vector.shape_cast %broadcast_in_dim3A_0 : vector<16xf32> to vector<16xf32>
      tpu.vector_store %arg11[%swap3A], %swap3A_103 {strides = array<i32>} : memref<640xf32, #tpu.memory_space<vmem>>, vector<16xf32>,
      %scan3A_104 = arith.constant 0 : i32
      scf.yield %scan3A_104 : i32
    }
    %scan3A_6 = arith.constant 40 : i32
    %mul3A = arith.constant 640 : i32
    %mul3A_7 = arith.muli %arg1, %mul3A : i32
    "tpu.region"() ({
      %run_scoped3A = tpu.sem_alloc : memref<!tpu.dma_semaphore, #tpu.memory_space<semaphore_mem>>
      %dma_start3A_97 = tpu.memref_slice %arg6[%mul3A_7] : memref<10240xf32, #tpu.memory_space<vmem_shared>> -> memref<640xf32, #tpu.memory_space<vmem_shared>>
      %dma_start3A_98 = tpu.memref_slice %arg6[%mul3A_7] : memref<10240xf32, #tpu.memory_space<vmem_shared>> -> memref<640xf32, #tpu.memory_space<vmem_shared>>
      tpu.enqueue_dma source(%arg11 : memref<640xf32, #tpu.memory_space<vmem>>) target(%dma_start3A_98 : memref<640xf32, #tpu.memory_space<vmem_shared>>) target_semaphore(%run_scoped3A : memref<!tpu.dma_semaphore, #tpu.memory_space<semaphore_mem>>)
      %dma_wait3A_99 = tpu.memref_slice %arg6[%mul3A_7] : memref<10240xf32, #tpu.memory_space<vmem_shared>> -> memref<640xf32, #tpu.memory_space<vmem_shared>>
      %dma_wait3A_100 = tpu.memref_slice %arg6[%mul3A_7] : memref<10240xf32, #tpu.memory_space<vmem_shared>> -> memref<640xf32, #tpu.memory_space<vmem_shared>>
      tpu.wait_dma2 semaphore(%run_scoped3A : memref<!tpu.dma_semaphore, #tpu.memory_space<semaphore_mem>>) src(%arg11 : memref<640xf32, #tpu.memory_space<vmem>>) dst(%dma_wait3A_100 : memref<640xf32, #tpu.memory_space<vmem_shared>>)
      tpu.yield
    }) : () -> ()
    %eq3A = arith.constant 0 : i32
    %eq3A_8 = arith.cmpi eq, %arg1, %eq3A : i32
    %convert_element_type3A = arith.extui %eq3A_8 : i1 to i32
    %cond3A = arith.constant 0 : i32
    %cond3A_9 = arith.cmpi ne, %convert_element_type3A, %cond3A : i32
    scf.if %cond3A_9 {
      %run_scoped3A = arith.constant 0 : i32
      "tpu.region"() ({
        %run_scoped3A_97 = tpu.sem_alloc : memref<!tpu.dma_semaphore, #tpu.memory_space<semaphore_mem>>
        %dma_start3A_98 = arith.constant 0 : i32
        %dma_start3A_99 = tpu.memref_slice %arg2[%run_scoped3A, %dma_start3A_98] : memref<1x10240xf32, #tpu.memory_space<hbm>> -> memref<1x10240xf32, #tpu.memory_space<hbm>>
        %dma_start3A_100 = tpu.memref_squeeze %dma_start3A_99 : memref<1x10240xf32, #tpu.memory_space<hbm>> -> memref<10240xf32, #tpu.memory_space<hbm>>
        tpu.enqueue_dma source(%dma_start3A_100 : memref<10240xf32, #tpu.memory_space<hbm>>) target(%arg7 : memref<10240xf32, #tpu.memory_space<vmem_shared>>) target_semaphore(%run_scoped3A_97 : memref<!tpu.dma_semaphore, #tpu.memory_space<semaphore_mem>>)
        %dma_wait3A_101 = arith.constant 0 : i32
        %dma_wait3A_102 = tpu.memref_slice %arg2[%run_scoped3A, %dma_wait3A_101] : memref<1x10240xf32, #tpu.memory_space<hbm>> -> memref<1x10240xf32, #tpu.memory_space<hbm>>
        %dma_wait3A_103 = tpu.memref_squeeze %dma_wait3A_102 : memref<1x10240xf32, #tpu.memory_space<hbm>> -> memref<10240xf32, #tpu.memory_space<hbm>>
        tpu.wait_dma2 semaphore(%run_scoped3A_97 : memref<!tpu.dma_semaphore, #tpu.memory_space<semaphore_mem>>) src(%dma_wait3A_103 : memref<10240xf32, #tpu.memory_space<hbm>>) dst(%arg7 : memref<10240xf32, #tpu.memory_space<vmem_shared>>)
        tpu.yield
      }) : () -> ()
    } else {
    }
    %mul3A_10 = arith.constant 2 : i32
    %mul3A_11 = arith.muli %arg1, %mul3A_10 : i32
    %add3A = arith.addi %mul3A_11, %arg0 : i32
    "tpu.region"() ({
      %run_scoped3A = tpu.sem_alloc : memref<!tpu.dma_semaphore, #tpu.memory_space<semaphore_mem>>
      %dma_start3A_97 = arith.constant 0 : i32
      %dma_start3A_98 = tpu.memref_slice %arg3[%add3A, %dma_start3A_97] : memref<32x10240xi32, #tpu.memory_space<hbm>> -> memref<1x10240xi32, #tpu.memory_space<hbm>>
      %dma_start3A_99 = tpu.memref_squeeze %dma_start3A_98 : memref<1x10240xi32, #tpu.memory_space<hbm>> -> memref<10240xi32, #tpu.memory_space<hbm>>
      %dma_start3A_100 = arith.constant 0 : i32
      %dma_start3A_101 = tpu.memref_slice %arg3[%add3A, %dma_start3A_100] : memref<32x10240xi32, #tpu.memory_space<hbm>> -> memref<1x10240xi32, #tpu.memory_space<hbm>>
      %dma_start3A_102 = tpu.memref_squeeze %dma_start3A_101 : memref<1x10240xi32, #tpu.memory_space<hbm>> -> memref<10240xi32, #tpu.memory_space<hbm>>
      tpu.enqueue_dma source(%dma_start3A_102 : memref<10240xi32, #tpu.memory_space<hbm>>) target(%arg8 : memref<10240xi32, #tpu.memory_space<vmem>>) target_semaphore(%run_scoped3A : memref<!tpu.dma_semaphore, #tpu.memory_space<semaphore_mem>>)
      %dma_wait3A_103 = arith.constant 0 : i32
      %dma_wait3A_104 = tpu.memref_slice %arg3[%add3A, %dma_wait3A_103] : memref<32x10240xi32, #tpu.memory_space<hbm>> -> memref<1x10240xi32, #tpu.memory_space<hbm>>
      %dma_wait3A_105 = tpu.memref_squeeze %dma_wait3A_104 : memref<1x10240xi32, #tpu.memory_space<hbm>> -> memref<10240xi32, #tpu.memory_space<hbm>>
      %dma_wait3A_106 = arith.constant 0 : i32
      %dma_wait3A_107 = tpu.memref_slice %arg3[%add3A, %dma_wait3A_106] : memref<32x10240xi32, #tpu.memory_space<hbm>> -> memref<1x10240xi32, #tpu.memory_space<hbm>>
      %dma_wait3A_108 = tpu.memref_squeeze %dma_wait3A_107 : memref<1x10240xi32, #tpu.memory_space<hbm>> -> memref<10240xi32, #tpu.memory_space<hbm>>
      tpu.wait_dma2 semaphore(%run_scoped3A : memref<!tpu.dma_semaphore, #tpu.memory_space<semaphore_mem>>) src(%dma_wait3A_108 : memref<10240xi32, #tpu.memory_space<hbm>>) dst(%arg8 : memref<10240xi32, #tpu.memory_space<vmem>>)
      tpu.yield
    }) : () -> ()
    %mul3A_12 = arith.constant 2 : i32
    %mul3A_13 = arith.muli %arg1, %mul3A_12 : i32
    %add3A_14 = arith.addi %mul3A_13, %arg0 : i32
    "tpu.region"() ({
      %run_scoped3A = tpu.sem_alloc : memref<!tpu.dma_semaphore, #tpu.memory_space<semaphore_mem>>
      %dma_start3A_97 = arith.constant 0 : i32
      %dma_start3A_98 = arith.constant 0 : i32
      %dma_start3A_99 = tpu.memref_slice %arg4[%add3A_14, %dma_start3A_97, %dma_start3A_98] : memref<32x80x128xi32, #tpu.memory_space<hbm>> -> memref<1x80x128xi32, #tpu.memory_space<hbm>>
      %dma_start3A_100 = tpu.memref_squeeze %dma_start3A_99 : memref<1x80x128xi32, #tpu.memory_space<hbm>> -> memref<80x128xi32, #tpu.memory_space<hbm>>
      %dma_start3A_101 = arith.constant 0 : i32
      %dma_start3A_102 = arith.constant 0 : i32
      %dma_start3A_103 = tpu.memref_slice %arg4[%add3A_14, %dma_start3A_101, %dma_start3A_102] : memref<32x80x128xi32, #tpu.memory_space<hbm>> -> memref<1x80x128xi32, #tpu.memory_space<hbm>>
      %dma_start3A_104 = tpu.memref_squeeze %dma_start3A_103 : memref<1x80x128xi32, #tpu.memory_space<hbm>> -> memref<80x128xi32, #tpu.memory_space<hbm>>
      tpu.enqueue_dma source(%dma_start3A_104 : memref<80x128xi32, #tpu.memory_space<hbm>>) target(%arg9 : memref<80x128xi32, #tpu.memory_space<vmem>>) target_semaphore(%run_scoped3A : memref<!tpu.dma_semaphore, #tpu.memory_space<semaphore_mem>>)
      %dma_wait3A_105 = arith.constant 0 : i32
      %dma_wait3A_106 = arith.constant 0 : i32
      %dma_wait3A_107 = tpu.memref_slice %arg4[%add3A_14, %dma_wait3A_105, %dma_wait3A_106] : memref<32x80x128xi32, #tpu.memory_space<hbm>> -> memref<1x80x128xi32, #tpu.memory_space<hbm>>
      %dma_wait3A_108 = tpu.memref_squeeze %dma_wait3A_107 : memref<1x80x128xi32, #tpu.memory_space<hbm>> -> memref<80x128xi32, #tpu.memory_space<hbm>>
      %dma_wait3A_109 = arith.constant 0 : i32
      %dma_wait3A_110 = arith.constant 0 : i32
      %dma_wait3A_111 = tpu.memref_slice %arg4[%add3A_14, %dma_wait3A_109, %dma_wait3A_110] : memref<32x80x128xi32, #tpu.memory_space<hbm>> -> memref<1x80x128xi32, #tpu.memory_space<hbm>>
      %dma_wait3A_112 = tpu.memref_squeeze %dma_wait3A_111 : memref<1x80x128xi32, #tpu.memory_space<hbm>> -> memref<80x128xi32, #tpu.memory_space<hbm>>
      tpu.wait_dma2 semaphore(%run_scoped3A : memref<!tpu.dma_semaphore, #tpu.memory_space<semaphore_mem>>) src(%dma_wait3A_112 : memref<80x128xi32, #tpu.memory_space<hbm>>) dst(%arg9 : memref<80x128xi32, #tpu.memory_space<vmem>>)
      tpu.yield
    }) : () -> ()
    %barrier3A = arith.constant 0 : index
    tpu.barrier barrier_id(%barrier3A)
    %dma_start3A = arith.constant 0 : i32
    %dma_start3A_15 = arith.constant 0 : i32
    %dma_start3A_16 = tpu.memref_slice %arg10[%dma_start3A, %dma_start3A_15] : memref<8x128xf32, #tpu.memory_space<vmem>> -> memref<1x128xf32, #tpu.memory_space<vmem>>
    %dma_start3A_17 = tpu.memref_squeeze %dma_start3A_16 : memref<1x128xf32, #tpu.memory_space<vmem>> -> memref<128xf32, #tpu.memory_space<vmem>>
    %dma_start3A_18 = arith.constant 0 : i32
    %dma_start3A_19 = tpu.memref_slice %arg8[%dma_start3A_18] : memref<10240xi32, #tpu.memory_space<vmem>> -> memref<128xi32, #tpu.memory_space<vmem>>
    %dma_start3A_20 = arith.constant 0 : i32
    %dma_start3A_21 = tpu.memref_slice %arg7[%dma_start3A_20] : memref<10240xf32, #tpu.memory_space<vmem_shared>> -> memref<10240xf32, #tpu.memory_space<vmem_shared>>
    tpu.enqueue_indirect_dma source(%dma_start3A_21 : memref<10240xf32, #tpu.memory_space<vmem_shared>>) target(%dma_start3A_17 : memref<128xf32, #tpu.memory_space<vmem>>) offsets(%dma_start3A_19 : memref<128xi32, #tpu.memory_space<vmem>>) semaphore(%arg12 : memref<!tpu.dma_semaphore, #tpu.memory_space<semaphore_mem>>)
    %dma_start3A_22 = arith.constant 1 : i32
    %dma_start3A_23 = arith.constant 0 : i32
    %dma_start3A_24 = tpu.memref_slice %arg10[%dma_start3A_22, %dma_start3A_23] : memref<8x128xf32, #tpu.memory_space<vmem>> -> memref<1x128xf32, #tpu.memory_space<vmem>>
    %dma_start3A_25 = tpu.memref_squeeze %dma_start3A_24 : memref<1x128xf32, #tpu.memory_space<vmem>> -> memref<128xf32, #tpu.memory_space<vmem>>
    %dma_start3A_26 = arith.constant 128 : i32
    %dma_start3A_27 = tpu.memref_slice %arg8[%dma_start3A_26] : memref<10240xi32, #tpu.memory_space<vmem>> -> memref<128xi32, #tpu.memory_space<vmem>>
    %dma_start3A_28 = arith.constant 0 : i32
    %dma_start3A_29 = tpu.memref_slice %arg7[%dma_start3A_28] : memref<10240xf32, #tpu.memory_space<vmem_shared>> -> memref<10240xf32, #tpu.memory_space<vmem_shared>>
    tpu.enqueue_indirect_dma source(%dma_start3A_29 : memref<10240xf32, #tpu.memory_space<vmem_shared>>) target(%dma_start3A_25 : memref<128xf32, #tpu.memory_space<vmem>>) offsets(%dma_start3A_27 : memref<128xi32, #tpu.memory_space<vmem>>) semaphore(%arg13 : memref<!tpu.dma_semaphore, #tpu.memory_space<semaphore_mem>>)
    %dma_start3A_30 = arith.constant 2 : i32
    %dma_start3A_31 = arith.constant 0 : i32
    %dma_start3A_32 = tpu.memref_slice %arg10[%dma_start3A_30, %dma_start3A_31] : memref<8x128xf32, #tpu.memory_space<vmem>> -> memref<1x128xf32, #tpu.memory_space<vmem>>
    %dma_start3A_33 = tpu.memref_squeeze %dma_start3A_32 : memref<1x128xf32, #tpu.memory_space<vmem>> -> memref<128xf32, #tpu.memory_space<vmem>>
    %dma_start3A_34 = arith.constant 256 : i32
    %dma_start3A_35 = tpu.memref_slice %arg8[%dma_start3A_34] : memref<10240xi32, #tpu.memory_space<vmem>> -> memref<128xi32, #tpu.memory_space<vmem>>
    %dma_start3A_36 = arith.constant 0 : i32
    %dma_start3A_37 = tpu.memref_slice %arg7[%dma_start3A_36] : memref<10240xf32, #tpu.memory_space<vmem_shared>> -> memref<10240xf32, #tpu.memory_space<vmem_shared>>
    tpu.enqueue_indirect_dma source(%dma_start3A_37 : memref<10240xf32, #tpu.memory_space<vmem_shared>>) target(%dma_start3A_33 : memref<128xf32, #tpu.memory_space<vmem>>) offsets(%dma_start3A_35 : memref<128xi32, #tpu.memory_space<vmem>>) semaphore(%arg14 : memref<!tpu.dma_semaphore, #tpu.memory_space<semaphore_mem>>)
    %dma_start3A_38 = arith.constant 3 : i32
    %dma_start3A_39 = arith.constant 0 : i32
    %dma_start3A_40 = tpu.memref_slice %arg10[%dma_start3A_38, %dma_start3A_39] : memref<8x128xf32, #tpu.memory_space<vmem>> -> memref<1x128xf32, #tpu.memory_space<vmem>>
    %dma_start3A_41 = tpu.memref_squeeze %dma_start3A_40 : memref<1x128xf32, #tpu.memory_space<vmem>> -> memref<128xf32, #tpu.memory_space<vmem>>
    %dma_start3A_42 = arith.constant 384 : i32
    %dma_start3A_43 = tpu.memref_slice %arg8[%dma_start3A_42] : memref<10240xi32, #tpu.memory_space<vmem>> -> memref<128xi32, #tpu.memory_space<vmem>>
    %dma_start3A_44 = arith.constant 0 : i32
    %dma_start3A_45 = tpu.memref_slice %arg7[%dma_start3A_44] : memref<10240xf32, #tpu.memory_space<vmem_shared>> -> memref<10240xf32, #tpu.memory_space<vmem_shared>>
    tpu.enqueue_indirect_dma source(%dma_start3A_45 : memref<10240xf32, #tpu.memory_space<vmem_shared>>) target(%dma_start3A_41 : memref<128xf32, #tpu.memory_space<vmem>>) offsets(%dma_start3A_43 : memref<128xi32, #tpu.memory_space<vmem>>) semaphore(%arg15 : memref<!tpu.dma_semaphore, #tpu.memory_space<semaphore_mem>>)
    %scan3A_46 = arith.constant 0 : i32
    %scan3A_47 = arith.constant 0 : i32
    %scan3A_48 = arith.constant 10 : i32
    %scan3A_49 = arith.addi %scan3A_47, %scan3A_48 : i32
    %scan3A_50 = arith.constant 1 : i32
    %scan3A_51 = scf.for %scan3A_97 = %scan3A_47 to %scan3A_49 step %scan3A_50 iter_args(%scan3A_98 = %scan3A_46) -> (i32)  : i32 {
      %mul3A_99 = arith.constant 8 : i32
      %mul3A_100 = arith.muli %scan3A_97, %mul3A_99 : i32
      %add3A_101 = arith.constant 0 : i32
      %add3A_102 = arith.addi %mul3A_100, %add3A_101 : i32
      %mul3A_103 = arith.constant 128 : i32
      %mul3A_104 = arith.muli %add3A_102, %mul3A_103 : i32
      %dma_wait3A_105 = arith.constant 0 : i32
      %dma_wait3A_106 = arith.constant 0 : i32
      %dma_wait3A_107 = tpu.memref_slice %arg10[%dma_wait3A_105, %dma_wait3A_106] : memref<8x128xf32, #tpu.memory_space<vmem>> -> memref<1x128xf32, #tpu.memory_space<vmem>>
      %dma_wait3A_108 = tpu.memref_squeeze %dma_wait3A_107 : memref<1x128xf32, #tpu.memory_space<vmem>> -> memref<128xf32, #tpu.memory_space<vmem>>
      %dma_wait3A_109 = tpu.memref_slice %arg8[%mul3A_104] : memref<10240xi32, #tpu.memory_space<vmem>> -> memref<128xi32, #tpu.memory_space<vmem>>
      %dma_wait3A_110 = arith.constant 0 : i32
      %dma_wait3A_111 = tpu.memref_slice %arg7[%dma_wait3A_110] : memref<10240xf32, #tpu.memory_space<vmem_shared>> -> memref<10240xf32, #tpu.memory_space<vmem_shared>>
      tpu.wait_indirect_dma semaphore(%arg12 : memref<!tpu.dma_semaphore, #tpu.memory_space<semaphore_mem>>) src(%dma_wait3A_111 : memref<10240xf32, #tpu.memory_space<vmem_shared>>) dst(%dma_wait3A_108 : memref<128xf32, #tpu.memory_space<vmem>>)
      %dma_start3A_112 = arith.constant 0 : i32
      %dma_start3A_113 = arith.constant 0 : i32
      %dma_start3A_114 = tpu.memref_slice %arg10[%dma_start3A_112, %dma_start3A_113] : memref<8x128xf32, #tpu.memory_space<vmem>> -> memref<1x128xf32, #tpu.memory_space<vmem>>
      %dma_start3A_115 = tpu.memref_squeeze %dma_start3A_114 : memref<1x128xf32, #tpu.memory_space<vmem>> -> memref<128xf32, #tpu.memory_space<vmem>>
      %dma_start3A_116 = arith.constant 0 : i32
      %dma_start3A_117 = tpu.memref_slice %arg9[%add3A_102, %dma_start3A_116] : memref<80x128xi32, #tpu.memory_space<vmem>> -> memref<1x128xi32, #tpu.memory_space<vmem>>
      %dma_start3A_118 = tpu.memref_squeeze %dma_start3A_117 : memref<1x128xi32, #tpu.memory_space<vmem>> -> memref<128xi32, #tpu.memory_space<vmem>>
      %dma_start3A_119 = arith.constant 0 : i32
      %dma_start3A_120 = tpu.memref_slice %arg6[%dma_start3A_119] : memref<10240xf32, #tpu.memory_space<vmem_shared>> -> memref<10240xf32, #tpu.memory_space<vmem_shared>>
      tpu.enqueue_indirect_dma source(%dma_start3A_115 : memref<128xf32, #tpu.memory_space<vmem>>) target(%dma_start3A_120 : memref<10240xf32, #tpu.memory_space<vmem_shared>>) offsets(%dma_start3A_118 : memref<128xi32, #tpu.memory_space<vmem>>) semaphore(%arg20 : memref<!tpu.dma_semaphore, #tpu.memory_space<semaphore_mem>>) {add = true}
      %gt3A = arith.constant 0 : i32
      %gt3A_121 = arith.cmpi sgt, %scan3A_97, %gt3A : i32
      %convert_element_type3A_122 = arith.extui %gt3A_121 : i1 to i32
      %cond3A_123 = arith.constant 0 : i32
      %cond3A_124 = arith.cmpi ne, %convert_element_type3A_122, %cond3A_123 : i32
      scf.if %cond3A_124 {
        %sub3A_401 = arith.constant 4 : i32
        %sub3A_402 = arith.subi %add3A_102, %sub3A_401 : i32
        %dma_wait3A_403 = arith.constant 4 : i32
        %dma_wait3A_404 = arith.constant 0 : i32
        %dma_wait3A_405 = tpu.memref_slice %arg10[%dma_wait3A_403, %dma_wait3A_404] : memref<8x128xf32, #tpu.memory_space<vmem>> -> memref<1x128xf32, #tpu.memory_space<vmem>>
        %dma_wait3A_406 = tpu.memref_squeeze %dma_wait3A_405 : memref<1x128xf32, #tpu.memory_space<vmem>> -> memref<128xf32, #tpu.memory_space<vmem>>
        %dma_wait3A_407 = arith.constant 0 : i32
        %dma_wait3A_408 = tpu.memref_slice %arg9[%sub3A_402, %dma_wait3A_407] : memref<80x128xi32, #tpu.memory_space<vmem>> -> memref<1x128xi32, #tpu.memory_space<vmem>>
        %dma_wait3A_409 = tpu.memref_squeeze %dma_wait3A_408 : memref<1x128xi32, #tpu.memory_space<vmem>> -> memref<128xi32, #tpu.memory_space<vmem>>
        %dma_wait3A_410 = arith.constant 0 : i32
        %dma_wait3A_411 = tpu.memref_slice %arg6[%dma_wait3A_410] : memref<10240xf32, #tpu.memory_space<vmem_shared>> -> memref<10240xf32, #tpu.memory_space<vmem_shared>>
        tpu.wait_indirect_dma semaphore(%arg24 : memref<!tpu.dma_semaphore, #tpu.memory_space<semaphore_mem>>) src(%dma_wait3A_406 : memref<128xf32, #tpu.memory_space<vmem>>) dst(%dma_wait3A_411 : memref<10240xf32, #tpu.memory_space<vmem_shared>>)
      } else {
      }
      %add3A_125 = arith.constant 4 : i32
      %add3A_126 = arith.addi %add3A_102, %add3A_125 : i32
      %mul3A_127 = arith.constant 128 : i32
      %mul3A_128 = arith.muli %add3A_126, %mul3A_127 : i32
      %dma_start3A_129 = arith.constant 4 : i32
      %dma_start3A_130 = arith.constant 0 : i32
      %dma_start3A_131 = tpu.memref_slice %arg10[%dma_start3A_129, %dma_start3A_130] : memref<8x128xf32, #tpu.memory_space<vmem>> -> memref<1x128xf32, #tpu.memory_space<vmem>>
      %dma_start3A_132 = tpu.memref_squeeze %dma_start3A_131 : memref<1x128xf32, #tpu.memory_space<vmem>> -> memref<128xf32, #tpu.memory_space<vmem>>
      %dma_start3A_133 = tpu.memref_slice %arg8[%mul3A_128] : memref<10240xi32, #tpu.memory_space<vmem>> -> memref<128xi32, #tpu.memory_space<vmem>>
      %dma_start3A_134 = arith.constant 0 : i32
      %dma_start3A_135 = tpu.memref_slice %arg7[%dma_start3A_134] : memref<10240xf32, #tpu.memory_space<vmem_shared>> -> memref<10240xf32, #tpu.memory_space<vmem_shared>>
      tpu.enqueue_indirect_dma source(%dma_start3A_135 : memref<10240xf32, #tpu.memory_space<vmem_shared>>) target(%dma_start3A_132 : memref<128xf32, #tpu.memory_space<vmem>>) offsets(%dma_start3A_133 : memref<128xi32, #tpu.memory_space<vmem>>) semaphore(%arg16 : memref<!tpu.dma_semaphore, #tpu.memory_space<semaphore_mem>>)
      %mul3A_136 = arith.constant 8 : i32
      %mul3A_137 = arith.muli %scan3A_97, %mul3A_136 : i32
      %add3A_138 = arith.constant 1 : i32
      %add3A_139 = arith.addi %mul3A_137, %add3A_138 : i32
      %mul3A_140 = arith.constant 128 : i32
      %mul3A_141 = arith.muli %add3A_139, %mul3A_140 : i32
      %dma_wait3A_142 = arith.constant 1 : i32
      %dma_wait3A_143 = arith.constant 0 : i32
      %dma_wait3A_144 = tpu.memref_slice %arg10[%dma_wait3A_142, %dma_wait3A_143] : memref<8x128xf32, #tpu.memory_space<vmem>> -> memref<1x128xf32, #tpu.memory_space<vmem>>
      %dma_wait3A_145 = tpu.memref_squeeze %dma_wait3A_144 : memref<1x128xf32, #tpu.memory_space<vmem>> -> memref<128xf32, #tpu.memory_space<vmem>>
      %dma_wait3A_146 = tpu.memref_slice %arg8[%mul3A_141] : memref<10240xi32, #tpu.memory_space<vmem>> -> memref<128xi32, #tpu.memory_space<vmem>>
      %dma_wait3A_147 = arith.constant 0 : i32
      %dma_wait3A_148 = tpu.memref_slice %arg7[%dma_wait3A_147] : memref<10240xf32, #tpu.memory_space<vmem_shared>> -> memref<10240xf32, #tpu.memory_space<vmem_shared>>
      tpu.wait_indirect_dma semaphore(%arg13 : memref<!tpu.dma_semaphore, #tpu.memory_space<semaphore_mem>>) src(%dma_wait3A_148 : memref<10240xf32, #tpu.memory_space<vmem_shared>>) dst(%dma_wait3A_145 : memref<128xf32, #tpu.memory_space<vmem>>)
      %dma_start3A_149 = arith.constant 1 : i32
      %dma_start3A_150 = arith.constant 0 : i32
      %dma_start3A_151 = tpu.memref_slice %arg10[%dma_start3A_149, %dma_start3A_150] : memref<8x128xf32, #tpu.memory_space<vmem>> -> memref<1x128xf32, #tpu.memory_space<vmem>>
      %dma_start3A_152 = tpu.memref_squeeze %dma_start3A_151 : memref<1x128xf32, #tpu.memory_space<vmem>> -> memref<128xf32, #tpu.memory_space<vmem>>
      %dma_start3A_153 = arith.constant 0 : i32
      %dma_start3A_154 = tpu.memref_slice %arg9[%add3A_139, %dma_start3A_153] : memref<80x128xi32, #tpu.memory_space<vmem>> -> memref<1x128xi32, #tpu.memory_space<vmem>>
      %dma_start3A_155 = tpu.memref_squeeze %dma_start3A_154 : memref<1x128xi32, #tpu.memory_space<vmem>> -> memref<128xi32, #tpu.memory_space<vmem>>
      %dma_start3A_156 = arith.constant 0 : i32
      %dma_start3A_157 = tpu.memref_slice %arg6[%dma_start3A_156] : memref<10240xf32, #tpu.memory_space<vmem_shared>> -> memref<10240xf32, #tpu.memory_space<vmem_shared>>
      tpu.enqueue_indirect_dma source(%dma_start3A_152 : memref<128xf32, #tpu.memory_space<vmem>>) target(%dma_start3A_157 : memref<10240xf32, #tpu.memory_space<vmem_shared>>) offsets(%dma_start3A_155 : memref<128xi32, #tpu.memory_space<vmem>>) semaphore(%arg21 : memref<!tpu.dma_semaphore, #tpu.memory_space<semaphore_mem>>) {add = true}
      %gt3A_158 = arith.constant 0 : i32
      %gt3A_159 = arith.cmpi sgt, %scan3A_97, %gt3A_158 : i32
      %convert_element_type3A_160 = arith.extui %gt3A_159 : i1 to i32
      %cond3A_161 = arith.constant 0 : i32
      %cond3A_162 = arith.cmpi ne, %convert_element_type3A_160, %cond3A_161 : i32
      scf.if %cond3A_162 {
        %sub3A_401 = arith.constant 4 : i32
        %sub3A_402 = arith.subi %add3A_139, %sub3A_401 : i32
        %dma_wait3A_403 = arith.constant 5 : i32
        %dma_wait3A_404 = arith.constant 0 : i32
        %dma_wait3A_405 = tpu.memref_slice %arg10[%dma_wait3A_403, %dma_wait3A_404] : memref<8x128xf32, #tpu.memory_space<vmem>> -> memref<1x128xf32, #tpu.memory_space<vmem>>
        %dma_wait3A_406 = tpu.memref_squeeze %dma_wait3A_405 : memref<1x128xf32, #tpu.memory_space<vmem>> -> memref<128xf32, #tpu.memory_space<vmem>>
        %dma_wait3A_407 = arith.constant 0 : i32
        %dma_wait3A_408 = tpu.memref_slice %arg9[%sub3A_402, %dma_wait3A_407] : memref<80x128xi32, #tpu.memory_space<vmem>> -> memref<1x128xi32, #tpu.memory_space<vmem>>
        %dma_wait3A_409 = tpu.memref_squeeze %dma_wait3A_408 : memref<1x128xi32, #tpu.memory_space<vmem>> -> memref<128xi32, #tpu.memory_space<vmem>>
        %dma_wait3A_410 = arith.constant 0 : i32
        %dma_wait3A_411 = tpu.memref_slice %arg6[%dma_wait3A_410] : memref<10240xf32, #tpu.memory_space<vmem_shared>> -> memref<10240xf32, #tpu.memory_space<vmem_shared>>
        tpu.wait_indirect_dma semaphore(%arg25 : memref<!tpu.dma_semaphore, #tpu.memory_space<semaphore_mem>>) src(%dma_wait3A_406 : memref<128xf32, #tpu.memory_space<vmem>>) dst(%dma_wait3A_411 : memref<10240xf32, #tpu.memory_space<vmem_shared>>)
      } else {
      }
      %add3A_163 = arith.constant 4 : i32
      %add3A_164 = arith.addi %add3A_139, %add3A_163 : i32
      %mul3A_165 = arith.constant 128 : i32
      %mul3A_166 = arith.muli %add3A_164, %mul3A_165 : i32
      %dma_start3A_167 = arith.constant 5 : i32
      %dma_start3A_168 = arith.constant 0 : i32
      %dma_start3A_169 = tpu.memref_slice %arg10[%dma_start3A_167, %dma_start3A_168] : memref<8x128xf32, #tpu.memory_space<vmem>> -> memref<1x128xf32, #tpu.memory_space<vmem>>
      %dma_start3A_170 = tpu.memref_squeeze %dma_start3A_169 : memref<1x128xf32, #tpu.memory_space<vmem>> -> memref<128xf32, #tpu.memory_space<vmem>>
      %dma_start3A_171 = tpu.memref_slice %arg8[%mul3A_166] : memref<10240xi32, #tpu.memory_space<vmem>> -> memref<128xi32, #tpu.memory_space<vmem>>
      %dma_start3A_172 = arith.constant 0 : i32
      %dma_start3A_173 = tpu.memref_slice %arg7[%dma_start3A_172] : memref<10240xf32, #tpu.memory_space<vmem_shared>> -> memref<10240xf32, #tpu.memory_space<vmem_shared>>
      tpu.enqueue_indirect_dma source(%dma_start3A_173 : memref<10240xf32, #tpu.memory_space<vmem_shared>>) target(%dma_start3A_170 : memref<128xf32, #tpu.memory_space<vmem>>) offsets(%dma_start3A_171 : memref<128xi32, #tpu.memory_space<vmem>>) semaphore(%arg17 : memref<!tpu.dma_semaphore, #tpu.memory_space<semaphore_mem>>)
      %mul3A_174 = arith.constant 8 : i32
      %mul3A_175 = arith.muli %scan3A_97, %mul3A_174 : i32
      %add3A_176 = arith.constant 2 : i32
      %add3A_177 = arith.addi %mul3A_175, %add3A_176 : i32
      %mul3A_178 = arith.constant 128 : i32
      %mul3A_179 = arith.muli %add3A_177, %mul3A_178 : i32
      %dma_wait3A_180 = arith.constant 2 : i32
      %dma_wait3A_181 = arith.constant 0 : i32
      %dma_wait3A_182 = tpu.memref_slice %arg10[%dma_wait3A_180, %dma_wait3A_181] : memref<8x128xf32, #tpu.memory_space<vmem>> -> memref<1x128xf32, #tpu.memory_space<vmem>>
      %dma_wait3A_183 = tpu.memref_squeeze %dma_wait3A_182 : memref<1x128xf32, #tpu.memory_space<vmem>> -> memref<128xf32, #tpu.memory_space<vmem>>
      %dma_wait3A_184 = tpu.memref_slice %arg8[%mul3A_179] : memref<10240xi32, #tpu.memory_space<vmem>> -> memref<128xi32, #tpu.memory_space<vmem>>
      %dma_wait3A_185 = arith.constant 0 : i32
      %dma_wait3A_186 = tpu.memref_slice %arg7[%dma_wait3A_185] : memref<10240xf32, #tpu.memory_space<vmem_shared>> -> memref<10240xf32, #tpu.memory_space<vmem_shared>>
      tpu.wait_indirect_dma semaphore(%arg14 : memref<!tpu.dma_semaphore, #tpu.memory_space<semaphore_mem>>) src(%dma_wait3A_186 : memref<10240xf32, #tpu.memory_space<vmem_shared>>) dst(%dma_wait3A_183 : memref<128xf32, #tpu.memory_space<vmem>>)
      %dma_start3A_187 = arith.constant 2 : i32
      %dma_start3A_188 = arith.constant 0 : i32
      %dma_start3A_189 = tpu.memref_slice %arg10[%dma_start3A_187, %dma_start3A_188] : memref<8x128xf32, #tpu.memory_space<vmem>> -> memref<1x128xf32, #tpu.memory_space<vmem>>
      %dma_start3A_190 = tpu.memref_squeeze %dma_start3A_189 : memref<1x128xf32, #tpu.memory_space<vmem>> -> memref<128xf32, #tpu.memory_space<vmem>>
      %dma_start3A_191 = arith.constant 0 : i32
      %dma_start3A_192 = tpu.memref_slice %arg9[%add3A_177, %dma_start3A_191] : memref<80x128xi32, #tpu.memory_space<vmem>> -> memref<1x128xi32, #tpu.memory_space<vmem>>
      %dma_start3A_193 = tpu.memref_squeeze %dma_start3A_192 : memref<1x128xi32, #tpu.memory_space<vmem>> -> memref<128xi32, #tpu.memory_space<vmem>>
      %dma_start3A_194 = arith.constant 0 : i32
      %dma_start3A_195 = tpu.memref_slice %arg6[%dma_start3A_194] : memref<10240xf32, #tpu.memory_space<vmem_shared>> -> memref<10240xf32, #tpu.memory_space<vmem_shared>>
      tpu.enqueue_indirect_dma source(%dma_start3A_190 : memref<128xf32, #tpu.memory_space<vmem>>) target(%dma_start3A_195 : memref<10240xf32, #tpu.memory_space<vmem_shared>>) offsets(%dma_start3A_193 : memref<128xi32, #tpu.memory_space<vmem>>) semaphore(%arg22 : memref<!tpu.dma_semaphore, #tpu.memory_space<semaphore_mem>>) {add = true}
      %gt3A_196 = arith.constant 0 : i32
      %gt3A_197 = arith.cmpi sgt, %scan3A_97, %gt3A_196 : i32
      %convert_element_type3A_198 = arith.extui %gt3A_197 : i1 to i32
      %cond3A_199 = arith.constant 0 : i32
      %cond3A_200 = arith.cmpi ne, %convert_element_type3A_198, %cond3A_199 : i32
      scf.if %cond3A_200 {
        %sub3A_401 = arith.constant 4 : i32
        %sub3A_402 = arith.subi %add3A_177, %sub3A_401 : i32
        %dma_wait3A_403 = arith.constant 6 : i32
        %dma_wait3A_404 = arith.constant 0 : i32
        %dma_wait3A_405 = tpu.memref_slice %arg10[%dma_wait3A_403, %dma_wait3A_404] : memref<8x128xf32, #tpu.memory_space<vmem>> -> memref<1x128xf32, #tpu.memory_space<vmem>>
        %dma_wait3A_406 = tpu.memref_squeeze %dma_wait3A_405 : memref<1x128xf32, #tpu.memory_space<vmem>> -> memref<128xf32, #tpu.memory_space<vmem>>
        %dma_wait3A_407 = arith.constant 0 : i32
        %dma_wait3A_408 = tpu.memref_slice %arg9[%sub3A_402, %dma_wait3A_407] : memref<80x128xi32, #tpu.memory_space<vmem>> -> memref<1x128xi32, #tpu.memory_space<vmem>>
        %dma_wait3A_409 = tpu.memref_squeeze %dma_wait3A_408 : memref<1x128xi32, #tpu.memory_space<vmem>> -> memref<128xi32, #tpu.memory_space<vmem>>
        %dma_wait3A_410 = arith.constant 0 : i32
        %dma_wait3A_411 = tpu.memref_slice %arg6[%dma_wait3A_410] : memref<10240xf32, #tpu.memory_space<vmem_shared>> -> memref<10240xf32, #tpu.memory_space<vmem_shared>>
        tpu.wait_indirect_dma semaphore(%arg26 : memref<!tpu.dma_semaphore, #tpu.memory_space<semaphore_mem>>) src(%dma_wait3A_406 : memref<128xf32, #tpu.memory_space<vmem>>) dst(%dma_wait3A_411 : memref<10240xf32, #tpu.memory_space<vmem_shared>>)
      } else {
      }
      %add3A_201 = arith.constant 4 : i32
      %add3A_202 = arith.addi %add3A_177, %add3A_201 : i32
      %mul3A_203 = arith.constant 128 : i32
      %mul3A_204 = arith.muli %add3A_202, %mul3A_203 : i32
      %dma_start3A_205 = arith.constant 6 : i32
      %dma_start3A_206 = arith.constant 0 : i32
      %dma_start3A_207 = tpu.memref_slice %arg10[%dma_start3A_205, %dma_start3A_206] : memref<8x128xf32, #tpu.memory_space<vmem>> -> memref<1x128xf32, #tpu.memory_space<vmem>>
      %dma_start3A_208 = tpu.memref_squeeze %dma_start3A_207 : memref<1x128xf32, #tpu.memory_space<vmem>> -> memref<128xf32, #tpu.memory_space<vmem>>
      %dma_start3A_209 = tpu.memref_slice %arg8[%mul3A_204] : memref<10240xi32, #tpu.memory_space<vmem>> -> memref<128xi32, #tpu.memory_space<vmem>>
      %dma_start3A_210 = arith.constant 0 : i32
      %dma_start3A_211 = tpu.memref_slice %arg7[%dma_start3A_210] : memref<10240xf32, #tpu.memory_space<vmem_shared>> -> memref<10240xf32, #tpu.memory_space<vmem_shared>>
      tpu.enqueue_indirect_dma source(%dma_start3A_211 : memref<10240xf32, #tpu.memory_space<vmem_shared>>) target(%dma_start3A_208 : memref<128xf32, #tpu.memory_space<vmem>>) offsets(%dma_start3A_209 : memref<128xi32, #tpu.memory_space<vmem>>) semaphore(%arg18 : memref<!tpu.dma_semaphore, #tpu.memory_space<semaphore_mem>>)
      %mul3A_212 = arith.constant 8 : i32
      %mul3A_213 = arith.muli %scan3A_97, %mul3A_212 : i32
      %add3A_214 = arith.constant 3 : i32
      %add3A_215 = arith.addi %mul3A_213, %add3A_214 : i32
      %mul3A_216 = arith.constant 128 : i32
      %mul3A_217 = arith.muli %add3A_215, %mul3A_216 : i32
      %dma_wait3A_218 = arith.constant 3 : i32
      %dma_wait3A_219 = arith.constant 0 : i32
      %dma_wait3A_220 = tpu.memref_slice %arg10[%dma_wait3A_218, %dma_wait3A_219] : memref<8x128xf32, #tpu.memory_space<vmem>> -> memref<1x128xf32, #tpu.memory_space<vmem>>
      %dma_wait3A_221 = tpu.memref_squeeze %dma_wait3A_220 : memref<1x128xf32, #tpu.memory_space<vmem>> -> memref<128xf32, #tpu.memory_space<vmem>>
      %dma_wait3A_222 = tpu.memref_slice %arg8[%mul3A_217] : memref<10240xi32, #tpu.memory_space<vmem>> -> memref<128xi32, #tpu.memory_space<vmem>>
      %dma_wait3A_223 = arith.constant 0 : i32
      %dma_wait3A_224 = tpu.memref_slice %arg7[%dma_wait3A_223] : memref<10240xf32, #tpu.memory_space<vmem_shared>> -> memref<10240xf32, #tpu.memory_space<vmem_shared>>
      tpu.wait_indirect_dma semaphore(%arg15 : memref<!tpu.dma_semaphore, #tpu.memory_space<semaphore_mem>>) src(%dma_wait3A_224 : memref<10240xf32, #tpu.memory_space<vmem_shared>>) dst(%dma_wait3A_221 : memref<128xf32, #tpu.memory_space<vmem>>)
      %dma_start3A_225 = arith.constant 3 : i32
      %dma_start3A_226 = arith.constant 0 : i32
      %dma_start3A_227 = tpu.memref_slice %arg10[%dma_start3A_225, %dma_start3A_226] : memref<8x128xf32, #tpu.memory_space<vmem>> -> memref<1x128xf32, #tpu.memory_space<vmem>>
      %dma_start3A_228 = tpu.memref_squeeze %dma_start3A_227 : memref<1x128xf32, #tpu.memory_space<vmem>> -> memref<128xf32, #tpu.memory_space<vmem>>
      %dma_start3A_229 = arith.constant 0 : i32
      %dma_start3A_230 = tpu.memref_slice %arg9[%add3A_215, %dma_start3A_229] : memref<80x128xi32, #tpu.memory_space<vmem>> -> memref<1x128xi32, #tpu.memory_space<vmem>>
      %dma_start3A_231 = tpu.memref_squeeze %dma_start3A_230 : memref<1x128xi32, #tpu.memory_space<vmem>> -> memref<128xi32, #tpu.memory_space<vmem>>
      %dma_start3A_232 = arith.constant 0 : i32
      %dma_start3A_233 = tpu.memref_slice %arg6[%dma_start3A_232] : memref<10240xf32, #tpu.memory_space<vmem_shared>> -> memref<10240xf32, #tpu.memory_space<vmem_shared>>
      tpu.enqueue_indirect_dma source(%dma_start3A_228 : memref<128xf32, #tpu.memory_space<vmem>>) target(%dma_start3A_233 : memref<10240xf32, #tpu.memory_space<vmem_shared>>) offsets(%dma_start3A_231 : memref<128xi32, #tpu.memory_space<vmem>>) semaphore(%arg23 : memref<!tpu.dma_semaphore, #tpu.memory_space<semaphore_mem>>) {add = true}
      %gt3A_234 = arith.constant 0 : i32
      %gt3A_235 = arith.cmpi sgt, %scan3A_97, %gt3A_234 : i32
      %convert_element_type3A_236 = arith.extui %gt3A_235 : i1 to i32
      %cond3A_237 = arith.constant 0 : i32
      %cond3A_238 = arith.cmpi ne, %convert_element_type3A_236, %cond3A_237 : i32
      scf.if %cond3A_238 {
        %sub3A_401 = arith.constant 4 : i32
        %sub3A_402 = arith.subi %add3A_215, %sub3A_401 : i32
        %dma_wait3A_403 = arith.constant 7 : i32
        %dma_wait3A_404 = arith.constant 0 : i32
        %dma_wait3A_405 = tpu.memref_slice %arg10[%dma_wait3A_403, %dma_wait3A_404] : memref<8x128xf32, #tpu.memory_space<vmem>> -> memref<1x128xf32, #tpu.memory_space<vmem>>
        %dma_wait3A_406 = tpu.memref_squeeze %dma_wait3A_405 : memref<1x128xf32, #tpu.memory_space<vmem>> -> memref<128xf32, #tpu.memory_space<vmem>>
        %dma_wait3A_407 = arith.constant 0 : i32
        %dma_wait3A_408 = tpu.memref_slice %arg9[%sub3A_402, %dma_wait3A_407] : memref<80x128xi32, #tpu.memory_space<vmem>> -> memref<1x128xi32, #tpu.memory_space<vmem>>
        %dma_wait3A_409 = tpu.memref_squeeze %dma_wait3A_408 : memref<1x128xi32, #tpu.memory_space<vmem>> -> memref<128xi32, #tpu.memory_space<vmem>>
        %dma_wait3A_410 = arith.constant 0 : i32
        %dma_wait3A_411 = tpu.memref_slice %arg6[%dma_wait3A_410] : memref<10240xf32, #tpu.memory_space<vmem_shared>> -> memref<10240xf32, #tpu.memory_space<vmem_shared>>
        tpu.wait_indirect_dma semaphore(%arg27 : memref<!tpu.dma_semaphore, #tpu.memory_space<semaphore_mem>>) src(%dma_wait3A_406 : memref<128xf32, #tpu.memory_space<vmem>>) dst(%dma_wait3A_411 : memref<10240xf32, #tpu.memory_space<vmem_shared>>)
      } else {
      }
      %add3A_239 = arith.constant 4 : i32
      %add3A_240 = arith.addi %add3A_215, %add3A_239 : i32
      %mul3A_241 = arith.constant 128 : i32
      %mul3A_242 = arith.muli %add3A_240, %mul3A_241 : i32
      %dma_start3A_243 = arith.constant 7 : i32
      %dma_start3A_244 = arith.constant 0 : i32
      %dma_start3A_245 = tpu.memref_slice %arg10[%dma_start3A_243, %dma_start3A_244] : memref<8x128xf32, #tpu.memory_space<vmem>> -> memref<1x128xf32, #tpu.memory_space<vmem>>
      %dma_start3A_246 = tpu.memref_squeeze %dma_start3A_245 : memref<1x128xf32, #tpu.memory_space<vmem>> -> memref<128xf32, #tpu.memory_space<vmem>>
      %dma_start3A_247 = tpu.memref_slice %arg8[%mul3A_242] : memref<10240xi32, #tpu.memory_space<vmem>> -> memref<128xi32, #tpu.memory_space<vmem>>
      %dma_start3A_248 = arith.constant 0 : i32
      %dma_start3A_249 = tpu.memref_slice %arg7[%dma_start3A_248] : memref<10240xf32, #tpu.memory_space<vmem_shared>> -> memref<10240xf32, #tpu.memory_space<vmem_shared>>
      tpu.enqueue_indirect_dma source(%dma_start3A_249 : memref<10240xf32, #tpu.memory_space<vmem_shared>>) target(%dma_start3A_246 : memref<128xf32, #tpu.memory_space<vmem>>) offsets(%dma_start3A_247 : memref<128xi32, #tpu.memory_space<vmem>>) semaphore(%arg19 : memref<!tpu.dma_semaphore, #tpu.memory_space<semaphore_mem>>)
      %mul3A_250 = arith.constant 8 : i32
      %mul3A_251 = arith.muli %scan3A_97, %mul3A_250 : i32
      %add3A_252 = arith.constant 4 : i32
      %add3A_253 = arith.addi %mul3A_251, %add3A_252 : i32
      %mul3A_254 = arith.constant 128 : i32
      %mul3A_255 = arith.muli %add3A_253, %mul3A_254 : i32
      %dma_wait3A_256 = arith.constant 4 : i32
      %dma_wait3A_257 = arith.constant 0 : i32
      %dma_wait3A_258 = tpu.memref_slice %arg10[%dma_wait3A_256, %dma_wait3A_257] : memref<8x128xf32, #tpu.memory_space<vmem>> -> memref<1x128xf32, #tpu.memory_space<vmem>>
      %dma_wait3A_259 = tpu.memref_squeeze %dma_wait3A_258 : memref<1x128xf32, #tpu.memory_space<vmem>> -> memref<128xf32, #tpu.memory_space<vmem>>
      %dma_wait3A_260 = tpu.memref_slice %arg8[%mul3A_255] : memref<10240xi32, #tpu.memory_space<vmem>> -> memref<128xi32, #tpu.memory_space<vmem>>
      %dma_wait3A_261 = arith.constant 0 : i32
      %dma_wait3A_262 = tpu.memref_slice %arg7[%dma_wait3A_261] : memref<10240xf32, #tpu.memory_space<vmem_shared>> -> memref<10240xf32, #tpu.memory_space<vmem_shared>>
      tpu.wait_indirect_dma semaphore(%arg16 : memref<!tpu.dma_semaphore, #tpu.memory_space<semaphore_mem>>) src(%dma_wait3A_262 : memref<10240xf32, #tpu.memory_space<vmem_shared>>) dst(%dma_wait3A_259 : memref<128xf32, #tpu.memory_space<vmem>>)
      %dma_start3A_263 = arith.constant 4 : i32
      %dma_start3A_264 = arith.constant 0 : i32
      %dma_start3A_265 = tpu.memref_slice %arg10[%dma_start3A_263, %dma_start3A_264] : memref<8x128xf32, #tpu.memory_space<vmem>> -> memref<1x128xf32, #tpu.memory_space<vmem>>
      %dma_start3A_266 = tpu.memref_squeeze %dma_start3A_265 : memref<1x128xf32, #tpu.memory_space<vmem>> -> memref<128xf32, #tpu.memory_space<vmem>>
      %dma_start3A_267 = arith.constant 0 : i32
      %dma_start3A_268 = tpu.memref_slice %arg9[%add3A_253, %dma_start3A_267] : memref<80x128xi32, #tpu.memory_space<vmem>> -> memref<1x128xi32, #tpu.memory_space<vmem>>
      %dma_start3A_269 = tpu.memref_squeeze %dma_start3A_268 : memref<1x128xi32, #tpu.memory_space<vmem>> -> memref<128xi32, #tpu.memory_space<vmem>>
      %dma_start3A_270 = arith.constant 0 : i32
      %dma_start3A_271 = tpu.memref_slice %arg6[%dma_start3A_270] : memref<10240xf32, #tpu.memory_space<vmem_shared>> -> memref<10240xf32, #tpu.memory_space<vmem_shared>>
      tpu.enqueue_indirect_dma source(%dma_start3A_266 : memref<128xf32, #tpu.memory_space<vmem>>) target(%dma_start3A_271 : memref<10240xf32, #tpu.memory_space<vmem_shared>>) offsets(%dma_start3A_269 : memref<128xi32, #tpu.memory_space<vmem>>) semaphore(%arg24 : memref<!tpu.dma_semaphore, #tpu.memory_space<semaphore_mem>>) {add = true}
      %sub3A = arith.constant 4 : i32
      %sub3A_272 = arith.subi %add3A_253, %sub3A : i32
      %dma_wait3A_273 = arith.constant 0 : i32
      %dma_wait3A_274 = arith.constant 0 : i32
      %dma_wait3A_275 = tpu.memref_slice %arg10[%dma_wait3A_273, %dma_wait3A_274] : memref<8x128xf32, #tpu.memory_space<vmem>> -> memref<1x128xf32, #tpu.memory_space<vmem>>
      %dma_wait3A_276 = tpu.memref_squeeze %dma_wait3A_275 : memref<1x128xf32, #tpu.memory_space<vmem>> -> memref<128xf32, #tpu.memory_space<vmem>>
      %dma_wait3A_277 = arith.constant 0 : i32
      %dma_wait3A_278 = tpu.memref_slice %arg9[%sub3A_272, %dma_wait3A_277] : memref<80x128xi32, #tpu.memory_space<vmem>> -> memref<1x128xi32, #tpu.memory_space<vmem>>
      %dma_wait3A_279 = tpu.memref_squeeze %dma_wait3A_278 : memref<1x128xi32, #tpu.memory_space<vmem>> -> memref<128xi32, #tpu.memory_space<vmem>>
      %dma_wait3A_280 = arith.constant 0 : i32
      %dma_wait3A_281 = tpu.memref_slice %arg6[%dma_wait3A_280] : memref<10240xf32, #tpu.memory_space<vmem_shared>> -> memref<10240xf32, #tpu.memory_space<vmem_shared>>
      tpu.wait_indirect_dma semaphore(%arg20 : memref<!tpu.dma_semaphore, #tpu.memory_space<semaphore_mem>>) src(%dma_wait3A_276 : memref<128xf32, #tpu.memory_space<vmem>>) dst(%dma_wait3A_281 : memref<10240xf32, #tpu.memory_space<vmem_shared>>)
      %lt3A = arith.constant 9 : i32
      %lt3A_282 = arith.cmpi slt, %scan3A_97, %lt3A : i32
      %convert_element_type3A_283 = arith.extui %lt3A_282 : i1 to i32
      %cond3A_284 = arith.constant 0 : i32
      %cond3A_285 = arith.cmpi ne, %convert_element_type3A_283, %cond3A_284 : i32
      scf.if %cond3A_285 {
        %add3A_401 = arith.constant 4 : i32
        %add3A_402 = arith.addi %add3A_253, %add3A_401 : i32
        %mul3A_403 = arith.constant 128 : i32
        %mul3A_404 = arith.muli %add3A_402, %mul3A_403 : i32
        %dma_start3A_405 = arith.constant 0 : i32
        %dma_start3A_406 = arith.constant 0 : i32
        %dma_start3A_407 = tpu.memref_slice %arg10[%dma_start3A_405, %dma_start3A_406] : memref<8x128xf32, #tpu.memory_space<vmem>> -> memref<1x128xf32, #tpu.memory_space<vmem>>
        %dma_start3A_408 = tpu.memref_squeeze %dma_start3A_407 : memref<1x128xf32, #tpu.memory_space<vmem>> -> memref<128xf32, #tpu.memory_space<vmem>>
        %dma_start3A_409 = tpu.memref_slice %arg8[%mul3A_404] : memref<10240xi32, #tpu.memory_space<vmem>> -> memref<128xi32, #tpu.memory_space<vmem>>
        %dma_start3A_410 = arith.constant 0 : i32
        %dma_start3A_411 = tpu.memref_slice %arg7[%dma_start3A_410] : memref<10240xf32, #tpu.memory_space<vmem_shared>> -> memref<10240xf32, #tpu.memory_space<vmem_shared>>
        tpu.enqueue_indirect_dma source(%dma_start3A_411 : memref<10240xf32, #tpu.memory_space<vmem_shared>>) target(%dma_start3A_408 : memref<128xf32, #tpu.memory_space<vmem>>) offsets(%dma_start3A_409 : memref<128xi32, #tpu.memory_space<vmem>>) semaphore(%arg12 : memref<!tpu.dma_semaphore, #tpu.memory_space<semaphore_mem>>)
      } else {
      }
      %mul3A_286 = arith.constant 8 : i32
      %mul3A_287 = arith.muli %scan3A_97, %mul3A_286 : i32
      %add3A_288 = arith.constant 5 : i32
      %add3A_289 = arith.addi %mul3A_287, %add3A_288 : i32
      %mul3A_290 = arith.constant 128 : i32
      %mul3A_291 = arith.muli %add3A_289, %mul3A_290 : i32
      %dma_wait3A_292 = arith.constant 5 : i32
      %dma_wait3A_293 = arith.constant 0 : i32
      %dma_wait3A_294 = tpu.memref_slice %arg10[%dma_wait3A_292, %dma_wait3A_293] : memref<8x128xf32, #tpu.memory_space<vmem>> -> memref<1x128xf32, #tpu.memory_space<vmem>>
      %dma_wait3A_295 = tpu.memref_squeeze %dma_wait3A_294 : memref<1x128xf32, #tpu.memory_space<vmem>> -> memref<128xf32, #tpu.memory_space<vmem>>
      %dma_wait3A_296 = tpu.memref_slice %arg8[%mul3A_291] : memref<10240xi32, #tpu.memory_space<vmem>> -> memref<128xi32, #tpu.memory_space<vmem>>
      %dma_wait3A_297 = arith.constant 0 : i32
      %dma_wait3A_298 = tpu.memref_slice %arg7[%dma_wait3A_297] : memref<10240xf32, #tpu.memory_space<vmem_shared>> -> memref<10240xf32, #tpu.memory_space<vmem_shared>>
      tpu.wait_indirect_dma semaphore(%arg17 : memref<!tpu.dma_semaphore, #tpu.memory_space<semaphore_mem>>) src(%dma_wait3A_298 : memref<10240xf32, #tpu.memory_space<vmem_shared>>) dst(%dma_wait3A_295 : memref<128xf32, #tpu.memory_space<vmem>>)
      %dma_start3A_299 = arith.constant 5 : i32
      %dma_start3A_300 = arith.constant 0 : i32
      %dma_start3A_301 = tpu.memref_slice %arg10[%dma_start3A_299, %dma_start3A_300] : memref<8x128xf32, #tpu.memory_space<vmem>> -> memref<1x128xf32, #tpu.memory_space<vmem>>
      %dma_start3A_302 = tpu.memref_squeeze %dma_start3A_301 : memref<1x128xf32, #tpu.memory_space<vmem>> -> memref<128xf32, #tpu.memory_space<vmem>>
      %dma_start3A_303 = arith.constant 0 : i32
      %dma_start3A_304 = tpu.memref_slice %arg9[%add3A_289, %dma_start3A_303] : memref<80x128xi32, #tpu.memory_space<vmem>> -> memref<1x128xi32, #tpu.memory_space<vmem>>
      %dma_start3A_305 = tpu.memref_squeeze %dma_start3A_304 : memref<1x128xi32, #tpu.memory_space<vmem>> -> memref<128xi32, #tpu.memory_space<vmem>>
      %dma_start3A_306 = arith.constant 0 : i32
      %dma_start3A_307 = tpu.memref_slice %arg6[%dma_start3A_306] : memref<10240xf32, #tpu.memory_space<vmem_shared>> -> memref<10240xf32, #tpu.memory_space<vmem_shared>>
      tpu.enqueue_indirect_dma source(%dma_start3A_302 : memref<128xf32, #tpu.memory_space<vmem>>) target(%dma_start3A_307 : memref<10240xf32, #tpu.memory_space<vmem_shared>>) offsets(%dma_start3A_305 : memref<128xi32, #tpu.memory_space<vmem>>) semaphore(%arg25 : memref<!tpu.dma_semaphore, #tpu.memory_space<semaphore_mem>>) {add = true}
      %sub3A_308 = arith.constant 4 : i32
      %sub3A_309 = arith.subi %add3A_289, %sub3A_308 : i32
      %dma_wait3A_310 = arith.constant 1 : i32
      %dma_wait3A_311 = arith.constant 0 : i32
      %dma_wait3A_312 = tpu.memref_slice %arg10[%dma_wait3A_310, %dma_wait3A_311] : memref<8x128xf32, #tpu.memory_space<vmem>> -> memref<1x128xf32, #tpu.memory_space<vmem>>
      %dma_wait3A_313 = tpu.memref_squeeze %dma_wait3A_312 : memref<1x128xf32, #tpu.memory_space<vmem>> -> memref<128xf32, #tpu.memory_space<vmem>>
      %dma_wait3A_314 = arith.constant 0 : i32
      %dma_wait3A_315 = tpu.memref_slice %arg9[%sub3A_309, %dma_wait3A_314] : memref<80x128xi32, #tpu.memory_space<vmem>> -> memref<1x128xi32, #tpu.memory_space<vmem>>
      %dma_wait3A_316 = tpu.memref_squeeze %dma_wait3A_315 : memref<1x128xi32, #tpu.memory_space<vmem>> -> memref<128xi32, #tpu.memory_space<vmem>>
      %dma_wait3A_317 = arith.constant 0 : i32
      %dma_wait3A_318 = tpu.memref_slice %arg6[%dma_wait3A_317] : memref<10240xf32, #tpu.memory_space<vmem_shared>> -> memref<10240xf32, #tpu.memory_space<vmem_shared>>
      tpu.wait_indirect_dma semaphore(%arg21 : memref<!tpu.dma_semaphore, #tpu.memory_space<semaphore_mem>>) src(%dma_wait3A_313 : memref<128xf32, #tpu.memory_space<vmem>>) dst(%dma_wait3A_318 : memref<10240xf32, #tpu.memory_space<vmem_shared>>)
      %lt3A_319 = arith.constant 9 : i32
      %lt3A_320 = arith.cmpi slt, %scan3A_97, %lt3A_319 : i32
      %convert_element_type3A_321 = arith.extui %lt3A_320 : i1 to i32
      %cond3A_322 = arith.constant 0 : i32
      %cond3A_323 = arith.cmpi ne, %convert_element_type3A_321, %cond3A_322 : i32
      scf.if %cond3A_323 {
        %add3A_401 = arith.constant 4 : i32
        %add3A_402 = arith.addi %add3A_289, %add3A_401 : i32
        %mul3A_403 = arith.constant 128 : i32
        %mul3A_404 = arith.muli %add3A_402, %mul3A_403 : i32
        %dma_start3A_405 = arith.constant 1 : i32
        %dma_start3A_406 = arith.constant 0 : i32
        %dma_start3A_407 = tpu.memref_slice %arg10[%dma_start3A_405, %dma_start3A_406] : memref<8x128xf32, #tpu.memory_space<vmem>> -> memref<1x128xf32, #tpu.memory_space<vmem>>
        %dma_start3A_408 = tpu.memref_squeeze %dma_start3A_407 : memref<1x128xf32, #tpu.memory_space<vmem>> -> memref<128xf32, #tpu.memory_space<vmem>>
        %dma_start3A_409 = tpu.memref_slice %arg8[%mul3A_404] : memref<10240xi32, #tpu.memory_space<vmem>> -> memref<128xi32, #tpu.memory_space<vmem>>
        %dma_start3A_410 = arith.constant 0 : i32
        %dma_start3A_411 = tpu.memref_slice %arg7[%dma_start3A_410] : memref<10240xf32, #tpu.memory_space<vmem_shared>> -> memref<10240xf32, #tpu.memory_space<vmem_shared>>
        tpu.enqueue_indirect_dma source(%dma_start3A_411 : memref<10240xf32, #tpu.memory_space<vmem_shared>>) target(%dma_start3A_408 : memref<128xf32, #tpu.memory_space<vmem>>) offsets(%dma_start3A_409 : memref<128xi32, #tpu.memory_space<vmem>>) semaphore(%arg13 : memref<!tpu.dma_semaphore, #tpu.memory_space<semaphore_mem>>)
      } else {
      }
      %mul3A_324 = arith.constant 8 : i32
      %mul3A_325 = arith.muli %scan3A_97, %mul3A_324 : i32
      %add3A_326 = arith.constant 6 : i32
      %add3A_327 = arith.addi %mul3A_325, %add3A_326 : i32
      %mul3A_328 = arith.constant 128 : i32
      %mul3A_329 = arith.muli %add3A_327, %mul3A_328 : i32
      %dma_wait3A_330 = arith.constant 6 : i32
      %dma_wait3A_331 = arith.constant 0 : i32
      %dma_wait3A_332 = tpu.memref_slice %arg10[%dma_wait3A_330, %dma_wait3A_331] : memref<8x128xf32, #tpu.memory_space<vmem>> -> memref<1x128xf32, #tpu.memory_space<vmem>>
      %dma_wait3A_333 = tpu.memref_squeeze %dma_wait3A_332 : memref<1x128xf32, #tpu.memory_space<vmem>> -> memref<128xf32, #tpu.memory_space<vmem>>
      %dma_wait3A_334 = tpu.memref_slice %arg8[%mul3A_329] : memref<10240xi32, #tpu.memory_space<vmem>> -> memref<128xi32, #tpu.memory_space<vmem>>
      %dma_wait3A_335 = arith.constant 0 : i32
      %dma_wait3A_336 = tpu.memref_slice %arg7[%dma_wait3A_335] : memref<10240xf32, #tpu.memory_space<vmem_shared>> -> memref<10240xf32, #tpu.memory_space<vmem_shared>>
      tpu.wait_indirect_dma semaphore(%arg18 : memref<!tpu.dma_semaphore, #tpu.memory_space<semaphore_mem>>) src(%dma_wait3A_336 : memref<10240xf32, #tpu.memory_space<vmem_shared>>) dst(%dma_wait3A_333 : memref<128xf32, #tpu.memory_space<vmem>>)
      %dma_start3A_337 = arith.constant 6 : i32
      %dma_start3A_338 = arith.constant 0 : i32
      %dma_start3A_339 = tpu.memref_slice %arg10[%dma_start3A_337, %dma_start3A_338] : memref<8x128xf32, #tpu.memory_space<vmem>> -> memref<1x128xf32, #tpu.memory_space<vmem>>
      %dma_start3A_340 = tpu.memref_squeeze %dma_start3A_339 : memref<1x128xf32, #tpu.memory_space<vmem>> -> memref<128xf32, #tpu.memory_space<vmem>>
      %dma_start3A_341 = arith.constant 0 : i32
      %dma_start3A_342 = tpu.memref_slice %arg9[%add3A_327, %dma_start3A_341] : memref<80x128xi32, #tpu.memory_space<vmem>> -> memref<1x128xi32, #tpu.memory_space<vmem>>
      %dma_start3A_343 = tpu.memref_squeeze %dma_start3A_342 : memref<1x128xi32, #tpu.memory_space<vmem>> -> memref<128xi32, #tpu.memory_space<vmem>>
      %dma_start3A_344 = arith.constant 0 : i32
      %dma_start3A_345 = tpu.memref_slice %arg6[%dma_start3A_344] : memref<10240xf32, #tpu.memory_space<vmem_shared>> -> memref<10240xf32, #tpu.memory_space<vmem_shared>>
      tpu.enqueue_indirect_dma source(%dma_start3A_340 : memref<128xf32, #tpu.memory_space<vmem>>) target(%dma_start3A_345 : memref<10240xf32, #tpu.memory_space<vmem_shared>>) offsets(%dma_start3A_343 : memref<128xi32, #tpu.memory_space<vmem>>) semaphore(%arg26 : memref<!tpu.dma_semaphore, #tpu.memory_space<semaphore_mem>>) {add = true}
      %sub3A_346 = arith.constant 4 : i32
      %sub3A_347 = arith.subi %add3A_327, %sub3A_346 : i32
      %dma_wait3A_348 = arith.constant 2 : i32
      %dma_wait3A_349 = arith.constant 0 : i32
      %dma_wait3A_350 = tpu.memref_slice %arg10[%dma_wait3A_348, %dma_wait3A_349] : memref<8x128xf32, #tpu.memory_space<vmem>> -> memref<1x128xf32, #tpu.memory_space<vmem>>
      %dma_wait3A_351 = tpu.memref_squeeze %dma_wait3A_350 : memref<1x128xf32, #tpu.memory_space<vmem>> -> memref<128xf32, #tpu.memory_space<vmem>>
      %dma_wait3A_352 = arith.constant 0 : i32
      %dma_wait3A_353 = tpu.memref_slice %arg9[%sub3A_347, %dma_wait3A_352] : memref<80x128xi32, #tpu.memory_space<vmem>> -> memref<1x128xi32, #tpu.memory_space<vmem>>
      %dma_wait3A_354 = tpu.memref_squeeze %dma_wait3A_353 : memref<1x128xi32, #tpu.memory_space<vmem>> -> memref<128xi32, #tpu.memory_space<vmem>>
      %dma_wait3A_355 = arith.constant 0 : i32
      %dma_wait3A_356 = tpu.memref_slice %arg6[%dma_wait3A_355] : memref<10240xf32, #tpu.memory_space<vmem_shared>> -> memref<10240xf32, #tpu.memory_space<vmem_shared>>
      tpu.wait_indirect_dma semaphore(%arg22 : memref<!tpu.dma_semaphore, #tpu.memory_space<semaphore_mem>>) src(%dma_wait3A_351 : memref<128xf32, #tpu.memory_space<vmem>>) dst(%dma_wait3A_356 : memref<10240xf32, #tpu.memory_space<vmem_shared>>)
      %lt3A_357 = arith.constant 9 : i32
      %lt3A_358 = arith.cmpi slt, %scan3A_97, %lt3A_357 : i32
      %convert_element_type3A_359 = arith.extui %lt3A_358 : i1 to i32
      %cond3A_360 = arith.constant 0 : i32
      %cond3A_361 = arith.cmpi ne, %convert_element_type3A_359, %cond3A_360 : i32
      scf.if %cond3A_361 {
        %add3A_401 = arith.constant 4 : i32
        %add3A_402 = arith.addi %add3A_327, %add3A_401 : i32
        %mul3A_403 = arith.constant 128 : i32
        %mul3A_404 = arith.muli %add3A_402, %mul3A_403 : i32
        %dma_start3A_405 = arith.constant 2 : i32
        %dma_start3A_406 = arith.constant 0 : i32
        %dma_start3A_407 = tpu.memref_slice %arg10[%dma_start3A_405, %dma_start3A_406] : memref<8x128xf32, #tpu.memory_space<vmem>> -> memref<1x128xf32, #tpu.memory_space<vmem>>
        %dma_start3A_408 = tpu.memref_squeeze %dma_start3A_407 : memref<1x128xf32, #tpu.memory_space<vmem>> -> memref<128xf32, #tpu.memory_space<vmem>>
        %dma_start3A_409 = tpu.memref_slice %arg8[%mul3A_404] : memref<10240xi32, #tpu.memory_space<vmem>> -> memref<128xi32, #tpu.memory_space<vmem>>
        %dma_start3A_410 = arith.constant 0 : i32
        %dma_start3A_411 = tpu.memref_slice %arg7[%dma_start3A_410] : memref<10240xf32, #tpu.memory_space<vmem_shared>> -> memref<10240xf32, #tpu.memory_space<vmem_shared>>
        tpu.enqueue_indirect_dma source(%dma_start3A_411 : memref<10240xf32, #tpu.memory_space<vmem_shared>>) target(%dma_start3A_408 : memref<128xf32, #tpu.memory_space<vmem>>) offsets(%dma_start3A_409 : memref<128xi32, #tpu.memory_space<vmem>>) semaphore(%arg14 : memref<!tpu.dma_semaphore, #tpu.memory_space<semaphore_mem>>)
      } else {
      }
      %mul3A_362 = arith.constant 8 : i32
      %mul3A_363 = arith.muli %scan3A_97, %mul3A_362 : i32
      %add3A_364 = arith.constant 7 : i32
      %add3A_365 = arith.addi %mul3A_363, %add3A_364 : i32
      %mul3A_366 = arith.constant 128 : i32
      %mul3A_367 = arith.muli %add3A_365, %mul3A_366 : i32
      %dma_wait3A_368 = arith.constant 7 : i32
      %dma_wait3A_369 = arith.constant 0 : i32
      %dma_wait3A_370 = tpu.memref_slice %arg10[%dma_wait3A_368, %dma_wait3A_369] : memref<8x128xf32, #tpu.memory_space<vmem>> -> memref<1x128xf32, #tpu.memory_space<vmem>>
      %dma_wait3A_371 = tpu.memref_squeeze %dma_wait3A_370 : memref<1x128xf32, #tpu.memory_space<vmem>> -> memref<128xf32, #tpu.memory_space<vmem>>
      %dma_wait3A_372 = tpu.memref_slice %arg8[%mul3A_367] : memref<10240xi32, #tpu.memory_space<vmem>> -> memref<128xi32, #tpu.memory_space<vmem>>
      %dma_wait3A_373 = arith.constant 0 : i32
      %dma_wait3A_374 = tpu.memref_slice %arg7[%dma_wait3A_373] : memref<10240xf32, #tpu.memory_space<vmem_shared>> -> memref<10240xf32, #tpu.memory_space<vmem_shared>>
      tpu.wait_indirect_dma semaphore(%arg19 : memref<!tpu.dma_semaphore, #tpu.memory_space<semaphore_mem>>) src(%dma_wait3A_374 : memref<10240xf32, #tpu.memory_space<vmem_shared>>) dst(%dma_wait3A_371 : memref<128xf32, #tpu.memory_space<vmem>>)
      %dma_start3A_375 = arith.constant 7 : i32
      %dma_start3A_376 = arith.constant 0 : i32
      %dma_start3A_377 = tpu.memref_slice %arg10[%dma_start3A_375, %dma_start3A_376] : memref<8x128xf32, #tpu.memory_space<vmem>> -> memref<1x128xf32, #tpu.memory_space<vmem>>
      %dma_start3A_378 = tpu.memref_squeeze %dma_start3A_377 : memref<1x128xf32, #tpu.memory_space<vmem>> -> memref<128xf32, #tpu.memory_space<vmem>>
      %dma_start3A_379 = arith.constant 0 : i32
      %dma_start3A_380 = tpu.memref_slice %arg9[%add3A_365, %dma_start3A_379] : memref<80x128xi32, #tpu.memory_space<vmem>> -> memref<1x128xi32, #tpu.memory_space<vmem>>
      %dma_start3A_381 = tpu.memref_squeeze %dma_start3A_380 : memref<1x128xi32, #tpu.memory_space<vmem>> -> memref<128xi32, #tpu.memory_space<vmem>>
      %dma_start3A_382 = arith.constant 0 : i32
      %dma_start3A_383 = tpu.memref_slice %arg6[%dma_start3A_382] : memref<10240xf32, #tpu.memory_space<vmem_shared>> -> memref<10240xf32, #tpu.memory_space<vmem_shared>>
      tpu.enqueue_indirect_dma source(%dma_start3A_378 : memref<128xf32, #tpu.memory_space<vmem>>) target(%dma_start3A_383 : memref<10240xf32, #tpu.memory_space<vmem_shared>>) offsets(%dma_start3A_381 : memref<128xi32, #tpu.memory_space<vmem>>) semaphore(%arg27 : memref<!tpu.dma_semaphore, #tpu.memory_space<semaphore_mem>>) {add = true}
      %sub3A_384 = arith.constant 4 : i32
      %sub3A_385 = arith.subi %add3A_365, %sub3A_384 : i32
      %dma_wait3A_386 = arith.constant 3 : i32
      %dma_wait3A_387 = arith.constant 0 : i32
      %dma_wait3A_388 = tpu.memref_slice %arg10[%dma_wait3A_386, %dma_wait3A_387] : memref<8x128xf32, #tpu.memory_space<vmem>> -> memref<1x128xf32, #tpu.memory_space<vmem>>
      %dma_wait3A_389 = tpu.memref_squeeze %dma_wait3A_388 : memref<1x128xf32, #tpu.memory_space<vmem>> -> memref<128xf32, #tpu.memory_space<vmem>>
      %dma_wait3A_390 = arith.constant 0 : i32
      %dma_wait3A_391 = tpu.memref_slice %arg9[%sub3A_385, %dma_wait3A_390] : memref<80x128xi32, #tpu.memory_space<vmem>> -> memref<1x128xi32, #tpu.memory_space<vmem>>
      %dma_wait3A_392 = tpu.memref_squeeze %dma_wait3A_391 : memref<1x128xi32, #tpu.memory_space<vmem>> -> memref<128xi32, #tpu.memory_space<vmem>>
      %dma_wait3A_393 = arith.constant 0 : i32
      %dma_wait3A_394 = tpu.memref_slice %arg6[%dma_wait3A_393] : memref<10240xf32, #tpu.memory_space<vmem_shared>> -> memref<10240xf32, #tpu.memory_space<vmem_shared>>
      tpu.wait_indirect_dma semaphore(%arg23 : memref<!tpu.dma_semaphore, #tpu.memory_space<semaphore_mem>>) src(%dma_wait3A_389 : memref<128xf32, #tpu.memory_space<vmem>>) dst(%dma_wait3A_394 : memref<10240xf32, #tpu.memory_space<vmem_shared>>)
      %lt3A_395 = arith.constant 9 : i32
      %lt3A_396 = arith.cmpi slt, %scan3A_97, %lt3A_395 : i32
      %convert_element_type3A_397 = arith.extui %lt3A_396 : i1 to i32
      %cond3A_398 = arith.constant 0 : i32
      %cond3A_399 = arith.cmpi ne, %convert_element_type3A_397, %cond3A_398 : i32
      scf.if %cond3A_399 {
        %add3A_401 = arith.constant 4 : i32
        %add3A_402 = arith.addi %add3A_365, %add3A_401 : i32
        %mul3A_403 = arith.constant 128 : i32
        %mul3A_404 = arith.muli %add3A_402, %mul3A_403 : i32
        %dma_start3A_405 = arith.constant 3 : i32
        %dma_start3A_406 = arith.constant 0 : i32
        %dma_start3A_407 = tpu.memref_slice %arg10[%dma_start3A_405, %dma_start3A_406] : memref<8x128xf32, #tpu.memory_space<vmem>> -> memref<1x128xf32, #tpu.memory_space<vmem>>
        %dma_start3A_408 = tpu.memref_squeeze %dma_start3A_407 : memref<1x128xf32, #tpu.memory_space<vmem>> -> memref<128xf32, #tpu.memory_space<vmem>>
        %dma_start3A_409 = tpu.memref_slice %arg8[%mul3A_404] : memref<10240xi32, #tpu.memory_space<vmem>> -> memref<128xi32, #tpu.memory_space<vmem>>
        %dma_start3A_410 = arith.constant 0 : i32
        %dma_start3A_411 = tpu.memref_slice %arg7[%dma_start3A_410] : memref<10240xf32, #tpu.memory_space<vmem_shared>> -> memref<10240xf32, #tpu.memory_space<vmem_shared>>
        tpu.enqueue_indirect_dma source(%dma_start3A_411 : memref<10240xf32, #tpu.memory_space<vmem_shared>>) target(%dma_start3A_408 : memref<128xf32, #tpu.memory_space<vmem>>) offsets(%dma_start3A_409 : memref<128xi32, #tpu.memory_space<vmem>>) semaphore(%arg15 : memref<!tpu.dma_semaphore, #tpu.memory_space<semaphore_mem>>)
      } else {
      }
      %scan3A_400 = arith.constant 0 : i32
      scf.yield %scan3A_400 : i32
    }
    %scan3A_52 = arith.constant 10 : i32
    %dma_wait3A = arith.constant 4 : i32
    %dma_wait3A_53 = arith.constant 76 : i32
    %dma_wait3A_54 = arith.constant 0 : i32
    %dma_wait3A_55 = tpu.memref_slice %arg10[%dma_wait3A, %dma_wait3A_54] : memref<8x128xf32, #tpu.memory_space<vmem>> -> memref<1x128xf32, #tpu.memory_space<vmem>>
    %dma_wait3A_56 = tpu.memref_squeeze %dma_wait3A_55 : memref<1x128xf32, #tpu.memory_space<vmem>> -> memref<128xf32, #tpu.memory_space<vmem>>
    %dma_wait3A_57 = arith.constant 0 : i32
    %dma_wait3A_58 = tpu.memref_slice %arg9[%dma_wait3A_53, %dma_wait3A_57] : memref<80x128xi32, #tpu.memory_space<vmem>> -> memref<1x128xi32, #tpu.memory_space<vmem>>
    %dma_wait3A_59 = tpu.memref_squeeze %dma_wait3A_58 : memref<1x128xi32, #tpu.memory_space<vmem>> -> memref<128xi32, #tpu.memory_space<vmem>>
    %dma_wait3A_60 = arith.constant 0 : i32
    %dma_wait3A_61 = tpu.memref_slice %arg6[%dma_wait3A_60] : memref<10240xf32, #tpu.memory_space<vmem_shared>> -> memref<10240xf32, #tpu.memory_space<vmem_shared>>
    tpu.wait_indirect_dma semaphore(%arg24 : memref<!tpu.dma_semaphore, #tpu.memory_space<semaphore_mem>>) src(%dma_wait3A_56 : memref<128xf32, #tpu.memory_space<vmem>>) dst(%dma_wait3A_61 : memref<10240xf32, #tpu.memory_space<vmem_shared>>)
    %dma_wait3A_62 = arith.constant 5 : i32
    %dma_wait3A_63 = arith.constant 77 : i32
    %dma_wait3A_64 = arith.constant 0 : i32
    %dma_wait3A_65 = tpu.memref_slice %arg10[%dma_wait3A_62, %dma_wait3A_64] : memref<8x128xf32, #tpu.memory_space<vmem>> -> memref<1x128xf32, #tpu.memory_space<vmem>>
    %dma_wait3A_66 = tpu.memref_squeeze %dma_wait3A_65 : memref<1x128xf32, #tpu.memory_space<vmem>> -> memref<128xf32, #tpu.memory_space<vmem>>
    %dma_wait3A_67 = arith.constant 0 : i32
    %dma_wait3A_68 = tpu.memref_slice %arg9[%dma_wait3A_63, %dma_wait3A_67] : memref<80x128xi32, #tpu.memory_space<vmem>> -> memref<1x128xi32, #tpu.memory_space<vmem>>
    %dma_wait3A_69 = tpu.memref_squeeze %dma_wait3A_68 : memref<1x128xi32, #tpu.memory_space<vmem>> -> memref<128xi32, #tpu.memory_space<vmem>>
    %dma_wait3A_70 = arith.constant 0 : i32
    %dma_wait3A_71 = tpu.memref_slice %arg6[%dma_wait3A_70] : memref<10240xf32, #tpu.memory_space<vmem_shared>> -> memref<10240xf32, #tpu.memory_space<vmem_shared>>
    tpu.wait_indirect_dma semaphore(%arg25 : memref<!tpu.dma_semaphore, #tpu.memory_space<semaphore_mem>>) src(%dma_wait3A_66 : memref<128xf32, #tpu.memory_space<vmem>>) dst(%dma_wait3A_71 : memref<10240xf32, #tpu.memory_space<vmem_shared>>)
    %dma_wait3A_72 = arith.constant 6 : i32
    %dma_wait3A_73 = arith.constant 78 : i32
    %dma_wait3A_74 = arith.constant 0 : i32
    %dma_wait3A_75 = tpu.memref_slice %arg10[%dma_wait3A_72, %dma_wait3A_74] : memref<8x128xf32, #tpu.memory_space<vmem>> -> memref<1x128xf32, #tpu.memory_space<vmem>>
    %dma_wait3A_76 = tpu.memref_squeeze %dma_wait3A_75 : memref<1x128xf32, #tpu.memory_space<vmem>> -> memref<128xf32, #tpu.memory_space<vmem>>
    %dma_wait3A_77 = arith.constant 0 : i32
    %dma_wait3A_78 = tpu.memref_slice %arg9[%dma_wait3A_73, %dma_wait3A_77] : memref<80x128xi32, #tpu.memory_space<vmem>> -> memref<1x128xi32, #tpu.memory_space<vmem>>
    %dma_wait3A_79 = tpu.memref_squeeze %dma_wait3A_78 : memref<1x128xi32, #tpu.memory_space<vmem>> -> memref<128xi32, #tpu.memory_space<vmem>>
    %dma_wait3A_80 = arith.constant 0 : i32
    %dma_wait3A_81 = tpu.memref_slice %arg6[%dma_wait3A_80] : memref<10240xf32, #tpu.memory_space<vmem_shared>> -> memref<10240xf32, #tpu.memory_space<vmem_shared>>
    tpu.wait_indirect_dma semaphore(%arg26 : memref<!tpu.dma_semaphore, #tpu.memory_space<semaphore_mem>>) src(%dma_wait3A_76 : memref<128xf32, #tpu.memory_space<vmem>>) dst(%dma_wait3A_81 : memref<10240xf32, #tpu.memory_space<vmem_shared>>)
    %dma_wait3A_82 = arith.constant 7 : i32
    %dma_wait3A_83 = arith.constant 79 : i32
    %dma_wait3A_84 = arith.constant 0 : i32
    %dma_wait3A_85 = tpu.memref_slice %arg10[%dma_wait3A_82, %dma_wait3A_84] : memref<8x128xf32, #tpu.memory_space<vmem>> -> memref<1x128xf32, #tpu.memory_space<vmem>>
    %dma_wait3A_86 = tpu.memref_squeeze %dma_wait3A_85 : memref<1x128xf32, #tpu.memory_space<vmem>> -> memref<128xf32, #tpu.memory_space<vmem>>
    %dma_wait3A_87 = arith.constant 0 : i32
    %dma_wait3A_88 = tpu.memref_slice %arg9[%dma_wait3A_83, %dma_wait3A_87] : memref<80x128xi32, #tpu.memory_space<vmem>> -> memref<1x128xi32, #tpu.memory_space<vmem>>
    %dma_wait3A_89 = tpu.memref_squeeze %dma_wait3A_88 : memref<1x128xi32, #tpu.memory_space<vmem>> -> memref<128xi32, #tpu.memory_space<vmem>>
    %dma_wait3A_90 = arith.constant 0 : i32
    %dma_wait3A_91 = tpu.memref_slice %arg6[%dma_wait3A_90] : memref<10240xf32, #tpu.memory_space<vmem_shared>> -> memref<10240xf32, #tpu.memory_space<vmem_shared>>
    tpu.wait_indirect_dma semaphore(%arg27 : memref<!tpu.dma_semaphore, #tpu.memory_space<semaphore_mem>>) src(%dma_wait3A_86 : memref<128xf32, #tpu.memory_space<vmem>>) dst(%dma_wait3A_91 : memref<10240xf32, #tpu.memory_space<vmem_shared>>)
    %barrier3A_92 = arith.constant 0 : index
    tpu.barrier barrier_id(%barrier3A_92)
    %mul3A_93 = arith.constant 640 : i32
    %mul3A_94 = arith.muli %arg1, %mul3A_93 : i32
    %mul3A_95 = arith.constant 640 : i32
    %mul3A_96 = arith.muli %arg1, %mul3A_95 : i32
    "tpu.region"() ({
      %run_scoped3A = tpu.sem_alloc : memref<!tpu.dma_semaphore, #tpu.memory_space<semaphore_mem>>
      %dma_start3A_97 = tpu.memref_slice %arg5[%arg0, %mul3A_96] : memref<2x10240xf32, #tpu.memory_space<hbm>> -> memref<1x640xf32, #tpu.memory_space<hbm>>
      %dma_start3A_98 = tpu.memref_squeeze %dma_start3A_97 : memref<1x640xf32, #tpu.memory_space<hbm>> -> memref<640xf32, #tpu.memory_space<hbm>>
      %dma_start3A_99 = tpu.memref_slice %arg6[%mul3A_94] : memref<10240xf32, #tpu.memory_space<vmem_shared>> -> memref<640xf32, #tpu.memory_space<vmem_shared>>
      tpu.enqueue_dma source(%dma_start3A_99 : memref<640xf32, #tpu.memory_space<vmem_shared>>) target(%dma_start3A_98 : memref<640xf32, #tpu.memory_space<hbm>>) target_semaphore(%run_scoped3A : memref<!tpu.dma_semaphore, #tpu.memory_space<semaphore_mem>>)
      %dma_wait3A_100 = tpu.memref_slice %arg5[%arg0, %mul3A_96] : memref<2x10240xf32, #tpu.memory_space<hbm>> -> memref<1x640xf32, #tpu.memory_space<hbm>>
      %dma_wait3A_101 = tpu.memref_squeeze %dma_wait3A_100 : memref<1x640xf32, #tpu.memory_space<hbm>> -> memref<640xf32, #tpu.memory_space<hbm>>
      %dma_wait3A_102 = tpu.memref_slice %arg6[%mul3A_94] : memref<10240xf32, #tpu.memory_space<vmem_shared>> -> memref<640xf32, #tpu.memory_space<vmem_shared>>
      tpu.wait_dma2 semaphore(%run_scoped3A : memref<!tpu.dma_semaphore, #tpu.memory_space<semaphore_mem>>) src(%dma_wait3A_102 : memref<640xf32, #tpu.memory_space<vmem_shared>>) dst(%dma_wait3A_101 : memref<640xf32, #tpu.memory_space<hbm>>)
      tpu.yield
    }) : () -> ()
    return
  }
}

module attributes {stable_mosaic.version = 14 : i64} {
  func.func @_tc1_body(%arg0: i32, %arg1: memref<2x10240xf32, #tpu.memory_space<vmem>>, %arg2: memref<2048x128xf32, #tpu.memory_space<vmem>>, %arg3: memref<128x128xf32, #tpu.memory_space<vmem>>, %arg4: memref<2048x128xf32, #tpu.memory_space<vmem>>) attributes {dimension_semantics = [#tpu.dimension_semantics<arbitrary>], iteration_bounds = array<i64: 5>, scalar_prefetch = 0 : i64, scratch_operands = 0 : i64, tpu.core_type = #tpu.core_type<tc>, window_params = [{pipeline_mode = #tpu.pipeline_mode<synchronous>, transform_indices = @transform_0, window_bounds = array<i64: 2, 10240>}, {transform_indices = @transform_1, window_bounds = array<i64: 2048, 128>}, {pipeline_mode = #tpu.pipeline_mode<synchronous>, transform_indices = @transform_2, window_bounds = array<i64: 128, 128>}, {transform_indices = @transform_3, window_bounds = array<i64: 2048, 128>}]} {
    %mul3A = arith.constant 2048 : i32
    %mul3A_0 = arith.muli %arg0, %mul3A : i32
    %get3A = arith.constant 0 : index
    %get3A_1 = arith.index_cast %mul3A_0 : i32 to index
    %get3A_2 = vector.load %arg1[%get3A, %get3A_1] : memref<2x10240xf32, #tpu.memory_space<vmem>>, vector<2x2048xf32>
    %slice3A = vector.extract_strided_slice %get3A_2 {offsets = [0, 0], sizes = [1, 2048], strides = [1, 1]} : vector<2x2048xf32> to vector<1x2048xf32>
    %squeeze3A = vector.shape_cast %slice3A : vector<1x2048xf32> to vector<2048xf32>
    %slice3A_3 = vector.extract_strided_slice %get3A_2 {offsets = [1, 0], sizes = [1, 2048], strides = [1, 1]} : vector<2x2048xf32> to vector<1x2048xf32>
    %squeeze3A_4 = vector.shape_cast %slice3A_3 : vector<1x2048xf32> to vector<2048xf32>
    %add3A = arith.addf %squeeze3A, %squeeze3A_4 : vector<2048xf32>
    %add3A_5 = arith.constant 1.000000e+00 : f32
    %add3A_6 = vector.broadcast %add3A_5 : f32 to vector<2048xf32>
    %add3A_7 = arith.addf %add3A, %add3A_6 : vector<2048xf32>
    %rsqrt3A = math.rsqrt %add3A_7 : vector<2048xf32>
    %get3A_8 = arith.constant 0 : index
    %get3A_9 = arith.constant 0 : index
    %get3A_10 = vector.load %arg2[%get3A_8, %get3A_9] : memref<2048x128xf32, #tpu.memory_space<vmem>>, vector<2048x128xf32>
    %get3A_11 = arith.constant 0 : index
    %get3A_12 = arith.constant 0 : index
    %get3A_13 = vector.load %arg3[%get3A_11, %get3A_12] : memref<128x128xf32, #tpu.memory_space<vmem>>, vector<128x128xf32>
    %dot_general3A = arith.constant dense<0.000000e+00> : vector<2048x128xf32>
    %dot_general3A_14 = tpu.matmul %get3A_10, %get3A_13, %dot_general3A {dimension_numbers = #tpu.dot_dimension_numbers<[1], [0], [0], [1], [0, 0, 1, 1], [], []>, transpose_lhs_hint = false} : vector<2048x128xf32>, vector<128x128xf32>, vector<2048x128xf32> -> vector<2048x128xf32>
    %broadcast_in_dim3A = vector.shape_cast %rsqrt3A : vector<2048xf32> to vector<2048x1xf32>
    %mul3A_15 = vector.broadcast %broadcast_in_dim3A : vector<2048x1xf32> to vector<2048x128xf32>
    %mul3A_16 = arith.mulf %dot_general3A_14, %mul3A_15 : vector<2048x128xf32>
    %swap3A = arith.constant 0 : index
    %swap3A_17 = arith.constant 0 : index
    %swap3A_18 = vector.load %arg4[%swap3A, %swap3A_17] : memref<2048x128xf32, #tpu.memory_space<vmem>>, vector<2048x128xf32>
    tpu.vector_store %arg4[%swap3A, %swap3A_17], %mul3A_16 {strides = array<i32>} : memref<2048x128xf32, #tpu.memory_space<vmem>>, vector<2048x128xf32>,
    return
  }
  func.func @transform_0(%arg0: i32) -> (i32, i32) {
    %c0_i32 = arith.constant 0 : i32
    %c0_i32_0 = arith.constant 0 : i32
    %c0_i32_1 = arith.constant 0 : i32
    return %c0_i32, %c0_i32_0 : i32, i32
  }
  func.func @transform_1(%arg0: i32) -> (i32, i32) {
    %c0_i32 = arith.constant 0 : i32
    %c0_i32_0 = arith.constant 0 : i32
    return %arg0, %c0_i32 : i32, i32
  }
  func.func @transform_2(%arg0: i32) -> (i32, i32) {
    %c0_i32 = arith.constant 0 : i32
    %c0_i32_0 = arith.constant 0 : i32
    %c0_i32_1 = arith.constant 0 : i32
    return %c0_i32, %c0_i32_0 : i32, i32
  }
  func.func @transform_3(%arg0: i32) -> (i32, i32) {
    %c0_i32 = arith.constant 0 : i32
    %c0_i32_0 = arith.constant 0 : i32
    return %arg0, %c0_i32 : i32, i32
  }
}

module attributes {stable_mosaic.version = 14 : i64} {
  func.func @_tc2_body(%arg0: i32, %arg1: memref<2x10240xf32, #tpu.memory_space<vmem>>, %arg2: memref<2x2048x128xf32, #tpu.memory_space<vmem>>, %arg3: memref<2048x128xf32, #tpu.memory_space<vmem>>, %arg4: memref<128xf32, #tpu.memory_space<vmem>>, %arg5: memref<128x1xf32, #tpu.memory_space<vmem>>, %arg6: memref<2048x1xf32, #tpu.memory_space<vmem>>) attributes {dimension_semantics = [#tpu.dimension_semantics<arbitrary>], iteration_bounds = array<i64: 5>, scalar_prefetch = 0 : i64, scratch_operands = 0 : i64, tpu.core_type = #tpu.core_type<tc>, window_params = [{pipeline_mode = #tpu.pipeline_mode<synchronous>, transform_indices = @transform_0, window_bounds = array<i64: 2, 10240>}, {transform_indices = @transform_1, window_bounds = array<i64: 2, 2048, 128>}, {transform_indices = @transform_2, window_bounds = array<i64: 2048, 128>}, {pipeline_mode = #tpu.pipeline_mode<synchronous>, transform_indices = @transform_3, window_bounds = array<i64: 128>}, {pipeline_mode = #tpu.pipeline_mode<synchronous>, transform_indices = @transform_4, window_bounds = array<i64: 128, 1>}, {transform_indices = @transform_5, window_bounds = array<i64: 2048, 1>}]} {
    %mul3A = arith.constant 2048 : i32
    %mul3A_0 = arith.muli %arg0, %mul3A : i32
    %get3A = arith.constant 0 : index
    %get3A_1 = arith.index_cast %mul3A_0 : i32 to index
    %get3A_2 = vector.load %arg1[%get3A, %get3A_1] : memref<2x10240xf32, #tpu.memory_space<vmem>>, vector<2x2048xf32>
    %slice3A = vector.extract_strided_slice %get3A_2 {offsets = [0, 0], sizes = [1, 2048], strides = [1, 1]} : vector<2x2048xf32> to vector<1x2048xf32>
    %squeeze3A = vector.shape_cast %slice3A : vector<1x2048xf32> to vector<2048xf32>
    %slice3A_3 = vector.extract_strided_slice %get3A_2 {offsets = [1, 0], sizes = [1, 2048], strides = [1, 1]} : vector<2x2048xf32> to vector<1x2048xf32>
    %squeeze3A_4 = vector.shape_cast %slice3A_3 : vector<1x2048xf32> to vector<2048xf32>
    %add3A = arith.addf %squeeze3A, %squeeze3A_4 : vector<2048xf32>
    %add3A_5 = arith.constant 1.000000e+00 : f32
    %add3A_6 = vector.broadcast %add3A_5 : f32 to vector<2048xf32>
    %add3A_7 = arith.addf %add3A, %add3A_6 : vector<2048xf32>
    %rsqrt3A = math.rsqrt %add3A_7 : vector<2048xf32>
    %get3A_8 = arith.constant 0 : index
    %get3A_9 = arith.constant 0 : index
    %get3A_10 = arith.constant 0 : index
    %get3A_11 = vector.load %arg2[%get3A_8, %get3A_9, %get3A_10] : memref<2x2048x128xf32, #tpu.memory_space<vmem>>, vector<1x2048x128xf32>
    %get3A_12 = vector.shape_cast %get3A_11 : vector<1x2048x128xf32> to vector<2048x128xf32>
    %get3A_13 = arith.constant 1 : index
    %get3A_14 = arith.constant 0 : index
    %get3A_15 = arith.constant 0 : index
    %get3A_16 = vector.load %arg2[%get3A_13, %get3A_14, %get3A_15] : memref<2x2048x128xf32, #tpu.memory_space<vmem>>, vector<1x2048x128xf32>
    %get3A_17 = vector.shape_cast %get3A_16 : vector<1x2048x128xf32> to vector<2048x128xf32>
    %add3A_18 = arith.addf %get3A_12, %get3A_17 : vector<2048x128xf32>
    %get3A_19 = arith.constant 0 : index
    %get3A_20 = arith.constant 0 : index
    %get3A_21 = vector.load %arg3[%get3A_19, %get3A_20] : memref<2048x128xf32, #tpu.memory_space<vmem>>, vector<2048x128xf32>
    %add3A_22 = arith.addf %add3A_18, %get3A_21 : vector<2048x128xf32>
    %broadcast_in_dim3A = vector.shape_cast %rsqrt3A : vector<2048xf32> to vector<2048x1xf32>
    %mul3A_23 = vector.broadcast %broadcast_in_dim3A : vector<2048x1xf32> to vector<2048x128xf32>
    %mul3A_24 = arith.mulf %add3A_22, %mul3A_23 : vector<2048x128xf32>
    %get3A_25 = arith.constant 0 : index
    %get3A_26 = vector.load %arg4[%get3A_25] : memref<128xf32, #tpu.memory_space<vmem>>, vector<128xf32>
    %broadcast_in_dim3A_27 = vector.shape_cast %get3A_26 : vector<128xf32> to vector<1x128xf32>
    %add3A_28 = vector.broadcast %broadcast_in_dim3A_27 : vector<1x128xf32> to vector<2048x128xf32>
    %add3A_29 = arith.addf %mul3A_24, %add3A_28 : vector<2048x128xf32>
    %max3A = arith.constant 0.000000e+00 : f32
    %max3A_30 = vector.broadcast %max3A : f32 to vector<2048x128xf32>
    %max3A_31 = arith.maximumf %add3A_29, %max3A_30 : vector<2048x128xf32>
    %get3A_32 = arith.constant 0 : index
    %get3A_33 = arith.constant 0 : index
    %get3A_34 = vector.load %arg5[%get3A_32, %get3A_33] : memref<128x1xf32, #tpu.memory_space<vmem>>, vector<128x1xf32>
    %dot_general3A = arith.constant dense<0.000000e+00> : vector<2048x1xf32>
    %dot_general3A_35 = tpu.matmul %max3A_31, %get3A_34, %dot_general3A {dimension_numbers = #tpu.dot_dimension_numbers<[1], [0], [0], [1], [0, 0, 1, 1], [], []>, transpose_lhs_hint = false} : vector<2048x128xf32>, vector<128x1xf32>, vector<2048x1xf32> -> vector<2048x1xf32>
    %broadcast_in_dim3A_36 = vector.shape_cast %rsqrt3A : vector<2048xf32> to vector<2048x1xf32>
    %mul3A_37 = arith.mulf %dot_general3A_35, %broadcast_in_dim3A_36 : vector<2048x1xf32>
    %swap3A = arith.constant 0 : index
    %swap3A_38 = arith.constant 0 : index
    %swap3A_39 = vector.load %arg6[%swap3A, %swap3A_38] : memref<2048x1xf32, #tpu.memory_space<vmem>>, vector<2048x1xf32>
    tpu.vector_store %arg6[%swap3A, %swap3A_38], %mul3A_37 {strides = array<i32>} : memref<2048x1xf32, #tpu.memory_space<vmem>>, vector<2048x1xf32>,
    return
  }
  func.func @transform_0(%arg0: i32) -> (i32, i32) {
    %c0_i32 = arith.constant 0 : i32
    %c0_i32_0 = arith.constant 0 : i32
    %c0_i32_1 = arith.constant 0 : i32
    return %c0_i32, %c0_i32_0 : i32, i32
  }
  func.func @transform_1(%arg0: i32) -> (i32, i32, i32) {
    %c0_i32 = arith.constant 0 : i32
    %c0_i32_0 = arith.constant 0 : i32
    %c0_i32_1 = arith.constant 0 : i32
    return %c0_i32, %arg0, %c0_i32_0 : i32, i32, i32
  }
  func.func @transform_2(%arg0: i32) -> (i32, i32) {
    %c0_i32 = arith.constant 0 : i32
    %c0_i32_0 = arith.constant 0 : i32
    return %arg0, %c0_i32 : i32, i32
  }
  func.func @transform_3(%arg0: i32) -> i32 {
    %c0_i32 = arith.constant 0 : i32
    %c0_i32_0 = arith.constant 0 : i32
    return %c0_i32 : i32
  }
  func.func @transform_4(%arg0: i32) -> (i32, i32) {
    %c0_i32 = arith.constant 0 : i32
    %c0_i32_0 = arith.constant 0 : i32
    %c0_i32_1 = arith.constant 0 : i32
    return %c0_i32, %c0_i32_0 : i32, i32
  }
  func.func @transform_5(%arg0: i32) -> (i32, i32) {
    %c0_i32 = arith.constant 0 : i32
    %c0_i32_0 = arith.constant 0 : i32
    return %arg0, %c0_i32 : i32, i32
  }
}

module attributes {stable_mosaic.version = 14 : i64} {
  func.func @_tc3_body(%arg0: i32, %arg1: memref<2x10240xf32, #tpu.memory_space<vmem>>, %arg2: memref<2x10240xf32, #tpu.memory_space<vmem>>, %arg3: memref<2048x1xf32, #tpu.memory_space<vmem>>, %arg4: memref<1xf32, #tpu.memory_space<vmem>>, %arg5: memref<2048x1xf32, #tpu.memory_space<vmem>>) attributes {dimension_semantics = [#tpu.dimension_semantics<arbitrary>], iteration_bounds = array<i64: 5>, scalar_prefetch = 0 : i64, scratch_operands = 0 : i64, tpu.core_type = #tpu.core_type<tc>, window_params = [{pipeline_mode = #tpu.pipeline_mode<synchronous>, transform_indices = @transform_0, window_bounds = array<i64: 2, 10240>}, {pipeline_mode = #tpu.pipeline_mode<synchronous>, transform_indices = @transform_1, window_bounds = array<i64: 2, 10240>}, {transform_indices = @transform_2, window_bounds = array<i64: 2048, 1>}, {pipeline_mode = #tpu.pipeline_mode<synchronous>, transform_indices = @transform_3, window_bounds = array<i64: 1>}, {transform_indices = @transform_4, window_bounds = array<i64: 2048, 1>}]} {
    %mul3A = arith.constant 2048 : i32
    %mul3A_0 = arith.muli %arg0, %mul3A : i32
    %get3A = arith.constant 0 : index
    %get3A_1 = arith.index_cast %mul3A_0 : i32 to index
    %get3A_2 = vector.load %arg1[%get3A, %get3A_1] : memref<2x10240xf32, #tpu.memory_space<vmem>>, vector<2x2048xf32>
    %slice3A = vector.extract_strided_slice %get3A_2 {offsets = [0, 0], sizes = [1, 2048], strides = [1, 1]} : vector<2x2048xf32> to vector<1x2048xf32>
    %squeeze3A = vector.shape_cast %slice3A : vector<1x2048xf32> to vector<2048xf32>
    %slice3A_3 = vector.extract_strided_slice %get3A_2 {offsets = [1, 0], sizes = [1, 2048], strides = [1, 1]} : vector<2x2048xf32> to vector<1x2048xf32>
    %squeeze3A_4 = vector.shape_cast %slice3A_3 : vector<1x2048xf32> to vector<2048xf32>
    %add3A = arith.addf %squeeze3A, %squeeze3A_4 : vector<2048xf32>
    %add3A_5 = arith.constant 1.000000e+00 : f32
    %add3A_6 = vector.broadcast %add3A_5 : f32 to vector<2048xf32>
    %add3A_7 = arith.addf %add3A, %add3A_6 : vector<2048xf32>
    %rsqrt3A = math.rsqrt %add3A_7 : vector<2048xf32>
    %mul3A_8 = arith.constant 2048 : i32
    %mul3A_9 = arith.muli %arg0, %mul3A_8 : i32
    %get3A_10 = arith.constant 0 : index
    %get3A_11 = arith.index_cast %mul3A_9 : i32 to index
    %get3A_12 = vector.load %arg2[%get3A_10, %get3A_11] : memref<2x10240xf32, #tpu.memory_space<vmem>>, vector<2x2048xf32>
    %slice3A_13 = vector.extract_strided_slice %get3A_12 {offsets = [0, 0], sizes = [1, 2048], strides = [1, 1]} : vector<2x2048xf32> to vector<1x2048xf32>
    %squeeze3A_14 = vector.shape_cast %slice3A_13 : vector<1x2048xf32> to vector<2048xf32>
    %slice3A_15 = vector.extract_strided_slice %get3A_12 {offsets = [1, 0], sizes = [1, 2048], strides = [1, 1]} : vector<2x2048xf32> to vector<1x2048xf32>
    %squeeze3A_16 = vector.shape_cast %slice3A_15 : vector<1x2048xf32> to vector<2048xf32>
    %add3A_17 = arith.addf %squeeze3A_14, %squeeze3A_16 : vector<2048xf32>
    %get3A_18 = arith.constant 0 : index
    %get3A_19 = arith.constant 0 : index
    %get3A_20 = vector.load %arg3[%get3A_18, %get3A_19] : memref<2048x1xf32, #tpu.memory_space<vmem>>, vector<2048x1xf32>
    %squeeze3A_21 = vector.shape_cast %get3A_20 : vector<2048x1xf32> to vector<2048xf32>
    %add3A_22 = arith.addf %add3A_17, %squeeze3A_21 : vector<2048xf32>
    %mul3A_23 = arith.mulf %add3A_22, %rsqrt3A : vector<2048xf32>
    %get3A_24 = arith.constant 0 : index
    %get3A_25 = vector.load %arg4[%get3A_24] : memref<1xf32, #tpu.memory_space<vmem>>, vector<1xf32>
    %get3A_26 = vector.extract %get3A_25[0] : f32 from vector<1xf32>
    %add3A_27 = vector.broadcast %get3A_26 : f32 to vector<2048xf32>
    %add3A_28 = arith.addf %mul3A_23, %add3A_27 : vector<2048xf32>
    %broadcast_in_dim3A = vector.shape_cast %add3A_28 : vector<2048xf32> to vector<2048x1xf32>
    %swap3A = arith.constant 0 : index
    %swap3A_29 = arith.constant 0 : index
    %swap3A_30 = vector.load %arg5[%swap3A, %swap3A_29] : memref<2048x1xf32, #tpu.memory_space<vmem>>, vector<2048x1xf32>
    tpu.vector_store %arg5[%swap3A, %swap3A_29], %broadcast_in_dim3A {strides = array<i32>} : memref<2048x1xf32, #tpu.memory_space<vmem>>, vector<2048x1xf32>,
    return
  }
  func.func @transform_0(%arg0: i32) -> (i32, i32) {
    %c0_i32 = arith.constant 0 : i32
    %c0_i32_0 = arith.constant 0 : i32
    %c0_i32_1 = arith.constant 0 : i32
    return %c0_i32, %c0_i32_0 : i32, i32
  }
  func.func @transform_1(%arg0: i32) -> (i32, i32) {
    %c0_i32 = arith.constant 0 : i32
    %c0_i32_0 = arith.constant 0 : i32
    %c0_i32_1 = arith.constant 0 : i32
    return %c0_i32, %c0_i32_0 : i32, i32
  }
  func.func @transform_2(%arg0: i32) -> (i32, i32) {
    %c0_i32 = arith.constant 0 : i32
    %c0_i32_0 = arith.constant 0 : i32
    return %arg0, %c0_i32 : i32, i32
  }
  func.func @transform_3(%arg0: i32) -> i32 {
    %c0_i32 = arith.constant 0 : i32
    %c0_i32_0 = arith.constant 0 : i32
    return %c0_i32 : i32
  }
  func.func @transform_4(%arg0: i32) -> (i32, i32) {
    %c0_i32 = arith.constant 0 : i32
    %c0_i32_0 = arith.constant 0 : i32
    return %arg0, %c0_i32 : i32, i32
  }
}

</mosaic_0001>

<sc_bundles>
// kernel: kernel.11.cloned.1.call-start
scs
__scs_entry_jumppad:
0x0: {  	(pc) =	sbr.rel $0x88, $3  }
0x1: {  	(tag) =	ssettag $0x0;
	lr =	simm.s32 $0x1  }
0x2: {  	[smem:$0x3F9B] =	sst lr;
	_ =	strace $0xD0000000  }
0x3: {  	_ = 	snop  }
0x4: {  	_ = 	snop  }
0x5: {  	_ = 	snop  }
0x6: {  	_ = 	snop  }
0x7: {  	_ = 	snop  }
__scs_overlays_trampoline_lowered:
0x8: {  	[smem:$0x3FAA] =	sst s0  }
0x9: {  	[smem:$0x3FAB] =	sst s1  }
0xa: {  	[smem:$0x3FAC] =	sst s2  }
0xb: {  	[smem:$0x3FAD] =	sst s3  }
0xc: {  	[smem:$0x3FAE] =	sst s4  }
0xd: {  	[smem:$0x3FAF] =	sst s5  }
0xe: {  	[smem:$0x3FB0] =	sst s6  }
0xf: {  	[smem:$0x3FB1] =	sst s7  }
0x10: {  	[smem:$0x3FB2] =	sst s8  }
0x11: {  	[smem:$0x3FB3] =	sst s9;
	s0 =	simm.s32 @!p0 $0x0  }
0x12: {  	s1 =	sld [smem:$0x3F99];
	s0 =	simm.s32 @p0 $0x1  }
0x13: {  	[smem:$0x3FB4] =	sst s0;
	s0 =	simm.s32 @!p1 $0x0  }
0x14: {  	s2 =	sld [smem:$0x3F98];
	s0 =	simm.s32 @p1 $0x1  }
0x15: {  	[smem:$0x3FB5] =	sst s0;
	s0 =	simm.s32 @!p2 $0x0  }
0x16: {  	s3 =	sld [smem:$0x3FDB];
	s0 =	simm.s32 @p2 $0x1  }
0x17: {  	s4 =	simm.s32 $0x1BF5;
	[smem:$0x3FB7] =	sst s0  }
0x18: {  	s0 =	sld [smem:$0x3F9A];
	_ =	swait.ge [sflag:s4], $0x0  }
0x19: {  	s7 =	sld [smem:$0x3F9B]  }
0x1a: {  	s8 =	sadd.s32 $0xFFFFE003, lr  }
0x1b: {  	s9 =	sadd.s32 $0xFFFFFEF7, lr;
	s5 =	simm.s32 $0xFFFFFFFF;
	p2 =	slt.u32 s8, $0xFFFFF086  }
0x1c: {  	p1 =	slt.u32 s9, $0xF7A;
	s5 =	simm.s32 @!p2 $0x0  }
0x1d: {  	s5 =	simm.s32 @p1 $0x1;
	p0 =	seq.s32 s7, s2  }
0x1e: {  	s7 =	smul.u32 @!p0 $0xF7A, s2;
	p2 =	seq.s32 @!p0 s5, $0x0  }
0x1f: {  	s9 =	smul.u32 $0xF7A, s1;
	s8 =	simm.s32 @!p0 $0x1BF5;
	p2 =	por !p2, p0  }
0x20: {  	[sflag:s8] =	ssyncset.s32 @!p0 $0xFFFFF086;
	s6 =	sadd.s32 @!p0 s3, s7;
	s7 =	simm.s32 @!p0 $0x108  }
0x21: {  	s3 =	sadd.s32 s3, s9;
	s6 =	sadd.s32 @!p0 $0x88, s6;
	s7 =	simm.s32 @p2 $0x1082  }
0x22: {  	[simem:s7], [sflag:s8] =	dma.local @!p0 [hbm:s6], $0xF7A  }
0x23: {  	s9 =	sor.u32 $0xD0000000, s2;
	s6 =	simm.s32 $0x108;
	_ =	swait.ge @!p0 [sflag:s8], $0x0  }
0x24: {  	s3 =	sadd.s32 $0x88, s3;
	s6 =	simm.s32 @!p1 $0x1082;
	[sflag:s4] =	ssyncset.s32 $0xFFFFF086  }
0x25: {  	[simem:s6], [sflag:s4] =	dma.local [hbm:s3], $0xF7A  }
0x26: {  	[smem:$0x3F9B] =	sst s1;
	(tag) =	ssettag s2;
	_ =	strace s9  }
0x27: {  	s1 =	sld [smem:$0x3FAB]  }
0x28: {  	s2 =	sld [smem:$0x3FAC]  }
0x29: {  	s4 =	sld [smem:$0x3FAE]  }
0x2a: {  	p0 =	seq.s32 s5, $0x0;
	s5 =	sld [smem:$0x3FAF]  }
0x2b: {  	s6 =	sld [smem:$0x3FB0]  }
0x2c: {  	s7 =	sld [smem:$0x3FB1]  }
0x2d: {  	s3 =	simm.s32 $0x108;
	s8 =	sld [smem:$0x3FB2]  }
0x2e: {  	s3 =	simm.s32 @!p0 $0x1082;
	s9 =	sld [smem:$0x3FB3]  }
0x2f: {  	lr =	sadd.s32 s0, s3;
	s0 =	sld [smem:$0x3FAA]  }
0x30: {  	s3 =	sld [smem:$0x3FAD]  }
0x31: {  	[smem:$0x3FB6] =	sst s10  }
0x32: {  	s10 =	sld [smem:$0x3FB4];
	_ =	sdelay $0x3  }
0x33: {  	p0 =	seq.s32 s10, $0x1;
	s10 =	sld [smem:$0x3FB6];
	_ =	sdelay $0x3  }
0x34: {  	[smem:$0x3FB6] =	sst s10  }
0x35: {  	s10 =	sld [smem:$0x3FB5];
	_ =	sdelay $0x3  }
0x36: {  	p1 =	seq.s32 s10, $0x1;
	s10 =	sld [smem:$0x3FB6];
	_ =	sdelay $0x3  }
0x37: {  	[smem:$0x3FB6] =	sst s10  }
0x38: {  	s10 =	sld [smem:$0x3FB7]  }
0x39: {  	_ = 	snop;
	(pc) =	sbr.ind lr, $3  }
0x3a: {  	_ = 	snop  }
0x3b: {  	_ = 	snop  }
0x3c: {  	p2 =	seq.s32 s10, $0x1;
	s10 =	sld [smem:$0x3FB6]  }
0x3d: {  	_ =	shalt  }
0x3e: {  	_ =	shalt  }
0x3f: {  	_ =	shalt  }
0x40: {  	_ =	shalt  }
0x41: {  	_ =	shalt  }
0x42: {  	_ =	shalt  }
0x43: {  	_ =	shalt  }
0x44: {  	_ =	shalt  }
0x45: {  	_ =	shalt  }
0x46: {  	_ =	shalt  }
0x47: {  	_ =	shalt  }
0x48: {  	_ =	shalt  }
0x49: {  	_ =	shalt  }
0x4a: {  	_ =	shalt  }
0x4b: {  	_ =	shalt  }
0x4c: {  	_ =	shalt  }
0x4d: {  	_ =	shalt  }
0x4e: {  	_ =	shalt  }
0x4f: {  	_ =	shalt  }
0x50: {  	_ =	shalt  }
0x51: {  	_ =	shalt  }
0x52: {  	_ =	shalt  }
0x53: {  	_ =	shalt  }
0x54: {  	_ =	shalt  }
0x55: {  	_ =	shalt  }
0x56: {  	_ =	shalt  }
0x57: {  	_ =	shalt  }
0x58: {  	_ =	shalt  }
0x59: {  	_ =	shalt  }
0x5a: {  	_ =	shalt  }
0x5b: {  	_ =	shalt  }
0x5c: {  	_ =	shalt  }
0x5d: {  	_ =	shalt  }
0x5e: {  	_ =	shalt  }
0x5f: {  	_ =	shalt  }
0x60: {  	_ =	shalt  }
0x61: {  	_ =	shalt  }
0x62: {  	_ =	shalt  }
0x63: {  	_ =	shalt  }
0x64: {  	_ =	shalt  }
0x65: {  	_ =	shalt  }
0x66: {  	_ =	shalt  }
0x67: {  	_ =	shalt  }
0x68: {  	_ =	shalt  }
0x69: {  	_ =	shalt  }
0x6a: {  	_ =	shalt  }
0x6b: {  	_ =	shalt  }
0x6c: {  	_ =	shalt  }
0x6d: {  	_ =	shalt  }
0x6e: {  	_ =	shalt  }
0x6f: {  	_ =	shalt  }
0x70: {  	_ =	shalt  }
0x71: {  	_ =	shalt  }
0x72: {  	_ =	shalt  }
0x73: {  	_ =	shalt  }
0x74: {  	_ =	shalt  }
0x75: {  	_ =	shalt  }
0x76: {  	_ =	shalt  }
0x77: {  	_ =	shalt  }
0x78: {  	_ =	shalt  }
0x79: {  	_ =	shalt  }
0x7a: {  	_ =	shalt  }
0x7b: {  	_ =	shalt  }
0x7c: {  	_ =	shalt  }
0x7d: {  	_ =	shalt  }
0x7e: {  	_ =	shalt  }
0x7f: {  	_ =	shalt  }
0x80: {  	_ =	shalt  }
0x81: {  	_ =	shalt  }
0x82: {  	_ =	shalt  }
0x83: {  	_ =	shalt  }
0x84: {  	_ =	shalt  }
0x85: {  	_ =	shalt  }
0x86: {  	_ =	shalt  }
0x87: {  	_ =	shalt  }
.Lfunc_end0:
.L_simem_size_0:
called_computation.1_lowered:
.L_overlay_start_0:
0x88: {  	s2 =	sld [smem:$0x3FD9]  }
0x89: {  	s3 =	sld [smem:$0x3FFE];
	_ =	sdelay $0x1  }
0x8a: {  	s1 =	srdreg.scid  }
0x8b: {  	s0 =	sand.u32 $0x1, s1  }
0x8c: {  	s16 =	sshll.u32 s0, $0xA;
	s2 =	sadd.s32 s3, s2  }
0x8d: {  	s2 =	sadd.s32 s2, s16  }
0x8e: {  	[smem:$0x3FC2] =	sst s2  }
0x8f: {  	_ = 	snop  }
0x90: {  	(tm) =	ssettm $0x1  }
0x91: {  	s17 =	sld [smem:$0x3FFB];
	_ =	sdelay $0x3  }
0x92: {  	_ =	strace s17  }
0x93: {  	s2 =	sld [smem:$0x3FFC];
	_ =	sdelay $0x3  }
0x94: {  	_ =	strace s2  }
0x95: {  	s2 =	sld [smem:$0x3FFD];
	_ =	sdelay $0x3  }
0x96: {  	_ =	strace s2  }
0x97: {  	_ =	strace $0x8FFFFFFF  }
0x98: {  	s18 =	sld [smem:$0x3FDB];
	_ =	sdelay $0x1  }
0x99: {  	s19 =	simm.s32 $_scs_section_size  }
0x9a: {  	s4 =	simm.s32 $_size__tile_overlayer_lowered;
	s5 =	simm.s32 $_tile_overlayer_lowered  }
0x9b: {  	s22 =	simm.s32 $0x1BFF;
	s21 =	sshll.u32 s5, $0x1;
	s2 =	sadd.s32 s19, s18  }
0x9c: {  	s6 =	simm.s32 $0x0;
	s20 =	sshll.u32 s4, $0x1;
	s4 =	sadd.s32 s21, s2  }
0x9d: {  	[timem:s6], [sflag:s22] =	dma.local [hbm:s4], s20  }
0x9e: {  	_ =	swait.ge [sflag:s22], s20  }
0x9f: {  	s3 =	ssub.s32 $0x0, s20;
	[sflag:s22] =	ssyncset.done $0x0  }
0xa0: {  	[sflag:s22] =	ssyncadd.s32 s3;
	_ =	sdelay $0x1  }
0xa1: {  	s23 =	simm.s32 $0x1B8B  }
0xa2: {  	_ =	swait.ge [sflag:s23], $0x1  }
0xa3: {  	[sflag:s23] =	ssyncset.done $0x0  }
0xa4: {  	s25 =	simm.s32 $0x1B8E;
	s24 =	sld [smem:$0x3FFE];
	[sflag:s23] =	ssyncadd.s32 $0xFFFFFFFF  }
0xa5: {  	s26 =	simm.s32 $execute0_lowered;
	[smem:$0x3FD2] =	sst s25  }
0xa6: {  	s4 =	sshll.u32 s26, $0x1;
	_ =	strace $0x80000049;
	[dreg:$0x1] =	wrdreg $0xFFFFFFFF  }
0xa7: {  	s28 =	simm.s32 $_size_execute0_lowered;
	s2 =	sadd.s32 s2, s4;
	[dreg:$0x0] =	wrdreg $0x0  }
0xa8: {  	s4 =	sshll.u32 s28, $0x1;
	[dreg:$0x2] =	wrdreg s2  }
0xa9: {  	[dreg:$0x3] =	wrdreg s4  }
0xaa: {  	[dreg:$0x4] =	wrdreg $0xC0  }
0xab: {  	_ =	task [dreg:s6], $0x5FFFF  }
0xac: {  	[dreg:$0x1] =	wrdreg $0xFFFFFFFF  }
0xad: {  	[dreg:$0x0] =	wrdreg $0x60  }
0xae: {  	[dreg:$0x2] =	wrdreg s24  }
0xaf: {  	[dreg:$0x3] =	wrdreg $0x0  }
0xb0: {  	[dreg:$0x4] =	wrdreg $0x9  }
0xb1: {  	_ =	task.clear_ibuf [dreg:s6], $0x5FFFF;
	_ =	strace $0x90000049  }
0xb2: {  	s29 =	simm.s32 $0x9;
	_ =	strace $0x8000004B  }
0xb3: {  	_ =	swait.ge [sflag:s29], $0x1  }
0xb4: {  	[sflag:s29] =	ssyncadd.s32 $0xFFFFFFFF  }
0xb5: {  	_ =	strace $0x9000004B  }
0xb6: {  	_ =	sfence  }
0xb7: {  	s30 =	sld [smem:$0x0];
	_ =	sdelay $0x2  }
0xb8: {  	s31 =	sshll.u32 s1, $0xD;
	s1 =	sshrl.u32 s1, $0x2  }
0xb9: {  	s3 =	sand.u32 $0x4000, s31;
	s1 =	sadd.s32 s1, s30  }
0xba: {  	s0 =	sor.u32 s3, s0;
	s1 =	sshll.u32 s1, $0x11  }
0xbb: {  	s0 =	sor.u32 s1, s0  }
0xbc: {  	s0 =	sadd.s32 $0x8F2B, s0  }
0xbd: {  	[sflag:s0] =	ssyncadd.remote.s32 $0x1  }
0xbe: {  	_ =	sfence.sel $0xFFFF  }
0xbf: {  	[dreg:$0x0] =	wrdreg $0xFFFFFFFF;
	(pc) =	sbr.abs _section_cstart, $3  }
0xc0: {  	[dreg:$0x1] =	wrdreg $0xFFFFFFFF  }
0xc1: {  	_ =	task.clear_ibuf [dreg:s6], $0x2FFFF;
	_ =	strace $0x9FFFFFFF  }
0xc2: {  	(tm) =	ssettm $0x7FFFFFFF  }
0xc3: {  	_ =	shalt  }
tec
execute0_lowered:
.L_overlay_start_1:
0x0: {  	(tag) =	ssettag $0x1  }
0x1: {  	s0 =	rddreg [dreg:$0x0]  }
0x2: {  	s2 =	rddreg [dreg:$0x1];
	s9 =	stileid.u32;
	s3 =	simm.s32 $0x0  }
0x3: {  	s1 =	srdreg.scid;
	s10 =	simm.s32 $0x19000;
	s11 =	simm.s32 $0x19  }
0x4: {  	s29 =	simm.s32 $0x4;
	s30 =	simm.s32 $0x1E000;
	s31 =	simm.s32 $0x5  }
0x5: {  	s14 =	simm.s32 $0x6;
	s15 =	simm.s32 $0xD;
	s12 =	simm.s32 $0xB  }
0x6: {  	s13 =	simm.s32 $0xC;
	s16 =	simm.s32 $0x0;
	s8 =	smul.u32 $0x14000, s9  }
0x7: {  	s4 =	sshrl.u32 s9, $0x2;
	s1 =	sand.u32 $0x1, s1;
	s20 =	smul.u32 $0x50000, s9  }
0x8: {  	s18 =	sshll.u32 s9, $0x8;
	[smem:$0x7FF] =	sst s3;
	s5 =	smul.u32 $0x14000, s4  }
0x9: {  	s6 =	sshll.u32 s1, $0x7;
	s4 =	sand.u32 $0x300, s18;
	s7 =	smul.u32 $0x140000, s1  }
0xa: {  	_ =	strace $0x8000004A;
	s1 =	ssub.s32 $0x2, s1;
	s6 =	sor.u32 s6, s4  }
0xb: {  	s4 =	sadd.s32 $0x20400, s0;
	s23 =	sshrl.u32 s1, $0x1;
	s24 =	sshrl.u32 s20, $0x2  }
0xc: {  	s20 =	simm.s32 $0x1B800;
	s5 =	sor.u32 s5, s6;
	s19 =	sadd.s32 s8, s7  }
0xd: {  	s1 =	ssub.s32 s1, s23;
	s6 =	simm.s32 $0x10;
	s7 =	simm.s32 $0x12  }
0xe: {  	s8 =	simm.s32 $0x13;
	s5 =	sshrl.u32 s5, $0x3;
	s22 =	sshrl.u32 s19, $0x3  }
0xf: {  	s28 =	smax.u32 s1, $0x1;
	s1 =	simm.s32 $0x9;
	s21 =	sadd.s32 s5, s0  }
.Ltmp0:
0x10: {  	[dreg:$0x6] =	wrdreg s28;
	s25 =	sadd.s32 $0xC400, s21;
	(pc) =	sbr.rel .LBB2_1-.Ltmp0, $4  }
0x11: {  	s0 =	sadd.s32 s22, s0;
	s26 =	sadd.s32 $0x16400, s21;
	[dreg:$0x3] =	wrdreg s25  }
0x12: {  	s5 =	sadd.s32 s24, s2;
	s0 =	sadd.s32 $0x47600, s0;
	[dreg:$0x4] =	wrdreg s26  }
0x13: {  	s22 =	simm.s32 $0x1;
	s24 =	simm.s32 $0x2;
	[dreg:$0x5] =	wrdreg s0  }
0x14: {  	v0 =	vimm.f32 $0.0e+00;
	vm0 =	vmmov $0xffff;
	s25 =	simm.s32 $0x1D000;
	s26 =	simm.s32 $0x3;
	s0 =	simm.s32 $0x1E800  }
.LBB2_8:
0x15: {  	_ =	swait.ge [sflag:s13], $0x800  }
0x16: {  	[sflag:s13] =	ssyncset.done $0x0  }
0x17: {  	[sflag:s13] =	ssyncadd.s32 $0xFFFFF800  }
0x18: {  	v1 =	vld [tilespmem:s21+$0x50];
	_ =	sdelay $0x7  }
0x19: {  	[spmem:s2] =	stream.indirect_vreg.scatter.add.f32 [tilespmem:s0], [sflag:$0x18], $0x80, v1, vm0, $0xb8;
	[tilespmem:$0x1F000] =	vst v63  }
0x1a: {  	_ =	swait.ge [sflag:s8], $0x800  }
0x1b: {  	[sflag:s8] =	ssyncset.done $0x0  }
0x1c: {  	s9 =	simm.s32 $0x14;
	[sflag:s8] =	ssyncadd.s32 $0xFFFFF800  }
0x1d: {  	_ =	swait.ge [sflag:s9], $0x800  }
0x1e: {  	[sflag:s9] =	ssyncset.done $0x0  }
0x1f: {  	s16 =	simm.s32 $0x15;
	[sflag:s9] =	ssyncadd.s32 $0xFFFFF800  }
0x20: {  	_ =	swait.ge [sflag:s16], $0x800  }
0x21: {  	[sflag:s16] =	ssyncset.done $0x0  }
0x22: {  	s17 =	simm.s32 $0x16;
	[sflag:s16] =	ssyncadd.s32 $0xFFFFF800  }
0x23: {  	_ =	swait.ge [sflag:s17], $0x800  }
0x24: {  	[sflag:s17] =	ssyncset.done $0x0  }
0x25: {  	s18 =	simm.s32 $0x17;
	[sflag:s17] =	ssyncadd.s32 $0xFFFFF800  }
0x26: {  	_ =	swait.ge [sflag:s18], $0x800  }
0x27: {  	[sflag:s18] =	ssyncset.done $0x0  }
0x28: {  	s19 =	simm.s32 $0x18;
	[sflag:s18] =	ssyncadd.s32 $0xFFFFF800  }
0x29: {  	_ =	swait.ge [sflag:s19], $0x800  }
0x2a: {  	[sflag:s19] =	ssyncset.done $0x0  }
0x2b: {  	s21 =	stileid.u32;
	[sflag:s19] =	ssyncadd.s32 $0xFFFFF800  }
0x2c: {  	s9 =	sshll.u32 s21, $0x6;
	[bflag:$0x0] =	sbarrier.arrive $0xFFFF  }
0x2d: {  	s9 =	sor.u32 $0x1C19, s9;
	s16 =	sshrl.u32 s5, $0x3;
	s17 =	rddreg [dreg:$0x5]  }
0x2e: {  	[hbm:s17], [sflag:s9] =	dma.local [spmem:s16], $0x2800  }
0x2f: {  	_ =	swait.ge [sflag:s11], $0x2800  }
0x30: {  	s23 =	rddreg [dreg:$0x7]  }
0x31: {  	s28 =	rddreg [dreg:$0x6];
	s16 =	sadd.s32 $0x1, s23  }
0x32: {  	p0 =	sne.s32 s16, s28  }
.Ltmp1:
0x33: {  	_ = 	snop;
	(pc) =	sbr.rel @!p0 .LBB2_9-.Ltmp1, $3  }
0x34: {  	_ =	sdelay $0x1  }
0x35: {  	[sflag:s11] =	ssyncset.done $0x0  }
0x36: {  	[sflag:s11] =	ssyncadd.s32 $0xFFFFD800  }
.LBB2_1:
0x37: {  	[dreg:$0x7] =	wrdreg s16;
	s9 =	simm.s32 $0x0;
	s16 =	simm.s32 $0x200  }
.LBB2_2:
0x38: {  	p0 =	sne.s32 s16, $0x1E00;
	[tilespmem:s9+$0x19070] =	vst v0  }
0x39: {  	[tilespmem:s9+$0x19000] =	vst v0  }
0x3a: {  	[tilespmem:s9+$0x19010] =	vst v0  }
.Ltmp2:
0x3b: {  	[tilespmem:s9+$0x19020] =	vst v0;
	(pc) =	sbr.rel @p0 .LBB2_2-.Ltmp2, $4  }
0x3c: {  	[tilespmem:s9+$0x19030] =	vst v0  }
0x3d: {  	[tilespmem:s9+$0x19040] =	vst v0  }
0x3e: {  	[tilespmem:s9+$0x19050] =	vst v0  }
0x3f: {  	[tilespmem:s9+$0x19060] =	vst v0;
	s9 =	sshra.s32 s16, $0x2;
	s16 =	sadd.s32 $0x200, s16  }
0x40: {  	[tilespmem:s9+$0x19070] =	vst v0  }
0x41: {  	[tilespmem:s9+$0x19000] =	vst v0  }
0x42: {  	[tilespmem:s9+$0x19010] =	vst v0  }
0x43: {  	[tilespmem:s9+$0x19020] =	vst v0  }
0x44: {  	[tilespmem:s9+$0x19030] =	vst v0  }
0x45: {  	[tilespmem:s9+$0x19040] =	vst v0  }
0x46: {  	[tilespmem:s9+$0x19050] =	vst v0  }
0x47: {  	[tilespmem:s9+$0x19060] =	vst v0;
	s28 =	sadd.s32 $0x0, s5  }
0x48: {  	[spmem:s28] =	stream.linear.scatter [tilespmem:s10], [sflag:$0x19], $0x800, $0x38;
	[tilespmem:$0x1F000] =	vst v63  }
0x49: {  	s9 =	simm.s32 $0x2000;
	_ =	swait.ge [sflag:s11], $0x800  }
.LBB2_4:
0x4a: {  	s16 =	sshra.s32 s9, $0x2;
	[sflag:s11] =	ssyncset.done $0x0;
	p0 =	sne.s32 s9, $0x4E000  }
.Ltmp3:
0x4b: {  	s16 =	sadd.s32 s16, s5;
	[sflag:s11] =	ssyncadd.s32 $0xFFFFF800;
	(pc) =	sbr.rel @p0 .LBB2_4-.Ltmp3, $3  }
0x4c: {  	[spmem:s16] =	stream.linear.scatter [tilespmem:s10], [sflag:$0x19], $0x800, $0x38;
	[tilespmem:$0x1F000] =	vst v63  }
0x4d: {  	s9 =	sadd.s32 $0x2000, s9;
	_ =	sdelay $0x1  }
0x4e: {  	_ =	swait.ge [sflag:s11], $0x800  }
0x4f: {  	[sflag:s11] =	ssyncset.done $0x0;
	s9 =	rddreg [dreg:$0x3];
	s16 =	simm.s32 $0x80  }
0x50: {  	s17 =	simm.s32 $0x400;
	s18 =	simm.s32 $0x14000;
	[sflag:s11] =	ssyncadd.s32 $0xFFFFF800  }
0x51: {  	[tilespmem:s18], [sflag:$0x19] =	stream.strided.gather [hbm4b:s9+s16], $0x2800, s17, s16, $0x38;
	[tilespmem:$0x1F000] =	vst v63  }
0x52: {  	_ =	swait.ge [sflag:s11], $0x2800  }
0x53: {  	[sflag:s11] =	ssyncset.done $0x0  }
0x54: {  	s28 =	simm.s32 $0x16800;
	s23 =	rddreg [dreg:$0x4];
	[sflag:s11] =	ssyncadd.s32 $0xFFFFD800  }
0x55: {  	[tilespmem:s28], [sflag:$0x19] =	stream.strided.gather [hbm4b:s23+s16], $0x2800, s17, s16, $0x38;
	[tilespmem:$0x1F000] =	vst v63  }
0x56: {  	_ =	swait.ge [sflag:s11], $0x2800  }
0x57: {  	[sflag:s11] =	ssyncset.done $0x0  }
0x58: {  	[sflag:s11] =	ssyncadd.s32 $0xFFFFD800  }
0x59: {  	[bflag:$0x0] =	sbarrier.arrive $0xFFFF  }
0x5a: {  	v1 =	vld [tilespmem:$0x14000];
	_ =	sdelay $0x6  }
0x5b: {  	s9 =	simm.s32 $0x0  }
0x5c: {  	[tilespmem:s10], [sflag:$0x1] =	stream.indirect_vreg.gather [hbm4b:s4+s9], $0x80, v1, vm0, $0xb8;
	[tilespmem:$0x1F000] =	vst v63  }
0x5d: {  	v1 =	vld [tilespmem:$0x14010];
	_ =	sdelay $0x6  }
0x5e: {  	s18 =	simm.s32 $0x19800  }
0x5f: {  	[tilespmem:s18], [sflag:$0x2] =	stream.indirect_vreg.gather [hbm4b:s4+s9], $0x80, v1, vm0, $0xb8;
	[tilespmem:$0x1F000] =	vst v63  }
0x60: {  	v1 =	vld [tilespmem:$0x14020];
	_ =	sdelay $0x6  }
0x61: {  	s19 =	simm.s32 $0x1A000  }
0x62: {  	[tilespmem:s19], [sflag:$0x3] =	stream.indirect_vreg.gather [hbm4b:s4+s9], $0x80, v1, vm0, $0xb8;
	[tilespmem:$0x1F000] =	vst v63  }
0x63: {  	v1 =	vld [tilespmem:$0x14030];
	_ =	sdelay $0x6  }
0x64: {  	s21 =	simm.s32 $0x1A800  }
0x65: {  	[tilespmem:s21], [sflag:$0x4] =	stream.indirect_vreg.gather [hbm4b:s4+s9], $0x80, v1, vm0, $0xb8;
	[tilespmem:$0x1F000] =	vst v63  }
0x66: {  	v1 =	vld [tilespmem:$0x14040];
	_ =	sdelay $0x6  }
0x67: {  	s23 =	simm.s32 $0x1B000  }
0x68: {  	[tilespmem:s23], [sflag:$0x5] =	stream.indirect_vreg.gather [hbm4b:s4+s9], $0x80, v1, vm0, $0xb8;
	[tilespmem:$0x1F000] =	vst v63  }
0x69: {  	v1 =	vld [tilespmem:$0x14050];
	_ =	sdelay $0x7  }
0x6a: {  	[tilespmem:s20], [sflag:$0x6] =	stream.indirect_vreg.gather [hbm4b:s4+s9], $0x80, v1, vm0, $0xb8;
	[tilespmem:$0x1F000] =	vst v63  }
0x6b: {  	v1 =	vld [tilespmem:$0x14060];
	_ =	sdelay $0x6  }
0x6c: {  	s28 =	simm.s32 $0x1C000;
	s21 =	simm.s32 $0x16860;
	s23 =	simm.s32 $0x14090  }
0x6d: {  	[tilespmem:s28], [sflag:$0x7] =	stream.indirect_vreg.gather [hbm4b:s4+s9], $0x80, v1, vm0, $0xb8;
	[tilespmem:$0x1F000] =	vst v63  }
.LBB2_6:
0x6e: {  	_ =	swait.ge [sflag:s22], $0x800  }
0x6f: {  	[sflag:s22] =	ssyncset.done $0x0  }
0x70: {  	[sflag:s22] =	ssyncadd.s32 $0xFFFFF800  }
0x71: {  	v1 =	vld [tilespmem:s21+$0xFFFFFFA0];
	_ =	sdelay $0x5  }
0x72: {  	p0 =	seq.s32 s9, $0x0  }
0x73: {  	s16 =	simm.s32 @!p0 $0x14  }
0x74: {  	[spmem:s2] =	stream.indirect_vreg.scatter.add.f32 [tilespmem:s10], [sflag:$0xD], $0x80, v1, vm0, $0xb8;
	[tilespmem:$0x1F000] =	vst v63  }
0x75: {  	_ =	swait.ge @!p0 [sflag:s16], $0x800  }
0x76: {  	[sflag:s16] =	ssyncset.done @!p0 $0x0  }
0x77: {  	[sflag:s16] =	ssyncadd.s32 @!p0 $0xFFFFF800  }
0x78: {  	v1 =	vld [tilespmem:s23+$0xFFFFFFE0];
	_ =	sdelay $0x6  }
0x79: {  	s17 =	simm.s32 $0x1C800  }
0x7a: {  	[tilespmem:s17], [sflag:$0x8] =	stream.indirect_vreg.gather [hbm4b:s4+s3], $0x80, v1, vm0, $0xb8;
	[tilespmem:$0x1F000] =	vst v63  }
0x7b: {  	_ =	swait.ge [sflag:s24], $0x800  }
0x7c: {  	[sflag:s24] =	ssyncset.done $0x0  }
0x7d: {  	[sflag:s24] =	ssyncadd.s32 $0xFFFFF800  }
0x7e: {  	v1 =	vld [tilespmem:s21+$0xFFFFFFB0];
	_ =	sdelay $0x6  }
0x7f: {  	s18 =	simm.s32 $0x19800;
	s17 =	simm.s32 @!p0 $0x15  }
0x80: {  	[spmem:s2] =	stream.indirect_vreg.scatter.add.f32 [tilespmem:s18], [sflag:$0xE], $0x80, v1, vm0, $0xb8;
	[tilespmem:$0x1F000] =	vst v63  }
0x81: {  	_ =	swait.ge @!p0 [sflag:s17], $0x800  }
0x82: {  	s28 =	sand.u32 $0x3F80, s9;
	s16 =	sand.u32 $0x40, s9;
	[sflag:s17] =	ssyncset.done @!p0 $0x0  }
0x83: {  	[sflag:s17] =	ssyncadd.s32 @!p0 $0xFFFFF800;
	s17 =	sor.u32 s16, s28  }
0x84: {  	v1 =	vld [tilespmem:s17+$0x14080];
	_ =	sdelay $0x7  }
0x85: {  	[tilespmem:s25], [sflag:$0x9] =	stream.indirect_vreg.gather [hbm4b:s4+s3], $0x80, v1, vm0, $0xb8;
	[tilespmem:$0x1F000] =	vst v63  }
0x86: {  	_ =	swait.ge [sflag:s26], $0x800  }
0x87: {  	[sflag:s26] =	ssyncset.done $0x0  }
0x88: {  	[sflag:s26] =	ssyncadd.s32 $0xFFFFF800  }
0x89: {  	v1 =	vld [tilespmem:s21+$0xFFFFFFC0];
	_ =	sdelay $0x6  }
0x8a: {  	s18 =	simm.s32 $0x1A000  }
0x8b: {  	[spmem:s2] =	stream.indirect_vreg.scatter.add.f32 [tilespmem:s18], [sflag:$0xF], $0x80, v1, vm0, $0xb8;
	[tilespmem:$0x1F000] =	vst v63  }
0x8c: {  	s18 =	simm.s32 @!p0 $0x16  }
0x8d: {  	_ =	swait.ge @!p0 [sflag:s18], $0x800  }
0x8e: {  	[sflag:s18] =	ssyncset.done @!p0 $0x0  }
0x8f: {  	[sflag:s18] =	ssyncadd.s32 @!p0 $0xFFFFF800  }
0x90: {  	v1 =	vld [tilespmem:s23+$0x0];
	_ =	sdelay $0x6  }
0x91: {  	s19 =	simm.s32 $0x1D800  }
0x92: {  	[tilespmem:s19], [sflag:$0xA] =	stream.indirect_vreg.gather [hbm4b:s4+s3], $0x80, v1, vm0, $0xb8;
	[tilespmem:$0x1F000] =	vst v63  }
0x93: {  	_ =	swait.ge [sflag:s29], $0x800  }
0x94: {  	[sflag:s29] =	ssyncset.done $0x0  }
0x95: {  	[sflag:s29] =	ssyncadd.s32 $0xFFFFF800  }
0x96: {  	v1 =	vld [tilespmem:s21+$0xFFFFFFD0];
	_ =	sdelay $0x6  }
0x97: {  	s18 =	simm.s32 @!p0 $0x17;
	s19 =	simm.s32 $0x1A800  }
0x98: {  	[spmem:s2] =	stream.indirect_vreg.scatter.add.f32 [tilespmem:s19], [sflag:$0x10], $0x80, v1, vm0, $0xb8;
	[tilespmem:$0x1F000] =	vst v63  }
0x99: {  	_ =	swait.ge @!p0 [sflag:s18], $0x800  }
0x9a: {  	[sflag:s18] =	ssyncset.done @!p0 $0x0  }
0x9b: {  	[sflag:s18] =	ssyncadd.s32 @!p0 $0xFFFFF800  }
0x9c: {  	v1 =	vld [tilespmem:s23+$0x10];
	_ =	sdelay $0x7  }
0x9d: {  	[tilespmem:s30], [sflag:$0xB] =	stream.indirect_vreg.gather [hbm4b:s4+s3], $0x80, v1, vm0, $0xb8;
	[tilespmem:$0x1F000] =	vst v63  }
0x9e: {  	_ =	swait.ge [sflag:s31], $0x800  }
0x9f: {  	[sflag:s31] =	ssyncset.done $0x0  }
0xa0: {  	[sflag:s31] =	ssyncadd.s32 $0xFFFFF800  }
0xa1: {  	v1 =	vld [tilespmem:s21+$0xFFFFFFE0];
	_ =	sdelay $0x6  }
0xa2: {  	s19 =	simm.s32 $0x1B000;
	s18 =	simm.s32 @!p0 $0x18  }
0xa3: {  	[spmem:s2] =	stream.indirect_vreg.scatter.add.f32 [tilespmem:s19], [sflag:$0x11], $0x80, v1, vm0, $0xb8;
	[tilespmem:$0x1F000] =	vst v63  }
0xa4: {  	_ =	swait.ge @!p0 [sflag:s18], $0x800  }
0xa5: {  	[sflag:s18] =	ssyncset.done @!p0 $0x0  }
0xa6: {  	[sflag:s18] =	ssyncadd.s32 @!p0 $0xFFFFF800  }
0xa7: {  	v1 =	vld [tilespmem:s23+$0x20];
	_ =	sdelay $0x7  }
0xa8: {  	[tilespmem:s0], [sflag:$0xC] =	stream.indirect_vreg.gather [hbm4b:s4+s3], $0x80, v1, vm0, $0xb8;
	[tilespmem:$0x1F000] =	vst v63  }
0xa9: {  	_ =	swait.ge [sflag:s14], $0x800  }
0xaa: {  	[sflag:s14] =	ssyncset.done $0x0  }
0xab: {  	[sflag:s14] =	ssyncadd.s32 $0xFFFFF800  }
0xac: {  	v1 =	vld [tilespmem:s21+$0xFFFFFFF0];
	_ =	sdelay $0x7  }
0xad: {  	[spmem:s2] =	stream.indirect_vreg.scatter.add.f32 [tilespmem:s20], [sflag:$0x12], $0x80, v1, vm0, $0xb8;
	[tilespmem:$0x1F000] =	vst v63  }
0xae: {  	_ =	swait.ge [sflag:s15], $0x800  }
0xaf: {  	p0 =	seq.s32 s9, $0x2700;
	[sflag:s15] =	ssyncset.done $0x0  }
0xb0: {  	s18 =	simm.s32 @p0 $0x7;
	[sflag:s15] =	ssyncadd.s32 $0xFFFFF800  }
0xb1: {  	_ =	swait.ge @p0 [sflag:s18], $0x800  }
0xb2: {  	[sflag:s18] =	ssyncset.done @p0 $0x0  }
0xb3: {  	[sflag:s18] =	ssyncadd.s32 @p0 $0xFFFFF800  }
0xb4: {  	v1 =	vld @p0 [tilespmem:s21+$0x0];
	_ =	sdelay $0x6  }
0xb5: {  	vm2 =	vmmov @p0 $0xffff;
	s18 =	simm.s32 @p0 $0x1C000  }
0xb6: {  	[spmem:s2] =	stream.indirect_vreg.scatter.add.f32 @p0 [tilespmem:s18], [sflag:$0x13], $0x80, v1, vm2, $0xb8;
	[tilespmem:$0x1F000] =	vst v63  }
0xb7: {  	s18 =	simm.s32 @p0 $0xE  }
0xb8: {  	_ =	swait.ge @p0 [sflag:s18], $0x800  }
0xb9: {  	[sflag:s18] =	ssyncset.done @p0 $0x0  }
0xba: {  	[sflag:s18] =	ssyncadd.s32 @p0 $0xFFFFF800;
	s18 =	simm.s32 @p0 $0x8  }
0xbb: {  	_ =	swait.ge @p0 [sflag:s18], $0x800  }
0xbc: {  	[sflag:s18] =	ssyncset.done @p0 $0x0  }
0xbd: {  	[sflag:s18] =	ssyncadd.s32 @p0 $0xFFFFF800  }
0xbe: {  	v1 =	vld @p0 [tilespmem:s21+$0x10];
	_ =	sdelay $0x6  }
0xbf: {  	s18 =	simm.s32 @p0 $0x1C800  }
0xc0: {  	[spmem:s2] =	stream.indirect_vreg.scatter.add.f32 @p0 [tilespmem:s18], [sflag:$0x14], $0x80, v1, vm2, $0xb8;
	[tilespmem:$0x1F000] =	vst v63  }
0xc1: {  	s18 =	simm.s32 @p0 $0xF  }
0xc2: {  	_ =	swait.ge @p0 [sflag:s18], $0x800  }
0xc3: {  	[sflag:s18] =	ssyncset.done @p0 $0x0  }
0xc4: {  	[sflag:s18] =	ssyncadd.s32 @p0 $0xFFFFF800  }
0xc5: {  	v1 =	vld @!p0 [tilespmem:s23+$0x30];
	_ =	sdelay $0x6  }
0xc6: {  	vm1 =	vmmov @!p0 $0xffff;
	s19 =	simm.s32 @!p0 $0x19000;
	s18 =	simm.s32 @!p0 $0x0  }
0xc7: {  	[tilespmem:s19], [sflag:$0x1] =	stream.indirect_vreg.gather @!p0 [hbm4b:s4+s18], $0x80, v1, vm1, $0xb8;
	[tilespmem:$0x1F000] =	vst v63  }
0xc8: {  	s19 =	simm.s32 @!p0 $0x7  }
0xc9: {  	_ =	swait.ge @!p0 [sflag:s19], $0x800  }
0xca: {  	[sflag:s19] =	ssyncset.done @!p0 $0x0  }
0xcb: {  	[sflag:s19] =	ssyncadd.s32 @!p0 $0xFFFFF800  }
0xcc: {  	v1 =	vld @!p0 [tilespmem:s21+$0x0];
	_ =	sdelay $0x6  }
0xcd: {  	s19 =	simm.s32 @!p0 $0x1C000  }
0xce: {  	[spmem:s2] =	stream.indirect_vreg.scatter.add.f32 @!p0 [tilespmem:s19], [sflag:$0x13], $0x80, v1, vm1, $0xb8;
	[tilespmem:$0x1F000] =	vst v63  }
0xcf: {  	s19 =	simm.s32 @!p0 $0xE  }
0xd0: {  	_ =	swait.ge @!p0 [sflag:s19], $0x800  }
0xd1: {  	[sflag:s19] =	ssyncset.done @!p0 $0x0  }
0xd2: {  	[sflag:s19] =	ssyncadd.s32 @!p0 $0xFFFFF800  }
0xd3: {  	v1 =	vld @!p0 [tilespmem:s23+$0x40];
	_ =	sdelay $0x6  }
0xd4: {  	s19 =	simm.s32 @!p0 $0x19800  }
0xd5: {  	[tilespmem:s19], [sflag:$0x2] =	stream.indirect_vreg.gather @!p0 [hbm4b:s4+s18], $0x80, v1, vm1, $0xb8;
	[tilespmem:$0x1F000] =	vst v63  }
0xd6: {  	s19 =	simm.s32 @!p0 $0x8  }
0xd7: {  	_ =	swait.ge @!p0 [sflag:s19], $0x800  }
0xd8: {  	[sflag:s19] =	ssyncset.done @!p0 $0x0  }
0xd9: {  	[sflag:s19] =	ssyncadd.s32 @!p0 $0xFFFFF800  }
0xda: {  	v1 =	vld @!p0 [tilespmem:s21+$0x10];
	_ =	sdelay $0x6  }
0xdb: {  	s19 =	simm.s32 @!p0 $0x1C800  }
0xdc: {  	[spmem:s2] =	stream.indirect_vreg.scatter.add.f32 @!p0 [tilespmem:s19], [sflag:$0x14], $0x80, v1, vm1, $0xb8;
	[tilespmem:$0x1F000] =	vst v63  }
0xdd: {  	s19 =	simm.s32 @!p0 $0xF  }
0xde: {  	_ =	swait.ge @!p0 [sflag:s19], $0x800  }
0xdf: {  	[sflag:s19] =	ssyncset.done @!p0 $0x0  }
0xe0: {  	[sflag:s19] =	ssyncadd.s32 @!p0 $0xFFFFF800  }
0xe1: {  	v1 =	vld @!p0 [tilespmem:s23+$0x50];
	_ =	sdelay $0x6  }
0xe2: {  	s19 =	simm.s32 @!p0 $0x1A000  }
0xe3: {  	[tilespmem:s19], [sflag:$0x3] =	stream.indirect_vreg.gather @!p0 [hbm4b:s4+s18], $0x80, v1, vm1, $0xb8;
	[tilespmem:$0x1F000] =	vst v63  }
0xe4: {  	_ =	swait.ge [sflag:s1], $0x800  }
0xe5: {  	[sflag:s1] =	ssyncset.done $0x0  }
0xe6: {  	s17 =	sadd.s32 $0x80, s17;
	[sflag:s1] =	ssyncadd.s32 $0xFFFFF800  }
0xe7: {  	v1 =	vld [tilespmem:s17+$0x16800];
	_ =	sdelay $0x7  }
0xe8: {  	[spmem:s2] =	stream.indirect_vreg.scatter.add.f32 [tilespmem:s25], [sflag:$0x15], $0x80, v1, vm0, $0xb8;
	[tilespmem:$0x1F000] =	vst v63  }
0xe9: {  	_ =	swait.ge [sflag:s6], $0x800  }
0xea: {  	[sflag:s6] =	ssyncset.done $0x0  }
0xeb: {  	s17 =	simm.s32 @p0 $0xA;
	[sflag:s6] =	ssyncadd.s32 $0xFFFFF800  }
0xec: {  	_ =	swait.ge @p0 [sflag:s17], $0x800  }
0xed: {  	[sflag:s17] =	ssyncset.done @p0 $0x0  }
0xee: {  	[sflag:s17] =	ssyncadd.s32 @p0 $0xFFFFF800  }
0xef: {  	v1 =	vld @p0 [tilespmem:s21+$0x30];
	_ =	sdelay $0x6  }
0xf0: {  	s17 =	simm.s32 @p0 $0x1D800  }
0xf1: {  	[spmem:s2] =	stream.indirect_vreg.scatter.add.f32 @p0 [tilespmem:s17], [sflag:$0x16], $0x80, v1, vm2, $0xb8;
	[tilespmem:$0x1F000] =	vst v63  }
0xf2: {  	s17 =	simm.s32 @p0 $0x11  }
0xf3: {  	_ =	swait.ge @p0 [sflag:s17], $0x800  }
0xf4: {  	[sflag:s17] =	ssyncset.done @p0 $0x0  }
0xf5: {  	[sflag:s17] =	ssyncadd.s32 @p0 $0xFFFFF800  }
0xf6: {  	v1 =	vld @!p0 [tilespmem:s23+$0x60];
	_ =	sdelay $0x6  }
0xf7: {  	s17 =	simm.s32 @!p0 $0x1A800  }
0xf8: {  	[tilespmem:s17], [sflag:$0x4] =	stream.indirect_vreg.gather @!p0 [hbm4b:s4+s18], $0x80, v1, vm1, $0xb8;
	[tilespmem:$0x1F000] =	vst v63  }
0xf9: {  	s17 =	simm.s32 @!p0 $0xA  }
0xfa: {  	_ =	swait.ge @!p0 [sflag:s17], $0x800  }
0xfb: {  	[sflag:s17] =	ssyncset.done @!p0 $0x0  }
0xfc: {  	[sflag:s17] =	ssyncadd.s32 @!p0 $0xFFFFF800  }
0xfd: {  	v1 =	vld @!p0 [tilespmem:s21+$0x30];
	_ =	sdelay $0x6  }
0xfe: {  	s17 =	simm.s32 @!p0 $0x1D800  }
0xff: {  	[spmem:s2] =	stream.indirect_vreg.scatter.add.f32 @!p0 [tilespmem:s17], [sflag:$0x16], $0x80, v1, vm1, $0xb8;
	[tilespmem:$0x1F000] =	vst v63  }
0x100: {  	s17 =	simm.s32 @!p0 $0x11  }
0x101: {  	_ =	swait.ge @!p0 [sflag:s17], $0x800  }
0x102: {  	[sflag:s17] =	ssyncset.done @!p0 $0x0  }
0x103: {  	s16 =	sadd.s32 @!p0 s16, s28;
	[sflag:s17] =	ssyncadd.s32 @!p0 $0xFFFFF800  }
0x104: {  	v1 =	vld @!p0 [tilespmem:s16+$0x14100];
	_ =	sdelay $0x6  }
0x105: {  	s16 =	simm.s32 @!p0 $0x1B000  }
0x106: {  	[tilespmem:s16], [sflag:$0x5] =	stream.indirect_vreg.gather @!p0 [hbm4b:s4+s18], $0x80, v1, vm1, $0xb8;
	[tilespmem:$0x1F000] =	vst v63  }
0x107: {  	_ =	swait.ge [sflag:s12], $0x800  }
0x108: {  	[sflag:s12] =	ssyncset.done $0x0  }
0x109: {  	[sflag:s12] =	ssyncadd.s32 $0xFFFFF800  }
0x10a: {  	v1 =	vld [tilespmem:s21+$0x40];
	_ =	sdelay $0x6  }
.Ltmp4:
0x10b: {  	_ = 	snop;
	(pc) =	sbr.rel @p0 .LBB2_8-.Ltmp4, $4  }
0x10c: {  	[spmem:s2] =	stream.indirect_vreg.scatter.add.f32 [tilespmem:s30], [sflag:$0x17], $0x80, v1, vm0, $0xb8;
	[tilespmem:$0x1F000] =	vst v63  }
0x10d: {  	_ =	swait.ge [sflag:s7], $0x800  }
0x10e: {  	[sflag:s7] =	ssyncset.done $0x0  }
0x10f: {  	[sflag:s7] =	ssyncadd.s32 $0xFFFFF800  }
0x110: {  	v1 =	vld [tilespmem:s23+$0x80];
	_ =	sdelay $0x7  }
0x111: {  	[tilespmem:s20], [sflag:$0x6] =	stream.indirect_vreg.gather [hbm4b:s4+s3], $0x80, v1, vm0, $0xb8;
	[tilespmem:$0x1F000] =	vst v63  }
0x112: {  	_ =	swait.ge [sflag:s13], $0x800  }
0x113: {  	[sflag:s13] =	ssyncset.done $0x0  }
0x114: {  	[sflag:s13] =	ssyncadd.s32 $0xFFFFF800  }
0x115: {  	v1 =	vld [tilespmem:s21+$0x50];
	_ =	sdelay $0x7  }
0x116: {  	[spmem:s2] =	stream.indirect_vreg.scatter.add.f32 [tilespmem:s0], [sflag:$0x18], $0x80, v1, vm0, $0xb8;
	[tilespmem:$0x1F000] =	vst v63  }
0x117: {  	_ =	swait.ge [sflag:s8], $0x800  }
0x118: {  	[sflag:s8] =	ssyncset.done $0x0  }
0x119: {  	[sflag:s8] =	ssyncadd.s32 $0xFFFFF800  }
0x11a: {  	v1 =	vld [tilespmem:s23+$0x90];
	_ =	sdelay $0x3  }
.Ltmp5:
0x11b: {  	_ = 	snop;
	(pc) =	sbr.rel .LBB2_6-.Ltmp5, $4  }
0x11c: {  	_ = 	snop  }
0x11d: {  	s16 =	simm.s32 $0x1C000  }
0x11e: {  	s9 =	sadd.s32 $0xC0, s9;
	s21 =	sadd.s32 $0xC0, s21;
	s23 =	sadd.s32 $0xC0, s23  }
0x11f: {  	[tilespmem:s16], [sflag:$0x7] =	stream.indirect_vreg.gather [hbm4b:s4+s3], $0x80, v1, vm0, $0xb8;
	[tilespmem:$0x1F000] =	vst v63  }
.LBB2_9:
0x120: {  	_ =	sfence.sel $0x180000  }
0x121: {  	[bflag:$0x0] =	sbarrier.arrive $0xFFFF  }
0x122: {  	_ =	strace $0x9000004A  }
0x123: {  	s0 =	stileid.u32;
	[bflag:$0x2] =	sbarrier.arrive $0xFFFF  }
0x124: {  	p0 =	sne.s32 s0, $0x0;
	s0 =	rddreg [dreg:$0x2]  }
0x125: {  	s0 =	sadd.s32 @!p0 $0x100000, s0  }
0x126: {  	[sflag:s0] =	ssyncadd.tile.s32 @!p0 $0x1;
	_ =	shalt  }
.Lfunc_end2:
_tile_overlayer_lowered:
.L_overlay_start_2:
0x127: {  	(tag) =	ssettag $0x2  }
0x128: {  	s0 =	rddreg [dreg:$0x0];
	s2 =	stileid.u32  }
0x129: {  	s1 =	rddreg [dreg:$0x1];
	p0 =	sne.s32 s2, $0x0  }
0x12a: {  	s3 =	rddreg [dreg:$0x2];
	[bflag:$0x3] =	sbarrier.arrive $0xFFFF;
	s2 =	simm.s32 @!p0 $0x1C19  }
0x12b: {  	[timem:s3], [sflag:s2] =	dma.local @!p0 [hbm:s0], s1  }
0x12c: {  	s0 =	simm.s32 @!p0 $0x19  }
0x12d: {  	_ =	swait.ge @!p0 [sflag:s0], s1  }
0x12e: {  	s1 =	ssub.s32 @!p0 $0x0, s1;
	[sflag:s0] =	ssyncset.done @!p0 $0x0  }
0x12f: {  	[sflag:s0] =	ssyncadd.s32 @!p0 s1  }
0x130: {  	[bflag:$0x3] =	sbarrier.arrive $0xFFFF  }
0x131: {  	_ =	shalt  }

// kernel: kernel.14.cloned.1.call-start
scs
__scs_entry_jumppad:
0x0: {  	(pc) =	sbr.rel $0x88, $3  }
0x1: {  	(tag) =	ssettag $0x0;
	lr =	simm.s32 $0x1  }
0x2: {  	[smem:$0x3F9B] =	sst lr;
	_ =	strace $0xD0000000  }
0x3: {  	_ = 	snop  }
0x4: {  	_ = 	snop  }
0x5: {  	_ = 	snop  }
0x6: {  	_ = 	snop  }
0x7: {  	_ = 	snop  }
__scs_overlays_trampoline_lowered:
0x8: {  	[smem:$0x3FAA] =	sst s0  }
0x9: {  	[smem:$0x3FAB] =	sst s1  }
0xa: {  	[smem:$0x3FAC] =	sst s2  }
0xb: {  	[smem:$0x3FAD] =	sst s3  }
0xc: {  	[smem:$0x3FAE] =	sst s4  }
0xd: {  	[smem:$0x3FAF] =	sst s5  }
0xe: {  	[smem:$0x3FB0] =	sst s6  }
0xf: {  	[smem:$0x3FB1] =	sst s7  }
0x10: {  	[smem:$0x3FB2] =	sst s8  }
0x11: {  	[smem:$0x3FB3] =	sst s9;
	s0 =	simm.s32 @!p0 $0x0  }
0x12: {  	s1 =	sld [smem:$0x3F99];
	s0 =	simm.s32 @p0 $0x1  }
0x13: {  	[smem:$0x3FB4] =	sst s0;
	s0 =	simm.s32 @!p1 $0x0  }
0x14: {  	s2 =	sld [smem:$0x3F98];
	s0 =	simm.s32 @p1 $0x1  }
0x15: {  	[smem:$0x3FB5] =	sst s0;
	s0 =	simm.s32 @!p2 $0x0  }
0x16: {  	s3 =	sld [smem:$0x3FDB];
	s0 =	simm.s32 @p2 $0x1  }
0x17: {  	s4 =	simm.s32 $0x1BF5;
	[smem:$0x3FB7] =	sst s0  }
0x18: {  	s0 =	sld [smem:$0x3F9A];
	_ =	swait.ge [sflag:s4], $0x0  }
0x19: {  	s7 =	sld [smem:$0x3F9B]  }
0x1a: {  	s8 =	sadd.s32 $0xFFFFE003, lr  }
0x1b: {  	s9 =	sadd.s32 $0xFFFFFEF7, lr;
	s5 =	simm.s32 $0xFFFFFFFF;
	p2 =	slt.u32 s8, $0xFFFFF086  }
0x1c: {  	p1 =	slt.u32 s9, $0xF7A;
	s5 =	simm.s32 @!p2 $0x0  }
0x1d: {  	s5 =	simm.s32 @p1 $0x1;
	p0 =	seq.s32 s7, s2  }
0x1e: {  	s7 =	smul.u32 @!p0 $0xF7A, s2;
	p2 =	seq.s32 @!p0 s5, $0x0  }
0x1f: {  	s9 =	smul.u32 $0xF7A, s1;
	s8 =	simm.s32 @!p0 $0x1BF5;
	p2 =	por !p2, p0  }
0x20: {  	[sflag:s8] =	ssyncset.s32 @!p0 $0xFFFFF086;
	s6 =	sadd.s32 @!p0 s3, s7;
	s7 =	simm.s32 @!p0 $0x108  }
0x21: {  	s3 =	sadd.s32 s3, s9;
	s6 =	sadd.s32 @!p0 $0x88, s6;
	s7 =	simm.s32 @p2 $0x1082  }
0x22: {  	[simem:s7], [sflag:s8] =	dma.local @!p0 [hbm:s6], $0xF7A  }
0x23: {  	s9 =	sor.u32 $0xD0000000, s2;
	s6 =	simm.s32 $0x108;
	_ =	swait.ge @!p0 [sflag:s8], $0x0  }
0x24: {  	s3 =	sadd.s32 $0x88, s3;
	s6 =	simm.s32 @!p1 $0x1082;
	[sflag:s4] =	ssyncset.s32 $0xFFFFF086  }
0x25: {  	[simem:s6], [sflag:s4] =	dma.local [hbm:s3], $0xF7A  }
0x26: {  	[smem:$0x3F9B] =	sst s1;
	(tag) =	ssettag s2;
	_ =	strace s9  }
0x27: {  	s1 =	sld [smem:$0x3FAB]  }
0x28: {  	s2 =	sld [smem:$0x3FAC]  }
0x29: {  	s4 =	sld [smem:$0x3FAE]  }
0x2a: {  	p0 =	seq.s32 s5, $0x0;
	s5 =	sld [smem:$0x3FAF]  }
0x2b: {  	s6 =	sld [smem:$0x3FB0]  }
0x2c: {  	s7 =	sld [smem:$0x3FB1]  }
0x2d: {  	s3 =	simm.s32 $0x108;
	s8 =	sld [smem:$0x3FB2]  }
0x2e: {  	s3 =	simm.s32 @!p0 $0x1082;
	s9 =	sld [smem:$0x3FB3]  }
0x2f: {  	lr =	sadd.s32 s0, s3;
	s0 =	sld [smem:$0x3FAA]  }
0x30: {  	s3 =	sld [smem:$0x3FAD]  }
0x31: {  	[smem:$0x3FB6] =	sst s10  }
0x32: {  	s10 =	sld [smem:$0x3FB4];
	_ =	sdelay $0x3  }
0x33: {  	p0 =	seq.s32 s10, $0x1;
	s10 =	sld [smem:$0x3FB6];
	_ =	sdelay $0x3  }
0x34: {  	[smem:$0x3FB6] =	sst s10  }
0x35: {  	s10 =	sld [smem:$0x3FB5];
	_ =	sdelay $0x3  }
0x36: {  	p1 =	seq.s32 s10, $0x1;
	s10 =	sld [smem:$0x3FB6];
	_ =	sdelay $0x3  }
0x37: {  	[smem:$0x3FB6] =	sst s10  }
0x38: {  	s10 =	sld [smem:$0x3FB7]  }
0x39: {  	_ = 	snop;
	(pc) =	sbr.ind lr, $3  }
0x3a: {  	_ = 	snop  }
0x3b: {  	_ = 	snop  }
0x3c: {  	p2 =	seq.s32 s10, $0x1;
	s10 =	sld [smem:$0x3FB6]  }
0x3d: {  	_ =	shalt  }
0x3e: {  	_ =	shalt  }
0x3f: {  	_ =	shalt  }
0x40: {  	_ =	shalt  }
0x41: {  	_ =	shalt  }
0x42: {  	_ =	shalt  }
0x43: {  	_ =	shalt  }
0x44: {  	_ =	shalt  }
0x45: {  	_ =	shalt  }
0x46: {  	_ =	shalt  }
0x47: {  	_ =	shalt  }
0x48: {  	_ =	shalt  }
0x49: {  	_ =	shalt  }
0x4a: {  	_ =	shalt  }
0x4b: {  	_ =	shalt  }
0x4c: {  	_ =	shalt  }
0x4d: {  	_ =	shalt  }
0x4e: {  	_ =	shalt  }
0x4f: {  	_ =	shalt  }
0x50: {  	_ =	shalt  }
0x51: {  	_ =	shalt  }
0x52: {  	_ =	shalt  }
0x53: {  	_ =	shalt  }
0x54: {  	_ =	shalt  }
0x55: {  	_ =	shalt  }
0x56: {  	_ =	shalt  }
0x57: {  	_ =	shalt  }
0x58: {  	_ =	shalt  }
0x59: {  	_ =	shalt  }
0x5a: {  	_ =	shalt  }
0x5b: {  	_ =	shalt  }
0x5c: {  	_ =	shalt  }
0x5d: {  	_ =	shalt  }
0x5e: {  	_ =	shalt  }
0x5f: {  	_ =	shalt  }
0x60: {  	_ =	shalt  }
0x61: {  	_ =	shalt  }
0x62: {  	_ =	shalt  }
0x63: {  	_ =	shalt  }
0x64: {  	_ =	shalt  }
0x65: {  	_ =	shalt  }
0x66: {  	_ =	shalt  }
0x67: {  	_ =	shalt  }
0x68: {  	_ =	shalt  }
0x69: {  	_ =	shalt  }
0x6a: {  	_ =	shalt  }
0x6b: {  	_ =	shalt  }
0x6c: {  	_ =	shalt  }
0x6d: {  	_ =	shalt  }
0x6e: {  	_ =	shalt  }
0x6f: {  	_ =	shalt  }
0x70: {  	_ =	shalt  }
0x71: {  	_ =	shalt  }
0x72: {  	_ =	shalt  }
0x73: {  	_ =	shalt  }
0x74: {  	_ =	shalt  }
0x75: {  	_ =	shalt  }
0x76: {  	_ =	shalt  }
0x77: {  	_ =	shalt  }
0x78: {  	_ =	shalt  }
0x79: {  	_ =	shalt  }
0x7a: {  	_ =	shalt  }
0x7b: {  	_ =	shalt  }
0x7c: {  	_ =	shalt  }
0x7d: {  	_ =	shalt  }
0x7e: {  	_ =	shalt  }
0x7f: {  	_ =	shalt  }
0x80: {  	_ =	shalt  }
0x81: {  	_ =	shalt  }
0x82: {  	_ =	shalt  }
0x83: {  	_ =	shalt  }
0x84: {  	_ =	shalt  }
0x85: {  	_ =	shalt  }
0x86: {  	_ =	shalt  }
0x87: {  	_ =	shalt  }
.Lfunc_end0:
.L_simem_size_0:
called_computation.2_lowered:
.L_overlay_start_0:
0x88: {  	s2 =	sld [smem:$0x3FD9]  }
0x89: {  	s3 =	sld [smem:$0x3FFE];
	_ =	sdelay $0x1  }
0x8a: {  	s1 =	srdreg.scid  }
0x8b: {  	s0 =	sand.u32 $0x1, s1  }
0x8c: {  	s16 =	sshll.u32 s0, $0xA;
	s2 =	sadd.s32 s3, s2  }
0x8d: {  	s2 =	sadd.s32 s2, s16  }
0x8e: {  	[smem:$0x3FC2] =	sst s2  }
0x8f: {  	_ = 	snop  }
0x90: {  	(tm) =	ssettm $0x1  }
0x91: {  	s17 =	sld [smem:$0x3FFB];
	_ =	sdelay $0x3  }
0x92: {  	_ =	strace s17  }
0x93: {  	s2 =	sld [smem:$0x3FFC];
	_ =	sdelay $0x3  }
0x94: {  	_ =	strace s2  }
0x95: {  	s2 =	sld [smem:$0x3FFD];
	_ =	sdelay $0x3  }
0x96: {  	_ =	strace s2  }
0x97: {  	_ =	strace $0x8FFFFFFF  }
0x98: {  	s18 =	sld [smem:$0x3FDB];
	_ =	sdelay $0x1  }
0x99: {  	s19 =	simm.s32 $_scs_section_size  }
0x9a: {  	s4 =	simm.s32 $_size__tile_overlayer_lowered;
	s5 =	simm.s32 $_tile_overlayer_lowered  }
0x9b: {  	s22 =	simm.s32 $0x1BFF;
	s21 =	sshll.u32 s5, $0x1;
	s2 =	sadd.s32 s19, s18  }
0x9c: {  	s6 =	simm.s32 $0x0;
	s20 =	sshll.u32 s4, $0x1;
	s4 =	sadd.s32 s21, s2  }
0x9d: {  	[timem:s6], [sflag:s22] =	dma.local [hbm:s4], s20  }
0x9e: {  	_ =	swait.ge [sflag:s22], s20  }
0x9f: {  	s3 =	ssub.s32 $0x0, s20;
	[sflag:s22] =	ssyncset.done $0x0  }
0xa0: {  	[sflag:s22] =	ssyncadd.s32 s3;
	_ =	sdelay $0x1  }
0xa1: {  	s23 =	simm.s32 $0x1B8B  }
0xa2: {  	_ =	swait.ge [sflag:s23], $0x1  }
0xa3: {  	[sflag:s23] =	ssyncset.done $0x0  }
0xa4: {  	s25 =	simm.s32 $0x1B8E;
	s24 =	sld [smem:$0x3FFE];
	[sflag:s23] =	ssyncadd.s32 $0xFFFFFFFF  }
0xa5: {  	s26 =	simm.s32 $execute0_lowered;
	[smem:$0x3FD2] =	sst s25  }
0xa6: {  	s4 =	sshll.u32 s26, $0x1;
	_ =	strace $0x8000004C;
	[dreg:$0x1] =	wrdreg $0xFFFFFFFF  }
0xa7: {  	s28 =	simm.s32 $_size_execute0_lowered;
	s2 =	sadd.s32 s2, s4;
	[dreg:$0x0] =	wrdreg $0x0  }
0xa8: {  	s4 =	sshll.u32 s28, $0x1;
	[dreg:$0x2] =	wrdreg s2  }
0xa9: {  	[dreg:$0x3] =	wrdreg s4  }
0xaa: {  	[dreg:$0x4] =	wrdreg $0xC0  }
0xab: {  	_ =	task [dreg:s6], $0x5FFFF  }
0xac: {  	[dreg:$0x1] =	wrdreg $0xFFFFFFFF  }
0xad: {  	[dreg:$0x0] =	wrdreg $0x60  }
0xae: {  	[dreg:$0x2] =	wrdreg s24  }
0xaf: {  	[dreg:$0x3] =	wrdreg $0x0  }
0xb0: {  	[dreg:$0x4] =	wrdreg $0x2800  }
0xb1: {  	[dreg:$0x5] =	wrdreg $0x9  }
0xb2: {  	_ =	task.clear_ibuf [dreg:s6], $0x6FFFF;
	_ =	strace $0x9000004C  }
0xb3: {  	s29 =	simm.s32 $0x9;
	_ =	strace $0x8000004E  }
0xb4: {  	_ =	swait.ge [sflag:s29], $0x1  }
0xb5: {  	[sflag:s29] =	ssyncadd.s32 $0xFFFFFFFF  }
0xb6: {  	_ =	strace $0x9000004E  }
0xb7: {  	_ =	sfence  }
0xb8: {  	s30 =	sld [smem:$0x0];
	_ =	sdelay $0x2  }
0xb9: {  	s31 =	sshll.u32 s1, $0xD;
	s1 =	sshrl.u32 s1, $0x2  }
0xba: {  	s3 =	sand.u32 $0x4000, s31;
	s1 =	sadd.s32 s1, s30  }
0xbb: {  	s0 =	sor.u32 s3, s0;
	s1 =	sshll.u32 s1, $0x11  }
0xbc: {  	s0 =	sor.u32 s1, s0  }
0xbd: {  	s0 =	sadd.s32 $0x8F2B, s0  }
0xbe: {  	[sflag:s0] =	ssyncadd.remote.s32 $0x1  }
0xbf: {  	_ =	sfence.sel $0xFFFF  }
0xc0: {  	[dreg:$0x0] =	wrdreg $0xFFFFFFFF;
	(pc) =	sbr.abs _section_cstart, $3  }
0xc1: {  	[dreg:$0x1] =	wrdreg $0xFFFFFFFF  }
0xc2: {  	_ =	task.clear_ibuf [dreg:s6], $0x2FFFF;
	_ =	strace $0x9FFFFFFF  }
0xc3: {  	(tm) =	ssettm $0x7FFFFFFF  }
tec
execute0_lowered:
.L_overlay_start_1:
0x0: {  	(tag) =	ssettag $0x1  }
0x1: {  	s1 =	rddreg [dreg:$0x0]  }
0x2: {  	s0 =	rddreg [dreg:$0x1]  }
0x3: {  	s2 =	srdreg.scid;
	s9 =	stileid.u32  }
0x4: {  	s3 =	rddreg [dreg:$0x2];
	s7 =	simm.s32 $0x0;
	s12 =	simm.s32 $0x11  }
0x5: {  	s14 =	simm.s32 $0x80;
	s18 =	simm.s32 $0x5500;
	s20 =	simm.s32 $0x5580  }
0x6: {  	s28 =	simm.s32 $0x2;
	s29 =	simm.s32 $0x5780;
	s30 =	simm.s32 $0x3  }
0x7: {  	s31 =	simm.s32 $0x5800;
	s11 =	simm.s32 $0x5;
	s15 =	simm.s32 $0x9  }
0x8: {  	s17 =	simm.s32 $0xB;
	s19 =	simm.s32 $0x8;
	s21 =	simm.s32 $0xC  }
0x9: {  	s2 =	sand.u32 $0x1, s2;
	s4 =	sshll.u32 s9, $0x1;
	s5 =	sshrl.u32 s9, $0x2  }
0xa: {  	[smem:$0x7FF] =	sst s7;
	s22 =	sadd.s32 $0xBA00, s1;
	s23 =	smul.u32 $0x500, s9  }
0xb: {  	s8 =	smul.u32 $0xA00, s9;
	p0 =	sne.s32 s9, $0x0;
	s9 =	simm.s32 $0x0  }
0xc: {  	s4 =	sor.u32 s2, s4;
	s5 =	smul.u32 $0x14000, s5;
	_ =	strace $0x8000004D  }
0xd: {  	[dreg:$0x4] =	wrdreg s22;
	s24 =	sshll.u32 s2, $0x7;
	s2 =	ssub.s32 $0x2, s2  }
0xe: {  	s22 =	simm.s32 $0x5600;
	s6 =	sshll.u32 s4, $0x7;
	s4 =	smul.u32 $0x500, s4  }
0xf: {  	s25 =	sshrl.u32 s2, $0x1;
	s8 =	sshrl.u32 s8, $0x2;
	s6 =	sand.u32 $0x380, s6  }
0x10: {  	s2 =	ssub.s32 s2, s25;
	s25 =	simm.s32 $0x1;
	s5 =	sor.u32 s5, s6  }
0x11: {  	s4 =	sadd.s32 s4, s1;
	s6 =	sor.u32 s24, s23;
	s26 =	smax.u32 s2, $0x1  }
0x12: {  	s24 =	simm.s32 $0x5680;
	s2 =	simm.s32 $0x7;
	s5 =	sshrl.u32 s5, $0x3  }
0x13: {  	s6 =	sshrl.u32 s6, $0x3;
	s4 =	sadd.s32 $0x1A00, s4;
	[dreg:$0x8] =	wrdreg s26  }
.Ltmp0:
0x14: {  	s26 =	simm.s32 $0x5700;
	s5 =	sadd.s32 s5, s1;
	(pc) =	sbr.rel .LBB2_1-.Ltmp0, $4  }
0x15: {  	s1 =	sadd.s32 s6, s1;
	[dreg:$0x6] =	wrdreg s4;
	s5 =	sadd.s32 $0x97600, s5  }
0x16: {  	s6 =	sadd.s32 s8, s0;
	s1 =	sadd.s32 $0xC000, s1;
	[dreg:$0x5] =	wrdreg s5  }
0x17: {  	s4 =	simm.s32 $0x5880;
	[dreg:$0x7] =	wrdreg s1;
	s1 =	sshrl.u32 @!p0 s3, $0x3  }
0x18: {  	v0 =	vimm.f32 $0.0e+00;
	s8 =	simm.s32 $0x10;
	[dreg:$0x9] =	wrdreg s1;
	s1 =	simm.s32 $0x4  }
.LBB2_4:
0x19: {  	_ =	swait.ge [sflag:s19], $0x80  }
0x1a: {  	[sflag:s19] =	ssyncset.done $0x0  }
0x1b: {  	[sflag:s19] =	ssyncadd.s32 $0xFFFFFF80  }
0x1c: {  	[spmem:s0] =	stream.indirect.scatter.add.f32 [tilespmem:s4], [sflag:$0x10], $0x1, s13, s14, $0xb8;
	[tilespmem:$0x5B80] =	vst v63  }
0x1d: {  	_ =	swait.ge [sflag:s21], $0x80  }
0x1e: {  	[sflag:s21] =	ssyncset.done $0x0  }
0x1f: {  	s5 =	simm.s32 $0xD;
	[sflag:s21] =	ssyncadd.s32 $0xFFFFFF80  }
0x20: {  	_ =	swait.ge [sflag:s5], $0x80  }
0x21: {  	[sflag:s5] =	ssyncset.done $0x0  }
0x22: {  	s7 =	simm.s32 $0xE;
	[sflag:s5] =	ssyncadd.s32 $0xFFFFFF80  }
0x23: {  	_ =	swait.ge [sflag:s7], $0x80  }
0x24: {  	[sflag:s7] =	ssyncset.done $0x0  }
0x25: {  	s10 =	simm.s32 $0xF;
	[sflag:s7] =	ssyncadd.s32 $0xFFFFFF80  }
0x26: {  	_ =	swait.ge [sflag:s10], $0x80  }
0x27: {  	[sflag:s10] =	ssyncset.done $0x0  }
0x28: {  	[sflag:s10] =	ssyncadd.s32 $0xFFFFFF80  }
0x29: {  	_ =	swait.ge [sflag:s8], $0x80  }
0x2a: {  	[sflag:s8] =	ssyncset.done $0x0  }
0x2b: {  	s13 =	stileid.u32;
	[sflag:s8] =	ssyncadd.s32 $0xFFFFFF80  }
0x2c: {  	s16 =	simm.s32 $0x20;
	s5 =	sshll.u32 s13, $0x6;
	[bflag:$0x0] =	sbarrier.arrive $0xFFFF  }
0x2d: {  	s5 =	sor.u32 $0x1C11, s5;
	s7 =	sshrl.u32 s6, $0x3;
	s10 =	rddreg [dreg:$0x7]  }
0x2e: {  	[hbm:s10@s16], [sflag:s5] =	dma.strided [spmem:s7@s8], $0x50, s25, $0x10   }
0x2f: {  	_ =	swait.ge [sflag:s12], $0x50  }
0x30: {  	s9 =	sadd.s32 $0x1, s9;
	s23 =	rddreg [dreg:$0x8]  }
0x31: {  	p1 =	sne.s32 s9, s23  }
.Ltmp1:
0x32: {  	_ = 	snop;
	(pc) =	sbr.rel @!p1 .LBB2_5-.Ltmp1, $3  }
0x33: {  	_ =	sdelay $0x1  }
0x34: {  	[sflag:s12] =	ssyncset.done $0x0  }
0x35: {  	[sflag:s12] =	ssyncadd.s32 $0xFFFFFFB0  }
.LBB2_1:
0x36: {  	[tilespmem:$0x5900] =	vst v0  }
0x37: {  	[tilespmem:$0x5910] =	vst v0  }
0x38: {  	[tilespmem:$0x5920] =	vst v0  }
0x39: {  	[tilespmem:$0x5930] =	vst v0  }
0x3a: {  	[tilespmem:$0x5940] =	vst v0  }
0x3b: {  	[tilespmem:$0x5950] =	vst v0  }
0x3c: {  	[tilespmem:$0x5960] =	vst v0  }
0x3d: {  	[tilespmem:$0x5970] =	vst v0  }
0x3e: {  	[tilespmem:$0x5980] =	vst v0  }
0x3f: {  	[tilespmem:$0x5990] =	vst v0  }
0x40: {  	[tilespmem:$0x59A0] =	vst v0  }
0x41: {  	[tilespmem:$0x59B0] =	vst v0  }
0x42: {  	[tilespmem:$0x59C0] =	vst v0  }
0x43: {  	[tilespmem:$0x59D0] =	vst v0  }
0x44: {  	[tilespmem:$0x59E0] =	vst v0  }
0x45: {  	[tilespmem:$0x59F0] =	vst v0  }
0x46: {  	[tilespmem:$0x5A00] =	vst v0  }
0x47: {  	[tilespmem:$0x5A10] =	vst v0  }
0x48: {  	[tilespmem:$0x5A20] =	vst v0  }
0x49: {  	[tilespmem:$0x5A30] =	vst v0  }
0x4a: {  	[tilespmem:$0x5A40] =	vst v0  }
0x4b: {  	[tilespmem:$0x5A50] =	vst v0  }
0x4c: {  	[tilespmem:$0x5A60] =	vst v0  }
0x4d: {  	[tilespmem:$0x5A70] =	vst v0  }
0x4e: {  	[tilespmem:$0x5A80] =	vst v0  }
0x4f: {  	[tilespmem:$0x5A90] =	vst v0  }
0x50: {  	[tilespmem:$0x5AA0] =	vst v0  }
0x51: {  	[tilespmem:$0x5AB0] =	vst v0  }
0x52: {  	[tilespmem:$0x5AC0] =	vst v0  }
0x53: {  	[tilespmem:$0x5AD0] =	vst v0  }
0x54: {  	[tilespmem:$0x5AE0] =	vst v0  }
0x55: {  	[tilespmem:$0x5AF0] =	vst v0  }
0x56: {  	[tilespmem:$0x5B00] =	vst v0  }
0x57: {  	[tilespmem:$0x5B10] =	vst v0  }
0x58: {  	[tilespmem:$0x5B20] =	vst v0  }
0x59: {  	[tilespmem:$0x5B30] =	vst v0  }
0x5a: {  	[tilespmem:$0x5B40] =	vst v0  }
0x5b: {  	[tilespmem:$0x5B50] =	vst v0  }
0x5c: {  	[tilespmem:$0x5B60] =	vst v0  }
0x5d: {  	[tilespmem:$0x5B70] =	vst v0;
	s5 =	simm.s32 $0x5900  }
0x5e: {  	[spmem:s6] =	stream.linear.scatter [tilespmem:s5], [sflag:$0x11], $0x280, $0x38;
	[tilespmem:$0x5B80] =	vst v63  }
0x5f: {  	_ =	swait.ge [sflag:s12], $0x280  }
0x60: {  	[sflag:s12] =	ssyncset.done $0x0;
	s5 =	rddreg [dreg:$0x4]  }
0x61: {  	s10 =	simm.s32 @!p0 $0x1C11;
	s7 =	rddreg [dreg:$0x9];
	[sflag:s12] =	ssyncadd.s32 $0xFFFFFD80  }
0x62: {  	[spmem:s7], [sflag:s10] =	dma.local @!p0 [hbm:s5], $0x500  }
0x63: {  	s10 =	simm.s32 @!p0 $0x11  }
0x64: {  	_ =	swait.ge @!p0 [sflag:s10], $0x500  }
0x65: {  	s13 =	simm.s32 $0x400;
	[sflag:s10] =	ssyncset.done @!p0 $0x0  }
0x66: {  	s7 =	rddreg [dreg:$0x5];
	[sflag:s10] =	ssyncadd.s32 @!p0 $0xFFFFFB00;
	s10 =	simm.s32 $0x500  }
0x67: {  	[tilespmem:s10], [sflag:$0x11] =	stream.strided.gather [hbm4b:s7+s14], $0x2800, s13, s14, $0x38;
	[tilespmem:$0x5B80] =	vst v63  }
0x68: {  	_ =	swait.ge [sflag:s12], $0x2800  }
0x69: {  	s16 =	simm.s32 $0x0;
	[sflag:s12] =	ssyncset.done $0x0  }
0x6a: {  	s13 =	simm.s32 $0x2D00;
	s23 =	rddreg [dreg:$0x6];
	[sflag:s12] =	ssyncadd.s32 $0xFFFFD800  }
0x6b: {  	[tilespmem:s13], [sflag:$0x11] =	stream.linear.gather [hbm4b:s23+s16], $0x2800, $0x38;
	[tilespmem:$0x5B80] =	vst v63  }
0x6c: {  	_ =	swait.ge [sflag:s12], $0x2800  }
0x6d: {  	[sflag:s12] =	ssyncset.done $0x0  }
0x6e: {  	[sflag:s12] =	ssyncadd.s32 $0xFFFFD800  }
0x6f: {  	[bflag:$0x0] =	sbarrier.arrive $0xFFFF  }
0x70: {  	[tilespmem:s18], [sflag:$0x1] =	stream.indirect.gather [spmem:s3], $0x1, s10, s14, $0xb8;
	[tilespmem:$0x5B80] =	vst v63  }
0x71: {  	s13 =	simm.s32 $0x580  }
0x72: {  	[tilespmem:s20], [sflag:$0x2] =	stream.indirect.gather [spmem:s3], $0x1, s13, s14, $0xb8;
	[tilespmem:$0x5B80] =	vst v63  }
0x73: {  	s16 =	simm.s32 $0x600  }
0x74: {  	[tilespmem:s22], [sflag:$0x3] =	stream.indirect.gather [spmem:s3], $0x1, s16, s14, $0xb8;
	[tilespmem:$0x5B80] =	vst v63  }
0x75: {  	s23 =	simm.s32 $0x680;
	s10 =	simm.s32 $0x0  }
0x76: {  	[tilespmem:s24], [sflag:$0x4] =	stream.indirect.gather [spmem:s3], $0x1, s23, s14, $0xb8;
	[tilespmem:$0x5B80] =	vst v63  }
.LBB2_2:
0x77: {  	_ =	swait.ge [sflag:s25], $0x80  }
0x78: {  	s16 =	sshra.s32 s10, $0x2;
	[sflag:s25] =	ssyncset.done $0x0  }
0x79: {  	p1 =	seq.s32 s10, $0x0;
	s13 =	sadd.s32 $0x2D00, s16;
	[sflag:s25] =	ssyncadd.s32 $0xFFFFFF80  }
0x7a: {  	[spmem:s0] =	stream.indirect.scatter.add.f32 [tilespmem:s18], [sflag:$0x9], $0x1, s13, s14, $0xb8;
	[tilespmem:$0x5B80] =	vst v63  }
0x7b: {  	s13 =	simm.s32 @!p1 $0xD  }
0x7c: {  	_ =	swait.ge @!p1 [sflag:s13], $0x80  }
0x7d: {  	[sflag:s13] =	ssyncset.done @!p1 $0x0  }
0x7e: {  	s5 =	sadd.s32 $0x700, s16;
	[sflag:s13] =	ssyncadd.s32 @!p1 $0xFFFFFF80  }
0x7f: {  	[tilespmem:s26], [sflag:$0x5] =	stream.indirect.gather [spmem:s3], $0x1, s5, s14, $0xb8;
	[tilespmem:$0x5B80] =	vst v63  }
0x80: {  	_ =	swait.ge [sflag:s28], $0x80  }
0x81: {  	[sflag:s28] =	ssyncset.done $0x0  }
0x82: {  	s7 =	sadd.s32 $0x2D80, s16;
	s13 =	simm.s32 @!p1 $0xE;
	[sflag:s28] =	ssyncadd.s32 $0xFFFFFF80  }
0x83: {  	[spmem:s0] =	stream.indirect.scatter.add.f32 [tilespmem:s20], [sflag:$0xA], $0x1, s7, s14, $0xb8;
	[tilespmem:$0x5B80] =	vst v63  }
0x84: {  	_ =	swait.ge @!p1 [sflag:s13], $0x80  }
0x85: {  	[sflag:s13] =	ssyncset.done @!p1 $0x0  }
0x86: {  	s23 =	sadd.s32 $0x780, s16;
	[sflag:s13] =	ssyncadd.s32 @!p1 $0xFFFFFF80  }
0x87: {  	[tilespmem:s29], [sflag:$0x6] =	stream.indirect.gather [spmem:s3], $0x1, s23, s14, $0xb8;
	[tilespmem:$0x5B80] =	vst v63  }
0x88: {  	_ =	swait.ge [sflag:s30], $0x80  }
0x89: {  	[sflag:s30] =	ssyncset.done $0x0  }
0x8a: {  	s5 =	sadd.s32 $0x2E00, s16;
	s13 =	simm.s32 @!p1 $0xF;
	[sflag:s30] =	ssyncadd.s32 $0xFFFFFF80  }
0x8b: {  	[spmem:s0] =	stream.indirect.scatter.add.f32 [tilespmem:s22], [sflag:$0xB], $0x1, s5, s14, $0xb8;
	[tilespmem:$0x5B80] =	vst v63  }
0x8c: {  	_ =	swait.ge @!p1 [sflag:s13], $0x80  }
0x8d: {  	[sflag:s13] =	ssyncset.done @!p1 $0x0  }
0x8e: {  	s7 =	sadd.s32 $0x800, s16;
	[sflag:s13] =	ssyncadd.s32 @!p1 $0xFFFFFF80  }
0x8f: {  	[tilespmem:s31], [sflag:$0x7] =	stream.indirect.gather [spmem:s3], $0x1, s7, s14, $0xb8;
	[tilespmem:$0x5B80] =	vst v63  }
0x90: {  	_ =	swait.ge [sflag:s1], $0x80  }
0x91: {  	[sflag:s1] =	ssyncset.done $0x0  }
0x92: {  	s23 =	sadd.s32 $0x2E80, s16;
	s13 =	simm.s32 @!p1 $0x10;
	[sflag:s1] =	ssyncadd.s32 $0xFFFFFF80  }
0x93: {  	[spmem:s0] =	stream.indirect.scatter.add.f32 [tilespmem:s24], [sflag:$0xC], $0x1, s23, s14, $0xb8;
	[tilespmem:$0x5B80] =	vst v63  }
0x94: {  	_ =	swait.ge @!p1 [sflag:s13], $0x80  }
0x95: {  	[sflag:s13] =	ssyncset.done @!p1 $0x0  }
0x96: {  	s5 =	sadd.s32 $0x880, s16;
	[sflag:s13] =	ssyncadd.s32 @!p1 $0xFFFFFF80  }
0x97: {  	[tilespmem:s4], [sflag:$0x8] =	stream.indirect.gather [spmem:s3], $0x1, s5, s14, $0xb8;
	[tilespmem:$0x5B80] =	vst v63  }
0x98: {  	_ =	swait.ge [sflag:s11], $0x80  }
0x99: {  	[sflag:s11] =	ssyncset.done $0x0  }
0x9a: {  	s7 =	sadd.s32 $0x2F00, s16;
	[sflag:s11] =	ssyncadd.s32 $0xFFFFFF80  }
0x9b: {  	[spmem:s0] =	stream.indirect.scatter.add.f32 [tilespmem:s26], [sflag:$0xD], $0x1, s7, s14, $0xb8;
	[tilespmem:$0x5B80] =	vst v63  }
0x9c: {  	_ =	swait.ge [sflag:s15], $0x80  }
0x9d: {  	p1 =	seq.s32 s10, $0x9000;
	[sflag:s15] =	ssyncset.done $0x0  }
0x9e: {  	s13 =	simm.s32 @p1 $0x6;
	[sflag:s15] =	ssyncadd.s32 $0xFFFFFF80  }
0x9f: {  	_ =	swait.ge @p1 [sflag:s13], $0x80  }
0xa0: {  	[sflag:s13] =	ssyncset.done @p1 $0x0  }
0xa1: {  	[sflag:s13] =	ssyncadd.s32 @p1 $0xFFFFFF80;
	s13 =	sshra.s32 @p1 s10, $0x2  }
0xa2: {  	s23 =	simm.s32 @p1 $0x80;
	s5 =	simm.s32 @p1 $0x5780;
	s13 =	sadd.s32 @p1 $0x2F80, s13  }
0xa3: {  	[spmem:s0] =	stream.indirect.scatter.add.f32 @p1 [tilespmem:s5], [sflag:$0xE], $0x1, s13, s23, $0xb8;
	[tilespmem:$0x5B80] =	vst v63  }
0xa4: {  	s5 =	simm.s32 @p1 $0xA  }
0xa5: {  	_ =	swait.ge @p1 [sflag:s5], $0x80  }
0xa6: {  	[sflag:s5] =	ssyncset.done @p1 $0x0  }
0xa7: {  	[sflag:s5] =	ssyncadd.s32 @p1 $0xFFFFFF80;
	s5 =	sshra.s32 @!p1 s10, $0x2  }
0xa8: {  	s7 =	simm.s32 @!p1 $0x5500;
	s23 =	simm.s32 @!p1 $0x80;
	s13 =	sadd.s32 @!p1 $0x900, s5  }
0xa9: {  	[tilespmem:s7], [sflag:$0x1] =	stream.indirect.gather @!p1 [spmem:s3], $0x1, s13, s23, $0xb8;
	[tilespmem:$0x5B80] =	vst v63  }
0xaa: {  	s7 =	simm.s32 @!p1 $0x6  }
0xab: {  	_ =	swait.ge @!p1 [sflag:s7], $0x80  }
0xac: {  	[sflag:s7] =	ssyncset.done @!p1 $0x0  }
0xad: {  	s13 =	simm.s32 @!p1 $0x5780;
	[sflag:s7] =	ssyncadd.s32 @!p1 $0xFFFFFF80;
	s7 =	sadd.s32 @!p1 $0x2F80, s5  }
0xae: {  	[spmem:s0] =	stream.indirect.scatter.add.f32 @!p1 [tilespmem:s13], [sflag:$0xE], $0x1, s7, s23, $0xb8;
	[tilespmem:$0x5B80] =	vst v63  }
0xaf: {  	s7 =	simm.s32 @!p1 $0xA  }
0xb0: {  	_ =	swait.ge @!p1 [sflag:s7], $0x80  }
0xb1: {  	[sflag:s7] =	ssyncset.done @!p1 $0x0  }
0xb2: {  	s5 =	sadd.s32 @!p1 $0x980, s5;
	[sflag:s7] =	ssyncadd.s32 @!p1 $0xFFFFFF80;
	s7 =	simm.s32 @!p1 $0x5580  }
0xb3: {  	[tilespmem:s7], [sflag:$0x2] =	stream.indirect.gather @!p1 [spmem:s3], $0x1, s5, s23, $0xb8;
	[tilespmem:$0x5B80] =	vst v63  }
0xb4: {  	_ =	swait.ge [sflag:s2], $0x80  }
0xb5: {  	[sflag:s2] =	ssyncset.done $0x0  }
.Ltmp2:
0xb6: {  	s23 =	sadd.s32 $0x3000, s16;
	[sflag:s2] =	ssyncadd.s32 $0xFFFFFF80;
	(pc) =	sbr.rel @p1 .LBB2_4-.Ltmp2, $4  }
0xb7: {  	[spmem:s0] =	stream.indirect.scatter.add.f32 [tilespmem:s31], [sflag:$0xF], $0x1, s23, s14, $0xb8;
	[tilespmem:$0x5B80] =	vst v63  }
0xb8: {  	_ =	swait.ge [sflag:s17], $0x80  }
0xb9: {  	[sflag:s17] =	ssyncset.done $0x0  }
0xba: {  	s13 =	sadd.s32 $0x3080, s16;
	[sflag:s17] =	ssyncadd.s32 $0xFFFFFF80  }
0xbb: {  	s5 =	sadd.s32 $0xA00, s16  }
0xbc: {  	[tilespmem:s22], [sflag:$0x3] =	stream.indirect.gather [spmem:s3], $0x1, s5, s14, $0xb8;
	[tilespmem:$0x5B80] =	vst v63  }
0xbd: {  	_ =	swait.ge [sflag:s19], $0x80  }
0xbe: {  	[sflag:s19] =	ssyncset.done $0x0  }
0xbf: {  	[sflag:s19] =	ssyncadd.s32 $0xFFFFFF80  }
0xc0: {  	[spmem:s0] =	stream.indirect.scatter.add.f32 [tilespmem:s4], [sflag:$0x10], $0x1, s13, s14, $0xb8;
	[tilespmem:$0x5B80] =	vst v63  }
.Ltmp3:
0xc1: {  	_ = 	snop;
	(pc) =	sbr.rel .LBB2_2-.Ltmp3, $4  }
0xc2: {  	_ =	swait.ge [sflag:s21], $0x80  }
0xc3: {  	[sflag:s21] =	ssyncset.done $0x0  }
0xc4: {  	s23 =	sadd.s32 $0xA80, s16;
	s10 =	sadd.s32 $0x1000, s10;
	[sflag:s21] =	ssyncadd.s32 $0xFFFFFF80  }
0xc5: {  	[tilespmem:s24], [sflag:$0x4] =	stream.indirect.gather [spmem:s3], $0x1, s23, s14, $0xb8;
	[tilespmem:$0x5B80] =	vst v63  }
.LBB2_5:
0xc6: {  	_ =	sfence.sel $0x180000  }
0xc7: {  	[bflag:$0x0] =	sbarrier.arrive $0xFFFF  }
0xc8: {  	_ =	strace $0x9000004D  }
0xc9: {  	[bflag:$0x2] =	sbarrier.arrive $0xFFFF  }
0xca: {  	s0 =	rddreg [dreg:$0x3]  }
0xcb: {  	s0 =	sadd.s32 @!p0 $0x100000, s0  }
0xcc: {  	[sflag:s0] =	ssyncadd.tile.s32 @!p0 $0x1;
	_ =	shalt  }
.Lfunc_end2:
_tile_overlayer_lowered:
.L_overlay_start_2:
0xcd: {  	(tag) =	ssettag $0x2  }
0xce: {  	s0 =	rddreg [dreg:$0x0];
	s2 =	stileid.u32  }
0xcf: {  	s1 =	rddreg [dreg:$0x1];
	p0 =	sne.s32 s2, $0x0  }
0xd0: {  	s3 =	rddreg [dreg:$0x2];
	[bflag:$0x3] =	sbarrier.arrive $0xFFFF;
	s2 =	simm.s32 @!p0 $0x1C11  }
0xd1: {  	[timem:s3], [sflag:s2] =	dma.local @!p0 [hbm:s0], s1  }
0xd2: {  	s0 =	simm.s32 @!p0 $0x11  }
0xd3: {  	_ =	swait.ge @!p0 [sflag:s0], s1  }
0xd4: {  	s1 =	ssub.s32 @!p0 $0x0, s1;
	[sflag:s0] =	ssyncset.done @!p0 $0x0  }
0xd5: {  	[sflag:s0] =	ssyncadd.s32 @!p0 s1  }
0xd6: {  	[bflag:$0x3] =	sbarrier.arrive $0xFFFF  }
0xd7: {  	_ =	shalt  }

// kernel: kernel.8.cloned.1.call-start
scs
__scs_entry_jumppad:
0x0: {  	(pc) =	sbr.rel $0x88, $3  }
0x1: {  	(tag) =	ssettag $0x0;
	lr =	simm.s32 $0x1  }
0x2: {  	[smem:$0x3F9B] =	sst lr;
	_ =	strace $0xD0000000  }
0x3: {  	_ = 	snop  }
0x4: {  	_ = 	snop  }
0x5: {  	_ = 	snop  }
0x6: {  	_ = 	snop  }
0x7: {  	_ = 	snop  }
__scs_overlays_trampoline_lowered:
0x8: {  	[smem:$0x3FAA] =	sst s0  }
0x9: {  	[smem:$0x3FAB] =	sst s1  }
0xa: {  	[smem:$0x3FAC] =	sst s2  }
0xb: {  	[smem:$0x3FAD] =	sst s3  }
0xc: {  	[smem:$0x3FAE] =	sst s4  }
0xd: {  	[smem:$0x3FAF] =	sst s5  }
0xe: {  	[smem:$0x3FB0] =	sst s6  }
0xf: {  	[smem:$0x3FB1] =	sst s7  }
0x10: {  	[smem:$0x3FB2] =	sst s8  }
0x11: {  	[smem:$0x3FB3] =	sst s9;
	s0 =	simm.s32 @!p0 $0x0  }
0x12: {  	s1 =	sld [smem:$0x3F99];
	s0 =	simm.s32 @p0 $0x1  }
0x13: {  	[smem:$0x3FB4] =	sst s0;
	s0 =	simm.s32 @!p1 $0x0  }
0x14: {  	s2 =	sld [smem:$0x3F98];
	s0 =	simm.s32 @p1 $0x1  }
0x15: {  	[smem:$0x3FB5] =	sst s0;
	s0 =	simm.s32 @!p2 $0x0  }
0x16: {  	s3 =	sld [smem:$0x3FDB];
	s0 =	simm.s32 @p2 $0x1  }
0x17: {  	s4 =	simm.s32 $0x1BF5;
	[smem:$0x3FB7] =	sst s0  }
0x18: {  	s0 =	sld [smem:$0x3F9A];
	_ =	swait.ge [sflag:s4], $0x0  }
0x19: {  	s7 =	sld [smem:$0x3F9B]  }
0x1a: {  	s8 =	sadd.s32 $0xFFFFE003, lr  }
0x1b: {  	s9 =	sadd.s32 $0xFFFFFEF7, lr;
	s5 =	simm.s32 $0xFFFFFFFF;
	p2 =	slt.u32 s8, $0xFFFFF086  }
0x1c: {  	p1 =	slt.u32 s9, $0xF7A;
	s5 =	simm.s32 @!p2 $0x0  }
0x1d: {  	s5 =	simm.s32 @p1 $0x1;
	p0 =	seq.s32 s7, s2  }
0x1e: {  	s7 =	smul.u32 @!p0 $0xF7A, s2;
	p2 =	seq.s32 @!p0 s5, $0x0  }
0x1f: {  	s9 =	smul.u32 $0xF7A, s1;
	s8 =	simm.s32 @!p0 $0x1BF5;
	p2 =	por !p2, p0  }
0x20: {  	[sflag:s8] =	ssyncset.s32 @!p0 $0xFFFFF086;
	s6 =	sadd.s32 @!p0 s3, s7;
	s7 =	simm.s32 @!p0 $0x108  }
0x21: {  	s3 =	sadd.s32 s3, s9;
	s6 =	sadd.s32 @!p0 $0x88, s6;
	s7 =	simm.s32 @p2 $0x1082  }
0x22: {  	[simem:s7], [sflag:s8] =	dma.local @!p0 [hbm:s6], $0xF7A  }
0x23: {  	s9 =	sor.u32 $0xD0000000, s2;
	s6 =	simm.s32 $0x108;
	_ =	swait.ge @!p0 [sflag:s8], $0x0  }
0x24: {  	s3 =	sadd.s32 $0x88, s3;
	s6 =	simm.s32 @!p1 $0x1082;
	[sflag:s4] =	ssyncset.s32 $0xFFFFF086  }
0x25: {  	[simem:s6], [sflag:s4] =	dma.local [hbm:s3], $0xF7A  }
0x26: {  	[smem:$0x3F9B] =	sst s1;
	(tag) =	ssettag s2;
	_ =	strace s9  }
0x27: {  	s1 =	sld [smem:$0x3FAB]  }
0x28: {  	s2 =	sld [smem:$0x3FAC]  }
0x29: {  	s4 =	sld [smem:$0x3FAE]  }
0x2a: {  	p0 =	seq.s32 s5, $0x0;
	s5 =	sld [smem:$0x3FAF]  }
0x2b: {  	s6 =	sld [smem:$0x3FB0]  }
0x2c: {  	s7 =	sld [smem:$0x3FB1]  }
0x2d: {  	s3 =	simm.s32 $0x108;
	s8 =	sld [smem:$0x3FB2]  }
0x2e: {  	s3 =	simm.s32 @!p0 $0x1082;
	s9 =	sld [smem:$0x3FB3]  }
0x2f: {  	lr =	sadd.s32 s0, s3;
	s0 =	sld [smem:$0x3FAA]  }
0x30: {  	s3 =	sld [smem:$0x3FAD]  }
0x31: {  	[smem:$0x3FB6] =	sst s10  }
0x32: {  	s10 =	sld [smem:$0x3FB4];
	_ =	sdelay $0x3  }
0x33: {  	p0 =	seq.s32 s10, $0x1;
	s10 =	sld [smem:$0x3FB6];
	_ =	sdelay $0x3  }
0x34: {  	[smem:$0x3FB6] =	sst s10  }
0x35: {  	s10 =	sld [smem:$0x3FB5];
	_ =	sdelay $0x3  }
0x36: {  	p1 =	seq.s32 s10, $0x1;
	s10 =	sld [smem:$0x3FB6];
	_ =	sdelay $0x3  }
0x37: {  	[smem:$0x3FB6] =	sst s10  }
0x38: {  	s10 =	sld [smem:$0x3FB7]  }
0x39: {  	_ = 	snop;
	(pc) =	sbr.ind lr, $3  }
0x3a: {  	_ = 	snop  }
0x3b: {  	_ = 	snop  }
0x3c: {  	p2 =	seq.s32 s10, $0x1;
	s10 =	sld [smem:$0x3FB6]  }
0x3d: {  	_ =	shalt  }
0x3e: {  	_ =	shalt  }
0x3f: {  	_ =	shalt  }
0x40: {  	_ =	shalt  }
0x41: {  	_ =	shalt  }
0x42: {  	_ =	shalt  }
0x43: {  	_ =	shalt  }
0x44: {  	_ =	shalt  }
0x45: {  	_ =	shalt  }
0x46: {  	_ =	shalt  }
0x47: {  	_ =	shalt  }
0x48: {  	_ =	shalt  }
0x49: {  	_ =	shalt  }
0x4a: {  	_ =	shalt  }
0x4b: {  	_ =	shalt  }
0x4c: {  	_ =	shalt  }
0x4d: {  	_ =	shalt  }
0x4e: {  	_ =	shalt  }
0x4f: {  	_ =	shalt  }
0x50: {  	_ =	shalt  }
0x51: {  	_ =	shalt  }
0x52: {  	_ =	shalt  }
0x53: {  	_ =	shalt  }
0x54: {  	_ =	shalt  }
0x55: {  	_ =	shalt  }
0x56: {  	_ =	shalt  }
0x57: {  	_ =	shalt  }
0x58: {  	_ =	shalt  }
0x59: {  	_ =	shalt  }
0x5a: {  	_ =	shalt  }
0x5b: {  	_ =	shalt  }
0x5c: {  	_ =	shalt  }
0x5d: {  	_ =	shalt  }
0x5e: {  	_ =	shalt  }
0x5f: {  	_ =	shalt  }
0x60: {  	_ =	shalt  }
0x61: {  	_ =	shalt  }
0x62: {  	_ =	shalt  }
0x63: {  	_ =	shalt  }
0x64: {  	_ =	shalt  }
0x65: {  	_ =	shalt  }
0x66: {  	_ =	shalt  }
0x67: {  	_ =	shalt  }
0x68: {  	_ =	shalt  }
0x69: {  	_ =	shalt  }
0x6a: {  	_ =	shalt  }
0x6b: {  	_ =	shalt  }
0x6c: {  	_ =	shalt  }
0x6d: {  	_ =	shalt  }
0x6e: {  	_ =	shalt  }
0x6f: {  	_ =	shalt  }
0x70: {  	_ =	shalt  }
0x71: {  	_ =	shalt  }
0x72: {  	_ =	shalt  }
0x73: {  	_ =	shalt  }
0x74: {  	_ =	shalt  }
0x75: {  	_ =	shalt  }
0x76: {  	_ =	shalt  }
0x77: {  	_ =	shalt  }
0x78: {  	_ =	shalt  }
0x79: {  	_ =	shalt  }
0x7a: {  	_ =	shalt  }
0x7b: {  	_ =	shalt  }
0x7c: {  	_ =	shalt  }
0x7d: {  	_ =	shalt  }
0x7e: {  	_ =	shalt  }
0x7f: {  	_ =	shalt  }
0x80: {  	_ =	shalt  }
0x81: {  	_ =	shalt  }
0x82: {  	_ =	shalt  }
0x83: {  	_ =	shalt  }
0x84: {  	_ =	shalt  }
0x85: {  	_ =	shalt  }
0x86: {  	_ =	shalt  }
0x87: {  	_ =	shalt  }
.Lfunc_end0:
.L_simem_size_0:
called_computation_lowered:
.L_overlay_start_0:
0x88: {  	s2 =	sld [smem:$0x3FD9]  }
0x89: {  	s3 =	sld [smem:$0x3FFE];
	_ =	sdelay $0x1  }
0x8a: {  	s1 =	srdreg.scid  }
0x8b: {  	s0 =	sand.u32 $0x1, s1  }
0x8c: {  	s16 =	sshll.u32 s0, $0xA;
	s2 =	sadd.s32 s3, s2  }
0x8d: {  	s2 =	sadd.s32 s2, s16  }
0x8e: {  	[smem:$0x3FC2] =	sst s2  }
0x8f: {  	_ = 	snop  }
0x90: {  	(tm) =	ssettm $0x1  }
0x91: {  	s17 =	sld [smem:$0x3FFB];
	_ =	sdelay $0x3  }
0x92: {  	_ =	strace s17  }
0x93: {  	s2 =	sld [smem:$0x3FFC];
	_ =	sdelay $0x3  }
0x94: {  	_ =	strace s2  }
0x95: {  	s2 =	sld [smem:$0x3FFD];
	_ =	sdelay $0x3  }
0x96: {  	_ =	strace s2  }
0x97: {  	_ =	strace $0x8FFFFFFF  }
0x98: {  	s18 =	sld [smem:$0x3FDB];
	_ =	sdelay $0x1  }
0x99: {  	s19 =	simm.s32 $_scs_section_size  }
0x9a: {  	s4 =	simm.s32 $_size__tile_overlayer_lowered;
	s5 =	simm.s32 $_tile_overlayer_lowered  }
0x9b: {  	s22 =	simm.s32 $0x1BFF;
	s21 =	sshll.u32 s5, $0x1;
	s2 =	sadd.s32 s19, s18  }
0x9c: {  	s6 =	simm.s32 $0x0;
	s20 =	sshll.u32 s4, $0x1;
	s4 =	sadd.s32 s21, s2  }
0x9d: {  	[timem:s6], [sflag:s22] =	dma.local [hbm:s4], s20  }
0x9e: {  	_ =	swait.ge [sflag:s22], s20  }
0x9f: {  	s3 =	ssub.s32 $0x0, s20;
	[sflag:s22] =	ssyncset.done $0x0  }
0xa0: {  	[sflag:s22] =	ssyncadd.s32 s3;
	_ =	sdelay $0x1  }
0xa1: {  	s23 =	simm.s32 $0x1B8B  }
0xa2: {  	_ =	swait.ge [sflag:s23], $0x1  }
0xa3: {  	[sflag:s23] =	ssyncset.done $0x0  }
0xa4: {  	s25 =	simm.s32 $0x1B8E;
	s24 =	sld [smem:$0x3FFE];
	[sflag:s23] =	ssyncadd.s32 $0xFFFFFFFF  }
0xa5: {  	s26 =	simm.s32 $execute0_lowered;
	[smem:$0x3FD2] =	sst s25  }
0xa6: {  	s4 =	sshll.u32 s26, $0x1;
	_ =	strace $0x80000046;
	[dreg:$0x1] =	wrdreg $0xFFFFFFFF  }
0xa7: {  	s28 =	simm.s32 $_size_execute0_lowered;
	s2 =	sadd.s32 s2, s4;
	[dreg:$0x0] =	wrdreg $0x0  }
0xa8: {  	s4 =	sshll.u32 s28, $0x1;
	[dreg:$0x2] =	wrdreg s2  }
0xa9: {  	[dreg:$0x3] =	wrdreg s4  }
0xaa: {  	[dreg:$0x4] =	wrdreg $0xC0  }
0xab: {  	_ =	task [dreg:s6], $0x5FFFF  }
0xac: {  	[dreg:$0x1] =	wrdreg $0xFFFFFFFF  }
0xad: {  	[dreg:$0x0] =	wrdreg $0x60  }
0xae: {  	[dreg:$0x2] =	wrdreg s24  }
0xaf: {  	[dreg:$0x3] =	wrdreg $0x0  }
0xb0: {  	[dreg:$0x4] =	wrdreg $0x9  }
0xb1: {  	_ =	task.clear_ibuf [dreg:s6], $0x5FFFF;
	_ =	strace $0x90000046  }
0xb2: {  	s29 =	simm.s32 $0x9;
	_ =	strace $0x80000048  }
0xb3: {  	_ =	swait.ge [sflag:s29], $0x1  }
0xb4: {  	[sflag:s29] =	ssyncadd.s32 $0xFFFFFFFF  }
0xb5: {  	_ =	strace $0x90000048  }
0xb6: {  	_ =	sfence  }
0xb7: {  	s30 =	sld [smem:$0x0];
	_ =	sdelay $0x2  }
0xb8: {  	s31 =	sshll.u32 s1, $0xD;
	s1 =	sshrl.u32 s1, $0x2  }
0xb9: {  	s3 =	sand.u32 $0x4000, s31;
	s1 =	sadd.s32 s1, s30  }
0xba: {  	s0 =	sor.u32 s3, s0;
	s1 =	sshll.u32 s1, $0x11  }
0xbb: {  	s0 =	sor.u32 s1, s0  }
0xbc: {  	s0 =	sadd.s32 $0x8F2B, s0  }
0xbd: {  	[sflag:s0] =	ssyncadd.remote.s32 $0x1  }
0xbe: {  	_ =	sfence.sel $0xFFFF  }
0xbf: {  	[dreg:$0x0] =	wrdreg $0xFFFFFFFF;
	(pc) =	sbr.abs _section_cstart, $3  }
0xc0: {  	[dreg:$0x1] =	wrdreg $0xFFFFFFFF  }
0xc1: {  	_ =	task.clear_ibuf [dreg:s6], $0x2FFFF;
	_ =	strace $0x9FFFFFFF  }
0xc2: {  	(tm) =	ssettm $0x7FFFFFFF  }
0xc3: {  	_ =	shalt  }
tec
execute0_lowered:
.L_overlay_start_1:
0x0: {  	(tag) =	ssettag $0x1  }
0x1: {  	s0 =	rddreg [dreg:$0x0]  }
0x2: {  	s2 =	rddreg [dreg:$0x1];
	s3 =	srdreg.scid  }
0x3: {  	s1 =	stileid.u32;
	s5 =	simm.s32 $0x0;
	s9 =	simm.s32 $0x9  }
0x4: {  	s10 =	simm.s32 $0x280;
	s11 =	simm.s32 $0x80;
	s12 =	simm.s32 $0x2A80  }
0x5: {  	s13 =	simm.s32 $0x300;
	s14 =	simm.s32 $0x380;
	s15 =	simm.s32 $0x400  }
0x6: {  	s16 =	simm.s32 $0x480;
	s17 =	simm.s32 $0x500;
	s18 =	simm.s32 $0x580  }
0x7: {  	s19 =	simm.s32 $0x600;
	s20 =	simm.s32 $0x1;
	s21 =	simm.s32 $0x2  }
0x8: {  	s28 =	simm.s32 $0x8;
	s29 =	simm.s32 $0x20;
	s30 =	simm.s32 $0x10  }
0x9: {  	s31 =	simm.s32 $0x0;
	s3 =	sand.u32 $0x1, s3;
	s22 =	smul.u32 $0x500, s1  }
0xa: {  	s4 =	sshll.u32 s1, $0x1;
	[smem:$0x7FF] =	sst s5;
	s23 =	smul.u32 $0xA00, s1  }
0xb: {  	s4 =	sor.u32 s3, s4;
	_ =	strace $0x80000047;
	s6 =	sshll.u32 s3, $0x7  }
0xc: {  	s3 =	ssub.s32 $0x2, s3;
	s4 =	smul.u32 $0x500, s4;
	s5 =	sor.u32 s6, s22  }
0xd: {  	s25 =	sshrl.u32 s3, $0x1;
	s26 =	sshrl.u32 s23, $0x2;
	s22 =	simm.s32 $0x3  }
0xe: {  	s23 =	simm.s32 $0x4;
	s24 =	sshrl.u32 s5, $0x3;
	s3 =	ssub.s32 s3, s25  }
0xf: {  	s25 =	simm.s32 $0x6;
	s7 =	sadd.s32 s4, s0;
	s0 =	sadd.s32 s24, s0  }
0x10: {  	s4 =	sadd.s32 s26, s2;
	s24 =	simm.s32 $0x5;
	s26 =	simm.s32 $0x7  }
0x11: {  	v0 =	vimm.f32 $0.0e+00;
	v1 =	vimm.f32 $1.000000000e+00;
	s5 =	sadd.s32 $0x1A00, s7;
	s6 =	sadd.s32 $0xBA00, s0;
	s7 =	smax.u32 s3, $0x1  }
.LBB2_1:
0x12: {  	[tilespmem:$0x2B00] =	vst v0  }
0x13: {  	[tilespmem:$0x2B10] =	vst v0  }
0x14: {  	[tilespmem:$0x2B20] =	vst v0  }
0x15: {  	[tilespmem:$0x2B30] =	vst v0  }
0x16: {  	[tilespmem:$0x2B40] =	vst v0  }
0x17: {  	[tilespmem:$0x2B50] =	vst v0  }
0x18: {  	[tilespmem:$0x2B60] =	vst v0  }
0x19: {  	[tilespmem:$0x2B70] =	vst v0  }
0x1a: {  	[tilespmem:$0x2B80] =	vst v0  }
0x1b: {  	[tilespmem:$0x2B90] =	vst v0  }
0x1c: {  	[tilespmem:$0x2BA0] =	vst v0  }
0x1d: {  	[tilespmem:$0x2BB0] =	vst v0  }
0x1e: {  	[tilespmem:$0x2BC0] =	vst v0  }
0x1f: {  	[tilespmem:$0x2BD0] =	vst v0  }
0x20: {  	[tilespmem:$0x2BE0] =	vst v0  }
0x21: {  	[tilespmem:$0x2BF0] =	vst v0  }
0x22: {  	[tilespmem:$0x2C00] =	vst v0  }
0x23: {  	[tilespmem:$0x2C10] =	vst v0  }
0x24: {  	[tilespmem:$0x2C20] =	vst v0  }
0x25: {  	[tilespmem:$0x2C30] =	vst v0  }
0x26: {  	[tilespmem:$0x2C40] =	vst v0  }
0x27: {  	[tilespmem:$0x2C50] =	vst v0  }
0x28: {  	[tilespmem:$0x2C60] =	vst v0  }
0x29: {  	[tilespmem:$0x2C70] =	vst v0  }
0x2a: {  	[tilespmem:$0x2C80] =	vst v0  }
0x2b: {  	[tilespmem:$0x2C90] =	vst v0  }
0x2c: {  	[tilespmem:$0x2CA0] =	vst v0  }
0x2d: {  	[tilespmem:$0x2CB0] =	vst v0  }
0x2e: {  	[tilespmem:$0x2CC0] =	vst v0  }
0x2f: {  	[tilespmem:$0x2CD0] =	vst v0  }
0x30: {  	[tilespmem:$0x2CE0] =	vst v0  }
0x31: {  	[tilespmem:$0x2CF0] =	vst v0  }
0x32: {  	[tilespmem:$0x2D00] =	vst v0  }
0x33: {  	[tilespmem:$0x2D10] =	vst v0  }
0x34: {  	[tilespmem:$0x2D20] =	vst v0  }
0x35: {  	[tilespmem:$0x2D30] =	vst v0  }
0x36: {  	[tilespmem:$0x2D40] =	vst v0  }
0x37: {  	[tilespmem:$0x2D50] =	vst v0  }
0x38: {  	[tilespmem:$0x2D60] =	vst v0  }
0x39: {  	[tilespmem:$0x2D70] =	vst v0;
	s0 =	simm.s32 $0x2B00  }
0x3a: {  	[spmem:s4] =	stream.linear.scatter [tilespmem:s0], [sflag:$0x9], $0x280, $0x38;
	[tilespmem:$0x2D80] =	vst v63  }
0x3b: {  	_ =	swait.ge [sflag:s9], $0x280  }
0x3c: {  	[sflag:s9] =	ssyncset.done $0x0  }
0x3d: {  	[sflag:s9] =	ssyncadd.s32 $0xFFFFFD80  }
0x3e: {  	[tilespmem:$0x2A80] =	vst v1  }
0x3f: {  	[tilespmem:$0x2A90] =	vst v1  }
0x40: {  	[tilespmem:$0x2AA0] =	vst v1  }
0x41: {  	[tilespmem:$0x2AB0] =	vst v1  }
0x42: {  	[tilespmem:$0x2AC0] =	vst v1  }
0x43: {  	[tilespmem:$0x2AD0] =	vst v1  }
0x44: {  	[tilespmem:$0x2AE0] =	vst v1  }
0x45: {  	s3 =	simm.s32 $0x0;
	[tilespmem:$0x2AF0] =	vst v1  }
0x46: {  	[tilespmem:s10], [sflag:$0x9] =	stream.linear.gather [hbm4b:s5+s3], $0x2800, $0x38;
	[tilespmem:$0x2D80] =	vst v63  }
0x47: {  	_ =	swait.ge [sflag:s9], $0x2800  }
0x48: {  	[sflag:s9] =	ssyncset.done $0x0  }
0x49: {  	[sflag:s9] =	ssyncadd.s32 $0xFFFFD800  }
0x4a: {  	[bflag:$0x0] =	sbarrier.arrive $0xFFFF  }
0x4b: {  	[spmem:s2] =	stream.indirect.scatter.add.f32 [tilespmem:s12], [sflag:$0x1], $0x1, s10, s11, $0xb8;
	[tilespmem:$0x2D80] =	vst v63  }
0x4c: {  	_ = 	snop  }
0x4d: {  	[spmem:s2] =	stream.indirect.scatter.add.f32 [tilespmem:s12], [sflag:$0x2], $0x1, s13, s11, $0xb8;
	[tilespmem:$0x2D80] =	vst v63  }
0x4e: {  	_ = 	snop  }
0x4f: {  	[spmem:s2] =	stream.indirect.scatter.add.f32 [tilespmem:s12], [sflag:$0x3], $0x1, s14, s11, $0xb8;
	[tilespmem:$0x2D80] =	vst v63  }
0x50: {  	_ = 	snop  }
0x51: {  	[spmem:s2] =	stream.indirect.scatter.add.f32 [tilespmem:s12], [sflag:$0x4], $0x1, s15, s11, $0xb8;
	[tilespmem:$0x2D80] =	vst v63  }
0x52: {  	_ = 	snop  }
0x53: {  	[spmem:s2] =	stream.indirect.scatter.add.f32 [tilespmem:s12], [sflag:$0x5], $0x1, s16, s11, $0xb8;
	[tilespmem:$0x2D80] =	vst v63  }
0x54: {  	_ = 	snop  }
0x55: {  	[spmem:s2] =	stream.indirect.scatter.add.f32 [tilespmem:s12], [sflag:$0x6], $0x1, s17, s11, $0xb8;
	[tilespmem:$0x2D80] =	vst v63  }
0x56: {  	_ = 	snop  }
0x57: {  	[spmem:s2] =	stream.indirect.scatter.add.f32 [tilespmem:s12], [sflag:$0x7], $0x1, s18, s11, $0xb8;
	[tilespmem:$0x2D80] =	vst v63  }
0x58: {  	_ = 	snop  }
0x59: {  	[spmem:s2] =	stream.indirect.scatter.add.f32 [tilespmem:s12], [sflag:$0x8], $0x1, s19, s11, $0xb8;
	[tilespmem:$0x2D80] =	vst v63  }
0x5a: {  	_ =	swait.ge [sflag:s20], $0x80  }
0x5b: {  	[sflag:s20] =	ssyncset.done $0x0  }
0x5c: {  	s8 =	simm.s32 $0x680;
	[sflag:s20] =	ssyncadd.s32 $0xFFFFFF80  }
0x5d: {  	[spmem:s2] =	stream.indirect.scatter.add.f32 [tilespmem:s12], [sflag:$0x1], $0x1, s8, s11, $0xb8;
	[tilespmem:$0x2D80] =	vst v63  }
0x5e: {  	_ =	swait.ge [sflag:s21], $0x80  }
0x5f: {  	[sflag:s21] =	ssyncset.done $0x0  }
0x60: {  	s3 =	simm.s32 $0x700;
	[sflag:s21] =	ssyncadd.s32 $0xFFFFFF80  }
0x61: {  	[spmem:s2] =	stream.indirect.scatter.add.f32 [tilespmem:s12], [sflag:$0x2], $0x1, s3, s11, $0xb8;
	[tilespmem:$0x2D80] =	vst v63  }
0x62: {  	_ =	swait.ge [sflag:s22], $0x80  }
0x63: {  	[sflag:s22] =	ssyncset.done $0x0  }
0x64: {  	s8 =	simm.s32 $0x780;
	[sflag:s22] =	ssyncadd.s32 $0xFFFFFF80  }
0x65: {  	[spmem:s2] =	stream.indirect.scatter.add.f32 [tilespmem:s12], [sflag:$0x3], $0x1, s8, s11, $0xb8;
	[tilespmem:$0x2D80] =	vst v63  }
0x66: {  	_ =	swait.ge [sflag:s23], $0x80  }
0x67: {  	[sflag:s23] =	ssyncset.done $0x0  }
0x68: {  	s3 =	simm.s32 $0x800;
	[sflag:s23] =	ssyncadd.s32 $0xFFFFFF80  }
0x69: {  	[spmem:s2] =	stream.indirect.scatter.add.f32 [tilespmem:s12], [sflag:$0x4], $0x1, s3, s11, $0xb8;
	[tilespmem:$0x2D80] =	vst v63  }
0x6a: {  	_ =	swait.ge [sflag:s24], $0x80  }
0x6b: {  	[sflag:s24] =	ssyncset.done $0x0  }
0x6c: {  	s8 =	simm.s32 $0x880;
	[sflag:s24] =	ssyncadd.s32 $0xFFFFFF80  }
0x6d: {  	[spmem:s2] =	stream.indirect.scatter.add.f32 [tilespmem:s12], [sflag:$0x5], $0x1, s8, s11, $0xb8;
	[tilespmem:$0x2D80] =	vst v63  }
0x6e: {  	_ =	swait.ge [sflag:s25], $0x80  }
0x6f: {  	[sflag:s25] =	ssyncset.done $0x0  }
0x70: {  	s3 =	simm.s32 $0x900;
	[sflag:s25] =	ssyncadd.s32 $0xFFFFFF80  }
0x71: {  	[spmem:s2] =	stream.indirect.scatter.add.f32 [tilespmem:s12], [sflag:$0x6], $0x1, s3, s11, $0xb8;
	[tilespmem:$0x2D80] =	vst v63  }
0x72: {  	_ =	swait.ge [sflag:s26], $0x80  }
0x73: {  	[sflag:s26] =	ssyncset.done $0x0  }
0x74: {  	s8 =	simm.s32 $0x980;
	[sflag:s26] =	ssyncadd.s32 $0xFFFFFF80  }
0x75: {  	[spmem:s2] =	stream.indirect.scatter.add.f32 [tilespmem:s12], [sflag:$0x7], $0x1, s8, s11, $0xb8;
	[tilespmem:$0x2D80] =	vst v63  }
0x76: {  	_ =	swait.ge [sflag:s28], $0x80  }
0x77: {  	[sflag:s28] =	ssyncset.done $0x0  }
0x78: {  	s0 =	simm.s32 $0x1000;
	s3 =	simm.s32 $0xA00;
	[sflag:s28] =	ssyncadd.s32 $0xFFFFFF80  }
.LBB2_2:
0x79: {  	[spmem:s2] =	stream.indirect.scatter.add.f32 [tilespmem:s12], [sflag:$0x8], $0x1, s3, s11, $0xb8;
	[tilespmem:$0x2D80] =	vst v63  }
0x7a: {  	s3 =	smov.u32 s0  }
0x7b: {  	p0 =	sne.s32 s0, $0x8000;
	s0 =	sadd.s32 $0x1000, s0;
	_ =	swait.ge [sflag:s20], $0x80  }
0x7c: {  	s3 =	sshra.s32 s3, $0x2;
	[sflag:s20] =	ssyncset.done $0x0  }
0x7d: {  	s8 =	sadd.s32 $0x680, s3;
	[sflag:s20] =	ssyncadd.s32 $0xFFFFFF80  }
0x7e: {  	[spmem:s2] =	stream.indirect.scatter.add.f32 [tilespmem:s12], [sflag:$0x1], $0x1, s8, s11, $0xb8;
	[tilespmem:$0x2D80] =	vst v63  }
0x7f: {  	_ =	swait.ge [sflag:s21], $0x80  }
0x80: {  	[sflag:s21] =	ssyncset.done $0x0  }
0x81: {  	s8 =	sadd.s32 $0x700, s3;
	[sflag:s21] =	ssyncadd.s32 $0xFFFFFF80  }
0x82: {  	[spmem:s2] =	stream.indirect.scatter.add.f32 [tilespmem:s12], [sflag:$0x2], $0x1, s8, s11, $0xb8;
	[tilespmem:$0x2D80] =	vst v63  }
0x83: {  	_ =	swait.ge [sflag:s22], $0x80  }
0x84: {  	[sflag:s22] =	ssyncset.done $0x0  }
0x85: {  	s8 =	sadd.s32 $0x780, s3;
	[sflag:s22] =	ssyncadd.s32 $0xFFFFFF80  }
0x86: {  	[spmem:s2] =	stream.indirect.scatter.add.f32 [tilespmem:s12], [sflag:$0x3], $0x1, s8, s11, $0xb8;
	[tilespmem:$0x2D80] =	vst v63  }
0x87: {  	_ =	swait.ge [sflag:s23], $0x80  }
0x88: {  	[sflag:s23] =	ssyncset.done $0x0  }
0x89: {  	s8 =	sadd.s32 $0x800, s3;
	[sflag:s23] =	ssyncadd.s32 $0xFFFFFF80  }
0x8a: {  	[spmem:s2] =	stream.indirect.scatter.add.f32 [tilespmem:s12], [sflag:$0x4], $0x1, s8, s11, $0xb8;
	[tilespmem:$0x2D80] =	vst v63  }
0x8b: {  	_ =	swait.ge [sflag:s24], $0x80  }
0x8c: {  	[sflag:s24] =	ssyncset.done $0x0  }
0x8d: {  	s8 =	sadd.s32 $0x880, s3;
	[sflag:s24] =	ssyncadd.s32 $0xFFFFFF80  }
0x8e: {  	[spmem:s2] =	stream.indirect.scatter.add.f32 [tilespmem:s12], [sflag:$0x5], $0x1, s8, s11, $0xb8;
	[tilespmem:$0x2D80] =	vst v63  }
0x8f: {  	_ =	swait.ge [sflag:s25], $0x80  }
0x90: {  	[sflag:s25] =	ssyncset.done $0x0  }
0x91: {  	s8 =	sadd.s32 $0x900, s3;
	[sflag:s25] =	ssyncadd.s32 $0xFFFFFF80  }
0x92: {  	[spmem:s2] =	stream.indirect.scatter.add.f32 [tilespmem:s12], [sflag:$0x6], $0x1, s8, s11, $0xb8;
	[tilespmem:$0x2D80] =	vst v63  }
0x93: {  	_ =	swait.ge [sflag:s26], $0x80  }
0x94: {  	[sflag:s26] =	ssyncset.done $0x0  }
.Ltmp0:
0x95: {  	s8 =	sadd.s32 $0x980, s3;
	[sflag:s26] =	ssyncadd.s32 $0xFFFFFF80;
	(pc) =	sbr.rel @p0 .LBB2_2-.Ltmp0, $4  }
0x96: {  	[spmem:s2] =	stream.indirect.scatter.add.f32 [tilespmem:s12], [sflag:$0x7], $0x1, s8, s11, $0xb8;
	[tilespmem:$0x2D80] =	vst v63  }
0x97: {  	_ =	swait.ge [sflag:s28], $0x80  }
0x98: {  	[sflag:s28] =	ssyncset.done $0x0  }
0x99: {  	s3 =	sadd.s32 $0xA00, s3;
	[sflag:s28] =	ssyncadd.s32 $0xFFFFFF80  }
0x9a: {  	[spmem:s2] =	stream.indirect.scatter.add.f32 [tilespmem:s12], [sflag:$0x8], $0x1, s3, s11, $0xb8;
	[tilespmem:$0x2D80] =	vst v63  }
0x9b: {  	_ =	swait.ge [sflag:s20], $0x80  }
0x9c: {  	[sflag:s20] =	ssyncset.done $0x0  }
0x9d: {  	[sflag:s20] =	ssyncadd.s32 $0xFFFFFF80  }
0x9e: {  	_ =	swait.ge [sflag:s21], $0x80  }
0x9f: {  	[sflag:s21] =	ssyncset.done $0x0  }
0xa0: {  	[sflag:s21] =	ssyncadd.s32 $0xFFFFFF80  }
0xa1: {  	_ =	swait.ge [sflag:s22], $0x80  }
0xa2: {  	[sflag:s22] =	ssyncset.done $0x0  }
0xa3: {  	[sflag:s22] =	ssyncadd.s32 $0xFFFFFF80  }
0xa4: {  	_ =	swait.ge [sflag:s23], $0x80  }
0xa5: {  	[sflag:s23] =	ssyncset.done $0x0  }
0xa6: {  	[sflag:s23] =	ssyncadd.s32 $0xFFFFFF80  }
0xa7: {  	_ =	swait.ge [sflag:s24], $0x80  }
0xa8: {  	[sflag:s24] =	ssyncset.done $0x0  }
0xa9: {  	[sflag:s24] =	ssyncadd.s32 $0xFFFFFF80  }
0xaa: {  	_ =	swait.ge [sflag:s25], $0x80  }
0xab: {  	[sflag:s25] =	ssyncset.done $0x0  }
0xac: {  	[sflag:s25] =	ssyncadd.s32 $0xFFFFFF80  }
0xad: {  	_ =	swait.ge [sflag:s26], $0x80  }
0xae: {  	[sflag:s26] =	ssyncset.done $0x0  }
0xaf: {  	[sflag:s26] =	ssyncadd.s32 $0xFFFFFF80  }
0xb0: {  	_ =	swait.ge [sflag:s28], $0x80  }
0xb1: {  	s0 =	sshll.u32 s1, $0x6;
	s31 =	sadd.s32 $0x1, s31;
	[sflag:s28] =	ssyncset.done $0x0  }
0xb2: {  	s8 =	sshrl.u32 s4, $0x3;
	p0 =	sne.s32 s31, s7;
	[sflag:s28] =	ssyncadd.s32 $0xFFFFFF80  }
.Ltmp1:
0xb3: {  	s0 =	sor.u32 $0x1C09, s0;
	[bflag:$0x0] =	sbarrier.arrive $0xFFFF;
	(pc) =	sbr.rel @p0 .LBB2_1-.Ltmp1, $4  }
0xb4: {  	[hbm:s6@s29], [sflag:s0] =	dma.strided [spmem:s8@s30], $0x50, s20, $0x10   }
0xb5: {  	_ =	swait.ge [sflag:s9], $0x50  }
0xb6: {  	[sflag:s9] =	ssyncset.done $0x0  }
0xb7: {  	[sflag:s9] =	ssyncadd.s32 $0xFFFFFFB0  }
0xb8: {  	_ =	sfence.sel $0x180000  }
0xb9: {  	[bflag:$0x0] =	sbarrier.arrive $0xFFFF  }
0xba: {  	_ =	strace $0x90000047  }
0xbb: {  	[bflag:$0x2] =	sbarrier.arrive $0xFFFF  }
0xbc: {  	p0 =	sne.s32 s1, $0x0;
	s0 =	rddreg [dreg:$0x2]  }
0xbd: {  	s0 =	sadd.s32 @!p0 $0x100000, s0  }
0xbe: {  	[sflag:s0] =	ssyncadd.tile.s32 @!p0 $0x1;
	_ =	shalt  }
.Lfunc_end2:
_tile_overlayer_lowered:
.L_overlay_start_2:
0xbf: {  	(tag) =	ssettag $0x2  }
0xc0: {  	s0 =	rddreg [dreg:$0x0];
	s2 =	stileid.u32  }
0xc1: {  	s1 =	rddreg [dreg:$0x1];
	p0 =	sne.s32 s2, $0x0  }
0xc2: {  	s3 =	rddreg [dreg:$0x2];
	[bflag:$0x3] =	sbarrier.arrive $0xFFFF;
	s2 =	simm.s32 @!p0 $0x1C09  }
0xc3: {  	[timem:s3], [sflag:s2] =	dma.local @!p0 [hbm:s0], s1  }
0xc4: {  	s0 =	simm.s32 @!p0 $0x9  }
0xc5: {  	_ =	swait.ge @!p0 [sflag:s0], s1  }
0xc6: {  	s1 =	ssub.s32 @!p0 $0x0, s1;
	[sflag:s0] =	ssyncset.done @!p0 $0x0  }
0xc7: {  	[sflag:s0] =	ssyncadd.s32 @!p0 s1  }
0xc8: {  	[bflag:$0x3] =	sbarrier.arrive $0xFFFF  }
0xc9: {  	_ =	shalt  }

</sc_bundles>
